<compile_context>
chip_gen: v7x
topology: tpu7x:2x2x1
jax: 0.10.2.dev20260603
libtpu: 0.0.44.dev20260713+nightly
codegen_flags: <defaults>
</compile_context>

<pallas_src>
import functools
import jax
import jax.numpy as jnp
from jax import lax
from jax.experimental import pallas as pl
from jax.experimental.pallas import tpu as pltpu
from jax.experimental.pallas import tpu_sc as plsc

N_NODES = 100
FEAT = 32
HIDDEN = 256
EMB = 64
GNN_HID = 256
GNN_OUT = 128
FLAT_DIM = 128
FLAT_OUT = 64
T = 200
E = 3200

N_A = 52
N_B = N_NODES - N_A

N_TILES = 32
E_TILE = 112
E_PAD = N_TILES * E_TILE
M_COLS = 104
M_FLAT = N_NODES * M_COLS


def _sc_edges_body(src_hbm, dst_hbm, zero_hbm, out_hbm,
                   srcv, dstv, valv, fidxv, sh_a, sh_b):
    c = lax.axis_index("c")
    s = lax.axis_index("s")
    wid = s * 2 + c
    base = wid * E_TILE
    pltpu.sync_copy(src_hbm.at[pl.ds(base, E_TILE)], srcv)
    pltpu.sync_copy(dst_hbm.at[pl.ds(base, E_TILE)], dstv)

    @pl.when(jnp.logical_and(c == 0, s == 0))
    def _():
        pltpu.sync_copy(zero_hbm, sh_a)

    @pl.when(jnp.logical_and(c == 1, s == 0))
    def _():
        pltpu.sync_copy(zero_hbm, sh_b)

    for j in range(E_TILE // 16):
        d = dstv[pl.ds(j * 16, 16)]
        sv = srcv[pl.ds(j * 16, 16)]
        fidxv[pl.ds(j * 16, 16)] = d * M_COLS + sv
        valv[pl.ds(j * 16, 16)] = jnp.full((16,), 1.0, jnp.float32)

    plsc.subcore_barrier()

    @pl.when(c == 0)
    def _():
        pltpu.sync_copy(valv, sh_a.at[fidxv], add=True)

    @pl.when(c == 1)
    def _():
        pltpu.sync_copy(valv, sh_b.at[fidxv], add=True)

    plsc.subcore_barrier()

    @pl.when(jnp.logical_and(c == 0, s == 0))
    def _():
        pltpu.sync_copy(sh_a, out_hbm.at[0])

    @pl.when(jnp.logical_and(c == 1, s == 0))
    def _():
        pltpu.sync_copy(sh_b, out_hbm.at[1])


def _sc_edge_partials(src, dst, zero):
    mesh = plsc.VectorSubcoreMesh(core_axis_name="c", subcore_axis_name="s")
    k = functools.partial(
        pl.kernel, mesh=mesh,
        out_type=jax.ShapeDtypeStruct((2, M_FLAT), jnp.float32),
        scratch_types=[
            pltpu.VMEM((E_TILE,), jnp.int32),
            pltpu.VMEM((E_TILE,), jnp.int32),
            pltpu.VMEM((E_TILE,), jnp.float32),
            pltpu.VMEM((E_TILE,), jnp.int32),
            pltpu.VMEM_SHARED((M_FLAT,), jnp.float32),
            pltpu.VMEM_SHARED((M_FLAT,), jnp.float32),
        ],
    )(_sc_edges_body)
    return k(src, dst, zero)



def _fused_body(nf_ref, flat_ref, m_ref, wihT_ref,
                whhT_ref, bias_ref, emb_ref, ws1_ref, wn1_ref, b1_ref,
                ws2_ref, wn2_ref, b2_ref, fw_ref, fb_ref, ow_ref, ob_ref,
                out_ref):
    f32 = jnp.float32
    bf16 = jnp.bfloat16

    wihT = wihT_ref[...]
    whhT = whhT_ref[...]
    bias = bias_ref[...]

    def gates(gi, gh, h):
        r = jnp.tanh((gi[:, :HIDDEN] + gh[:, :HIDDEN]) * 0.5) * 0.5 + 0.5
        z = jnp.tanh((gi[:, HIDDEN:2 * HIDDEN] + gh[:, HIDDEN:2 * HIDDEN]) * 0.5) * 0.5 + 0.5
        n = jnp.tanh(gi[:, 2 * HIDDEN:] + r * gh[:, 2 * HIDDEN:])
        return n + z * (h - n)

    def substep(t, ha, hb):
        x_t = nf_ref[t]
        gia = jnp.dot(x_t[:N_A], wihT, preferred_element_type=f32) + bias
        gha = jnp.dot(ha.astype(bf16), whhT, preferred_element_type=f32)
        gib = jnp.dot(x_t[N_A:], wihT, preferred_element_type=f32) + bias
        ghb = jnp.dot(hb.astype(bf16), whhT, preferred_element_type=f32)
        return gates(gia, gha, ha), gates(gib, ghb, hb)

    def step(i, carry):
        ha, hb = carry
        t = i * 40
        for u in range(40):
            ha, hb = substep(t + u, ha, hb)
        return ha, hb

    ha, hb = jax.lax.fori_loop(
        0, T // 40, step,
        (jnp.zeros((N_A, HIDDEN), f32), jnp.zeros((N_B, HIDDEN), f32)))
    h_last = jnp.concatenate([ha, hb], axis=0)

    m = (m_ref[0] + m_ref[1])[:, :N_NODES]
    cnt = jnp.sum(m, axis=1, keepdims=True)
    inv_cnt = 1.0 / jnp.maximum(cnt, 1.0)

    emb = emb_ref[...]
    gnn_in = jnp.concatenate([h_last, emb], axis=1)
    mean1 = jnp.dot(m, gnn_in, preferred_element_type=f32) * inv_cnt
    h1 = jnp.dot(gnn_in, ws1_ref[...], preferred_element_type=f32)
    h1 = h1 + jnp.dot(mean1, wn1_ref[...], preferred_element_type=f32)
    h1 = jax.nn.relu(h1 + b1_ref[...])

    mean2 = jnp.dot(m, h1, preferred_element_type=f32) * inv_cnt
    h2 = jnp.dot(h1, ws2_ref[...], preferred_element_type=f32)
    h2 = h2 + jnp.dot(mean2, wn2_ref[...], preferred_element_type=f32)
    h2 = h2 + b2_ref[...]

    xflat = jnp.dot(flat_ref[...], fw_ref[...], preferred_element_type=f32) + fb_ref[...]
    xcat = jnp.concatenate([h2, xflat, h_last], axis=1)
    out = jnp.dot(xcat, ow_ref[...], preferred_element_type=f32) + ob_ref[...]
    out_ref[...] = out


def kernel(node_feat, flat, edge_index, W_ih, W_hh, b_ih, b_hh, emb_weight,
           W_self1, W_neigh1, b1, W_self2, W_neigh2, b2, flat_W, flat_b,
           out_W, out_b):
    f32 = jnp.float32
    bf16 = jnp.bfloat16
    nf = node_feat.astype(bf16)

    epad = ((0, E_PAD - E),)
    src = jnp.pad(edge_index[0], epad, constant_values=N_NODES)
    dst = jnp.pad(edge_index[1], epad)
    zero = jnp.zeros((M_FLAT,), f32)
    m_part = _sc_edge_partials(src, dst, zero)
    m3d = m_part.reshape(2, N_NODES, M_COLS)

    out = pl.pallas_call(
        _fused_body,
        out_shape=jax.ShapeDtypeStruct((N_NODES, 1), f32),
    )(
        nf, flat, m3d,
        W_ih.T.astype(bf16), W_hh.T.astype(bf16),
        (b_ih + b_hh).reshape(1, -1),
        emb_weight, W_self1, W_neigh1, b1.reshape(1, -1),
        W_self2, W_neigh2, b2.reshape(1, -1),
        flat_W, flat_b.reshape(1, -1), out_W, out_b.reshape(1, -1),
    )
    return out[:, 0]

# --- scband reference (transcript-rebuilt; emitter-appended) ---
"""Pipeline reference for scband-rnn-gnn-53231824666979 (READ-ONLY COPY).

The authoritative reference and input builder live on the scoring server;
editing this copy changes nothing except your own understanding.
"""

import jax, jax.numpy as jnp
import numpy as np

N_NODES = 100
FEAT = 32
HIDDEN = 256
EMB = 64
GNN_HID = 256
GNN_OUT = 128
FLAT_DIM = 128
FLAT_OUT = 64
T = 200
E = 3200


def setup_inputs(seed: int = 0) -> dict:
    key = jax.random.key(seed)
    ks = jax.random.split(key, 16)
    s = 0.05
    inp = {}
    inp["node_feat"] = jax.random.normal(ks[0], (T, N_NODES, FEAT), jnp.float32)
    inp["flat"] = jax.random.normal(ks[1], (N_NODES, FLAT_DIM), jnp.float32)
    inp["edge_index"] = jax.random.randint(ks[2], (2, E), 0, N_NODES, jnp.int32)
    inp["W_ih"] = jax.random.normal(ks[3], (3 * HIDDEN, FEAT), jnp.float32) * s
    inp["W_hh"] = jax.random.normal(ks[4], (3 * HIDDEN, HIDDEN), jnp.float32) * s
    inp["b_ih"] = jnp.zeros((3 * HIDDEN,), jnp.float32)
    inp["b_hh"] = jnp.zeros((3 * HIDDEN,), jnp.float32)
    inp["emb_weight"] = jax.random.normal(ks[5], (N_NODES, EMB), jnp.float32) * s
    inp["W_self1"] = jax.random.normal(ks[6], (HIDDEN + EMB, GNN_HID), jnp.float32) * s
    inp["W_neigh1"] = jax.random.normal(ks[7], (HIDDEN + EMB, GNN_HID), jnp.float32) * s
    inp["b1"] = jnp.zeros((GNN_HID,), jnp.float32)
    inp["W_self2"] = jax.random.normal(ks[8], (GNN_HID, GNN_OUT), jnp.float32) * s
    inp["W_neigh2"] = jax.random.normal(ks[9], (GNN_HID, GNN_OUT), jnp.float32) * s
    inp["b2"] = jnp.zeros((GNN_OUT,), jnp.float32)
    inp["flat_W"] = jax.random.normal(ks[10], (FLAT_DIM, FLAT_OUT), jnp.float32) * s
    inp["flat_b"] = jnp.zeros((FLAT_OUT,), jnp.float32)
    inp["out_W"] = jax.random.normal(ks[11], (GNN_OUT + FLAT_OUT + HIDDEN, 1), jnp.float32) * s
    inp["out_b"] = jnp.zeros((1,), jnp.float32)
    return inp


def _gru_last(xs, W_ih, W_hh, b_ih, b_hh):
    h0 = jnp.zeros((xs.shape[1], W_hh.shape[1]), xs.dtype)

    def step(h, x_t):
        gi = x_t @ W_ih.T + b_ih
        gh = h @ W_hh.T + b_hh
        i_r, i_z, i_n = jnp.split(gi, 3, axis=-1)
        h_r, h_z, h_n = jnp.split(gh, 3, axis=-1)
        r = jax.nn.sigmoid(i_r + h_r)
        z = jax.nn.sigmoid(i_z + h_z)
        n = jnp.tanh(i_n + r * h_n)
        h_new = (1.0 - z) * n + z * h
        return h_new, None

    h_last, _ = jax.lax.scan(step, h0, xs)
    return h_last


def _forward(node_feat, flat, edge_index, W_ih, W_hh, b_ih, b_hh, emb_weight, W_self1, W_neigh1, b1, W_self2, W_neigh2, b2, flat_W, flat_b, out_W, out_b):
    # node_feat: [T, N, F] -> transpose(0,1) -> [N, T, F] (batch_first GRU)
    nf = jnp.swapaxes(node_feat, 0, 1)
    xs = jnp.swapaxes(nf, 0, 1)  # [T, N, F] for time scan
    out = _gru_last(xs, W_ih, W_hh, b_ih, b_hh)  # [N, HIDDEN] == out.view(N, -1)
    gnn_input = jnp.concatenate([out, emb_weight], axis=-1)  # [N, HIDDEN+EMB]
    src = edge_index[0]
    dst = edge_index[1]

    def sage(x, Ws, Wn, b):
        msg = x[src]
        agg = jax.ops.segment_sum(msg, dst, num_segments=N_NODES)
        cnt = jax.ops.segment_sum(jnp.ones((src.shape[0],), x.dtype), dst, num_segments=N_NODES)
        mean = agg / jnp.maximum(cnt, 1.0)[:, None]
        return x @ Ws + mean @ Wn + b

    h = jax.nn.relu(sage(gnn_input, W_self1, W_neigh1, b1))
    h = sage(h, W_self2, W_neigh2, b2)  # [N, GNN_OUT]
    x_flat = flat @ flat_W + flat_b  # [N, FLAT_OUT]
    x = jnp.concatenate([h, x_flat, out], axis=-1)  # [N, GNN_OUT+FLAT_OUT+HIDDEN]
    return (x @ out_W + out_b).squeeze(-1)  # [N]


def reference(node_feat, flat, edge_index, W_ih, W_hh, b_ih, b_hh, emb_weight, W_self1, W_neigh1, b1, W_self2, W_neigh2, b2, flat_W, flat_b, out_W, out_b):
    return _forward(node_feat, flat, edge_index, W_ih, W_hh, b_ih, b_hh, emb_weight, W_self1, W_neigh1, b1, W_self2, W_neigh2, b2, flat_W, flat_b, out_W, out_b)

if __name__ == "__main__":
    import jax
    _d = setup_inputs()
    print(jax.jit(kernel)(*tuple(_d.values())))

</pallas_src>

<mosaic_0001>
#map = affine_map<(d0, d1) -> (0)>
#map1 = affine_map<(d0, d1) -> (0, 0)>
module attributes {stable_mosaic.version = 14 : i64} {
  func.func @_sc_edges_body(%arg0: i32, %arg1: i32, %arg2: memref<3584xi32, #tpu.memory_space<hbm>>, %arg3: memref<3584xi32, #tpu.memory_space<hbm>>, %arg4: memref<10400xf32, #tpu.memory_space<hbm>>, %arg5: memref<2x10400xf32, #tpu.memory_space<hbm>>, %arg6: memref<112xi32, #tpu.memory_space<vmem>>, %arg7: memref<112xi32, #tpu.memory_space<vmem>>, %arg8: memref<112xf32, #tpu.memory_space<vmem>>, %arg9: memref<112xi32, #tpu.memory_space<vmem>>, %arg10: memref<10400xf32, #tpu.memory_space<vmem_shared>>, %arg11: memref<10400xf32, #tpu.memory_space<vmem_shared>>) attributes {dimension_semantics = [#tpu.dimension_semantics<core_parallel>, #tpu.dimension_semantics<subcore_parallel>], iteration_bounds = array<i64: 2, 16>, scalar_prefetch = 0 : i64, scratch_operands = 6 : i64, tpu.core_type = #tpu.core_type<sc_vector_subcore>, window_params = [{transform_indices = #map}, {transform_indices = #map}, {transform_indices = #map}, {transform_indices = #map1}]} {
    %mul3A = arith.constant 2 : i32
    %mul3A_0 = arith.muli %arg1, %mul3A : i32
    %add3A = arith.addi %mul3A_0, %arg0 : i32
    %mul3A_1 = arith.constant 112 : i32
    %mul3A_2 = arith.muli %add3A, %mul3A_1 : i32
    "tpu.region"() ({
      %run_scoped3A = tpu.sem_alloc : memref<!tpu.dma_semaphore, #tpu.memory_space<semaphore_mem>>
      %dma_start3A = tpu.memref_slice %arg2[%mul3A_2] : memref<3584xi32, #tpu.memory_space<hbm>> -> memref<112xi32, #tpu.memory_space<hbm>>
      %dma_start3A_179 = tpu.memref_slice %arg2[%mul3A_2] : memref<3584xi32, #tpu.memory_space<hbm>> -> memref<112xi32, #tpu.memory_space<hbm>>
      tpu.enqueue_dma source(%dma_start3A_179 : memref<112xi32, #tpu.memory_space<hbm>>) target(%arg6 : memref<112xi32, #tpu.memory_space<vmem>>) target_semaphore(%run_scoped3A : memref<!tpu.dma_semaphore, #tpu.memory_space<semaphore_mem>>)
      %dma_wait3A = tpu.memref_slice %arg2[%mul3A_2] : memref<3584xi32, #tpu.memory_space<hbm>> -> memref<112xi32, #tpu.memory_space<hbm>>
      %dma_wait3A_180 = tpu.memref_slice %arg2[%mul3A_2] : memref<3584xi32, #tpu.memory_space<hbm>> -> memref<112xi32, #tpu.memory_space<hbm>>
      tpu.wait_dma2 semaphore(%run_scoped3A : memref<!tpu.dma_semaphore, #tpu.memory_space<semaphore_mem>>) src(%dma_wait3A_180 : memref<112xi32, #tpu.memory_space<hbm>>) dst(%arg6 : memref<112xi32, #tpu.memory_space<vmem>>)
      tpu.yield
    }) : () -> ()
    "tpu.region"() ({
      %run_scoped3A = tpu.sem_alloc : memref<!tpu.dma_semaphore, #tpu.memory_space<semaphore_mem>>
      %dma_start3A = tpu.memref_slice %arg3[%mul3A_2] : memref<3584xi32, #tpu.memory_space<hbm>> -> memref<112xi32, #tpu.memory_space<hbm>>
      %dma_start3A_179 = tpu.memref_slice %arg3[%mul3A_2] : memref<3584xi32, #tpu.memory_space<hbm>> -> memref<112xi32, #tpu.memory_space<hbm>>
      tpu.enqueue_dma source(%dma_start3A_179 : memref<112xi32, #tpu.memory_space<hbm>>) target(%arg7 : memref<112xi32, #tpu.memory_space<vmem>>) target_semaphore(%run_scoped3A : memref<!tpu.dma_semaphore, #tpu.memory_space<semaphore_mem>>)
      %dma_wait3A = tpu.memref_slice %arg3[%mul3A_2] : memref<3584xi32, #tpu.memory_space<hbm>> -> memref<112xi32, #tpu.memory_space<hbm>>
      %dma_wait3A_180 = tpu.memref_slice %arg3[%mul3A_2] : memref<3584xi32, #tpu.memory_space<hbm>> -> memref<112xi32, #tpu.memory_space<hbm>>
      tpu.wait_dma2 semaphore(%run_scoped3A : memref<!tpu.dma_semaphore, #tpu.memory_space<semaphore_mem>>) src(%dma_wait3A_180 : memref<112xi32, #tpu.memory_space<hbm>>) dst(%arg7 : memref<112xi32, #tpu.memory_space<vmem>>)
      tpu.yield
    }) : () -> ()
    %eq3A = arith.constant 0 : i32
    %eq3A_3 = arith.cmpi eq, %arg0, %eq3A : i32
    %eq3A_4 = arith.constant 0 : i32
    %eq3A_5 = arith.cmpi eq, %arg1, %eq3A_4 : i32
    %and3A = arith.andi %eq3A_3, %eq3A_5 : i1
    %convert_element_type3A = arith.extui %and3A : i1 to i32
    %cond3A = arith.constant 0 : i32
    %cond3A_6 = arith.cmpi ne, %convert_element_type3A, %cond3A : i32
    scf.if %cond3A_6 {
      "tpu.region"() ({
        %run_scoped3A = tpu.sem_alloc : memref<!tpu.dma_semaphore, #tpu.memory_space<semaphore_mem>>
        tpu.enqueue_dma source(%arg4 : memref<10400xf32, #tpu.memory_space<hbm>>) target(%arg10 : memref<10400xf32, #tpu.memory_space<vmem_shared>>) target_semaphore(%run_scoped3A : memref<!tpu.dma_semaphore, #tpu.memory_space<semaphore_mem>>)
        tpu.wait_dma2 semaphore(%run_scoped3A : memref<!tpu.dma_semaphore, #tpu.memory_space<semaphore_mem>>) src(%arg4 : memref<10400xf32, #tpu.memory_space<hbm>>) dst(%arg10 : memref<10400xf32, #tpu.memory_space<vmem_shared>>)
        tpu.yield
      }) : () -> ()
    } else {
    }
    %eq3A_7 = arith.constant 1 : i32
    %eq3A_8 = arith.cmpi eq, %arg0, %eq3A_7 : i32
    %eq3A_9 = arith.constant 0 : i32
    %eq3A_10 = arith.cmpi eq, %arg1, %eq3A_9 : i32
    %and3A_11 = arith.andi %eq3A_8, %eq3A_10 : i1
    %convert_element_type3A_12 = arith.extui %and3A_11 : i1 to i32
    %cond3A_13 = arith.constant 0 : i32
    %cond3A_14 = arith.cmpi ne, %convert_element_type3A_12, %cond3A_13 : i32
    scf.if %cond3A_14 {
      "tpu.region"() ({
        %run_scoped3A = tpu.sem_alloc : memref<!tpu.dma_semaphore, #tpu.memory_space<semaphore_mem>>
        tpu.enqueue_dma source(%arg4 : memref<10400xf32, #tpu.memory_space<hbm>>) target(%arg11 : memref<10400xf32, #tpu.memory_space<vmem_shared>>) target_semaphore(%run_scoped3A : memref<!tpu.dma_semaphore, #tpu.memory_space<semaphore_mem>>)
        tpu.wait_dma2 semaphore(%run_scoped3A : memref<!tpu.dma_semaphore, #tpu.memory_space<semaphore_mem>>) src(%arg4 : memref<10400xf32, #tpu.memory_space<hbm>>) dst(%arg11 : memref<10400xf32, #tpu.memory_space<vmem_shared>>)
        tpu.yield
      }) : () -> ()
    } else {
    }
    %get3A = arith.constant 0 : index
    %get3A_15 = tpu.vector_load %arg7[%get3A] {strides = array<i32>} : memref<112xi32, #tpu.memory_space<vmem>>, vector<16xi32>,
    %get3A_16 = vector.shape_cast %get3A_15 : vector<16xi32> to vector<16xi32>
    %get3A_17 = arith.constant 0 : index
    %get3A_18 = tpu.vector_load %arg6[%get3A_17] {strides = array<i32>} : memref<112xi32, #tpu.memory_space<vmem>>, vector<16xi32>,
    %get3A_19 = vector.shape_cast %get3A_18 : vector<16xi32> to vector<16xi32>
    %mul3A_20 = arith.constant 104 : i32
    %mul3A_21 = vector.broadcast %mul3A_20 : i32 to vector<16xi32>
    %mul3A_22 = arith.muli %get3A_16, %mul3A_21 : vector<16xi32>
    %add3A_23 = arith.addi %mul3A_22, %get3A_19 : vector<16xi32>
    %swap3A = arith.constant 0 : index
    %swap3A_24 = tpu.vector_load %arg9[%swap3A] {strides = array<i32>} : memref<112xi32, #tpu.memory_space<vmem>>, vector<16xi32>,
    %swap3A_25 = vector.shape_cast %swap3A_24 : vector<16xi32> to vector<16xi32>
    %swap3A_26 = vector.shape_cast %add3A_23 : vector<16xi32> to vector<16xi32>
    tpu.vector_store %arg9[%swap3A], %swap3A_26 {strides = array<i32>} : memref<112xi32, #tpu.memory_space<vmem>>, vector<16xi32>,
    %broadcast_in_dim3A = arith.constant 1.000000e+00 : f32
    %broadcast_in_dim3A_27 = vector.broadcast %broadcast_in_dim3A : f32 to vector<16xf32>
    %swap3A_28 = arith.constant 0 : index
    %swap3A_29 = tpu.vector_load %arg8[%swap3A_28] {strides = array<i32>} : memref<112xf32, #tpu.memory_space<vmem>>, vector<16xf32>,
    %swap3A_30 = vector.shape_cast %swap3A_29 : vector<16xf32> to vector<16xf32>
    %swap3A_31 = vector.shape_cast %broadcast_in_dim3A_27 : vector<16xf32> to vector<16xf32>
    tpu.vector_store %arg8[%swap3A_28], %swap3A_31 {strides = array<i32>} : memref<112xf32, #tpu.memory_space<vmem>>, vector<16xf32>,
    %get3A_32 = arith.constant 16 : index
    %get3A_33 = tpu.vector_load %arg7[%get3A_32] {strides = array<i32>} : memref<112xi32, #tpu.memory_space<vmem>>, vector<16xi32>,
    %get3A_34 = vector.shape_cast %get3A_33 : vector<16xi32> to vector<16xi32>
    %get3A_35 = arith.constant 16 : index
    %get3A_36 = tpu.vector_load %arg6[%get3A_35] {strides = array<i32>} : memref<112xi32, #tpu.memory_space<vmem>>, vector<16xi32>,
    %get3A_37 = vector.shape_cast %get3A_36 : vector<16xi32> to vector<16xi32>
    %mul3A_38 = arith.constant 104 : i32
    %mul3A_39 = vector.broadcast %mul3A_38 : i32 to vector<16xi32>
    %mul3A_40 = arith.muli %get3A_34, %mul3A_39 : vector<16xi32>
    %add3A_41 = arith.addi %mul3A_40, %get3A_37 : vector<16xi32>
    %swap3A_42 = arith.constant 16 : index
    %swap3A_43 = tpu.vector_load %arg9[%swap3A_42] {strides = array<i32>} : memref<112xi32, #tpu.memory_space<vmem>>, vector<16xi32>,
    %swap3A_44 = vector.shape_cast %swap3A_43 : vector<16xi32> to vector<16xi32>
    %swap3A_45 = vector.shape_cast %add3A_41 : vector<16xi32> to vector<16xi32>
    tpu.vector_store %arg9[%swap3A_42], %swap3A_45 {strides = array<i32>} : memref<112xi32, #tpu.memory_space<vmem>>, vector<16xi32>,
    %broadcast_in_dim3A_46 = arith.constant 1.000000e+00 : f32
    %broadcast_in_dim3A_47 = vector.broadcast %broadcast_in_dim3A_46 : f32 to vector<16xf32>
    %swap3A_48 = arith.constant 16 : index
    %swap3A_49 = tpu.vector_load %arg8[%swap3A_48] {strides = array<i32>} : memref<112xf32, #tpu.memory_space<vmem>>, vector<16xf32>,
    %swap3A_50 = vector.shape_cast %swap3A_49 : vector<16xf32> to vector<16xf32>
    %swap3A_51 = vector.shape_cast %broadcast_in_dim3A_47 : vector<16xf32> to vector<16xf32>
    tpu.vector_store %arg8[%swap3A_48], %swap3A_51 {strides = array<i32>} : memref<112xf32, #tpu.memory_space<vmem>>, vector<16xf32>,
    %get3A_52 = arith.constant 32 : index
    %get3A_53 = tpu.vector_load %arg7[%get3A_52] {strides = array<i32>} : memref<112xi32, #tpu.memory_space<vmem>>, vector<16xi32>,
    %get3A_54 = vector.shape_cast %get3A_53 : vector<16xi32> to vector<16xi32>
    %get3A_55 = arith.constant 32 : index
    %get3A_56 = tpu.vector_load %arg6[%get3A_55] {strides = array<i32>} : memref<112xi32, #tpu.memory_space<vmem>>, vector<16xi32>,
    %get3A_57 = vector.shape_cast %get3A_56 : vector<16xi32> to vector<16xi32>
    %mul3A_58 = arith.constant 104 : i32
    %mul3A_59 = vector.broadcast %mul3A_58 : i32 to vector<16xi32>
    %mul3A_60 = arith.muli %get3A_54, %mul3A_59 : vector<16xi32>
    %add3A_61 = arith.addi %mul3A_60, %get3A_57 : vector<16xi32>
    %swap3A_62 = arith.constant 32 : index
    %swap3A_63 = tpu.vector_load %arg9[%swap3A_62] {strides = array<i32>} : memref<112xi32, #tpu.memory_space<vmem>>, vector<16xi32>,
    %swap3A_64 = vector.shape_cast %swap3A_63 : vector<16xi32> to vector<16xi32>
    %swap3A_65 = vector.shape_cast %add3A_61 : vector<16xi32> to vector<16xi32>
    tpu.vector_store %arg9[%swap3A_62], %swap3A_65 {strides = array<i32>} : memref<112xi32, #tpu.memory_space<vmem>>, vector<16xi32>,
    %broadcast_in_dim3A_66 = arith.constant 1.000000e+00 : f32
    %broadcast_in_dim3A_67 = vector.broadcast %broadcast_in_dim3A_66 : f32 to vector<16xf32>
    %swap3A_68 = arith.constant 32 : index
    %swap3A_69 = tpu.vector_load %arg8[%swap3A_68] {strides = array<i32>} : memref<112xf32, #tpu.memory_space<vmem>>, vector<16xf32>,
    %swap3A_70 = vector.shape_cast %swap3A_69 : vector<16xf32> to vector<16xf32>
    %swap3A_71 = vector.shape_cast %broadcast_in_dim3A_67 : vector<16xf32> to vector<16xf32>
    tpu.vector_store %arg8[%swap3A_68], %swap3A_71 {strides = array<i32>} : memref<112xf32, #tpu.memory_space<vmem>>, vector<16xf32>,
    %get3A_72 = arith.constant 48 : index
    %get3A_73 = tpu.vector_load %arg7[%get3A_72] {strides = array<i32>} : memref<112xi32, #tpu.memory_space<vmem>>, vector<16xi32>,
    %get3A_74 = vector.shape_cast %get3A_73 : vector<16xi32> to vector<16xi32>
    %get3A_75 = arith.constant 48 : index
    %get3A_76 = tpu.vector_load %arg6[%get3A_75] {strides = array<i32>} : memref<112xi32, #tpu.memory_space<vmem>>, vector<16xi32>,
    %get3A_77 = vector.shape_cast %get3A_76 : vector<16xi32> to vector<16xi32>
    %mul3A_78 = arith.constant 104 : i32
    %mul3A_79 = vector.broadcast %mul3A_78 : i32 to vector<16xi32>
    %mul3A_80 = arith.muli %get3A_74, %mul3A_79 : vector<16xi32>
    %add3A_81 = arith.addi %mul3A_80, %get3A_77 : vector<16xi32>
    %swap3A_82 = arith.constant 48 : index
    %swap3A_83 = tpu.vector_load %arg9[%swap3A_82] {strides = array<i32>} : memref<112xi32, #tpu.memory_space<vmem>>, vector<16xi32>,
    %swap3A_84 = vector.shape_cast %swap3A_83 : vector<16xi32> to vector<16xi32>
    %swap3A_85 = vector.shape_cast %add3A_81 : vector<16xi32> to vector<16xi32>
    tpu.vector_store %arg9[%swap3A_82], %swap3A_85 {strides = array<i32>} : memref<112xi32, #tpu.memory_space<vmem>>, vector<16xi32>,
    %broadcast_in_dim3A_86 = arith.constant 1.000000e+00 : f32
    %broadcast_in_dim3A_87 = vector.broadcast %broadcast_in_dim3A_86 : f32 to vector<16xf32>
    %swap3A_88 = arith.constant 48 : index
    %swap3A_89 = tpu.vector_load %arg8[%swap3A_88] {strides = array<i32>} : memref<112xf32, #tpu.memory_space<vmem>>, vector<16xf32>,
    %swap3A_90 = vector.shape_cast %swap3A_89 : vector<16xf32> to vector<16xf32>
    %swap3A_91 = vector.shape_cast %broadcast_in_dim3A_87 : vector<16xf32> to vector<16xf32>
    tpu.vector_store %arg8[%swap3A_88], %swap3A_91 {strides = array<i32>} : memref<112xf32, #tpu.memory_space<vmem>>, vector<16xf32>,
    %get3A_92 = arith.constant 64 : index
    %get3A_93 = tpu.vector_load %arg7[%get3A_92] {strides = array<i32>} : memref<112xi32, #tpu.memory_space<vmem>>, vector<16xi32>,
    %get3A_94 = vector.shape_cast %get3A_93 : vector<16xi32> to vector<16xi32>
    %get3A_95 = arith.constant 64 : index
    %get3A_96 = tpu.vector_load %arg6[%get3A_95] {strides = array<i32>} : memref<112xi32, #tpu.memory_space<vmem>>, vector<16xi32>,
    %get3A_97 = vector.shape_cast %get3A_96 : vector<16xi32> to vector<16xi32>
    %mul3A_98 = arith.constant 104 : i32
    %mul3A_99 = vector.broadcast %mul3A_98 : i32 to vector<16xi32>
    %mul3A_100 = arith.muli %get3A_94, %mul3A_99 : vector<16xi32>
    %add3A_101 = arith.addi %mul3A_100, %get3A_97 : vector<16xi32>
    %swap3A_102 = arith.constant 64 : index
    %swap3A_103 = tpu.vector_load %arg9[%swap3A_102] {strides = array<i32>} : memref<112xi32, #tpu.memory_space<vmem>>, vector<16xi32>,
    %swap3A_104 = vector.shape_cast %swap3A_103 : vector<16xi32> to vector<16xi32>
    %swap3A_105 = vector.shape_cast %add3A_101 : vector<16xi32> to vector<16xi32>
    tpu.vector_store %arg9[%swap3A_102], %swap3A_105 {strides = array<i32>} : memref<112xi32, #tpu.memory_space<vmem>>, vector<16xi32>,
    %broadcast_in_dim3A_106 = arith.constant 1.000000e+00 : f32
    %broadcast_in_dim3A_107 = vector.broadcast %broadcast_in_dim3A_106 : f32 to vector<16xf32>
    %swap3A_108 = arith.constant 64 : index
    %swap3A_109 = tpu.vector_load %arg8[%swap3A_108] {strides = array<i32>} : memref<112xf32, #tpu.memory_space<vmem>>, vector<16xf32>,
    %swap3A_110 = vector.shape_cast %swap3A_109 : vector<16xf32> to vector<16xf32>
    %swap3A_111 = vector.shape_cast %broadcast_in_dim3A_107 : vector<16xf32> to vector<16xf32>
    tpu.vector_store %arg8[%swap3A_108], %swap3A_111 {strides = array<i32>} : memref<112xf32, #tpu.memory_space<vmem>>, vector<16xf32>,
    %get3A_112 = arith.constant 80 : index
    %get3A_113 = tpu.vector_load %arg7[%get3A_112] {strides = array<i32>} : memref<112xi32, #tpu.memory_space<vmem>>, vector<16xi32>,
    %get3A_114 = vector.shape_cast %get3A_113 : vector<16xi32> to vector<16xi32>
    %get3A_115 = arith.constant 80 : index
    %get3A_116 = tpu.vector_load %arg6[%get3A_115] {strides = array<i32>} : memref<112xi32, #tpu.memory_space<vmem>>, vector<16xi32>,
    %get3A_117 = vector.shape_cast %get3A_116 : vector<16xi32> to vector<16xi32>
    %mul3A_118 = arith.constant 104 : i32
    %mul3A_119 = vector.broadcast %mul3A_118 : i32 to vector<16xi32>
    %mul3A_120 = arith.muli %get3A_114, %mul3A_119 : vector<16xi32>
    %add3A_121 = arith.addi %mul3A_120, %get3A_117 : vector<16xi32>
    %swap3A_122 = arith.constant 80 : index
    %swap3A_123 = tpu.vector_load %arg9[%swap3A_122] {strides = array<i32>} : memref<112xi32, #tpu.memory_space<vmem>>, vector<16xi32>,
    %swap3A_124 = vector.shape_cast %swap3A_123 : vector<16xi32> to vector<16xi32>
    %swap3A_125 = vector.shape_cast %add3A_121 : vector<16xi32> to vector<16xi32>
    tpu.vector_store %arg9[%swap3A_122], %swap3A_125 {strides = array<i32>} : memref<112xi32, #tpu.memory_space<vmem>>, vector<16xi32>,
    %broadcast_in_dim3A_126 = arith.constant 1.000000e+00 : f32
    %broadcast_in_dim3A_127 = vector.broadcast %broadcast_in_dim3A_126 : f32 to vector<16xf32>
    %swap3A_128 = arith.constant 80 : index
    %swap3A_129 = tpu.vector_load %arg8[%swap3A_128] {strides = array<i32>} : memref<112xf32, #tpu.memory_space<vmem>>, vector<16xf32>,
    %swap3A_130 = vector.shape_cast %swap3A_129 : vector<16xf32> to vector<16xf32>
    %swap3A_131 = vector.shape_cast %broadcast_in_dim3A_127 : vector<16xf32> to vector<16xf32>
    tpu.vector_store %arg8[%swap3A_128], %swap3A_131 {strides = array<i32>} : memref<112xf32, #tpu.memory_space<vmem>>, vector<16xf32>,
    %get3A_132 = arith.constant 96 : index
    %get3A_133 = tpu.vector_load %arg7[%get3A_132] {strides = array<i32>} : memref<112xi32, #tpu.memory_space<vmem>>, vector<16xi32>,
    %get3A_134 = vector.shape_cast %get3A_133 : vector<16xi32> to vector<16xi32>
    %get3A_135 = arith.constant 96 : index
    %get3A_136 = tpu.vector_load %arg6[%get3A_135] {strides = array<i32>} : memref<112xi32, #tpu.memory_space<vmem>>, vector<16xi32>,
    %get3A_137 = vector.shape_cast %get3A_136 : vector<16xi32> to vector<16xi32>
    %mul3A_138 = arith.constant 104 : i32
    %mul3A_139 = vector.broadcast %mul3A_138 : i32 to vector<16xi32>
    %mul3A_140 = arith.muli %get3A_134, %mul3A_139 : vector<16xi32>
    %add3A_141 = arith.addi %mul3A_140, %get3A_137 : vector<16xi32>
    %swap3A_142 = arith.constant 96 : index
    %swap3A_143 = tpu.vector_load %arg9[%swap3A_142] {strides = array<i32>} : memref<112xi32, #tpu.memory_space<vmem>>, vector<16xi32>,
    %swap3A_144 = vector.shape_cast %swap3A_143 : vector<16xi32> to vector<16xi32>
    %swap3A_145 = vector.shape_cast %add3A_141 : vector<16xi32> to vector<16xi32>
    tpu.vector_store %arg9[%swap3A_142], %swap3A_145 {strides = array<i32>} : memref<112xi32, #tpu.memory_space<vmem>>, vector<16xi32>,
    %broadcast_in_dim3A_146 = arith.constant 1.000000e+00 : f32
    %broadcast_in_dim3A_147 = vector.broadcast %broadcast_in_dim3A_146 : f32 to vector<16xf32>
    %swap3A_148 = arith.constant 96 : index
    %swap3A_149 = tpu.vector_load %arg8[%swap3A_148] {strides = array<i32>} : memref<112xf32, #tpu.memory_space<vmem>>, vector<16xf32>,
    %swap3A_150 = vector.shape_cast %swap3A_149 : vector<16xf32> to vector<16xf32>
    %swap3A_151 = vector.shape_cast %broadcast_in_dim3A_147 : vector<16xf32> to vector<16xf32>
    tpu.vector_store %arg8[%swap3A_148], %swap3A_151 {strides = array<i32>} : memref<112xf32, #tpu.memory_space<vmem>>, vector<16xf32>,
    %barrier3A = arith.constant 0 : index
    tpu.barrier barrier_id(%barrier3A)
    %eq3A_152 = arith.constant 0 : i32
    %eq3A_153 = arith.cmpi eq, %arg0, %eq3A_152 : i32
    %convert_element_type3A_154 = arith.extui %eq3A_153 : i1 to i32
    %cond3A_155 = arith.constant 0 : i32
    %cond3A_156 = arith.cmpi ne, %convert_element_type3A_154, %cond3A_155 : i32
    scf.if %cond3A_156 {
      "tpu.region"() ({
        %run_scoped3A = tpu.sem_alloc : memref<!tpu.dma_semaphore, #tpu.memory_space<semaphore_mem>>
        %dma_start3A = arith.constant 0 : i32
        %dma_start3A_179 = tpu.memref_slice %arg10[%dma_start3A] : memref<10400xf32, #tpu.memory_space<vmem_shared>> -> memref<10400xf32, #tpu.memory_space<vmem_shared>>
        tpu.enqueue_indirect_dma source(%arg8 : memref<112xf32, #tpu.memory_space<vmem>>) target(%dma_start3A_179 : memref<10400xf32, #tpu.memory_space<vmem_shared>>) offsets(%arg9 : memref<112xi32, #tpu.memory_space<vmem>>) semaphore(%run_scoped3A : memref<!tpu.dma_semaphore, #tpu.memory_space<semaphore_mem>>) {add = true}
        %dma_wait3A = arith.constant 0 : i32
        %dma_wait3A_180 = tpu.memref_slice %arg10[%dma_wait3A] : memref<10400xf32, #tpu.memory_space<vmem_shared>> -> memref<10400xf32, #tpu.memory_space<vmem_shared>>
        tpu.wait_indirect_dma semaphore(%run_scoped3A : memref<!tpu.dma_semaphore, #tpu.memory_space<semaphore_mem>>) src(%arg8 : memref<112xf32, #tpu.memory_space<vmem>>) dst(%dma_wait3A_180 : memref<10400xf32, #tpu.memory_space<vmem_shared>>)
        tpu.yield
      }) : () -> ()
    } else {
    }
    %eq3A_157 = arith.constant 1 : i32
    %eq3A_158 = arith.cmpi eq, %arg0, %eq3A_157 : i32
    %convert_element_type3A_159 = arith.extui %eq3A_158 : i1 to i32
    %cond3A_160 = arith.constant 0 : i32
    %cond3A_161 = arith.cmpi ne, %convert_element_type3A_159, %cond3A_160 : i32
    scf.if %cond3A_161 {
      "tpu.region"() ({
        %run_scoped3A = tpu.sem_alloc : memref<!tpu.dma_semaphore, #tpu.memory_space<semaphore_mem>>
        %dma_start3A = arith.constant 0 : i32
        %dma_start3A_179 = tpu.memref_slice %arg11[%dma_start3A] : memref<10400xf32, #tpu.memory_space<vmem_shared>> -> memref<10400xf32, #tpu.memory_space<vmem_shared>>
        tpu.enqueue_indirect_dma source(%arg8 : memref<112xf32, #tpu.memory_space<vmem>>) target(%dma_start3A_179 : memref<10400xf32, #tpu.memory_space<vmem_shared>>) offsets(%arg9 : memref<112xi32, #tpu.memory_space<vmem>>) semaphore(%run_scoped3A : memref<!tpu.dma_semaphore, #tpu.memory_space<semaphore_mem>>) {add = true}
        %dma_wait3A = arith.constant 0 : i32
        %dma_wait3A_180 = tpu.memref_slice %arg11[%dma_wait3A] : memref<10400xf32, #tpu.memory_space<vmem_shared>> -> memref<10400xf32, #tpu.memory_space<vmem_shared>>
        tpu.wait_indirect_dma semaphore(%run_scoped3A : memref<!tpu.dma_semaphore, #tpu.memory_space<semaphore_mem>>) src(%arg8 : memref<112xf32, #tpu.memory_space<vmem>>) dst(%dma_wait3A_180 : memref<10400xf32, #tpu.memory_space<vmem_shared>>)
        tpu.yield
      }) : () -> ()
    } else {
    }
    %barrier3A_162 = arith.constant 0 : index
    tpu.barrier barrier_id(%barrier3A_162)
    %eq3A_163 = arith.constant 0 : i32
    %eq3A_164 = arith.cmpi eq, %arg0, %eq3A_163 : i32
    %eq3A_165 = arith.constant 0 : i32
    %eq3A_166 = arith.cmpi eq, %arg1, %eq3A_165 : i32
    %and3A_167 = arith.andi %eq3A_164, %eq3A_166 : i1
    %convert_element_type3A_168 = arith.extui %and3A_167 : i1 to i32
    %cond3A_169 = arith.constant 0 : i32
    %cond3A_170 = arith.cmpi ne, %convert_element_type3A_168, %cond3A_169 : i32
    scf.if %cond3A_170 {
      %run_scoped3A = arith.constant 0 : i32
      "tpu.region"() ({
        %run_scoped3A_179 = tpu.sem_alloc : memref<!tpu.dma_semaphore, #tpu.memory_space<semaphore_mem>>
        %dma_start3A = arith.constant 0 : i32
        %dma_start3A_180 = tpu.memref_slice %arg5[%run_scoped3A, %dma_start3A] : memref<2x10400xf32, #tpu.memory_space<hbm>> -> memref<1x10400xf32, #tpu.memory_space<hbm>>
        %dma_start3A_181 = tpu.memref_squeeze %dma_start3A_180 : memref<1x10400xf32, #tpu.memory_space<hbm>> -> memref<10400xf32, #tpu.memory_space<hbm>>
        tpu.enqueue_dma source(%arg10 : memref<10400xf32, #tpu.memory_space<vmem_shared>>) target(%dma_start3A_181 : memref<10400xf32, #tpu.memory_space<hbm>>) target_semaphore(%run_scoped3A_179 : memref<!tpu.dma_semaphore, #tpu.memory_space<semaphore_mem>>)
        %dma_wait3A = arith.constant 0 : i32
        %dma_wait3A_182 = tpu.memref_slice %arg5[%run_scoped3A, %dma_wait3A] : memref<2x10400xf32, #tpu.memory_space<hbm>> -> memref<1x10400xf32, #tpu.memory_space<hbm>>
        %dma_wait3A_183 = tpu.memref_squeeze %dma_wait3A_182 : memref<1x10400xf32, #tpu.memory_space<hbm>> -> memref<10400xf32, #tpu.memory_space<hbm>>
        tpu.wait_dma2 semaphore(%run_scoped3A_179 : memref<!tpu.dma_semaphore, #tpu.memory_space<semaphore_mem>>) src(%arg10 : memref<10400xf32, #tpu.memory_space<vmem_shared>>) dst(%dma_wait3A_183 : memref<10400xf32, #tpu.memory_space<hbm>>)
        tpu.yield
      }) : () -> ()
    } else {
    }
    %eq3A_171 = arith.constant 1 : i32
    %eq3A_172 = arith.cmpi eq, %arg0, %eq3A_171 : i32
    %eq3A_173 = arith.constant 0 : i32
    %eq3A_174 = arith.cmpi eq, %arg1, %eq3A_173 : i32
    %and3A_175 = arith.andi %eq3A_172, %eq3A_174 : i1
    %convert_element_type3A_176 = arith.extui %and3A_175 : i1 to i32
    %cond3A_177 = arith.constant 0 : i32
    %cond3A_178 = arith.cmpi ne, %convert_element_type3A_176, %cond3A_177 : i32
    scf.if %cond3A_178 {
      %run_scoped3A = arith.constant 1 : i32
      "tpu.region"() ({
        %run_scoped3A_179 = tpu.sem_alloc : memref<!tpu.dma_semaphore, #tpu.memory_space<semaphore_mem>>
        %dma_start3A = arith.constant 0 : i32
        %dma_start3A_180 = tpu.memref_slice %arg5[%run_scoped3A, %dma_start3A] : memref<2x10400xf32, #tpu.memory_space<hbm>> -> memref<1x10400xf32, #tpu.memory_space<hbm>>
        %dma_start3A_181 = tpu.memref_squeeze %dma_start3A_180 : memref<1x10400xf32, #tpu.memory_space<hbm>> -> memref<10400xf32, #tpu.memory_space<hbm>>
        tpu.enqueue_dma source(%arg11 : memref<10400xf32, #tpu.memory_space<vmem_shared>>) target(%dma_start3A_181 : memref<10400xf32, #tpu.memory_space<hbm>>) target_semaphore(%run_scoped3A_179 : memref<!tpu.dma_semaphore, #tpu.memory_space<semaphore_mem>>)
        %dma_wait3A = arith.constant 0 : i32
        %dma_wait3A_182 = tpu.memref_slice %arg5[%run_scoped3A, %dma_wait3A] : memref<2x10400xf32, #tpu.memory_space<hbm>> -> memref<1x10400xf32, #tpu.memory_space<hbm>>
        %dma_wait3A_183 = tpu.memref_squeeze %dma_wait3A_182 : memref<1x10400xf32, #tpu.memory_space<hbm>> -> memref<10400xf32, #tpu.memory_space<hbm>>
        tpu.wait_dma2 semaphore(%run_scoped3A_179 : memref<!tpu.dma_semaphore, #tpu.memory_space<semaphore_mem>>) src(%arg11 : memref<10400xf32, #tpu.memory_space<vmem_shared>>) dst(%dma_wait3A_183 : memref<10400xf32, #tpu.memory_space<hbm>>)
        tpu.yield
      }) : () -> ()
    } else {
    }
    return
  }
}

module attributes {stable_mosaic.version = 14 : i64} {
  func.func @_fused_body(%arg0: memref<200x100x32xbf16, #tpu.memory_space<vmem>>, %arg1: memref<100x128xf32, #tpu.memory_space<vmem>>, %arg2: memref<2x100x104xf32, #tpu.memory_space<vmem>>, %arg3: memref<32x768xbf16, #tpu.memory_space<vmem>>, %arg4: memref<256x768xbf16, #tpu.memory_space<vmem>>, %arg5: memref<1x768xf32, #tpu.memory_space<vmem>>, %arg6: memref<100x64xf32, #tpu.memory_space<vmem>>, %arg7: memref<320x256xf32, #tpu.memory_space<vmem>>, %arg8: memref<320x256xf32, #tpu.memory_space<vmem>>, %arg9: memref<1x256xf32, #tpu.memory_space<vmem>>, %arg10: memref<256x128xf32, #tpu.memory_space<vmem>>, %arg11: memref<256x128xf32, #tpu.memory_space<vmem>>, %arg12: memref<1x128xf32, #tpu.memory_space<vmem>>, %arg13: memref<128x64xf32, #tpu.memory_space<vmem>>, %arg14: memref<1x64xf32, #tpu.memory_space<vmem>>, %arg15: memref<448x1xf32, #tpu.memory_space<vmem>>, %arg16: memref<1x1xf32, #tpu.memory_space<vmem>>, %arg17: memref<100x1xf32, #tpu.memory_space<vmem>>) attributes {dimension_semantics = [], scalar_prefetch = 0 : i64, scratch_operands = 0 : i64, tpu.core_type = #tpu.core_type<tc>} {
    %get3A = arith.constant 0 : index
    %get3A_0 = arith.constant 0 : index
    %get3A_1 = vector.load %arg3[%get3A, %get3A_0] : memref<32x768xbf16, #tpu.memory_space<vmem>>, vector<32x768xbf16>
    %get3A_2 = arith.constant 0 : index
    %get3A_3 = arith.constant 0 : index
    %get3A_4 = vector.load %arg4[%get3A_2, %get3A_3] : memref<256x768xbf16, #tpu.memory_space<vmem>>, vector<256x768xbf16>
    %get3A_5 = arith.constant 0 : index
    %get3A_6 = arith.constant 0 : index
    %get3A_7 = vector.load %arg5[%get3A_5, %get3A_6] : memref<1x768xf32, #tpu.memory_space<vmem>>, vector<1x768xf32>
    %broadcast_in_dim3A = arith.constant 0.000000e+00 : f32
    %broadcast_in_dim3A_8 = vector.broadcast %broadcast_in_dim3A : f32 to vector<52x256xf32>
    %broadcast_in_dim3A_9 = arith.constant 0.000000e+00 : f32
    %broadcast_in_dim3A_10 = vector.broadcast %broadcast_in_dim3A_9 : f32 to vector<48x256xf32>
    %scan3A = arith.constant 0 : i32
    %scan3A_11 = arith.constant 5 : i32
    %scan3A_12 = arith.addi %scan3A, %scan3A_11 : i32
    %scan3A_13 = arith.constant 1 : i32
    %scan3A_14:2 = scf.for %scan3A_103 = %scan3A to %scan3A_12 step %scan3A_13 iter_args(%scan3A_104 = %broadcast_in_dim3A_8, %scan3A_105 = %broadcast_in_dim3A_10) -> (vector<52x256xf32>, vector<48x256xf32>)  : i32 {
      %mul3A_106 = arith.constant 40 : i32
      %mul3A_107 = arith.muli %scan3A_103, %mul3A_106 : i32
      %add3A_108 = arith.constant 0 : i32
      %add3A_109 = arith.addi %mul3A_107, %add3A_108 : i32
      %get3A_110 = arith.index_cast %add3A_109 : i32 to index
      %get3A_111 = arith.constant 0 : index
      %get3A_112 = arith.constant 0 : index
      %get3A_113 = vector.load %arg0[%get3A_110, %get3A_111, %get3A_112] : memref<200x100x32xbf16, #tpu.memory_space<vmem>>, vector<1x100x32xbf16>
      %get3A_114 = vector.shape_cast %get3A_113 : vector<1x100x32xbf16> to vector<100x32xbf16>
      %slice3A_115 = vector.extract_strided_slice %get3A_114 {offsets = [0, 0], sizes = [52, 32], strides = [1, 1]} : vector<100x32xbf16> to vector<52x32xbf16>
      %dot_general3A_116 = arith.constant dense<0.000000e+00> : vector<52x768xf32>
      %dot_general3A_117 = tpu.matmul %slice3A_115, %get3A_1, %dot_general3A_116 {dimension_numbers = #tpu.dot_dimension_numbers<[1], [0], [0], [1], [0, 0, 1, 1], [], []>, transpose_lhs_hint = false} : vector<52x32xbf16>, vector<32x768xbf16>, vector<52x768xf32> -> vector<52x768xf32>
      %add3A_118 = vector.broadcast %get3A_7 : vector<1x768xf32> to vector<52x768xf32>
      %add3A_119 = arith.addf %dot_general3A_117, %add3A_118 : vector<52x768xf32>
      %convert_element_type3A = arith.truncf %scan3A_104 : vector<52x256xf32> to vector<52x256xbf16>
      %dot_general3A_120 = arith.constant dense<0.000000e+00> : vector<52x768xf32>
      %dot_general3A_121 = tpu.matmul %convert_element_type3A, %get3A_4, %dot_general3A_120 {dimension_numbers = #tpu.dot_dimension_numbers<[1], [0], [0], [1], [0, 0, 1, 1], [], []>, transpose_lhs_hint = false} : vector<52x256xbf16>, vector<256x768xbf16>, vector<52x768xf32> -> vector<52x768xf32>
      %slice3A_122 = vector.extract_strided_slice %get3A_114 {offsets = [52, 0], sizes = [48, 32], strides = [1, 1]} : vector<100x32xbf16> to vector<48x32xbf16>
      %dot_general3A_123 = arith.constant dense<0.000000e+00> : vector<48x768xf32>
      %dot_general3A_124 = tpu.matmul %slice3A_122, %get3A_1, %dot_general3A_123 {dimension_numbers = #tpu.dot_dimension_numbers<[1], [0], [0], [1], [0, 0, 1, 1], [], []>, transpose_lhs_hint = false} : vector<48x32xbf16>, vector<32x768xbf16>, vector<48x768xf32> -> vector<48x768xf32>
      %add3A_125 = vector.broadcast %get3A_7 : vector<1x768xf32> to vector<48x768xf32>
      %add3A_126 = arith.addf %dot_general3A_124, %add3A_125 : vector<48x768xf32>
      %convert_element_type3A_127 = arith.truncf %scan3A_105 : vector<48x256xf32> to vector<48x256xbf16>
      %dot_general3A_128 = arith.constant dense<0.000000e+00> : vector<48x768xf32>
      %dot_general3A_129 = tpu.matmul %convert_element_type3A_127, %get3A_4, %dot_general3A_128 {dimension_numbers = #tpu.dot_dimension_numbers<[1], [0], [0], [1], [0, 0, 1, 1], [], []>, transpose_lhs_hint = false} : vector<48x256xbf16>, vector<256x768xbf16>, vector<48x768xf32> -> vector<48x768xf32>
      %slice3A_130 = vector.extract_strided_slice %add3A_119 {offsets = [0, 0], sizes = [52, 256], strides = [1, 1]} : vector<52x768xf32> to vector<52x256xf32>
      %slice3A_131 = vector.extract_strided_slice %dot_general3A_121 {offsets = [0, 0], sizes = [52, 256], strides = [1, 1]} : vector<52x768xf32> to vector<52x256xf32>
      %add3A_132 = arith.addf %slice3A_130, %slice3A_131 : vector<52x256xf32>
      %mul3A_133 = arith.constant 5.000000e-01 : f32
      %mul3A_134 = vector.broadcast %mul3A_133 : f32 to vector<52x256xf32>
      %mul3A_135 = arith.mulf %add3A_132, %mul3A_134 : vector<52x256xf32>
      %tanh3A = math.tanh %mul3A_135 : vector<52x256xf32>
      %mul3A_136 = arith.constant 5.000000e-01 : f32
      %mul3A_137 = vector.broadcast %mul3A_136 : f32 to vector<52x256xf32>
      %mul3A_138 = arith.mulf %tanh3A, %mul3A_137 : vector<52x256xf32>
      %add3A_139 = arith.constant 5.000000e-01 : f32
      %add3A_140 = vector.broadcast %add3A_139 : f32 to vector<52x256xf32>
      %add3A_141 = arith.addf %mul3A_138, %add3A_140 : vector<52x256xf32>
      %slice3A_142 = vector.extract_strided_slice %add3A_119 {offsets = [0, 256], sizes = [52, 256], strides = [1, 1]} : vector<52x768xf32> to vector<52x256xf32>
      %slice3A_143 = vector.extract_strided_slice %dot_general3A_121 {offsets = [0, 256], sizes = [52, 256], strides = [1, 1]} : vector<52x768xf32> to vector<52x256xf32>
      %add3A_144 = arith.addf %slice3A_142, %slice3A_143 : vector<52x256xf32>
      %mul3A_145 = arith.constant 5.000000e-01 : f32
      %mul3A_146 = vector.broadcast %mul3A_145 : f32 to vector<52x256xf32>
      %mul3A_147 = arith.mulf %add3A_144, %mul3A_146 : vector<52x256xf32>
      %tanh3A_148 = math.tanh %mul3A_147 : vector<52x256xf32>
      %mul3A_149 = arith.constant 5.000000e-01 : f32
      %mul3A_150 = vector.broadcast %mul3A_149 : f32 to vector<52x256xf32>
      %mul3A_151 = arith.mulf %tanh3A_148, %mul3A_150 : vector<52x256xf32>
      %add3A_152 = arith.constant 5.000000e-01 : f32
      %add3A_153 = vector.broadcast %add3A_152 : f32 to vector<52x256xf32>
      %add3A_154 = arith.addf %mul3A_151, %add3A_153 : vector<52x256xf32>
      %slice3A_155 = vector.extract_strided_slice %add3A_119 {offsets = [0, 512], sizes = [52, 256], strides = [1, 1]} : vector<52x768xf32> to vector<52x256xf32>
      %slice3A_156 = vector.extract_strided_slice %dot_general3A_121 {offsets = [0, 512], sizes = [52, 256], strides = [1, 1]} : vector<52x768xf32> to vector<52x256xf32>
      %mul3A_157 = arith.mulf %add3A_141, %slice3A_156 : vector<52x256xf32>
      %add3A_158 = arith.addf %slice3A_155, %mul3A_157 : vector<52x256xf32>
      %tanh3A_159 = math.tanh %add3A_158 : vector<52x256xf32>
      %sub3A = arith.subf %scan3A_104, %tanh3A_159 : vector<52x256xf32>
      %mul3A_160 = arith.mulf %add3A_154, %sub3A : vector<52x256xf32>
      %add3A_161 = arith.addf %tanh3A_159, %mul3A_160 : vector<52x256xf32>
      %slice3A_162 = vector.extract_strided_slice %add3A_126 {offsets = [0, 0], sizes = [48, 256], strides = [1, 1]} : vector<48x768xf32> to vector<48x256xf32>
      %slice3A_163 = vector.extract_strided_slice %dot_general3A_129 {offsets = [0, 0], sizes = [48, 256], strides = [1, 1]} : vector<48x768xf32> to vector<48x256xf32>
      %add3A_164 = arith.addf %slice3A_162, %slice3A_163 : vector<48x256xf32>
      %mul3A_165 = arith.constant 5.000000e-01 : f32
      %mul3A_166 = vector.broadcast %mul3A_165 : f32 to vector<48x256xf32>
      %mul3A_167 = arith.mulf %add3A_164, %mul3A_166 : vector<48x256xf32>
      %tanh3A_168 = math.tanh %mul3A_167 : vector<48x256xf32>
      %mul3A_169 = arith.constant 5.000000e-01 : f32
      %mul3A_170 = vector.broadcast %mul3A_169 : f32 to vector<48x256xf32>
      %mul3A_171 = arith.mulf %tanh3A_168, %mul3A_170 : vector<48x256xf32>
      %add3A_172 = arith.constant 5.000000e-01 : f32
      %add3A_173 = vector.broadcast %add3A_172 : f32 to vector<48x256xf32>
      %add3A_174 = arith.addf %mul3A_171, %add3A_173 : vector<48x256xf32>
      %slice3A_175 = vector.extract_strided_slice %add3A_126 {offsets = [0, 256], sizes = [48, 256], strides = [1, 1]} : vector<48x768xf32> to vector<48x256xf32>
      %slice3A_176 = vector.extract_strided_slice %dot_general3A_129 {offsets = [0, 256], sizes = [48, 256], strides = [1, 1]} : vector<48x768xf32> to vector<48x256xf32>
      %add3A_177 = arith.addf %slice3A_175, %slice3A_176 : vector<48x256xf32>
      %mul3A_178 = arith.constant 5.000000e-01 : f32
      %mul3A_179 = vector.broadcast %mul3A_178 : f32 to vector<48x256xf32>
      %mul3A_180 = arith.mulf %add3A_177, %mul3A_179 : vector<48x256xf32>
      %tanh3A_181 = math.tanh %mul3A_180 : vector<48x256xf32>
      %mul3A_182 = arith.constant 5.000000e-01 : f32
      %mul3A_183 = vector.broadcast %mul3A_182 : f32 to vector<48x256xf32>
      %mul3A_184 = arith.mulf %tanh3A_181, %mul3A_183 : vector<48x256xf32>
      %add3A_185 = arith.constant 5.000000e-01 : f32
      %add3A_186 = vector.broadcast %add3A_185 : f32 to vector<48x256xf32>
      %add3A_187 = arith.addf %mul3A_184, %add3A_186 : vector<48x256xf32>
      %slice3A_188 = vector.extract_strided_slice %add3A_126 {offsets = [0, 512], sizes = [48, 256], strides = [1, 1]} : vector<48x768xf32> to vector<48x256xf32>
      %slice3A_189 = vector.extract_strided_slice %dot_general3A_129 {offsets = [0, 512], sizes = [48, 256], strides = [1, 1]} : vector<48x768xf32> to vector<48x256xf32>
      %mul3A_190 = arith.mulf %add3A_174, %slice3A_189 : vector<48x256xf32>
      %add3A_191 = arith.addf %slice3A_188, %mul3A_190 : vector<48x256xf32>
      %tanh3A_192 = math.tanh %add3A_191 : vector<48x256xf32>
      %sub3A_193 = arith.subf %scan3A_105, %tanh3A_192 : vector<48x256xf32>
      %mul3A_194 = arith.mulf %add3A_187, %sub3A_193 : vector<48x256xf32>
      %add3A_195 = arith.addf %tanh3A_192, %mul3A_194 : vector<48x256xf32>
      %add3A_196 = arith.constant 1 : i32
      %add3A_197 = arith.addi %mul3A_107, %add3A_196 : i32
      %get3A_198 = arith.index_cast %add3A_197 : i32 to index
      %get3A_199 = arith.constant 0 : index
      %get3A_200 = arith.constant 0 : index
      %get3A_201 = vector.load %arg0[%get3A_198, %get3A_199, %get3A_200] : memref<200x100x32xbf16, #tpu.memory_space<vmem>>, vector<1x100x32xbf16>
      %get3A_202 = vector.shape_cast %get3A_201 : vector<1x100x32xbf16> to vector<100x32xbf16>
      %slice3A_203 = vector.extract_strided_slice %get3A_202 {offsets = [0, 0], sizes = [52, 32], strides = [1, 1]} : vector<100x32xbf16> to vector<52x32xbf16>
      %dot_general3A_204 = arith.constant dense<0.000000e+00> : vector<52x768xf32>
      %dot_general3A_205 = tpu.matmul %slice3A_203, %get3A_1, %dot_general3A_204 {dimension_numbers = #tpu.dot_dimension_numbers<[1], [0], [0], [1], [0, 0, 1, 1], [], []>, transpose_lhs_hint = false} : vector<52x32xbf16>, vector<32x768xbf16>, vector<52x768xf32> -> vector<52x768xf32>
      %add3A_206 = vector.broadcast %get3A_7 : vector<1x768xf32> to vector<52x768xf32>
      %add3A_207 = arith.addf %dot_general3A_205, %add3A_206 : vector<52x768xf32>
      %convert_element_type3A_208 = arith.truncf %add3A_161 : vector<52x256xf32> to vector<52x256xbf16>
      %dot_general3A_209 = arith.constant dense<0.000000e+00> : vector<52x768xf32>
      %dot_general3A_210 = tpu.matmul %convert_element_type3A_208, %get3A_4, %dot_general3A_209 {dimension_numbers = #tpu.dot_dimension_numbers<[1], [0], [0], [1], [0, 0, 1, 1], [], []>, transpose_lhs_hint = false} : vector<52x256xbf16>, vector<256x768xbf16>, vector<52x768xf32> -> vector<52x768xf32>
      %slice3A_211 = vector.extract_strided_slice %get3A_202 {offsets = [52, 0], sizes = [48, 32], strides = [1, 1]} : vector<100x32xbf16> to vector<48x32xbf16>
      %dot_general3A_212 = arith.constant dense<0.000000e+00> : vector<48x768xf32>
      %dot_general3A_213 = tpu.matmul %slice3A_211, %get3A_1, %dot_general3A_212 {dimension_numbers = #tpu.dot_dimension_numbers<[1], [0], [0], [1], [0, 0, 1, 1], [], []>, transpose_lhs_hint = false} : vector<48x32xbf16>, vector<32x768xbf16>, vector<48x768xf32> -> vector<48x768xf32>
      %add3A_214 = vector.broadcast %get3A_7 : vector<1x768xf32> to vector<48x768xf32>
      %add3A_215 = arith.addf %dot_general3A_213, %add3A_214 : vector<48x768xf32>
      %convert_element_type3A_216 = arith.truncf %add3A_195 : vector<48x256xf32> to vector<48x256xbf16>
      %dot_general3A_217 = arith.constant dense<0.000000e+00> : vector<48x768xf32>
      %dot_general3A_218 = tpu.matmul %convert_element_type3A_216, %get3A_4, %dot_general3A_217 {dimension_numbers = #tpu.dot_dimension_numbers<[1], [0], [0], [1], [0, 0, 1, 1], [], []>, transpose_lhs_hint = false} : vector<48x256xbf16>, vector<256x768xbf16>, vector<48x768xf32> -> vector<48x768xf32>
      %slice3A_219 = vector.extract_strided_slice %add3A_207 {offsets = [0, 0], sizes = [52, 256], strides = [1, 1]} : vector<52x768xf32> to vector<52x256xf32>
      %slice3A_220 = vector.extract_strided_slice %dot_general3A_210 {offsets = [0, 0], sizes = [52, 256], strides = [1, 1]} : vector<52x768xf32> to vector<52x256xf32>
      %add3A_221 = arith.addf %slice3A_219, %slice3A_220 : vector<52x256xf32>
      %mul3A_222 = arith.constant 5.000000e-01 : f32
      %mul3A_223 = vector.broadcast %mul3A_222 : f32 to vector<52x256xf32>
      %mul3A_224 = arith.mulf %add3A_221, %mul3A_223 : vector<52x256xf32>
      %tanh3A_225 = math.tanh %mul3A_224 : vector<52x256xf32>
      %mul3A_226 = arith.constant 5.000000e-01 : f32
      %mul3A_227 = vector.broadcast %mul3A_226 : f32 to vector<52x256xf32>
      %mul3A_228 = arith.mulf %tanh3A_225, %mul3A_227 : vector<52x256xf32>
      %add3A_229 = arith.constant 5.000000e-01 : f32
      %add3A_230 = vector.broadcast %add3A_229 : f32 to vector<52x256xf32>
      %add3A_231 = arith.addf %mul3A_228, %add3A_230 : vector<52x256xf32>
      %slice3A_232 = vector.extract_strided_slice %add3A_207 {offsets = [0, 256], sizes = [52, 256], strides = [1, 1]} : vector<52x768xf32> to vector<52x256xf32>
      %slice3A_233 = vector.extract_strided_slice %dot_general3A_210 {offsets = [0, 256], sizes = [52, 256], strides = [1, 1]} : vector<52x768xf32> to vector<52x256xf32>
      %add3A_234 = arith.addf %slice3A_232, %slice3A_233 : vector<52x256xf32>
      %mul3A_235 = arith.constant 5.000000e-01 : f32
      %mul3A_236 = vector.broadcast %mul3A_235 : f32 to vector<52x256xf32>
      %mul3A_237 = arith.mulf %add3A_234, %mul3A_236 : vector<52x256xf32>
      %tanh3A_238 = math.tanh %mul3A_237 : vector<52x256xf32>
      %mul3A_239 = arith.constant 5.000000e-01 : f32
      %mul3A_240 = vector.broadcast %mul3A_239 : f32 to vector<52x256xf32>
      %mul3A_241 = arith.mulf %tanh3A_238, %mul3A_240 : vector<52x256xf32>
      %add3A_242 = arith.constant 5.000000e-01 : f32
      %add3A_243 = vector.broadcast %add3A_242 : f32 to vector<52x256xf32>
      %add3A_244 = arith.addf %mul3A_241, %add3A_243 : vector<52x256xf32>
      %slice3A_245 = vector.extract_strided_slice %add3A_207 {offsets = [0, 512], sizes = [52, 256], strides = [1, 1]} : vector<52x768xf32> to vector<52x256xf32>
      %slice3A_246 = vector.extract_strided_slice %dot_general3A_210 {offsets = [0, 512], sizes = [52, 256], strides = [1, 1]} : vector<52x768xf32> to vector<52x256xf32>
      %mul3A_247 = arith.mulf %add3A_231, %slice3A_246 : vector<52x256xf32>
      %add3A_248 = arith.addf %slice3A_245, %mul3A_247 : vector<52x256xf32>
      %tanh3A_249 = math.tanh %add3A_248 : vector<52x256xf32>
      %sub3A_250 = arith.subf %add3A_161, %tanh3A_249 : vector<52x256xf32>
      %mul3A_251 = arith.mulf %add3A_244, %sub3A_250 : vector<52x256xf32>
      %add3A_252 = arith.addf %tanh3A_249, %mul3A_251 : vector<52x256xf32>
      %slice3A_253 = vector.extract_strided_slice %add3A_215 {offsets = [0, 0], sizes = [48, 256], strides = [1, 1]} : vector<48x768xf32> to vector<48x256xf32>
      %slice3A_254 = vector.extract_strided_slice %dot_general3A_218 {offsets = [0, 0], sizes = [48, 256], strides = [1, 1]} : vector<48x768xf32> to vector<48x256xf32>
      %add3A_255 = arith.addf %slice3A_253, %slice3A_254 : vector<48x256xf32>
      %mul3A_256 = arith.constant 5.000000e-01 : f32
      %mul3A_257 = vector.broadcast %mul3A_256 : f32 to vector<48x256xf32>
      %mul3A_258 = arith.mulf %add3A_255, %mul3A_257 : vector<48x256xf32>
      %tanh3A_259 = math.tanh %mul3A_258 : vector<48x256xf32>
      %mul3A_260 = arith.constant 5.000000e-01 : f32
      %mul3A_261 = vector.broadcast %mul3A_260 : f32 to vector<48x256xf32>
      %mul3A_262 = arith.mulf %tanh3A_259, %mul3A_261 : vector<48x256xf32>
      %add3A_263 = arith.constant 5.000000e-01 : f32
      %add3A_264 = vector.broadcast %add3A_263 : f32 to vector<48x256xf32>
      %add3A_265 = arith.addf %mul3A_262, %add3A_264 : vector<48x256xf32>
      %slice3A_266 = vector.extract_strided_slice %add3A_215 {offsets = [0, 256], sizes = [48, 256], strides = [1, 1]} : vector<48x768xf32> to vector<48x256xf32>
      %slice3A_267 = vector.extract_strided_slice %dot_general3A_218 {offsets = [0, 256], sizes = [48, 256], strides = [1, 1]} : vector<48x768xf32> to vector<48x256xf32>
      %add3A_268 = arith.addf %slice3A_266, %slice3A_267 : vector<48x256xf32>
      %mul3A_269 = arith.constant 5.000000e-01 : f32
      %mul3A_270 = vector.broadcast %mul3A_269 : f32 to vector<48x256xf32>
      %mul3A_271 = arith.mulf %add3A_268, %mul3A_270 : vector<48x256xf32>
      %tanh3A_272 = math.tanh %mul3A_271 : vector<48x256xf32>
      %mul3A_273 = arith.constant 5.000000e-01 : f32
      %mul3A_274 = vector.broadcast %mul3A_273 : f32 to vector<48x256xf32>
      %mul3A_275 = arith.mulf %tanh3A_272, %mul3A_274 : vector<48x256xf32>
      %add3A_276 = arith.constant 5.000000e-01 : f32
      %add3A_277 = vector.broadcast %add3A_276 : f32 to vector<48x256xf32>
      %add3A_278 = arith.addf %mul3A_275, %add3A_277 : vector<48x256xf32>
      %slice3A_279 = vector.extract_strided_slice %add3A_215 {offsets = [0, 512], sizes = [48, 256], strides = [1, 1]} : vector<48x768xf32> to vector<48x256xf32>
      %slice3A_280 = vector.extract_strided_slice %dot_general3A_218 {offsets = [0, 512], sizes = [48, 256], strides = [1, 1]} : vector<48x768xf32> to vector<48x256xf32>
      %mul3A_281 = arith.mulf %add3A_265, %slice3A_280 : vector<48x256xf32>
      %add3A_282 = arith.addf %slice3A_279, %mul3A_281 : vector<48x256xf32>
      %tanh3A_283 = math.tanh %add3A_282 : vector<48x256xf32>
      %sub3A_284 = arith.subf %add3A_195, %tanh3A_283 : vector<48x256xf32>
      %mul3A_285 = arith.mulf %add3A_278, %sub3A_284 : vector<48x256xf32>
      %add3A_286 = arith.addf %tanh3A_283, %mul3A_285 : vector<48x256xf32>
      %add3A_287 = arith.constant 2 : i32
      %add3A_288 = arith.addi %mul3A_107, %add3A_287 : i32
      %get3A_289 = arith.index_cast %add3A_288 : i32 to index
      %get3A_290 = arith.constant 0 : index
      %get3A_291 = arith.constant 0 : index
      %get3A_292 = vector.load %arg0[%get3A_289, %get3A_290, %get3A_291] : memref<200x100x32xbf16, #tpu.memory_space<vmem>>, vector<1x100x32xbf16>
      %get3A_293 = vector.shape_cast %get3A_292 : vector<1x100x32xbf16> to vector<100x32xbf16>
      %slice3A_294 = vector.extract_strided_slice %get3A_293 {offsets = [0, 0], sizes = [52, 32], strides = [1, 1]} : vector<100x32xbf16> to vector<52x32xbf16>
      %dot_general3A_295 = arith.constant dense<0.000000e+00> : vector<52x768xf32>
      %dot_general3A_296 = tpu.matmul %slice3A_294, %get3A_1, %dot_general3A_295 {dimension_numbers = #tpu.dot_dimension_numbers<[1], [0], [0], [1], [0, 0, 1, 1], [], []>, transpose_lhs_hint = false} : vector<52x32xbf16>, vector<32x768xbf16>, vector<52x768xf32> -> vector<52x768xf32>
      %add3A_297 = vector.broadcast %get3A_7 : vector<1x768xf32> to vector<52x768xf32>
      %add3A_298 = arith.addf %dot_general3A_296, %add3A_297 : vector<52x768xf32>
      %convert_element_type3A_299 = arith.truncf %add3A_252 : vector<52x256xf32> to vector<52x256xbf16>
      %dot_general3A_300 = arith.constant dense<0.000000e+00> : vector<52x768xf32>
      %dot_general3A_301 = tpu.matmul %convert_element_type3A_299, %get3A_4, %dot_general3A_300 {dimension_numbers = #tpu.dot_dimension_numbers<[1], [0], [0], [1], [0, 0, 1, 1], [], []>, transpose_lhs_hint = false} : vector<52x256xbf16>, vector<256x768xbf16>, vector<52x768xf32> -> vector<52x768xf32>
      %slice3A_302 = vector.extract_strided_slice %get3A_293 {offsets = [52, 0], sizes = [48, 32], strides = [1, 1]} : vector<100x32xbf16> to vector<48x32xbf16>
      %dot_general3A_303 = arith.constant dense<0.000000e+00> : vector<48x768xf32>
      %dot_general3A_304 = tpu.matmul %slice3A_302, %get3A_1, %dot_general3A_303 {dimension_numbers = #tpu.dot_dimension_numbers<[1], [0], [0], [1], [0, 0, 1, 1], [], []>, transpose_lhs_hint = false} : vector<48x32xbf16>, vector<32x768xbf16>, vector<48x768xf32> -> vector<48x768xf32>
      %add3A_305 = vector.broadcast %get3A_7 : vector<1x768xf32> to vector<48x768xf32>
      %add3A_306 = arith.addf %dot_general3A_304, %add3A_305 : vector<48x768xf32>
      %convert_element_type3A_307 = arith.truncf %add3A_286 : vector<48x256xf32> to vector<48x256xbf16>
      %dot_general3A_308 = arith.constant dense<0.000000e+00> : vector<48x768xf32>
      %dot_general3A_309 = tpu.matmul %convert_element_type3A_307, %get3A_4, %dot_general3A_308 {dimension_numbers = #tpu.dot_dimension_numbers<[1], [0], [0], [1], [0, 0, 1, 1], [], []>, transpose_lhs_hint = false} : vector<48x256xbf16>, vector<256x768xbf16>, vector<48x768xf32> -> vector<48x768xf32>
      %slice3A_310 = vector.extract_strided_slice %add3A_298 {offsets = [0, 0], sizes = [52, 256], strides = [1, 1]} : vector<52x768xf32> to vector<52x256xf32>
      %slice3A_311 = vector.extract_strided_slice %dot_general3A_301 {offsets = [0, 0], sizes = [52, 256], strides = [1, 1]} : vector<52x768xf32> to vector<52x256xf32>
      %add3A_312 = arith.addf %slice3A_310, %slice3A_311 : vector<52x256xf32>
      %mul3A_313 = arith.constant 5.000000e-01 : f32
      %mul3A_314 = vector.broadcast %mul3A_313 : f32 to vector<52x256xf32>
      %mul3A_315 = arith.mulf %add3A_312, %mul3A_314 : vector<52x256xf32>
      %tanh3A_316 = math.tanh %mul3A_315 : vector<52x256xf32>
      %mul3A_317 = arith.constant 5.000000e-01 : f32
      %mul3A_318 = vector.broadcast %mul3A_317 : f32 to vector<52x256xf32>
      %mul3A_319 = arith.mulf %tanh3A_316, %mul3A_318 : vector<52x256xf32>
      %add3A_320 = arith.constant 5.000000e-01 : f32
      %add3A_321 = vector.broadcast %add3A_320 : f32 to vector<52x256xf32>
      %add3A_322 = arith.addf %mul3A_319, %add3A_321 : vector<52x256xf32>
      %slice3A_323 = vector.extract_strided_slice %add3A_298 {offsets = [0, 256], sizes = [52, 256], strides = [1, 1]} : vector<52x768xf32> to vector<52x256xf32>
      %slice3A_324 = vector.extract_strided_slice %dot_general3A_301 {offsets = [0, 256], sizes = [52, 256], strides = [1, 1]} : vector<52x768xf32> to vector<52x256xf32>
      %add3A_325 = arith.addf %slice3A_323, %slice3A_324 : vector<52x256xf32>
      %mul3A_326 = arith.constant 5.000000e-01 : f32
      %mul3A_327 = vector.broadcast %mul3A_326 : f32 to vector<52x256xf32>
      %mul3A_328 = arith.mulf %add3A_325, %mul3A_327 : vector<52x256xf32>
      %tanh3A_329 = math.tanh %mul3A_328 : vector<52x256xf32>
      %mul3A_330 = arith.constant 5.000000e-01 : f32
      %mul3A_331 = vector.broadcast %mul3A_330 : f32 to vector<52x256xf32>
      %mul3A_332 = arith.mulf %tanh3A_329, %mul3A_331 : vector<52x256xf32>
      %add3A_333 = arith.constant 5.000000e-01 : f32
      %add3A_334 = vector.broadcast %add3A_333 : f32 to vector<52x256xf32>
      %add3A_335 = arith.addf %mul3A_332, %add3A_334 : vector<52x256xf32>
      %slice3A_336 = vector.extract_strided_slice %add3A_298 {offsets = [0, 512], sizes = [52, 256], strides = [1, 1]} : vector<52x768xf32> to vector<52x256xf32>
      %slice3A_337 = vector.extract_strided_slice %dot_general3A_301 {offsets = [0, 512], sizes = [52, 256], strides = [1, 1]} : vector<52x768xf32> to vector<52x256xf32>
      %mul3A_338 = arith.mulf %add3A_322, %slice3A_337 : vector<52x256xf32>
      %add3A_339 = arith.addf %slice3A_336, %mul3A_338 : vector<52x256xf32>
      %tanh3A_340 = math.tanh %add3A_339 : vector<52x256xf32>
      %sub3A_341 = arith.subf %add3A_252, %tanh3A_340 : vector<52x256xf32>
      %mul3A_342 = arith.mulf %add3A_335, %sub3A_341 : vector<52x256xf32>
      %add3A_343 = arith.addf %tanh3A_340, %mul3A_342 : vector<52x256xf32>
      %slice3A_344 = vector.extract_strided_slice %add3A_306 {offsets = [0, 0], sizes = [48, 256], strides = [1, 1]} : vector<48x768xf32> to vector<48x256xf32>
      %slice3A_345 = vector.extract_strided_slice %dot_general3A_309 {offsets = [0, 0], sizes = [48, 256], strides = [1, 1]} : vector<48x768xf32> to vector<48x256xf32>
      %add3A_346 = arith.addf %slice3A_344, %slice3A_345 : vector<48x256xf32>
      %mul3A_347 = arith.constant 5.000000e-01 : f32
      %mul3A_348 = vector.broadcast %mul3A_347 : f32 to vector<48x256xf32>
      %mul3A_349 = arith.mulf %add3A_346, %mul3A_348 : vector<48x256xf32>
      %tanh3A_350 = math.tanh %mul3A_349 : vector<48x256xf32>
      %mul3A_351 = arith.constant 5.000000e-01 : f32
      %mul3A_352 = vector.broadcast %mul3A_351 : f32 to vector<48x256xf32>
      %mul3A_353 = arith.mulf %tanh3A_350, %mul3A_352 : vector<48x256xf32>
      %add3A_354 = arith.constant 5.000000e-01 : f32
      %add3A_355 = vector.broadcast %add3A_354 : f32 to vector<48x256xf32>
      %add3A_356 = arith.addf %mul3A_353, %add3A_355 : vector<48x256xf32>
      %slice3A_357 = vector.extract_strided_slice %add3A_306 {offsets = [0, 256], sizes = [48, 256], strides = [1, 1]} : vector<48x768xf32> to vector<48x256xf32>
      %slice3A_358 = vector.extract_strided_slice %dot_general3A_309 {offsets = [0, 256], sizes = [48, 256], strides = [1, 1]} : vector<48x768xf32> to vector<48x256xf32>
      %add3A_359 = arith.addf %slice3A_357, %slice3A_358 : vector<48x256xf32>
      %mul3A_360 = arith.constant 5.000000e-01 : f32
      %mul3A_361 = vector.broadcast %mul3A_360 : f32 to vector<48x256xf32>
      %mul3A_362 = arith.mulf %add3A_359, %mul3A_361 : vector<48x256xf32>
      %tanh3A_363 = math.tanh %mul3A_362 : vector<48x256xf32>
      %mul3A_364 = arith.constant 5.000000e-01 : f32
      %mul3A_365 = vector.broadcast %mul3A_364 : f32 to vector<48x256xf32>
      %mul3A_366 = arith.mulf %tanh3A_363, %mul3A_365 : vector<48x256xf32>
      %add3A_367 = arith.constant 5.000000e-01 : f32
      %add3A_368 = vector.broadcast %add3A_367 : f32 to vector<48x256xf32>
      %add3A_369 = arith.addf %mul3A_366, %add3A_368 : vector<48x256xf32>
      %slice3A_370 = vector.extract_strided_slice %add3A_306 {offsets = [0, 512], sizes = [48, 256], strides = [1, 1]} : vector<48x768xf32> to vector<48x256xf32>
      %slice3A_371 = vector.extract_strided_slice %dot_general3A_309 {offsets = [0, 512], sizes = [48, 256], strides = [1, 1]} : vector<48x768xf32> to vector<48x256xf32>
      %mul3A_372 = arith.mulf %add3A_356, %slice3A_371 : vector<48x256xf32>
      %add3A_373 = arith.addf %slice3A_370, %mul3A_372 : vector<48x256xf32>
      %tanh3A_374 = math.tanh %add3A_373 : vector<48x256xf32>
      %sub3A_375 = arith.subf %add3A_286, %tanh3A_374 : vector<48x256xf32>
      %mul3A_376 = arith.mulf %add3A_369, %sub3A_375 : vector<48x256xf32>
      %add3A_377 = arith.addf %tanh3A_374, %mul3A_376 : vector<48x256xf32>
      %add3A_378 = arith.constant 3 : i32
      %add3A_379 = arith.addi %mul3A_107, %add3A_378 : i32
      %get3A_380 = arith.index_cast %add3A_379 : i32 to index
      %get3A_381 = arith.constant 0 : index
      %get3A_382 = arith.constant 0 : index
      %get3A_383 = vector.load %arg0[%get3A_380, %get3A_381, %get3A_382] : memref<200x100x32xbf16, #tpu.memory_space<vmem>>, vector<1x100x32xbf16>
      %get3A_384 = vector.shape_cast %get3A_383 : vector<1x100x32xbf16> to vector<100x32xbf16>
      %slice3A_385 = vector.extract_strided_slice %get3A_384 {offsets = [0, 0], sizes = [52, 32], strides = [1, 1]} : vector<100x32xbf16> to vector<52x32xbf16>
      %dot_general3A_386 = arith.constant dense<0.000000e+00> : vector<52x768xf32>
      %dot_general3A_387 = tpu.matmul %slice3A_385, %get3A_1, %dot_general3A_386 {dimension_numbers = #tpu.dot_dimension_numbers<[1], [0], [0], [1], [0, 0, 1, 1], [], []>, transpose_lhs_hint = false} : vector<52x32xbf16>, vector<32x768xbf16>, vector<52x768xf32> -> vector<52x768xf32>
      %add3A_388 = vector.broadcast %get3A_7 : vector<1x768xf32> to vector<52x768xf32>
      %add3A_389 = arith.addf %dot_general3A_387, %add3A_388 : vector<52x768xf32>
      %convert_element_type3A_390 = arith.truncf %add3A_343 : vector<52x256xf32> to vector<52x256xbf16>
      %dot_general3A_391 = arith.constant dense<0.000000e+00> : vector<52x768xf32>
      %dot_general3A_392 = tpu.matmul %convert_element_type3A_390, %get3A_4, %dot_general3A_391 {dimension_numbers = #tpu.dot_dimension_numbers<[1], [0], [0], [1], [0, 0, 1, 1], [], []>, transpose_lhs_hint = false} : vector<52x256xbf16>, vector<256x768xbf16>, vector<52x768xf32> -> vector<52x768xf32>
      %slice3A_393 = vector.extract_strided_slice %get3A_384 {offsets = [52, 0], sizes = [48, 32], strides = [1, 1]} : vector<100x32xbf16> to vector<48x32xbf16>
      %dot_general3A_394 = arith.constant dense<0.000000e+00> : vector<48x768xf32>
      %dot_general3A_395 = tpu.matmul %slice3A_393, %get3A_1, %dot_general3A_394 {dimension_numbers = #tpu.dot_dimension_numbers<[1], [0], [0], [1], [0, 0, 1, 1], [], []>, transpose_lhs_hint = false} : vector<48x32xbf16>, vector<32x768xbf16>, vector<48x768xf32> -> vector<48x768xf32>
      %add3A_396 = vector.broadcast %get3A_7 : vector<1x768xf32> to vector<48x768xf32>
      %add3A_397 = arith.addf %dot_general3A_395, %add3A_396 : vector<48x768xf32>
      %convert_element_type3A_398 = arith.truncf %add3A_377 : vector<48x256xf32> to vector<48x256xbf16>
      %dot_general3A_399 = arith.constant dense<0.000000e+00> : vector<48x768xf32>
      %dot_general3A_400 = tpu.matmul %convert_element_type3A_398, %get3A_4, %dot_general3A_399 {dimension_numbers = #tpu.dot_dimension_numbers<[1], [0], [0], [1], [0, 0, 1, 1], [], []>, transpose_lhs_hint = false} : vector<48x256xbf16>, vector<256x768xbf16>, vector<48x768xf32> -> vector<48x768xf32>
      %slice3A_401 = vector.extract_strided_slice %add3A_389 {offsets = [0, 0], sizes = [52, 256], strides = [1, 1]} : vector<52x768xf32> to vector<52x256xf32>
      %slice3A_402 = vector.extract_strided_slice %dot_general3A_392 {offsets = [0, 0], sizes = [52, 256], strides = [1, 1]} : vector<52x768xf32> to vector<52x256xf32>
      %add3A_403 = arith.addf %slice3A_401, %slice3A_402 : vector<52x256xf32>
      %mul3A_404 = arith.constant 5.000000e-01 : f32
      %mul3A_405 = vector.broadcast %mul3A_404 : f32 to vector<52x256xf32>
      %mul3A_406 = arith.mulf %add3A_403, %mul3A_405 : vector<52x256xf32>
      %tanh3A_407 = math.tanh %mul3A_406 : vector<52x256xf32>
      %mul3A_408 = arith.constant 5.000000e-01 : f32
      %mul3A_409 = vector.broadcast %mul3A_408 : f32 to vector<52x256xf32>
      %mul3A_410 = arith.mulf %tanh3A_407, %mul3A_409 : vector<52x256xf32>
      %add3A_411 = arith.constant 5.000000e-01 : f32
      %add3A_412 = vector.broadcast %add3A_411 : f32 to vector<52x256xf32>
      %add3A_413 = arith.addf %mul3A_410, %add3A_412 : vector<52x256xf32>
      %slice3A_414 = vector.extract_strided_slice %add3A_389 {offsets = [0, 256], sizes = [52, 256], strides = [1, 1]} : vector<52x768xf32> to vector<52x256xf32>
      %slice3A_415 = vector.extract_strided_slice %dot_general3A_392 {offsets = [0, 256], sizes = [52, 256], strides = [1, 1]} : vector<52x768xf32> to vector<52x256xf32>
      %add3A_416 = arith.addf %slice3A_414, %slice3A_415 : vector<52x256xf32>
      %mul3A_417 = arith.constant 5.000000e-01 : f32
      %mul3A_418 = vector.broadcast %mul3A_417 : f32 to vector<52x256xf32>
      %mul3A_419 = arith.mulf %add3A_416, %mul3A_418 : vector<52x256xf32>
      %tanh3A_420 = math.tanh %mul3A_419 : vector<52x256xf32>
      %mul3A_421 = arith.constant 5.000000e-01 : f32
      %mul3A_422 = vector.broadcast %mul3A_421 : f32 to vector<52x256xf32>
      %mul3A_423 = arith.mulf %tanh3A_420, %mul3A_422 : vector<52x256xf32>
      %add3A_424 = arith.constant 5.000000e-01 : f32
      %add3A_425 = vector.broadcast %add3A_424 : f32 to vector<52x256xf32>
      %add3A_426 = arith.addf %mul3A_423, %add3A_425 : vector<52x256xf32>
      %slice3A_427 = vector.extract_strided_slice %add3A_389 {offsets = [0, 512], sizes = [52, 256], strides = [1, 1]} : vector<52x768xf32> to vector<52x256xf32>
      %slice3A_428 = vector.extract_strided_slice %dot_general3A_392 {offsets = [0, 512], sizes = [52, 256], strides = [1, 1]} : vector<52x768xf32> to vector<52x256xf32>
      %mul3A_429 = arith.mulf %add3A_413, %slice3A_428 : vector<52x256xf32>
      %add3A_430 = arith.addf %slice3A_427, %mul3A_429 : vector<52x256xf32>
      %tanh3A_431 = math.tanh %add3A_430 : vector<52x256xf32>
      %sub3A_432 = arith.subf %add3A_343, %tanh3A_431 : vector<52x256xf32>
      %mul3A_433 = arith.mulf %add3A_426, %sub3A_432 : vector<52x256xf32>
      %add3A_434 = arith.addf %tanh3A_431, %mul3A_433 : vector<52x256xf32>
      %slice3A_435 = vector.extract_strided_slice %add3A_397 {offsets = [0, 0], sizes = [48, 256], strides = [1, 1]} : vector<48x768xf32> to vector<48x256xf32>
      %slice3A_436 = vector.extract_strided_slice %dot_general3A_400 {offsets = [0, 0], sizes = [48, 256], strides = [1, 1]} : vector<48x768xf32> to vector<48x256xf32>
      %add3A_437 = arith.addf %slice3A_435, %slice3A_436 : vector<48x256xf32>
      %mul3A_438 = arith.constant 5.000000e-01 : f32
      %mul3A_439 = vector.broadcast %mul3A_438 : f32 to vector<48x256xf32>
      %mul3A_440 = arith.mulf %add3A_437, %mul3A_439 : vector<48x256xf32>
      %tanh3A_441 = math.tanh %mul3A_440 : vector<48x256xf32>
      %mul3A_442 = arith.constant 5.000000e-01 : f32
      %mul3A_443 = vector.broadcast %mul3A_442 : f32 to vector<48x256xf32>
      %mul3A_444 = arith.mulf %tanh3A_441, %mul3A_443 : vector<48x256xf32>
      %add3A_445 = arith.constant 5.000000e-01 : f32
      %add3A_446 = vector.broadcast %add3A_445 : f32 to vector<48x256xf32>
      %add3A_447 = arith.addf %mul3A_444, %add3A_446 : vector<48x256xf32>
      %slice3A_448 = vector.extract_strided_slice %add3A_397 {offsets = [0, 256], sizes = [48, 256], strides = [1, 1]} : vector<48x768xf32> to vector<48x256xf32>
      %slice3A_449 = vector.extract_strided_slice %dot_general3A_400 {offsets = [0, 256], sizes = [48, 256], strides = [1, 1]} : vector<48x768xf32> to vector<48x256xf32>
      %add3A_450 = arith.addf %slice3A_448, %slice3A_449 : vector<48x256xf32>
      %mul3A_451 = arith.constant 5.000000e-01 : f32
      %mul3A_452 = vector.broadcast %mul3A_451 : f32 to vector<48x256xf32>
      %mul3A_453 = arith.mulf %add3A_450, %mul3A_452 : vector<48x256xf32>
      %tanh3A_454 = math.tanh %mul3A_453 : vector<48x256xf32>
      %mul3A_455 = arith.constant 5.000000e-01 : f32
      %mul3A_456 = vector.broadcast %mul3A_455 : f32 to vector<48x256xf32>
      %mul3A_457 = arith.mulf %tanh3A_454, %mul3A_456 : vector<48x256xf32>
      %add3A_458 = arith.constant 5.000000e-01 : f32
      %add3A_459 = vector.broadcast %add3A_458 : f32 to vector<48x256xf32>
      %add3A_460 = arith.addf %mul3A_457, %add3A_459 : vector<48x256xf32>
      %slice3A_461 = vector.extract_strided_slice %add3A_397 {offsets = [0, 512], sizes = [48, 256], strides = [1, 1]} : vector<48x768xf32> to vector<48x256xf32>
      %slice3A_462 = vector.extract_strided_slice %dot_general3A_400 {offsets = [0, 512], sizes = [48, 256], strides = [1, 1]} : vector<48x768xf32> to vector<48x256xf32>
      %mul3A_463 = arith.mulf %add3A_447, %slice3A_462 : vector<48x256xf32>
      %add3A_464 = arith.addf %slice3A_461, %mul3A_463 : vector<48x256xf32>
      %tanh3A_465 = math.tanh %add3A_464 : vector<48x256xf32>
      %sub3A_466 = arith.subf %add3A_377, %tanh3A_465 : vector<48x256xf32>
      %mul3A_467 = arith.mulf %add3A_460, %sub3A_466 : vector<48x256xf32>
      %add3A_468 = arith.addf %tanh3A_465, %mul3A_467 : vector<48x256xf32>
      %add3A_469 = arith.constant 4 : i32
      %add3A_470 = arith.addi %mul3A_107, %add3A_469 : i32
      %get3A_471 = arith.index_cast %add3A_470 : i32 to index
      %get3A_472 = arith.constant 0 : index
      %get3A_473 = arith.constant 0 : index
      %get3A_474 = vector.load %arg0[%get3A_471, %get3A_472, %get3A_473] : memref<200x100x32xbf16, #tpu.memory_space<vmem>>, vector<1x100x32xbf16>
      %get3A_475 = vector.shape_cast %get3A_474 : vector<1x100x32xbf16> to vector<100x32xbf16>
      %slice3A_476 = vector.extract_strided_slice %get3A_475 {offsets = [0, 0], sizes = [52, 32], strides = [1, 1]} : vector<100x32xbf16> to vector<52x32xbf16>
      %dot_general3A_477 = arith.constant dense<0.000000e+00> : vector<52x768xf32>
      %dot_general3A_478 = tpu.matmul %slice3A_476, %get3A_1, %dot_general3A_477 {dimension_numbers = #tpu.dot_dimension_numbers<[1], [0], [0], [1], [0, 0, 1, 1], [], []>, transpose_lhs_hint = false} : vector<52x32xbf16>, vector<32x768xbf16>, vector<52x768xf32> -> vector<52x768xf32>
      %add3A_479 = vector.broadcast %get3A_7 : vector<1x768xf32> to vector<52x768xf32>
      %add3A_480 = arith.addf %dot_general3A_478, %add3A_479 : vector<52x768xf32>
      %convert_element_type3A_481 = arith.truncf %add3A_434 : vector<52x256xf32> to vector<52x256xbf16>
      %dot_general3A_482 = arith.constant dense<0.000000e+00> : vector<52x768xf32>
      %dot_general3A_483 = tpu.matmul %convert_element_type3A_481, %get3A_4, %dot_general3A_482 {dimension_numbers = #tpu.dot_dimension_numbers<[1], [0], [0], [1], [0, 0, 1, 1], [], []>, transpose_lhs_hint = false} : vector<52x256xbf16>, vector<256x768xbf16>, vector<52x768xf32> -> vector<52x768xf32>
      %slice3A_484 = vector.extract_strided_slice %get3A_475 {offsets = [52, 0], sizes = [48, 32], strides = [1, 1]} : vector<100x32xbf16> to vector<48x32xbf16>
      %dot_general3A_485 = arith.constant dense<0.000000e+00> : vector<48x768xf32>
      %dot_general3A_486 = tpu.matmul %slice3A_484, %get3A_1, %dot_general3A_485 {dimension_numbers = #tpu.dot_dimension_numbers<[1], [0], [0], [1], [0, 0, 1, 1], [], []>, transpose_lhs_hint = false} : vector<48x32xbf16>, vector<32x768xbf16>, vector<48x768xf32> -> vector<48x768xf32>
      %add3A_487 = vector.broadcast %get3A_7 : vector<1x768xf32> to vector<48x768xf32>
      %add3A_488 = arith.addf %dot_general3A_486, %add3A_487 : vector<48x768xf32>
      %convert_element_type3A_489 = arith.truncf %add3A_468 : vector<48x256xf32> to vector<48x256xbf16>
      %dot_general3A_490 = arith.constant dense<0.000000e+00> : vector<48x768xf32>
      %dot_general3A_491 = tpu.matmul %convert_element_type3A_489, %get3A_4, %dot_general3A_490 {dimension_numbers = #tpu.dot_dimension_numbers<[1], [0], [0], [1], [0, 0, 1, 1], [], []>, transpose_lhs_hint = false} : vector<48x256xbf16>, vector<256x768xbf16>, vector<48x768xf32> -> vector<48x768xf32>
      %slice3A_492 = vector.extract_strided_slice %add3A_480 {offsets = [0, 0], sizes = [52, 256], strides = [1, 1]} : vector<52x768xf32> to vector<52x256xf32>
      %slice3A_493 = vector.extract_strided_slice %dot_general3A_483 {offsets = [0, 0], sizes = [52, 256], strides = [1, 1]} : vector<52x768xf32> to vector<52x256xf32>
      %add3A_494 = arith.addf %slice3A_492, %slice3A_493 : vector<52x256xf32>
      %mul3A_495 = arith.constant 5.000000e-01 : f32
      %mul3A_496 = vector.broadcast %mul3A_495 : f32 to vector<52x256xf32>
      %mul3A_497 = arith.mulf %add3A_494, %mul3A_496 : vector<52x256xf32>
      %tanh3A_498 = math.tanh %mul3A_497 : vector<52x256xf32>
      %mul3A_499 = arith.constant 5.000000e-01 : f32
      %mul3A_500 = vector.broadcast %mul3A_499 : f32 to vector<52x256xf32>
      %mul3A_501 = arith.mulf %tanh3A_498, %mul3A_500 : vector<52x256xf32>
      %add3A_502 = arith.constant 5.000000e-01 : f32
      %add3A_503 = vector.broadcast %add3A_502 : f32 to vector<52x256xf32>
      %add3A_504 = arith.addf %mul3A_501, %add3A_503 : vector<52x256xf32>
      %slice3A_505 = vector.extract_strided_slice %add3A_480 {offsets = [0, 256], sizes = [52, 256], strides = [1, 1]} : vector<52x768xf32> to vector<52x256xf32>
      %slice3A_506 = vector.extract_strided_slice %dot_general3A_483 {offsets = [0, 256], sizes = [52, 256], strides = [1, 1]} : vector<52x768xf32> to vector<52x256xf32>
      %add3A_507 = arith.addf %slice3A_505, %slice3A_506 : vector<52x256xf32>
      %mul3A_508 = arith.constant 5.000000e-01 : f32
      %mul3A_509 = vector.broadcast %mul3A_508 : f32 to vector<52x256xf32>
      %mul3A_510 = arith.mulf %add3A_507, %mul3A_509 : vector<52x256xf32>
      %tanh3A_511 = math.tanh %mul3A_510 : vector<52x256xf32>
      %mul3A_512 = arith.constant 5.000000e-01 : f32
      %mul3A_513 = vector.broadcast %mul3A_512 : f32 to vector<52x256xf32>
      %mul3A_514 = arith.mulf %tanh3A_511, %mul3A_513 : vector<52x256xf32>
      %add3A_515 = arith.constant 5.000000e-01 : f32
      %add3A_516 = vector.broadcast %add3A_515 : f32 to vector<52x256xf32>
      %add3A_517 = arith.addf %mul3A_514, %add3A_516 : vector<52x256xf32>
      %slice3A_518 = vector.extract_strided_slice %add3A_480 {offsets = [0, 512], sizes = [52, 256], strides = [1, 1]} : vector<52x768xf32> to vector<52x256xf32>
      %slice3A_519 = vector.extract_strided_slice %dot_general3A_483 {offsets = [0, 512], sizes = [52, 256], strides = [1, 1]} : vector<52x768xf32> to vector<52x256xf32>
      %mul3A_520 = arith.mulf %add3A_504, %slice3A_519 : vector<52x256xf32>
      %add3A_521 = arith.addf %slice3A_518, %mul3A_520 : vector<52x256xf32>
      %tanh3A_522 = math.tanh %add3A_521 : vector<52x256xf32>
      %sub3A_523 = arith.subf %add3A_434, %tanh3A_522 : vector<52x256xf32>
      %mul3A_524 = arith.mulf %add3A_517, %sub3A_523 : vector<52x256xf32>
      %add3A_525 = arith.addf %tanh3A_522, %mul3A_524 : vector<52x256xf32>
      %slice3A_526 = vector.extract_strided_slice %add3A_488 {offsets = [0, 0], sizes = [48, 256], strides = [1, 1]} : vector<48x768xf32> to vector<48x256xf32>
      %slice3A_527 = vector.extract_strided_slice %dot_general3A_491 {offsets = [0, 0], sizes = [48, 256], strides = [1, 1]} : vector<48x768xf32> to vector<48x256xf32>
      %add3A_528 = arith.addf %slice3A_526, %slice3A_527 : vector<48x256xf32>
      %mul3A_529 = arith.constant 5.000000e-01 : f32
      %mul3A_530 = vector.broadcast %mul3A_529 : f32 to vector<48x256xf32>
      %mul3A_531 = arith.mulf %add3A_528, %mul3A_530 : vector<48x256xf32>
      %tanh3A_532 = math.tanh %mul3A_531 : vector<48x256xf32>
      %mul3A_533 = arith.constant 5.000000e-01 : f32
      %mul3A_534 = vector.broadcast %mul3A_533 : f32 to vector<48x256xf32>
      %mul3A_535 = arith.mulf %tanh3A_532, %mul3A_534 : vector<48x256xf32>
      %add3A_536 = arith.constant 5.000000e-01 : f32
      %add3A_537 = vector.broadcast %add3A_536 : f32 to vector<48x256xf32>
      %add3A_538 = arith.addf %mul3A_535, %add3A_537 : vector<48x256xf32>
      %slice3A_539 = vector.extract_strided_slice %add3A_488 {offsets = [0, 256], sizes = [48, 256], strides = [1, 1]} : vector<48x768xf32> to vector<48x256xf32>
      %slice3A_540 = vector.extract_strided_slice %dot_general3A_491 {offsets = [0, 256], sizes = [48, 256], strides = [1, 1]} : vector<48x768xf32> to vector<48x256xf32>
      %add3A_541 = arith.addf %slice3A_539, %slice3A_540 : vector<48x256xf32>
      %mul3A_542 = arith.constant 5.000000e-01 : f32
      %mul3A_543 = vector.broadcast %mul3A_542 : f32 to vector<48x256xf32>
      %mul3A_544 = arith.mulf %add3A_541, %mul3A_543 : vector<48x256xf32>
      %tanh3A_545 = math.tanh %mul3A_544 : vector<48x256xf32>
      %mul3A_546 = arith.constant 5.000000e-01 : f32
      %mul3A_547 = vector.broadcast %mul3A_546 : f32 to vector<48x256xf32>
      %mul3A_548 = arith.mulf %tanh3A_545, %mul3A_547 : vector<48x256xf32>
      %add3A_549 = arith.constant 5.000000e-01 : f32
      %add3A_550 = vector.broadcast %add3A_549 : f32 to vector<48x256xf32>
      %add3A_551 = arith.addf %mul3A_548, %add3A_550 : vector<48x256xf32>
      %slice3A_552 = vector.extract_strided_slice %add3A_488 {offsets = [0, 512], sizes = [48, 256], strides = [1, 1]} : vector<48x768xf32> to vector<48x256xf32>
      %slice3A_553 = vector.extract_strided_slice %dot_general3A_491 {offsets = [0, 512], sizes = [48, 256], strides = [1, 1]} : vector<48x768xf32> to vector<48x256xf32>
      %mul3A_554 = arith.mulf %add3A_538, %slice3A_553 : vector<48x256xf32>
      %add3A_555 = arith.addf %slice3A_552, %mul3A_554 : vector<48x256xf32>
      %tanh3A_556 = math.tanh %add3A_555 : vector<48x256xf32>
      %sub3A_557 = arith.subf %add3A_468, %tanh3A_556 : vector<48x256xf32>
      %mul3A_558 = arith.mulf %add3A_551, %sub3A_557 : vector<48x256xf32>
      %add3A_559 = arith.addf %tanh3A_556, %mul3A_558 : vector<48x256xf32>
      %add3A_560 = arith.constant 5 : i32
      %add3A_561 = arith.addi %mul3A_107, %add3A_560 : i32
      %get3A_562 = arith.index_cast %add3A_561 : i32 to index
      %get3A_563 = arith.constant 0 : index
      %get3A_564 = arith.constant 0 : index
      %get3A_565 = vector.load %arg0[%get3A_562, %get3A_563, %get3A_564] : memref<200x100x32xbf16, #tpu.memory_space<vmem>>, vector<1x100x32xbf16>
      %get3A_566 = vector.shape_cast %get3A_565 : vector<1x100x32xbf16> to vector<100x32xbf16>
      %slice3A_567 = vector.extract_strided_slice %get3A_566 {offsets = [0, 0], sizes = [52, 32], strides = [1, 1]} : vector<100x32xbf16> to vector<52x32xbf16>
      %dot_general3A_568 = arith.constant dense<0.000000e+00> : vector<52x768xf32>
      %dot_general3A_569 = tpu.matmul %slice3A_567, %get3A_1, %dot_general3A_568 {dimension_numbers = #tpu.dot_dimension_numbers<[1], [0], [0], [1], [0, 0, 1, 1], [], []>, transpose_lhs_hint = false} : vector<52x32xbf16>, vector<32x768xbf16>, vector<52x768xf32> -> vector<52x768xf32>
      %add3A_570 = vector.broadcast %get3A_7 : vector<1x768xf32> to vector<52x768xf32>
      %add3A_571 = arith.addf %dot_general3A_569, %add3A_570 : vector<52x768xf32>
      %convert_element_type3A_572 = arith.truncf %add3A_525 : vector<52x256xf32> to vector<52x256xbf16>
      %dot_general3A_573 = arith.constant dense<0.000000e+00> : vector<52x768xf32>
      %dot_general3A_574 = tpu.matmul %convert_element_type3A_572, %get3A_4, %dot_general3A_573 {dimension_numbers = #tpu.dot_dimension_numbers<[1], [0], [0], [1], [0, 0, 1, 1], [], []>, transpose_lhs_hint = false} : vector<52x256xbf16>, vector<256x768xbf16>, vector<52x768xf32> -> vector<52x768xf32>
      %slice3A_575 = vector.extract_strided_slice %get3A_566 {offsets = [52, 0], sizes = [48, 32], strides = [1, 1]} : vector<100x32xbf16> to vector<48x32xbf16>
      %dot_general3A_576 = arith.constant dense<0.000000e+00> : vector<48x768xf32>
      %dot_general3A_577 = tpu.matmul %slice3A_575, %get3A_1, %dot_general3A_576 {dimension_numbers = #tpu.dot_dimension_numbers<[1], [0], [0], [1], [0, 0, 1, 1], [], []>, transpose_lhs_hint = false} : vector<48x32xbf16>, vector<32x768xbf16>, vector<48x768xf32> -> vector<48x768xf32>
      %add3A_578 = vector.broadcast %get3A_7 : vector<1x768xf32> to vector<48x768xf32>
      %add3A_579 = arith.addf %dot_general3A_577, %add3A_578 : vector<48x768xf32>
      %convert_element_type3A_580 = arith.truncf %add3A_559 : vector<48x256xf32> to vector<48x256xbf16>
      %dot_general3A_581 = arith.constant dense<0.000000e+00> : vector<48x768xf32>
      %dot_general3A_582 = tpu.matmul %convert_element_type3A_580, %get3A_4, %dot_general3A_581 {dimension_numbers = #tpu.dot_dimension_numbers<[1], [0], [0], [1], [0, 0, 1, 1], [], []>, transpose_lhs_hint = false} : vector<48x256xbf16>, vector<256x768xbf16>, vector<48x768xf32> -> vector<48x768xf32>
      %slice3A_583 = vector.extract_strided_slice %add3A_571 {offsets = [0, 0], sizes = [52, 256], strides = [1, 1]} : vector<52x768xf32> to vector<52x256xf32>
      %slice3A_584 = vector.extract_strided_slice %dot_general3A_574 {offsets = [0, 0], sizes = [52, 256], strides = [1, 1]} : vector<52x768xf32> to vector<52x256xf32>
      %add3A_585 = arith.addf %slice3A_583, %slice3A_584 : vector<52x256xf32>
      %mul3A_586 = arith.constant 5.000000e-01 : f32
      %mul3A_587 = vector.broadcast %mul3A_586 : f32 to vector<52x256xf32>
      %mul3A_588 = arith.mulf %add3A_585, %mul3A_587 : vector<52x256xf32>
      %tanh3A_589 = math.tanh %mul3A_588 : vector<52x256xf32>
      %mul3A_590 = arith.constant 5.000000e-01 : f32
      %mul3A_591 = vector.broadcast %mul3A_590 : f32 to vector<52x256xf32>
      %mul3A_592 = arith.mulf %tanh3A_589, %mul3A_591 : vector<52x256xf32>
      %add3A_593 = arith.constant 5.000000e-01 : f32
      %add3A_594 = vector.broadcast %add3A_593 : f32 to vector<52x256xf32>
      %add3A_595 = arith.addf %mul3A_592, %add3A_594 : vector<52x256xf32>
      %slice3A_596 = vector.extract_strided_slice %add3A_571 {offsets = [0, 256], sizes = [52, 256], strides = [1, 1]} : vector<52x768xf32> to vector<52x256xf32>
      %slice3A_597 = vector.extract_strided_slice %dot_general3A_574 {offsets = [0, 256], sizes = [52, 256], strides = [1, 1]} : vector<52x768xf32> to vector<52x256xf32>
      %add3A_598 = arith.addf %slice3A_596, %slice3A_597 : vector<52x256xf32>
      %mul3A_599 = arith.constant 5.000000e-01 : f32
      %mul3A_600 = vector.broadcast %mul3A_599 : f32 to vector<52x256xf32>
      %mul3A_601 = arith.mulf %add3A_598, %mul3A_600 : vector<52x256xf32>
      %tanh3A_602 = math.tanh %mul3A_601 : vector<52x256xf32>
      %mul3A_603 = arith.constant 5.000000e-01 : f32
      %mul3A_604 = vector.broadcast %mul3A_603 : f32 to vector<52x256xf32>
      %mul3A_605 = arith.mulf %tanh3A_602, %mul3A_604 : vector<52x256xf32>
      %add3A_606 = arith.constant 5.000000e-01 : f32
      %add3A_607 = vector.broadcast %add3A_606 : f32 to vector<52x256xf32>
      %add3A_608 = arith.addf %mul3A_605, %add3A_607 : vector<52x256xf32>
      %slice3A_609 = vector.extract_strided_slice %add3A_571 {offsets = [0, 512], sizes = [52, 256], strides = [1, 1]} : vector<52x768xf32> to vector<52x256xf32>
      %slice3A_610 = vector.extract_strided_slice %dot_general3A_574 {offsets = [0, 512], sizes = [52, 256], strides = [1, 1]} : vector<52x768xf32> to vector<52x256xf32>
      %mul3A_611 = arith.mulf %add3A_595, %slice3A_610 : vector<52x256xf32>
      %add3A_612 = arith.addf %slice3A_609, %mul3A_611 : vector<52x256xf32>
      %tanh3A_613 = math.tanh %add3A_612 : vector<52x256xf32>
      %sub3A_614 = arith.subf %add3A_525, %tanh3A_613 : vector<52x256xf32>
      %mul3A_615 = arith.mulf %add3A_608, %sub3A_614 : vector<52x256xf32>
      %add3A_616 = arith.addf %tanh3A_613, %mul3A_615 : vector<52x256xf32>
      %slice3A_617 = vector.extract_strided_slice %add3A_579 {offsets = [0, 0], sizes = [48, 256], strides = [1, 1]} : vector<48x768xf32> to vector<48x256xf32>
      %slice3A_618 = vector.extract_strided_slice %dot_general3A_582 {offsets = [0, 0], sizes = [48, 256], strides = [1, 1]} : vector<48x768xf32> to vector<48x256xf32>
      %add3A_619 = arith.addf %slice3A_617, %slice3A_618 : vector<48x256xf32>
      %mul3A_620 = arith.constant 5.000000e-01 : f32
      %mul3A_621 = vector.broadcast %mul3A_620 : f32 to vector<48x256xf32>
      %mul3A_622 = arith.mulf %add3A_619, %mul3A_621 : vector<48x256xf32>
      %tanh3A_623 = math.tanh %mul3A_622 : vector<48x256xf32>
      %mul3A_624 = arith.constant 5.000000e-01 : f32
      %mul3A_625 = vector.broadcast %mul3A_624 : f32 to vector<48x256xf32>
      %mul3A_626 = arith.mulf %tanh3A_623, %mul3A_625 : vector<48x256xf32>
      %add3A_627 = arith.constant 5.000000e-01 : f32
      %add3A_628 = vector.broadcast %add3A_627 : f32 to vector<48x256xf32>
      %add3A_629 = arith.addf %mul3A_626, %add3A_628 : vector<48x256xf32>
      %slice3A_630 = vector.extract_strided_slice %add3A_579 {offsets = [0, 256], sizes = [48, 256], strides = [1, 1]} : vector<48x768xf32> to vector<48x256xf32>
      %slice3A_631 = vector.extract_strided_slice %dot_general3A_582 {offsets = [0, 256], sizes = [48, 256], strides = [1, 1]} : vector<48x768xf32> to vector<48x256xf32>
      %add3A_632 = arith.addf %slice3A_630, %slice3A_631 : vector<48x256xf32>
      %mul3A_633 = arith.constant 5.000000e-01 : f32
      %mul3A_634 = vector.broadcast %mul3A_633 : f32 to vector<48x256xf32>
      %mul3A_635 = arith.mulf %add3A_632, %mul3A_634 : vector<48x256xf32>
      %tanh3A_636 = math.tanh %mul3A_635 : vector<48x256xf32>
      %mul3A_637 = arith.constant 5.000000e-01 : f32
      %mul3A_638 = vector.broadcast %mul3A_637 : f32 to vector<48x256xf32>
      %mul3A_639 = arith.mulf %tanh3A_636, %mul3A_638 : vector<48x256xf32>
      %add3A_640 = arith.constant 5.000000e-01 : f32
      %add3A_641 = vector.broadcast %add3A_640 : f32 to vector<48x256xf32>
      %add3A_642 = arith.addf %mul3A_639, %add3A_641 : vector<48x256xf32>
      %slice3A_643 = vector.extract_strided_slice %add3A_579 {offsets = [0, 512], sizes = [48, 256], strides = [1, 1]} : vector<48x768xf32> to vector<48x256xf32>
      %slice3A_644 = vector.extract_strided_slice %dot_general3A_582 {offsets = [0, 512], sizes = [48, 256], strides = [1, 1]} : vector<48x768xf32> to vector<48x256xf32>
      %mul3A_645 = arith.mulf %add3A_629, %slice3A_644 : vector<48x256xf32>
      %add3A_646 = arith.addf %slice3A_643, %mul3A_645 : vector<48x256xf32>
      %tanh3A_647 = math.tanh %add3A_646 : vector<48x256xf32>
      %sub3A_648 = arith.subf %add3A_559, %tanh3A_647 : vector<48x256xf32>
      %mul3A_649 = arith.mulf %add3A_642, %sub3A_648 : vector<48x256xf32>
      %add3A_650 = arith.addf %tanh3A_647, %mul3A_649 : vector<48x256xf32>
      %add3A_651 = arith.constant 6 : i32
      %add3A_652 = arith.addi %mul3A_107, %add3A_651 : i32
      %get3A_653 = arith.index_cast %add3A_652 : i32 to index
      %get3A_654 = arith.constant 0 : index
      %get3A_655 = arith.constant 0 : index
      %get3A_656 = vector.load %arg0[%get3A_653, %get3A_654, %get3A_655] : memref<200x100x32xbf16, #tpu.memory_space<vmem>>, vector<1x100x32xbf16>
      %get3A_657 = vector.shape_cast %get3A_656 : vector<1x100x32xbf16> to vector<100x32xbf16>
      %slice3A_658 = vector.extract_strided_slice %get3A_657 {offsets = [0, 0], sizes = [52, 32], strides = [1, 1]} : vector<100x32xbf16> to vector<52x32xbf16>
      %dot_general3A_659 = arith.constant dense<0.000000e+00> : vector<52x768xf32>
      %dot_general3A_660 = tpu.matmul %slice3A_658, %get3A_1, %dot_general3A_659 {dimension_numbers = #tpu.dot_dimension_numbers<[1], [0], [0], [1], [0, 0, 1, 1], [], []>, transpose_lhs_hint = false} : vector<52x32xbf16>, vector<32x768xbf16>, vector<52x768xf32> -> vector<52x768xf32>
      %add3A_661 = vector.broadcast %get3A_7 : vector<1x768xf32> to vector<52x768xf32>
      %add3A_662 = arith.addf %dot_general3A_660, %add3A_661 : vector<52x768xf32>
      %convert_element_type3A_663 = arith.truncf %add3A_616 : vector<52x256xf32> to vector<52x256xbf16>
      %dot_general3A_664 = arith.constant dense<0.000000e+00> : vector<52x768xf32>
      %dot_general3A_665 = tpu.matmul %convert_element_type3A_663, %get3A_4, %dot_general3A_664 {dimension_numbers = #tpu.dot_dimension_numbers<[1], [0], [0], [1], [0, 0, 1, 1], [], []>, transpose_lhs_hint = false} : vector<52x256xbf16>, vector<256x768xbf16>, vector<52x768xf32> -> vector<52x768xf32>
      %slice3A_666 = vector.extract_strided_slice %get3A_657 {offsets = [52, 0], sizes = [48, 32], strides = [1, 1]} : vector<100x32xbf16> to vector<48x32xbf16>
      %dot_general3A_667 = arith.constant dense<0.000000e+00> : vector<48x768xf32>
      %dot_general3A_668 = tpu.matmul %slice3A_666, %get3A_1, %dot_general3A_667 {dimension_numbers = #tpu.dot_dimension_numbers<[1], [0], [0], [1], [0, 0, 1, 1], [], []>, transpose_lhs_hint = false} : vector<48x32xbf16>, vector<32x768xbf16>, vector<48x768xf32> -> vector<48x768xf32>
      %add3A_669 = vector.broadcast %get3A_7 : vector<1x768xf32> to vector<48x768xf32>
      %add3A_670 = arith.addf %dot_general3A_668, %add3A_669 : vector<48x768xf32>
      %convert_element_type3A_671 = arith.truncf %add3A_650 : vector<48x256xf32> to vector<48x256xbf16>
      %dot_general3A_672 = arith.constant dense<0.000000e+00> : vector<48x768xf32>
      %dot_general3A_673 = tpu.matmul %convert_element_type3A_671, %get3A_4, %dot_general3A_672 {dimension_numbers = #tpu.dot_dimension_numbers<[1], [0], [0], [1], [0, 0, 1, 1], [], []>, transpose_lhs_hint = false} : vector<48x256xbf16>, vector<256x768xbf16>, vector<48x768xf32> -> vector<48x768xf32>
      %slice3A_674 = vector.extract_strided_slice %add3A_662 {offsets = [0, 0], sizes = [52, 256], strides = [1, 1]} : vector<52x768xf32> to vector<52x256xf32>
      %slice3A_675 = vector.extract_strided_slice %dot_general3A_665 {offsets = [0, 0], sizes = [52, 256], strides = [1, 1]} : vector<52x768xf32> to vector<52x256xf32>
      %add3A_676 = arith.addf %slice3A_674, %slice3A_675 : vector<52x256xf32>
      %mul3A_677 = arith.constant 5.000000e-01 : f32
      %mul3A_678 = vector.broadcast %mul3A_677 : f32 to vector<52x256xf32>
      %mul3A_679 = arith.mulf %add3A_676, %mul3A_678 : vector<52x256xf32>
      %tanh3A_680 = math.tanh %mul3A_679 : vector<52x256xf32>
      %mul3A_681 = arith.constant 5.000000e-01 : f32
      %mul3A_682 = vector.broadcast %mul3A_681 : f32 to vector<52x256xf32>
      %mul3A_683 = arith.mulf %tanh3A_680, %mul3A_682 : vector<52x256xf32>
      %add3A_684 = arith.constant 5.000000e-01 : f32
      %add3A_685 = vector.broadcast %add3A_684 : f32 to vector<52x256xf32>
      %add3A_686 = arith.addf %mul3A_683, %add3A_685 : vector<52x256xf32>
      %slice3A_687 = vector.extract_strided_slice %add3A_662 {offsets = [0, 256], sizes = [52, 256], strides = [1, 1]} : vector<52x768xf32> to vector<52x256xf32>
      %slice3A_688 = vector.extract_strided_slice %dot_general3A_665 {offsets = [0, 256], sizes = [52, 256], strides = [1, 1]} : vector<52x768xf32> to vector<52x256xf32>
      %add3A_689 = arith.addf %slice3A_687, %slice3A_688 : vector<52x256xf32>
      %mul3A_690 = arith.constant 5.000000e-01 : f32
      %mul3A_691 = vector.broadcast %mul3A_690 : f32 to vector<52x256xf32>
      %mul3A_692 = arith.mulf %add3A_689, %mul3A_691 : vector<52x256xf32>
      %tanh3A_693 = math.tanh %mul3A_692 : vector<52x256xf32>
      %mul3A_694 = arith.constant 5.000000e-01 : f32
      %mul3A_695 = vector.broadcast %mul3A_694 : f32 to vector<52x256xf32>
      %mul3A_696 = arith.mulf %tanh3A_693, %mul3A_695 : vector<52x256xf32>
      %add3A_697 = arith.constant 5.000000e-01 : f32
      %add3A_698 = vector.broadcast %add3A_697 : f32 to vector<52x256xf32>
      %add3A_699 = arith.addf %mul3A_696, %add3A_698 : vector<52x256xf32>
      %slice3A_700 = vector.extract_strided_slice %add3A_662 {offsets = [0, 512], sizes = [52, 256], strides = [1, 1]} : vector<52x768xf32> to vector<52x256xf32>
      %slice3A_701 = vector.extract_strided_slice %dot_general3A_665 {offsets = [0, 512], sizes = [52, 256], strides = [1, 1]} : vector<52x768xf32> to vector<52x256xf32>
      %mul3A_702 = arith.mulf %add3A_686, %slice3A_701 : vector<52x256xf32>
      %add3A_703 = arith.addf %slice3A_700, %mul3A_702 : vector<52x256xf32>
      %tanh3A_704 = math.tanh %add3A_703 : vector<52x256xf32>
      %sub3A_705 = arith.subf %add3A_616, %tanh3A_704 : vector<52x256xf32>
      %mul3A_706 = arith.mulf %add3A_699, %sub3A_705 : vector<52x256xf32>
      %add3A_707 = arith.addf %tanh3A_704, %mul3A_706 : vector<52x256xf32>
      %slice3A_708 = vector.extract_strided_slice %add3A_670 {offsets = [0, 0], sizes = [48, 256], strides = [1, 1]} : vector<48x768xf32> to vector<48x256xf32>
      %slice3A_709 = vector.extract_strided_slice %dot_general3A_673 {offsets = [0, 0], sizes = [48, 256], strides = [1, 1]} : vector<48x768xf32> to vector<48x256xf32>
      %add3A_710 = arith.addf %slice3A_708, %slice3A_709 : vector<48x256xf32>
      %mul3A_711 = arith.constant 5.000000e-01 : f32
      %mul3A_712 = vector.broadcast %mul3A_711 : f32 to vector<48x256xf32>
      %mul3A_713 = arith.mulf %add3A_710, %mul3A_712 : vector<48x256xf32>
      %tanh3A_714 = math.tanh %mul3A_713 : vector<48x256xf32>
      %mul3A_715 = arith.constant 5.000000e-01 : f32
      %mul3A_716 = vector.broadcast %mul3A_715 : f32 to vector<48x256xf32>
      %mul3A_717 = arith.mulf %tanh3A_714, %mul3A_716 : vector<48x256xf32>
      %add3A_718 = arith.constant 5.000000e-01 : f32
      %add3A_719 = vector.broadcast %add3A_718 : f32 to vector<48x256xf32>
      %add3A_720 = arith.addf %mul3A_717, %add3A_719 : vector<48x256xf32>
      %slice3A_721 = vector.extract_strided_slice %add3A_670 {offsets = [0, 256], sizes = [48, 256], strides = [1, 1]} : vector<48x768xf32> to vector<48x256xf32>
      %slice3A_722 = vector.extract_strided_slice %dot_general3A_673 {offsets = [0, 256], sizes = [48, 256], strides = [1, 1]} : vector<48x768xf32> to vector<48x256xf32>
      %add3A_723 = arith.addf %slice3A_721, %slice3A_722 : vector<48x256xf32>
      %mul3A_724 = arith.constant 5.000000e-01 : f32
      %mul3A_725 = vector.broadcast %mul3A_724 : f32 to vector<48x256xf32>
      %mul3A_726 = arith.mulf %add3A_723, %mul3A_725 : vector<48x256xf32>
      %tanh3A_727 = math.tanh %mul3A_726 : vector<48x256xf32>
      %mul3A_728 = arith.constant 5.000000e-01 : f32
      %mul3A_729 = vector.broadcast %mul3A_728 : f32 to vector<48x256xf32>
      %mul3A_730 = arith.mulf %tanh3A_727, %mul3A_729 : vector<48x256xf32>
      %add3A_731 = arith.constant 5.000000e-01 : f32
      %add3A_732 = vector.broadcast %add3A_731 : f32 to vector<48x256xf32>
      %add3A_733 = arith.addf %mul3A_730, %add3A_732 : vector<48x256xf32>
      %slice3A_734 = vector.extract_strided_slice %add3A_670 {offsets = [0, 512], sizes = [48, 256], strides = [1, 1]} : vector<48x768xf32> to vector<48x256xf32>
      %slice3A_735 = vector.extract_strided_slice %dot_general3A_673 {offsets = [0, 512], sizes = [48, 256], strides = [1, 1]} : vector<48x768xf32> to vector<48x256xf32>
      %mul3A_736 = arith.mulf %add3A_720, %slice3A_735 : vector<48x256xf32>
      %add3A_737 = arith.addf %slice3A_734, %mul3A_736 : vector<48x256xf32>
      %tanh3A_738 = math.tanh %add3A_737 : vector<48x256xf32>
      %sub3A_739 = arith.subf %add3A_650, %tanh3A_738 : vector<48x256xf32>
      %mul3A_740 = arith.mulf %add3A_733, %sub3A_739 : vector<48x256xf32>
      %add3A_741 = arith.addf %tanh3A_738, %mul3A_740 : vector<48x256xf32>
      %add3A_742 = arith.constant 7 : i32
      %add3A_743 = arith.addi %mul3A_107, %add3A_742 : i32
      %get3A_744 = arith.index_cast %add3A_743 : i32 to index
      %get3A_745 = arith.constant 0 : index
      %get3A_746 = arith.constant 0 : index
      %get3A_747 = vector.load %arg0[%get3A_744, %get3A_745, %get3A_746] : memref<200x100x32xbf16, #tpu.memory_space<vmem>>, vector<1x100x32xbf16>
      %get3A_748 = vector.shape_cast %get3A_747 : vector<1x100x32xbf16> to vector<100x32xbf16>
      %slice3A_749 = vector.extract_strided_slice %get3A_748 {offsets = [0, 0], sizes = [52, 32], strides = [1, 1]} : vector<100x32xbf16> to vector<52x32xbf16>
      %dot_general3A_750 = arith.constant dense<0.000000e+00> : vector<52x768xf32>
      %dot_general3A_751 = tpu.matmul %slice3A_749, %get3A_1, %dot_general3A_750 {dimension_numbers = #tpu.dot_dimension_numbers<[1], [0], [0], [1], [0, 0, 1, 1], [], []>, transpose_lhs_hint = false} : vector<52x32xbf16>, vector<32x768xbf16>, vector<52x768xf32> -> vector<52x768xf32>
      %add3A_752 = vector.broadcast %get3A_7 : vector<1x768xf32> to vector<52x768xf32>
      %add3A_753 = arith.addf %dot_general3A_751, %add3A_752 : vector<52x768xf32>
      %convert_element_type3A_754 = arith.truncf %add3A_707 : vector<52x256xf32> to vector<52x256xbf16>
      %dot_general3A_755 = arith.constant dense<0.000000e+00> : vector<52x768xf32>
      %dot_general3A_756 = tpu.matmul %convert_element_type3A_754, %get3A_4, %dot_general3A_755 {dimension_numbers = #tpu.dot_dimension_numbers<[1], [0], [0], [1], [0, 0, 1, 1], [], []>, transpose_lhs_hint = false} : vector<52x256xbf16>, vector<256x768xbf16>, vector<52x768xf32> -> vector<52x768xf32>
      %slice3A_757 = vector.extract_strided_slice %get3A_748 {offsets = [52, 0], sizes = [48, 32], strides = [1, 1]} : vector<100x32xbf16> to vector<48x32xbf16>
      %dot_general3A_758 = arith.constant dense<0.000000e+00> : vector<48x768xf32>
      %dot_general3A_759 = tpu.matmul %slice3A_757, %get3A_1, %dot_general3A_758 {dimension_numbers = #tpu.dot_dimension_numbers<[1], [0], [0], [1], [0, 0, 1, 1], [], []>, transpose_lhs_hint = false} : vector<48x32xbf16>, vector<32x768xbf16>, vector<48x768xf32> -> vector<48x768xf32>
      %add3A_760 = vector.broadcast %get3A_7 : vector<1x768xf32> to vector<48x768xf32>
      %add3A_761 = arith.addf %dot_general3A_759, %add3A_760 : vector<48x768xf32>
      %convert_element_type3A_762 = arith.truncf %add3A_741 : vector<48x256xf32> to vector<48x256xbf16>
      %dot_general3A_763 = arith.constant dense<0.000000e+00> : vector<48x768xf32>
      %dot_general3A_764 = tpu.matmul %convert_element_type3A_762, %get3A_4, %dot_general3A_763 {dimension_numbers = #tpu.dot_dimension_numbers<[1], [0], [0], [1], [0, 0, 1, 1], [], []>, transpose_lhs_hint = false} : vector<48x256xbf16>, vector<256x768xbf16>, vector<48x768xf32> -> vector<48x768xf32>
      %slice3A_765 = vector.extract_strided_slice %add3A_753 {offsets = [0, 0], sizes = [52, 256], strides = [1, 1]} : vector<52x768xf32> to vector<52x256xf32>
      %slice3A_766 = vector.extract_strided_slice %dot_general3A_756 {offsets = [0, 0], sizes = [52, 256], strides = [1, 1]} : vector<52x768xf32> to vector<52x256xf32>
      %add3A_767 = arith.addf %slice3A_765, %slice3A_766 : vector<52x256xf32>
      %mul3A_768 = arith.constant 5.000000e-01 : f32
      %mul3A_769 = vector.broadcast %mul3A_768 : f32 to vector<52x256xf32>
      %mul3A_770 = arith.mulf %add3A_767, %mul3A_769 : vector<52x256xf32>
      %tanh3A_771 = math.tanh %mul3A_770 : vector<52x256xf32>
      %mul3A_772 = arith.constant 5.000000e-01 : f32
      %mul3A_773 = vector.broadcast %mul3A_772 : f32 to vector<52x256xf32>
      %mul3A_774 = arith.mulf %tanh3A_771, %mul3A_773 : vector<52x256xf32>
      %add3A_775 = arith.constant 5.000000e-01 : f32
      %add3A_776 = vector.broadcast %add3A_775 : f32 to vector<52x256xf32>
      %add3A_777 = arith.addf %mul3A_774, %add3A_776 : vector<52x256xf32>
      %slice3A_778 = vector.extract_strided_slice %add3A_753 {offsets = [0, 256], sizes = [52, 256], strides = [1, 1]} : vector<52x768xf32> to vector<52x256xf32>
      %slice3A_779 = vector.extract_strided_slice %dot_general3A_756 {offsets = [0, 256], sizes = [52, 256], strides = [1, 1]} : vector<52x768xf32> to vector<52x256xf32>
      %add3A_780 = arith.addf %slice3A_778, %slice3A_779 : vector<52x256xf32>
      %mul3A_781 = arith.constant 5.000000e-01 : f32
      %mul3A_782 = vector.broadcast %mul3A_781 : f32 to vector<52x256xf32>
      %mul3A_783 = arith.mulf %add3A_780, %mul3A_782 : vector<52x256xf32>
      %tanh3A_784 = math.tanh %mul3A_783 : vector<52x256xf32>
      %mul3A_785 = arith.constant 5.000000e-01 : f32
      %mul3A_786 = vector.broadcast %mul3A_785 : f32 to vector<52x256xf32>
      %mul3A_787 = arith.mulf %tanh3A_784, %mul3A_786 : vector<52x256xf32>
      %add3A_788 = arith.constant 5.000000e-01 : f32
      %add3A_789 = vector.broadcast %add3A_788 : f32 to vector<52x256xf32>
      %add3A_790 = arith.addf %mul3A_787, %add3A_789 : vector<52x256xf32>
      %slice3A_791 = vector.extract_strided_slice %add3A_753 {offsets = [0, 512], sizes = [52, 256], strides = [1, 1]} : vector<52x768xf32> to vector<52x256xf32>
      %slice3A_792 = vector.extract_strided_slice %dot_general3A_756 {offsets = [0, 512], sizes = [52, 256], strides = [1, 1]} : vector<52x768xf32> to vector<52x256xf32>
      %mul3A_793 = arith.mulf %add3A_777, %slice3A_792 : vector<52x256xf32>
      %add3A_794 = arith.addf %slice3A_791, %mul3A_793 : vector<52x256xf32>
      %tanh3A_795 = math.tanh %add3A_794 : vector<52x256xf32>
      %sub3A_796 = arith.subf %add3A_707, %tanh3A_795 : vector<52x256xf32>
      %mul3A_797 = arith.mulf %add3A_790, %sub3A_796 : vector<52x256xf32>
      %add3A_798 = arith.addf %tanh3A_795, %mul3A_797 : vector<52x256xf32>
      %slice3A_799 = vector.extract_strided_slice %add3A_761 {offsets = [0, 0], sizes = [48, 256], strides = [1, 1]} : vector<48x768xf32> to vector<48x256xf32>
      %slice3A_800 = vector.extract_strided_slice %dot_general3A_764 {offsets = [0, 0], sizes = [48, 256], strides = [1, 1]} : vector<48x768xf32> to vector<48x256xf32>
      %add3A_801 = arith.addf %slice3A_799, %slice3A_800 : vector<48x256xf32>
      %mul3A_802 = arith.constant 5.000000e-01 : f32
      %mul3A_803 = vector.broadcast %mul3A_802 : f32 to vector<48x256xf32>
      %mul3A_804 = arith.mulf %add3A_801, %mul3A_803 : vector<48x256xf32>
      %tanh3A_805 = math.tanh %mul3A_804 : vector<48x256xf32>
      %mul3A_806 = arith.constant 5.000000e-01 : f32
      %mul3A_807 = vector.broadcast %mul3A_806 : f32 to vector<48x256xf32>
      %mul3A_808 = arith.mulf %tanh3A_805, %mul3A_807 : vector<48x256xf32>
      %add3A_809 = arith.constant 5.000000e-01 : f32
      %add3A_810 = vector.broadcast %add3A_809 : f32 to vector<48x256xf32>
      %add3A_811 = arith.addf %mul3A_808, %add3A_810 : vector<48x256xf32>
      %slice3A_812 = vector.extract_strided_slice %add3A_761 {offsets = [0, 256], sizes = [48, 256], strides = [1, 1]} : vector<48x768xf32> to vector<48x256xf32>
      %slice3A_813 = vector.extract_strided_slice %dot_general3A_764 {offsets = [0, 256], sizes = [48, 256], strides = [1, 1]} : vector<48x768xf32> to vector<48x256xf32>
      %add3A_814 = arith.addf %slice3A_812, %slice3A_813 : vector<48x256xf32>
      %mul3A_815 = arith.constant 5.000000e-01 : f32
      %mul3A_816 = vector.broadcast %mul3A_815 : f32 to vector<48x256xf32>
      %mul3A_817 = arith.mulf %add3A_814, %mul3A_816 : vector<48x256xf32>
      %tanh3A_818 = math.tanh %mul3A_817 : vector<48x256xf32>
      %mul3A_819 = arith.constant 5.000000e-01 : f32
      %mul3A_820 = vector.broadcast %mul3A_819 : f32 to vector<48x256xf32>
      %mul3A_821 = arith.mulf %tanh3A_818, %mul3A_820 : vector<48x256xf32>
      %add3A_822 = arith.constant 5.000000e-01 : f32
      %add3A_823 = vector.broadcast %add3A_822 : f32 to vector<48x256xf32>
      %add3A_824 = arith.addf %mul3A_821, %add3A_823 : vector<48x256xf32>
      %slice3A_825 = vector.extract_strided_slice %add3A_761 {offsets = [0, 512], sizes = [48, 256], strides = [1, 1]} : vector<48x768xf32> to vector<48x256xf32>
      %slice3A_826 = vector.extract_strided_slice %dot_general3A_764 {offsets = [0, 512], sizes = [48, 256], strides = [1, 1]} : vector<48x768xf32> to vector<48x256xf32>
      %mul3A_827 = arith.mulf %add3A_811, %slice3A_826 : vector<48x256xf32>
      %add3A_828 = arith.addf %slice3A_825, %mul3A_827 : vector<48x256xf32>
      %tanh3A_829 = math.tanh %add3A_828 : vector<48x256xf32>
      %sub3A_830 = arith.subf %add3A_741, %tanh3A_829 : vector<48x256xf32>
      %mul3A_831 = arith.mulf %add3A_824, %sub3A_830 : vector<48x256xf32>
      %add3A_832 = arith.addf %tanh3A_829, %mul3A_831 : vector<48x256xf32>
      %add3A_833 = arith.constant 8 : i32
      %add3A_834 = arith.addi %mul3A_107, %add3A_833 : i32
      %get3A_835 = arith.index_cast %add3A_834 : i32 to index
      %get3A_836 = arith.constant 0 : index
      %get3A_837 = arith.constant 0 : index
      %get3A_838 = vector.load %arg0[%get3A_835, %get3A_836, %get3A_837] : memref<200x100x32xbf16, #tpu.memory_space<vmem>>, vector<1x100x32xbf16>
      %get3A_839 = vector.shape_cast %get3A_838 : vector<1x100x32xbf16> to vector<100x32xbf16>
      %slice3A_840 = vector.extract_strided_slice %get3A_839 {offsets = [0, 0], sizes = [52, 32], strides = [1, 1]} : vector<100x32xbf16> to vector<52x32xbf16>
      %dot_general3A_841 = arith.constant dense<0.000000e+00> : vector<52x768xf32>
      %dot_general3A_842 = tpu.matmul %slice3A_840, %get3A_1, %dot_general3A_841 {dimension_numbers = #tpu.dot_dimension_numbers<[1], [0], [0], [1], [0, 0, 1, 1], [], []>, transpose_lhs_hint = false} : vector<52x32xbf16>, vector<32x768xbf16>, vector<52x768xf32> -> vector<52x768xf32>
      %add3A_843 = vector.broadcast %get3A_7 : vector<1x768xf32> to vector<52x768xf32>
      %add3A_844 = arith.addf %dot_general3A_842, %add3A_843 : vector<52x768xf32>
      %convert_element_type3A_845 = arith.truncf %add3A_798 : vector<52x256xf32> to vector<52x256xbf16>
      %dot_general3A_846 = arith.constant dense<0.000000e+00> : vector<52x768xf32>
      %dot_general3A_847 = tpu.matmul %convert_element_type3A_845, %get3A_4, %dot_general3A_846 {dimension_numbers = #tpu.dot_dimension_numbers<[1], [0], [0], [1], [0, 0, 1, 1], [], []>, transpose_lhs_hint = false} : vector<52x256xbf16>, vector<256x768xbf16>, vector<52x768xf32> -> vector<52x768xf32>
      %slice3A_848 = vector.extract_strided_slice %get3A_839 {offsets = [52, 0], sizes = [48, 32], strides = [1, 1]} : vector<100x32xbf16> to vector<48x32xbf16>
      %dot_general3A_849 = arith.constant dense<0.000000e+00> : vector<48x768xf32>
      %dot_general3A_850 = tpu.matmul %slice3A_848, %get3A_1, %dot_general3A_849 {dimension_numbers = #tpu.dot_dimension_numbers<[1], [0], [0], [1], [0, 0, 1, 1], [], []>, transpose_lhs_hint = false} : vector<48x32xbf16>, vector<32x768xbf16>, vector<48x768xf32> -> vector<48x768xf32>
      %add3A_851 = vector.broadcast %get3A_7 : vector<1x768xf32> to vector<48x768xf32>
      %add3A_852 = arith.addf %dot_general3A_850, %add3A_851 : vector<48x768xf32>
      %convert_element_type3A_853 = arith.truncf %add3A_832 : vector<48x256xf32> to vector<48x256xbf16>
      %dot_general3A_854 = arith.constant dense<0.000000e+00> : vector<48x768xf32>
      %dot_general3A_855 = tpu.matmul %convert_element_type3A_853, %get3A_4, %dot_general3A_854 {dimension_numbers = #tpu.dot_dimension_numbers<[1], [0], [0], [1], [0, 0, 1, 1], [], []>, transpose_lhs_hint = false} : vector<48x256xbf16>, vector<256x768xbf16>, vector<48x768xf32> -> vector<48x768xf32>
      %slice3A_856 = vector.extract_strided_slice %add3A_844 {offsets = [0, 0], sizes = [52, 256], strides = [1, 1]} : vector<52x768xf32> to vector<52x256xf32>
      %slice3A_857 = vector.extract_strided_slice %dot_general3A_847 {offsets = [0, 0], sizes = [52, 256], strides = [1, 1]} : vector<52x768xf32> to vector<52x256xf32>
      %add3A_858 = arith.addf %slice3A_856, %slice3A_857 : vector<52x256xf32>
      %mul3A_859 = arith.constant 5.000000e-01 : f32
      %mul3A_860 = vector.broadcast %mul3A_859 : f32 to vector<52x256xf32>
      %mul3A_861 = arith.mulf %add3A_858, %mul3A_860 : vector<52x256xf32>
      %tanh3A_862 = math.tanh %mul3A_861 : vector<52x256xf32>
      %mul3A_863 = arith.constant 5.000000e-01 : f32
      %mul3A_864 = vector.broadcast %mul3A_863 : f32 to vector<52x256xf32>
      %mul3A_865 = arith.mulf %tanh3A_862, %mul3A_864 : vector<52x256xf32>
      %add3A_866 = arith.constant 5.000000e-01 : f32
      %add3A_867 = vector.broadcast %add3A_866 : f32 to vector<52x256xf32>
      %add3A_868 = arith.addf %mul3A_865, %add3A_867 : vector<52x256xf32>
      %slice3A_869 = vector.extract_strided_slice %add3A_844 {offsets = [0, 256], sizes = [52, 256], strides = [1, 1]} : vector<52x768xf32> to vector<52x256xf32>
      %slice3A_870 = vector.extract_strided_slice %dot_general3A_847 {offsets = [0, 256], sizes = [52, 256], strides = [1, 1]} : vector<52x768xf32> to vector<52x256xf32>
      %add3A_871 = arith.addf %slice3A_869, %slice3A_870 : vector<52x256xf32>
      %mul3A_872 = arith.constant 5.000000e-01 : f32
      %mul3A_873 = vector.broadcast %mul3A_872 : f32 to vector<52x256xf32>
      %mul3A_874 = arith.mulf %add3A_871, %mul3A_873 : vector<52x256xf32>
      %tanh3A_875 = math.tanh %mul3A_874 : vector<52x256xf32>
      %mul3A_876 = arith.constant 5.000000e-01 : f32
      %mul3A_877 = vector.broadcast %mul3A_876 : f32 to vector<52x256xf32>
      %mul3A_878 = arith.mulf %tanh3A_875, %mul3A_877 : vector<52x256xf32>
      %add3A_879 = arith.constant 5.000000e-01 : f32
      %add3A_880 = vector.broadcast %add3A_879 : f32 to vector<52x256xf32>
      %add3A_881 = arith.addf %mul3A_878, %add3A_880 : vector<52x256xf32>
      %slice3A_882 = vector.extract_strided_slice %add3A_844 {offsets = [0, 512], sizes = [52, 256], strides = [1, 1]} : vector<52x768xf32> to vector<52x256xf32>
      %slice3A_883 = vector.extract_strided_slice %dot_general3A_847 {offsets = [0, 512], sizes = [52, 256], strides = [1, 1]} : vector<52x768xf32> to vector<52x256xf32>
      %mul3A_884 = arith.mulf %add3A_868, %slice3A_883 : vector<52x256xf32>
      %add3A_885 = arith.addf %slice3A_882, %mul3A_884 : vector<52x256xf32>
      %tanh3A_886 = math.tanh %add3A_885 : vector<52x256xf32>
      %sub3A_887 = arith.subf %add3A_798, %tanh3A_886 : vector<52x256xf32>
      %mul3A_888 = arith.mulf %add3A_881, %sub3A_887 : vector<52x256xf32>
      %add3A_889 = arith.addf %tanh3A_886, %mul3A_888 : vector<52x256xf32>
      %slice3A_890 = vector.extract_strided_slice %add3A_852 {offsets = [0, 0], sizes = [48, 256], strides = [1, 1]} : vector<48x768xf32> to vector<48x256xf32>
      %slice3A_891 = vector.extract_strided_slice %dot_general3A_855 {offsets = [0, 0], sizes = [48, 256], strides = [1, 1]} : vector<48x768xf32> to vector<48x256xf32>
      %add3A_892 = arith.addf %slice3A_890, %slice3A_891 : vector<48x256xf32>
      %mul3A_893 = arith.constant 5.000000e-01 : f32
      %mul3A_894 = vector.broadcast %mul3A_893 : f32 to vector<48x256xf32>
      %mul3A_895 = arith.mulf %add3A_892, %mul3A_894 : vector<48x256xf32>
      %tanh3A_896 = math.tanh %mul3A_895 : vector<48x256xf32>
      %mul3A_897 = arith.constant 5.000000e-01 : f32
      %mul3A_898 = vector.broadcast %mul3A_897 : f32 to vector<48x256xf32>
      %mul3A_899 = arith.mulf %tanh3A_896, %mul3A_898 : vector<48x256xf32>
      %add3A_900 = arith.constant 5.000000e-01 : f32
      %add3A_901 = vector.broadcast %add3A_900 : f32 to vector<48x256xf32>
      %add3A_902 = arith.addf %mul3A_899, %add3A_901 : vector<48x256xf32>
      %slice3A_903 = vector.extract_strided_slice %add3A_852 {offsets = [0, 256], sizes = [48, 256], strides = [1, 1]} : vector<48x768xf32> to vector<48x256xf32>
      %slice3A_904 = vector.extract_strided_slice %dot_general3A_855 {offsets = [0, 256], sizes = [48, 256], strides = [1, 1]} : vector<48x768xf32> to vector<48x256xf32>
      %add3A_905 = arith.addf %slice3A_903, %slice3A_904 : vector<48x256xf32>
      %mul3A_906 = arith.constant 5.000000e-01 : f32
      %mul3A_907 = vector.broadcast %mul3A_906 : f32 to vector<48x256xf32>
      %mul3A_908 = arith.mulf %add3A_905, %mul3A_907 : vector<48x256xf32>
      %tanh3A_909 = math.tanh %mul3A_908 : vector<48x256xf32>
      %mul3A_910 = arith.constant 5.000000e-01 : f32
      %mul3A_911 = vector.broadcast %mul3A_910 : f32 to vector<48x256xf32>
      %mul3A_912 = arith.mulf %tanh3A_909, %mul3A_911 : vector<48x256xf32>
      %add3A_913 = arith.constant 5.000000e-01 : f32
      %add3A_914 = vector.broadcast %add3A_913 : f32 to vector<48x256xf32>
      %add3A_915 = arith.addf %mul3A_912, %add3A_914 : vector<48x256xf32>
      %slice3A_916 = vector.extract_strided_slice %add3A_852 {offsets = [0, 512], sizes = [48, 256], strides = [1, 1]} : vector<48x768xf32> to vector<48x256xf32>
      %slice3A_917 = vector.extract_strided_slice %dot_general3A_855 {offsets = [0, 512], sizes = [48, 256], strides = [1, 1]} : vector<48x768xf32> to vector<48x256xf32>
      %mul3A_918 = arith.mulf %add3A_902, %slice3A_917 : vector<48x256xf32>
      %add3A_919 = arith.addf %slice3A_916, %mul3A_918 : vector<48x256xf32>
      %tanh3A_920 = math.tanh %add3A_919 : vector<48x256xf32>
      %sub3A_921 = arith.subf %add3A_832, %tanh3A_920 : vector<48x256xf32>
      %mul3A_922 = arith.mulf %add3A_915, %sub3A_921 : vector<48x256xf32>
      %add3A_923 = arith.addf %tanh3A_920, %mul3A_922 : vector<48x256xf32>
      %add3A_924 = arith.constant 9 : i32
      %add3A_925 = arith.addi %mul3A_107, %add3A_924 : i32
      %get3A_926 = arith.index_cast %add3A_925 : i32 to index
      %get3A_927 = arith.constant 0 : index
      %get3A_928 = arith.constant 0 : index
      %get3A_929 = vector.load %arg0[%get3A_926, %get3A_927, %get3A_928] : memref<200x100x32xbf16, #tpu.memory_space<vmem>>, vector<1x100x32xbf16>
      %get3A_930 = vector.shape_cast %get3A_929 : vector<1x100x32xbf16> to vector<100x32xbf16>
      %slice3A_931 = vector.extract_strided_slice %get3A_930 {offsets = [0, 0], sizes = [52, 32], strides = [1, 1]} : vector<100x32xbf16> to vector<52x32xbf16>
      %dot_general3A_932 = arith.constant dense<0.000000e+00> : vector<52x768xf32>
      %dot_general3A_933 = tpu.matmul %slice3A_931, %get3A_1, %dot_general3A_932 {dimension_numbers = #tpu.dot_dimension_numbers<[1], [0], [0], [1], [0, 0, 1, 1], [], []>, transpose_lhs_hint = false} : vector<52x32xbf16>, vector<32x768xbf16>, vector<52x768xf32> -> vector<52x768xf32>
      %add3A_934 = vector.broadcast %get3A_7 : vector<1x768xf32> to vector<52x768xf32>
      %add3A_935 = arith.addf %dot_general3A_933, %add3A_934 : vector<52x768xf32>
      %convert_element_type3A_936 = arith.truncf %add3A_889 : vector<52x256xf32> to vector<52x256xbf16>
      %dot_general3A_937 = arith.constant dense<0.000000e+00> : vector<52x768xf32>
      %dot_general3A_938 = tpu.matmul %convert_element_type3A_936, %get3A_4, %dot_general3A_937 {dimension_numbers = #tpu.dot_dimension_numbers<[1], [0], [0], [1], [0, 0, 1, 1], [], []>, transpose_lhs_hint = false} : vector<52x256xbf16>, vector<256x768xbf16>, vector<52x768xf32> -> vector<52x768xf32>
      %slice3A_939 = vector.extract_strided_slice %get3A_930 {offsets = [52, 0], sizes = [48, 32], strides = [1, 1]} : vector<100x32xbf16> to vector<48x32xbf16>
      %dot_general3A_940 = arith.constant dense<0.000000e+00> : vector<48x768xf32>
      %dot_general3A_941 = tpu.matmul %slice3A_939, %get3A_1, %dot_general3A_940 {dimension_numbers = #tpu.dot_dimension_numbers<[1], [0], [0], [1], [0, 0, 1, 1], [], []>, transpose_lhs_hint = false} : vector<48x32xbf16>, vector<32x768xbf16>, vector<48x768xf32> -> vector<48x768xf32>
      %add3A_942 = vector.broadcast %get3A_7 : vector<1x768xf32> to vector<48x768xf32>
      %add3A_943 = arith.addf %dot_general3A_941, %add3A_942 : vector<48x768xf32>
      %convert_element_type3A_944 = arith.truncf %add3A_923 : vector<48x256xf32> to vector<48x256xbf16>
      %dot_general3A_945 = arith.constant dense<0.000000e+00> : vector<48x768xf32>
      %dot_general3A_946 = tpu.matmul %convert_element_type3A_944, %get3A_4, %dot_general3A_945 {dimension_numbers = #tpu.dot_dimension_numbers<[1], [0], [0], [1], [0, 0, 1, 1], [], []>, transpose_lhs_hint = false} : vector<48x256xbf16>, vector<256x768xbf16>, vector<48x768xf32> -> vector<48x768xf32>
      %slice3A_947 = vector.extract_strided_slice %add3A_935 {offsets = [0, 0], sizes = [52, 256], strides = [1, 1]} : vector<52x768xf32> to vector<52x256xf32>
      %slice3A_948 = vector.extract_strided_slice %dot_general3A_938 {offsets = [0, 0], sizes = [52, 256], strides = [1, 1]} : vector<52x768xf32> to vector<52x256xf32>
      %add3A_949 = arith.addf %slice3A_947, %slice3A_948 : vector<52x256xf32>
      %mul3A_950 = arith.constant 5.000000e-01 : f32
      %mul3A_951 = vector.broadcast %mul3A_950 : f32 to vector<52x256xf32>
      %mul3A_952 = arith.mulf %add3A_949, %mul3A_951 : vector<52x256xf32>
      %tanh3A_953 = math.tanh %mul3A_952 : vector<52x256xf32>
      %mul3A_954 = arith.constant 5.000000e-01 : f32
      %mul3A_955 = vector.broadcast %mul3A_954 : f32 to vector<52x256xf32>
      %mul3A_956 = arith.mulf %tanh3A_953, %mul3A_955 : vector<52x256xf32>
      %add3A_957 = arith.constant 5.000000e-01 : f32
      %add3A_958 = vector.broadcast %add3A_957 : f32 to vector<52x256xf32>
      %add3A_959 = arith.addf %mul3A_956, %add3A_958 : vector<52x256xf32>
      %slice3A_960 = vector.extract_strided_slice %add3A_935 {offsets = [0, 256], sizes = [52, 256], strides = [1, 1]} : vector<52x768xf32> to vector<52x256xf32>
      %slice3A_961 = vector.extract_strided_slice %dot_general3A_938 {offsets = [0, 256], sizes = [52, 256], strides = [1, 1]} : vector<52x768xf32> to vector<52x256xf32>
      %add3A_962 = arith.addf %slice3A_960, %slice3A_961 : vector<52x256xf32>
      %mul3A_963 = arith.constant 5.000000e-01 : f32
      %mul3A_964 = vector.broadcast %mul3A_963 : f32 to vector<52x256xf32>
      %mul3A_965 = arith.mulf %add3A_962, %mul3A_964 : vector<52x256xf32>
      %tanh3A_966 = math.tanh %mul3A_965 : vector<52x256xf32>
      %mul3A_967 = arith.constant 5.000000e-01 : f32
      %mul3A_968 = vector.broadcast %mul3A_967 : f32 to vector<52x256xf32>
      %mul3A_969 = arith.mulf %tanh3A_966, %mul3A_968 : vector<52x256xf32>
      %add3A_970 = arith.constant 5.000000e-01 : f32
      %add3A_971 = vector.broadcast %add3A_970 : f32 to vector<52x256xf32>
      %add3A_972 = arith.addf %mul3A_969, %add3A_971 : vector<52x256xf32>
      %slice3A_973 = vector.extract_strided_slice %add3A_935 {offsets = [0, 512], sizes = [52, 256], strides = [1, 1]} : vector<52x768xf32> to vector<52x256xf32>
      %slice3A_974 = vector.extract_strided_slice %dot_general3A_938 {offsets = [0, 512], sizes = [52, 256], strides = [1, 1]} : vector<52x768xf32> to vector<52x256xf32>
      %mul3A_975 = arith.mulf %add3A_959, %slice3A_974 : vector<52x256xf32>
      %add3A_976 = arith.addf %slice3A_973, %mul3A_975 : vector<52x256xf32>
      %tanh3A_977 = math.tanh %add3A_976 : vector<52x256xf32>
      %sub3A_978 = arith.subf %add3A_889, %tanh3A_977 : vector<52x256xf32>
      %mul3A_979 = arith.mulf %add3A_972, %sub3A_978 : vector<52x256xf32>
      %add3A_980 = arith.addf %tanh3A_977, %mul3A_979 : vector<52x256xf32>
      %slice3A_981 = vector.extract_strided_slice %add3A_943 {offsets = [0, 0], sizes = [48, 256], strides = [1, 1]} : vector<48x768xf32> to vector<48x256xf32>
      %slice3A_982 = vector.extract_strided_slice %dot_general3A_946 {offsets = [0, 0], sizes = [48, 256], strides = [1, 1]} : vector<48x768xf32> to vector<48x256xf32>
      %add3A_983 = arith.addf %slice3A_981, %slice3A_982 : vector<48x256xf32>
      %mul3A_984 = arith.constant 5.000000e-01 : f32
      %mul3A_985 = vector.broadcast %mul3A_984 : f32 to vector<48x256xf32>
      %mul3A_986 = arith.mulf %add3A_983, %mul3A_985 : vector<48x256xf32>
      %tanh3A_987 = math.tanh %mul3A_986 : vector<48x256xf32>
      %mul3A_988 = arith.constant 5.000000e-01 : f32
      %mul3A_989 = vector.broadcast %mul3A_988 : f32 to vector<48x256xf32>
      %mul3A_990 = arith.mulf %tanh3A_987, %mul3A_989 : vector<48x256xf32>
      %add3A_991 = arith.constant 5.000000e-01 : f32
      %add3A_992 = vector.broadcast %add3A_991 : f32 to vector<48x256xf32>
      %add3A_993 = arith.addf %mul3A_990, %add3A_992 : vector<48x256xf32>
      %slice3A_994 = vector.extract_strided_slice %add3A_943 {offsets = [0, 256], sizes = [48, 256], strides = [1, 1]} : vector<48x768xf32> to vector<48x256xf32>
      %slice3A_995 = vector.extract_strided_slice %dot_general3A_946 {offsets = [0, 256], sizes = [48, 256], strides = [1, 1]} : vector<48x768xf32> to vector<48x256xf32>
      %add3A_996 = arith.addf %slice3A_994, %slice3A_995 : vector<48x256xf32>
      %mul3A_997 = arith.constant 5.000000e-01 : f32
      %mul3A_998 = vector.broadcast %mul3A_997 : f32 to vector<48x256xf32>
      %mul3A_999 = arith.mulf %add3A_996, %mul3A_998 : vector<48x256xf32>
      %tanh3A_1000 = math.tanh %mul3A_999 : vector<48x256xf32>
      %mul3A_1001 = arith.constant 5.000000e-01 : f32
      %mul3A_1002 = vector.broadcast %mul3A_1001 : f32 to vector<48x256xf32>
      %mul3A_1003 = arith.mulf %tanh3A_1000, %mul3A_1002 : vector<48x256xf32>
      %add3A_1004 = arith.constant 5.000000e-01 : f32
      %add3A_1005 = vector.broadcast %add3A_1004 : f32 to vector<48x256xf32>
      %add3A_1006 = arith.addf %mul3A_1003, %add3A_1005 : vector<48x256xf32>
      %slice3A_1007 = vector.extract_strided_slice %add3A_943 {offsets = [0, 512], sizes = [48, 256], strides = [1, 1]} : vector<48x768xf32> to vector<48x256xf32>
      %slice3A_1008 = vector.extract_strided_slice %dot_general3A_946 {offsets = [0, 512], sizes = [48, 256], strides = [1, 1]} : vector<48x768xf32> to vector<48x256xf32>
      %mul3A_1009 = arith.mulf %add3A_993, %slice3A_1008 : vector<48x256xf32>
      %add3A_1010 = arith.addf %slice3A_1007, %mul3A_1009 : vector<48x256xf32>
      %tanh3A_1011 = math.tanh %add3A_1010 : vector<48x256xf32>
      %sub3A_1012 = arith.subf %add3A_923, %tanh3A_1011 : vector<48x256xf32>
      %mul3A_1013 = arith.mulf %add3A_1006, %sub3A_1012 : vector<48x256xf32>
      %add3A_1014 = arith.addf %tanh3A_1011, %mul3A_1013 : vector<48x256xf32>
      %add3A_1015 = arith.constant 10 : i32
      %add3A_1016 = arith.addi %mul3A_107, %add3A_1015 : i32
      %get3A_1017 = arith.index_cast %add3A_1016 : i32 to index
      %get3A_1018 = arith.constant 0 : index
      %get3A_1019 = arith.constant 0 : index
      %get3A_1020 = vector.load %arg0[%get3A_1017, %get3A_1018, %get3A_1019] : memref<200x100x32xbf16, #tpu.memory_space<vmem>>, vector<1x100x32xbf16>
      %get3A_1021 = vector.shape_cast %get3A_1020 : vector<1x100x32xbf16> to vector<100x32xbf16>
      %slice3A_1022 = vector.extract_strided_slice %get3A_1021 {offsets = [0, 0], sizes = [52, 32], strides = [1, 1]} : vector<100x32xbf16> to vector<52x32xbf16>
      %dot_general3A_1023 = arith.constant dense<0.000000e+00> : vector<52x768xf32>
      %dot_general3A_1024 = tpu.matmul %slice3A_1022, %get3A_1, %dot_general3A_1023 {dimension_numbers = #tpu.dot_dimension_numbers<[1], [0], [0], [1], [0, 0, 1, 1], [], []>, transpose_lhs_hint = false} : vector<52x32xbf16>, vector<32x768xbf16>, vector<52x768xf32> -> vector<52x768xf32>
      %add3A_1025 = vector.broadcast %get3A_7 : vector<1x768xf32> to vector<52x768xf32>
      %add3A_1026 = arith.addf %dot_general3A_1024, %add3A_1025 : vector<52x768xf32>
      %convert_element_type3A_1027 = arith.truncf %add3A_980 : vector<52x256xf32> to vector<52x256xbf16>
      %dot_general3A_1028 = arith.constant dense<0.000000e+00> : vector<52x768xf32>
      %dot_general3A_1029 = tpu.matmul %convert_element_type3A_1027, %get3A_4, %dot_general3A_1028 {dimension_numbers = #tpu.dot_dimension_numbers<[1], [0], [0], [1], [0, 0, 1, 1], [], []>, transpose_lhs_hint = false} : vector<52x256xbf16>, vector<256x768xbf16>, vector<52x768xf32> -> vector<52x768xf32>
      %slice3A_1030 = vector.extract_strided_slice %get3A_1021 {offsets = [52, 0], sizes = [48, 32], strides = [1, 1]} : vector<100x32xbf16> to vector<48x32xbf16>
      %dot_general3A_1031 = arith.constant dense<0.000000e+00> : vector<48x768xf32>
      %dot_general3A_1032 = tpu.matmul %slice3A_1030, %get3A_1, %dot_general3A_1031 {dimension_numbers = #tpu.dot_dimension_numbers<[1], [0], [0], [1], [0, 0, 1, 1], [], []>, transpose_lhs_hint = false} : vector<48x32xbf16>, vector<32x768xbf16>, vector<48x768xf32> -> vector<48x768xf32>
      %add3A_1033 = vector.broadcast %get3A_7 : vector<1x768xf32> to vector<48x768xf32>
      %add3A_1034 = arith.addf %dot_general3A_1032, %add3A_1033 : vector<48x768xf32>
      %convert_element_type3A_1035 = arith.truncf %add3A_1014 : vector<48x256xf32> to vector<48x256xbf16>
      %dot_general3A_1036 = arith.constant dense<0.000000e+00> : vector<48x768xf32>
      %dot_general3A_1037 = tpu.matmul %convert_element_type3A_1035, %get3A_4, %dot_general3A_1036 {dimension_numbers = #tpu.dot_dimension_numbers<[1], [0], [0], [1], [0, 0, 1, 1], [], []>, transpose_lhs_hint = false} : vector<48x256xbf16>, vector<256x768xbf16>, vector<48x768xf32> -> vector<48x768xf32>
      %slice3A_1038 = vector.extract_strided_slice %add3A_1026 {offsets = [0, 0], sizes = [52, 256], strides = [1, 1]} : vector<52x768xf32> to vector<52x256xf32>
      %slice3A_1039 = vector.extract_strided_slice %dot_general3A_1029 {offsets = [0, 0], sizes = [52, 256], strides = [1, 1]} : vector<52x768xf32> to vector<52x256xf32>
      %add3A_1040 = arith.addf %slice3A_1038, %slice3A_1039 : vector<52x256xf32>
      %mul3A_1041 = arith.constant 5.000000e-01 : f32
      %mul3A_1042 = vector.broadcast %mul3A_1041 : f32 to vector<52x256xf32>
      %mul3A_1043 = arith.mulf %add3A_1040, %mul3A_1042 : vector<52x256xf32>
      %tanh3A_1044 = math.tanh %mul3A_1043 : vector<52x256xf32>
      %mul3A_1045 = arith.constant 5.000000e-01 : f32
      %mul3A_1046 = vector.broadcast %mul3A_1045 : f32 to vector<52x256xf32>
      %mul3A_1047 = arith.mulf %tanh3A_1044, %mul3A_1046 : vector<52x256xf32>
      %add3A_1048 = arith.constant 5.000000e-01 : f32
      %add3A_1049 = vector.broadcast %add3A_1048 : f32 to vector<52x256xf32>
      %add3A_1050 = arith.addf %mul3A_1047, %add3A_1049 : vector<52x256xf32>
      %slice3A_1051 = vector.extract_strided_slice %add3A_1026 {offsets = [0, 256], sizes = [52, 256], strides = [1, 1]} : vector<52x768xf32> to vector<52x256xf32>
      %slice3A_1052 = vector.extract_strided_slice %dot_general3A_1029 {offsets = [0, 256], sizes = [52, 256], strides = [1, 1]} : vector<52x768xf32> to vector<52x256xf32>
      %add3A_1053 = arith.addf %slice3A_1051, %slice3A_1052 : vector<52x256xf32>
      %mul3A_1054 = arith.constant 5.000000e-01 : f32
      %mul3A_1055 = vector.broadcast %mul3A_1054 : f32 to vector<52x256xf32>
      %mul3A_1056 = arith.mulf %add3A_1053, %mul3A_1055 : vector<52x256xf32>
      %tanh3A_1057 = math.tanh %mul3A_1056 : vector<52x256xf32>
      %mul3A_1058 = arith.constant 5.000000e-01 : f32
      %mul3A_1059 = vector.broadcast %mul3A_1058 : f32 to vector<52x256xf32>
      %mul3A_1060 = arith.mulf %tanh3A_1057, %mul3A_1059 : vector<52x256xf32>
      %add3A_1061 = arith.constant 5.000000e-01 : f32
      %add3A_1062 = vector.broadcast %add3A_1061 : f32 to vector<52x256xf32>
      %add3A_1063 = arith.addf %mul3A_1060, %add3A_1062 : vector<52x256xf32>
      %slice3A_1064 = vector.extract_strided_slice %add3A_1026 {offsets = [0, 512], sizes = [52, 256], strides = [1, 1]} : vector<52x768xf32> to vector<52x256xf32>
      %slice3A_1065 = vector.extract_strided_slice %dot_general3A_1029 {offsets = [0, 512], sizes = [52, 256], strides = [1, 1]} : vector<52x768xf32> to vector<52x256xf32>
      %mul3A_1066 = arith.mulf %add3A_1050, %slice3A_1065 : vector<52x256xf32>
      %add3A_1067 = arith.addf %slice3A_1064, %mul3A_1066 : vector<52x256xf32>
      %tanh3A_1068 = math.tanh %add3A_1067 : vector<52x256xf32>
      %sub3A_1069 = arith.subf %add3A_980, %tanh3A_1068 : vector<52x256xf32>
      %mul3A_1070 = arith.mulf %add3A_1063, %sub3A_1069 : vector<52x256xf32>
      %add3A_1071 = arith.addf %tanh3A_1068, %mul3A_1070 : vector<52x256xf32>
      %slice3A_1072 = vector.extract_strided_slice %add3A_1034 {offsets = [0, 0], sizes = [48, 256], strides = [1, 1]} : vector<48x768xf32> to vector<48x256xf32>
      %slice3A_1073 = vector.extract_strided_slice %dot_general3A_1037 {offsets = [0, 0], sizes = [48, 256], strides = [1, 1]} : vector<48x768xf32> to vector<48x256xf32>
      %add3A_1074 = arith.addf %slice3A_1072, %slice3A_1073 : vector<48x256xf32>
      %mul3A_1075 = arith.constant 5.000000e-01 : f32
      %mul3A_1076 = vector.broadcast %mul3A_1075 : f32 to vector<48x256xf32>
      %mul3A_1077 = arith.mulf %add3A_1074, %mul3A_1076 : vector<48x256xf32>
      %tanh3A_1078 = math.tanh %mul3A_1077 : vector<48x256xf32>
      %mul3A_1079 = arith.constant 5.000000e-01 : f32
      %mul3A_1080 = vector.broadcast %mul3A_1079 : f32 to vector<48x256xf32>
      %mul3A_1081 = arith.mulf %tanh3A_1078, %mul3A_1080 : vector<48x256xf32>
      %add3A_1082 = arith.constant 5.000000e-01 : f32
      %add3A_1083 = vector.broadcast %add3A_1082 : f32 to vector<48x256xf32>
      %add3A_1084 = arith.addf %mul3A_1081, %add3A_1083 : vector<48x256xf32>
      %slice3A_1085 = vector.extract_strided_slice %add3A_1034 {offsets = [0, 256], sizes = [48, 256], strides = [1, 1]} : vector<48x768xf32> to vector<48x256xf32>
      %slice3A_1086 = vector.extract_strided_slice %dot_general3A_1037 {offsets = [0, 256], sizes = [48, 256], strides = [1, 1]} : vector<48x768xf32> to vector<48x256xf32>
      %add3A_1087 = arith.addf %slice3A_1085, %slice3A_1086 : vector<48x256xf32>
      %mul3A_1088 = arith.constant 5.000000e-01 : f32
      %mul3A_1089 = vector.broadcast %mul3A_1088 : f32 to vector<48x256xf32>
      %mul3A_1090 = arith.mulf %add3A_1087, %mul3A_1089 : vector<48x256xf32>
      %tanh3A_1091 = math.tanh %mul3A_1090 : vector<48x256xf32>
      %mul3A_1092 = arith.constant 5.000000e-01 : f32
      %mul3A_1093 = vector.broadcast %mul3A_1092 : f32 to vector<48x256xf32>
      %mul3A_1094 = arith.mulf %tanh3A_1091, %mul3A_1093 : vector<48x256xf32>
      %add3A_1095 = arith.constant 5.000000e-01 : f32
      %add3A_1096 = vector.broadcast %add3A_1095 : f32 to vector<48x256xf32>
      %add3A_1097 = arith.addf %mul3A_1094, %add3A_1096 : vector<48x256xf32>
      %slice3A_1098 = vector.extract_strided_slice %add3A_1034 {offsets = [0, 512], sizes = [48, 256], strides = [1, 1]} : vector<48x768xf32> to vector<48x256xf32>
      %slice3A_1099 = vector.extract_strided_slice %dot_general3A_1037 {offsets = [0, 512], sizes = [48, 256], strides = [1, 1]} : vector<48x768xf32> to vector<48x256xf32>
      %mul3A_1100 = arith.mulf %add3A_1084, %slice3A_1099 : vector<48x256xf32>
      %add3A_1101 = arith.addf %slice3A_1098, %mul3A_1100 : vector<48x256xf32>
      %tanh3A_1102 = math.tanh %add3A_1101 : vector<48x256xf32>
      %sub3A_1103 = arith.subf %add3A_1014, %tanh3A_1102 : vector<48x256xf32>
      %mul3A_1104 = arith.mulf %add3A_1097, %sub3A_1103 : vector<48x256xf32>
      %add3A_1105 = arith.addf %tanh3A_1102, %mul3A_1104 : vector<48x256xf32>
      %add3A_1106 = arith.constant 11 : i32
      %add3A_1107 = arith.addi %mul3A_107, %add3A_1106 : i32
      %get3A_1108 = arith.index_cast %add3A_1107 : i32 to index
      %get3A_1109 = arith.constant 0 : index
      %get3A_1110 = arith.constant 0 : index
      %get3A_1111 = vector.load %arg0[%get3A_1108, %get3A_1109, %get3A_1110] : memref<200x100x32xbf16, #tpu.memory_space<vmem>>, vector<1x100x32xbf16>
      %get3A_1112 = vector.shape_cast %get3A_1111 : vector<1x100x32xbf16> to vector<100x32xbf16>
      %slice3A_1113 = vector.extract_strided_slice %get3A_1112 {offsets = [0, 0], sizes = [52, 32], strides = [1, 1]} : vector<100x32xbf16> to vector<52x32xbf16>
      %dot_general3A_1114 = arith.constant dense<0.000000e+00> : vector<52x768xf32>
      %dot_general3A_1115 = tpu.matmul %slice3A_1113, %get3A_1, %dot_general3A_1114 {dimension_numbers = #tpu.dot_dimension_numbers<[1], [0], [0], [1], [0, 0, 1, 1], [], []>, transpose_lhs_hint = false} : vector<52x32xbf16>, vector<32x768xbf16>, vector<52x768xf32> -> vector<52x768xf32>
      %add3A_1116 = vector.broadcast %get3A_7 : vector<1x768xf32> to vector<52x768xf32>
      %add3A_1117 = arith.addf %dot_general3A_1115, %add3A_1116 : vector<52x768xf32>
      %convert_element_type3A_1118 = arith.truncf %add3A_1071 : vector<52x256xf32> to vector<52x256xbf16>
      %dot_general3A_1119 = arith.constant dense<0.000000e+00> : vector<52x768xf32>
      %dot_general3A_1120 = tpu.matmul %convert_element_type3A_1118, %get3A_4, %dot_general3A_1119 {dimension_numbers = #tpu.dot_dimension_numbers<[1], [0], [0], [1], [0, 0, 1, 1], [], []>, transpose_lhs_hint = false} : vector<52x256xbf16>, vector<256x768xbf16>, vector<52x768xf32> -> vector<52x768xf32>
      %slice3A_1121 = vector.extract_strided_slice %get3A_1112 {offsets = [52, 0], sizes = [48, 32], strides = [1, 1]} : vector<100x32xbf16> to vector<48x32xbf16>
      %dot_general3A_1122 = arith.constant dense<0.000000e+00> : vector<48x768xf32>
      %dot_general3A_1123 = tpu.matmul %slice3A_1121, %get3A_1, %dot_general3A_1122 {dimension_numbers = #tpu.dot_dimension_numbers<[1], [0], [0], [1], [0, 0, 1, 1], [], []>, transpose_lhs_hint = false} : vector<48x32xbf16>, vector<32x768xbf16>, vector<48x768xf32> -> vector<48x768xf32>
      %add3A_1124 = vector.broadcast %get3A_7 : vector<1x768xf32> to vector<48x768xf32>
      %add3A_1125 = arith.addf %dot_general3A_1123, %add3A_1124 : vector<48x768xf32>
      %convert_element_type3A_1126 = arith.truncf %add3A_1105 : vector<48x256xf32> to vector<48x256xbf16>
      %dot_general3A_1127 = arith.constant dense<0.000000e+00> : vector<48x768xf32>
      %dot_general3A_1128 = tpu.matmul %convert_element_type3A_1126, %get3A_4, %dot_general3A_1127 {dimension_numbers = #tpu.dot_dimension_numbers<[1], [0], [0], [1], [0, 0, 1, 1], [], []>, transpose_lhs_hint = false} : vector<48x256xbf16>, vector<256x768xbf16>, vector<48x768xf32> -> vector<48x768xf32>
      %slice3A_1129 = vector.extract_strided_slice %add3A_1117 {offsets = [0, 0], sizes = [52, 256], strides = [1, 1]} : vector<52x768xf32> to vector<52x256xf32>
      %slice3A_1130 = vector.extract_strided_slice %dot_general3A_1120 {offsets = [0, 0], sizes = [52, 256], strides = [1, 1]} : vector<52x768xf32> to vector<52x256xf32>
      %add3A_1131 = arith.addf %slice3A_1129, %slice3A_1130 : vector<52x256xf32>
      %mul3A_1132 = arith.constant 5.000000e-01 : f32
      %mul3A_1133 = vector.broadcast %mul3A_1132 : f32 to vector<52x256xf32>
      %mul3A_1134 = arith.mulf %add3A_1131, %mul3A_1133 : vector<52x256xf32>
      %tanh3A_1135 = math.tanh %mul3A_1134 : vector<52x256xf32>
      %mul3A_1136 = arith.constant 5.000000e-01 : f32
      %mul3A_1137 = vector.broadcast %mul3A_1136 : f32 to vector<52x256xf32>
      %mul3A_1138 = arith.mulf %tanh3A_1135, %mul3A_1137 : vector<52x256xf32>
      %add3A_1139 = arith.constant 5.000000e-01 : f32
      %add3A_1140 = vector.broadcast %add3A_1139 : f32 to vector<52x256xf32>
      %add3A_1141 = arith.addf %mul3A_1138, %add3A_1140 : vector<52x256xf32>
      %slice3A_1142 = vector.extract_strided_slice %add3A_1117 {offsets = [0, 256], sizes = [52, 256], strides = [1, 1]} : vector<52x768xf32> to vector<52x256xf32>
      %slice3A_1143 = vector.extract_strided_slice %dot_general3A_1120 {offsets = [0, 256], sizes = [52, 256], strides = [1, 1]} : vector<52x768xf32> to vector<52x256xf32>
      %add3A_1144 = arith.addf %slice3A_1142, %slice3A_1143 : vector<52x256xf32>
      %mul3A_1145 = arith.constant 5.000000e-01 : f32
      %mul3A_1146 = vector.broadcast %mul3A_1145 : f32 to vector<52x256xf32>
      %mul3A_1147 = arith.mulf %add3A_1144, %mul3A_1146 : vector<52x256xf32>
      %tanh3A_1148 = math.tanh %mul3A_1147 : vector<52x256xf32>
      %mul3A_1149 = arith.constant 5.000000e-01 : f32
      %mul3A_1150 = vector.broadcast %mul3A_1149 : f32 to vector<52x256xf32>
      %mul3A_1151 = arith.mulf %tanh3A_1148, %mul3A_1150 : vector<52x256xf32>
      %add3A_1152 = arith.constant 5.000000e-01 : f32
      %add3A_1153 = vector.broadcast %add3A_1152 : f32 to vector<52x256xf32>
      %add3A_1154 = arith.addf %mul3A_1151, %add3A_1153 : vector<52x256xf32>
      %slice3A_1155 = vector.extract_strided_slice %add3A_1117 {offsets = [0, 512], sizes = [52, 256], strides = [1, 1]} : vector<52x768xf32> to vector<52x256xf32>
      %slice3A_1156 = vector.extract_strided_slice %dot_general3A_1120 {offsets = [0, 512], sizes = [52, 256], strides = [1, 1]} : vector<52x768xf32> to vector<52x256xf32>
      %mul3A_1157 = arith.mulf %add3A_1141, %slice3A_1156 : vector<52x256xf32>
      %add3A_1158 = arith.addf %slice3A_1155, %mul3A_1157 : vector<52x256xf32>
      %tanh3A_1159 = math.tanh %add3A_1158 : vector<52x256xf32>
      %sub3A_1160 = arith.subf %add3A_1071, %tanh3A_1159 : vector<52x256xf32>
      %mul3A_1161 = arith.mulf %add3A_1154, %sub3A_1160 : vector<52x256xf32>
      %add3A_1162 = arith.addf %tanh3A_1159, %mul3A_1161 : vector<52x256xf32>
      %slice3A_1163 = vector.extract_strided_slice %add3A_1125 {offsets = [0, 0], sizes = [48, 256], strides = [1, 1]} : vector<48x768xf32> to vector<48x256xf32>
      %slice3A_1164 = vector.extract_strided_slice %dot_general3A_1128 {offsets = [0, 0], sizes = [48, 256], strides = [1, 1]} : vector<48x768xf32> to vector<48x256xf32>
      %add3A_1165 = arith.addf %slice3A_1163, %slice3A_1164 : vector<48x256xf32>
      %mul3A_1166 = arith.constant 5.000000e-01 : f32
      %mul3A_1167 = vector.broadcast %mul3A_1166 : f32 to vector<48x256xf32>
      %mul3A_1168 = arith.mulf %add3A_1165, %mul3A_1167 : vector<48x256xf32>
      %tanh3A_1169 = math.tanh %mul3A_1168 : vector<48x256xf32>
      %mul3A_1170 = arith.constant 5.000000e-01 : f32
      %mul3A_1171 = vector.broadcast %mul3A_1170 : f32 to vector<48x256xf32>
      %mul3A_1172 = arith.mulf %tanh3A_1169, %mul3A_1171 : vector<48x256xf32>
      %add3A_1173 = arith.constant 5.000000e-01 : f32
      %add3A_1174 = vector.broadcast %add3A_1173 : f32 to vector<48x256xf32>
      %add3A_1175 = arith.addf %mul3A_1172, %add3A_1174 : vector<48x256xf32>
      %slice3A_1176 = vector.extract_strided_slice %add3A_1125 {offsets = [0, 256], sizes = [48, 256], strides = [1, 1]} : vector<48x768xf32> to vector<48x256xf32>
      %slice3A_1177 = vector.extract_strided_slice %dot_general3A_1128 {offsets = [0, 256], sizes = [48, 256], strides = [1, 1]} : vector<48x768xf32> to vector<48x256xf32>
      %add3A_1178 = arith.addf %slice3A_1176, %slice3A_1177 : vector<48x256xf32>
      %mul3A_1179 = arith.constant 5.000000e-01 : f32
      %mul3A_1180 = vector.broadcast %mul3A_1179 : f32 to vector<48x256xf32>
      %mul3A_1181 = arith.mulf %add3A_1178, %mul3A_1180 : vector<48x256xf32>
      %tanh3A_1182 = math.tanh %mul3A_1181 : vector<48x256xf32>
      %mul3A_1183 = arith.constant 5.000000e-01 : f32
      %mul3A_1184 = vector.broadcast %mul3A_1183 : f32 to vector<48x256xf32>
      %mul3A_1185 = arith.mulf %tanh3A_1182, %mul3A_1184 : vector<48x256xf32>
      %add3A_1186 = arith.constant 5.000000e-01 : f32
      %add3A_1187 = vector.broadcast %add3A_1186 : f32 to vector<48x256xf32>
      %add3A_1188 = arith.addf %mul3A_1185, %add3A_1187 : vector<48x256xf32>
      %slice3A_1189 = vector.extract_strided_slice %add3A_1125 {offsets = [0, 512], sizes = [48, 256], strides = [1, 1]} : vector<48x768xf32> to vector<48x256xf32>
      %slice3A_1190 = vector.extract_strided_slice %dot_general3A_1128 {offsets = [0, 512], sizes = [48, 256], strides = [1, 1]} : vector<48x768xf32> to vector<48x256xf32>
      %mul3A_1191 = arith.mulf %add3A_1175, %slice3A_1190 : vector<48x256xf32>
      %add3A_1192 = arith.addf %slice3A_1189, %mul3A_1191 : vector<48x256xf32>
      %tanh3A_1193 = math.tanh %add3A_1192 : vector<48x256xf32>
      %sub3A_1194 = arith.subf %add3A_1105, %tanh3A_1193 : vector<48x256xf32>
      %mul3A_1195 = arith.mulf %add3A_1188, %sub3A_1194 : vector<48x256xf32>
      %add3A_1196 = arith.addf %tanh3A_1193, %mul3A_1195 : vector<48x256xf32>
      %add3A_1197 = arith.constant 12 : i32
      %add3A_1198 = arith.addi %mul3A_107, %add3A_1197 : i32
      %get3A_1199 = arith.index_cast %add3A_1198 : i32 to index
      %get3A_1200 = arith.constant 0 : index
      %get3A_1201 = arith.constant 0 : index
      %get3A_1202 = vector.load %arg0[%get3A_1199, %get3A_1200, %get3A_1201] : memref<200x100x32xbf16, #tpu.memory_space<vmem>>, vector<1x100x32xbf16>
      %get3A_1203 = vector.shape_cast %get3A_1202 : vector<1x100x32xbf16> to vector<100x32xbf16>
      %slice3A_1204 = vector.extract_strided_slice %get3A_1203 {offsets = [0, 0], sizes = [52, 32], strides = [1, 1]} : vector<100x32xbf16> to vector<52x32xbf16>
      %dot_general3A_1205 = arith.constant dense<0.000000e+00> : vector<52x768xf32>
      %dot_general3A_1206 = tpu.matmul %slice3A_1204, %get3A_1, %dot_general3A_1205 {dimension_numbers = #tpu.dot_dimension_numbers<[1], [0], [0], [1], [0, 0, 1, 1], [], []>, transpose_lhs_hint = false} : vector<52x32xbf16>, vector<32x768xbf16>, vector<52x768xf32> -> vector<52x768xf32>
      %add3A_1207 = vector.broadcast %get3A_7 : vector<1x768xf32> to vector<52x768xf32>
      %add3A_1208 = arith.addf %dot_general3A_1206, %add3A_1207 : vector<52x768xf32>
      %convert_element_type3A_1209 = arith.truncf %add3A_1162 : vector<52x256xf32> to vector<52x256xbf16>
      %dot_general3A_1210 = arith.constant dense<0.000000e+00> : vector<52x768xf32>
      %dot_general3A_1211 = tpu.matmul %convert_element_type3A_1209, %get3A_4, %dot_general3A_1210 {dimension_numbers = #tpu.dot_dimension_numbers<[1], [0], [0], [1], [0, 0, 1, 1], [], []>, transpose_lhs_hint = false} : vector<52x256xbf16>, vector<256x768xbf16>, vector<52x768xf32> -> vector<52x768xf32>
      %slice3A_1212 = vector.extract_strided_slice %get3A_1203 {offsets = [52, 0], sizes = [48, 32], strides = [1, 1]} : vector<100x32xbf16> to vector<48x32xbf16>
      %dot_general3A_1213 = arith.constant dense<0.000000e+00> : vector<48x768xf32>
      %dot_general3A_1214 = tpu.matmul %slice3A_1212, %get3A_1, %dot_general3A_1213 {dimension_numbers = #tpu.dot_dimension_numbers<[1], [0], [0], [1], [0, 0, 1, 1], [], []>, transpose_lhs_hint = false} : vector<48x32xbf16>, vector<32x768xbf16>, vector<48x768xf32> -> vector<48x768xf32>
      %add3A_1215 = vector.broadcast %get3A_7 : vector<1x768xf32> to vector<48x768xf32>
      %add3A_1216 = arith.addf %dot_general3A_1214, %add3A_1215 : vector<48x768xf32>
      %convert_element_type3A_1217 = arith.truncf %add3A_1196 : vector<48x256xf32> to vector<48x256xbf16>
      %dot_general3A_1218 = arith.constant dense<0.000000e+00> : vector<48x768xf32>
      %dot_general3A_1219 = tpu.matmul %convert_element_type3A_1217, %get3A_4, %dot_general3A_1218 {dimension_numbers = #tpu.dot_dimension_numbers<[1], [0], [0], [1], [0, 0, 1, 1], [], []>, transpose_lhs_hint = false} : vector<48x256xbf16>, vector<256x768xbf16>, vector<48x768xf32> -> vector<48x768xf32>
      %slice3A_1220 = vector.extract_strided_slice %add3A_1208 {offsets = [0, 0], sizes = [52, 256], strides = [1, 1]} : vector<52x768xf32> to vector<52x256xf32>
      %slice3A_1221 = vector.extract_strided_slice %dot_general3A_1211 {offsets = [0, 0], sizes = [52, 256], strides = [1, 1]} : vector<52x768xf32> to vector<52x256xf32>
      %add3A_1222 = arith.addf %slice3A_1220, %slice3A_1221 : vector<52x256xf32>
      %mul3A_1223 = arith.constant 5.000000e-01 : f32
      %mul3A_1224 = vector.broadcast %mul3A_1223 : f32 to vector<52x256xf32>
      %mul3A_1225 = arith.mulf %add3A_1222, %mul3A_1224 : vector<52x256xf32>
      %tanh3A_1226 = math.tanh %mul3A_1225 : vector<52x256xf32>
      %mul3A_1227 = arith.constant 5.000000e-01 : f32
      %mul3A_1228 = vector.broadcast %mul3A_1227 : f32 to vector<52x256xf32>
      %mul3A_1229 = arith.mulf %tanh3A_1226, %mul3A_1228 : vector<52x256xf32>
      %add3A_1230 = arith.constant 5.000000e-01 : f32
      %add3A_1231 = vector.broadcast %add3A_1230 : f32 to vector<52x256xf32>
      %add3A_1232 = arith.addf %mul3A_1229, %add3A_1231 : vector<52x256xf32>
      %slice3A_1233 = vector.extract_strided_slice %add3A_1208 {offsets = [0, 256], sizes = [52, 256], strides = [1, 1]} : vector<52x768xf32> to vector<52x256xf32>
      %slice3A_1234 = vector.extract_strided_slice %dot_general3A_1211 {offsets = [0, 256], sizes = [52, 256], strides = [1, 1]} : vector<52x768xf32> to vector<52x256xf32>
      %add3A_1235 = arith.addf %slice3A_1233, %slice3A_1234 : vector<52x256xf32>
      %mul3A_1236 = arith.constant 5.000000e-01 : f32
      %mul3A_1237 = vector.broadcast %mul3A_1236 : f32 to vector<52x256xf32>
      %mul3A_1238 = arith.mulf %add3A_1235, %mul3A_1237 : vector<52x256xf32>
      %tanh3A_1239 = math.tanh %mul3A_1238 : vector<52x256xf32>
      %mul3A_1240 = arith.constant 5.000000e-01 : f32
      %mul3A_1241 = vector.broadcast %mul3A_1240 : f32 to vector<52x256xf32>
      %mul3A_1242 = arith.mulf %tanh3A_1239, %mul3A_1241 : vector<52x256xf32>
      %add3A_1243 = arith.constant 5.000000e-01 : f32
      %add3A_1244 = vector.broadcast %add3A_1243 : f32 to vector<52x256xf32>
      %add3A_1245 = arith.addf %mul3A_1242, %add3A_1244 : vector<52x256xf32>
      %slice3A_1246 = vector.extract_strided_slice %add3A_1208 {offsets = [0, 512], sizes = [52, 256], strides = [1, 1]} : vector<52x768xf32> to vector<52x256xf32>
      %slice3A_1247 = vector.extract_strided_slice %dot_general3A_1211 {offsets = [0, 512], sizes = [52, 256], strides = [1, 1]} : vector<52x768xf32> to vector<52x256xf32>
      %mul3A_1248 = arith.mulf %add3A_1232, %slice3A_1247 : vector<52x256xf32>
      %add3A_1249 = arith.addf %slice3A_1246, %mul3A_1248 : vector<52x256xf32>
      %tanh3A_1250 = math.tanh %add3A_1249 : vector<52x256xf32>
      %sub3A_1251 = arith.subf %add3A_1162, %tanh3A_1250 : vector<52x256xf32>
      %mul3A_1252 = arith.mulf %add3A_1245, %sub3A_1251 : vector<52x256xf32>
      %add3A_1253 = arith.addf %tanh3A_1250, %mul3A_1252 : vector<52x256xf32>
      %slice3A_1254 = vector.extract_strided_slice %add3A_1216 {offsets = [0, 0], sizes = [48, 256], strides = [1, 1]} : vector<48x768xf32> to vector<48x256xf32>
      %slice3A_1255 = vector.extract_strided_slice %dot_general3A_1219 {offsets = [0, 0], sizes = [48, 256], strides = [1, 1]} : vector<48x768xf32> to vector<48x256xf32>
      %add3A_1256 = arith.addf %slice3A_1254, %slice3A_1255 : vector<48x256xf32>
      %mul3A_1257 = arith.constant 5.000000e-01 : f32
      %mul3A_1258 = vector.broadcast %mul3A_1257 : f32 to vector<48x256xf32>
      %mul3A_1259 = arith.mulf %add3A_1256, %mul3A_1258 : vector<48x256xf32>
      %tanh3A_1260 = math.tanh %mul3A_1259 : vector<48x256xf32>
      %mul3A_1261 = arith.constant 5.000000e-01 : f32
      %mul3A_1262 = vector.broadcast %mul3A_1261 : f32 to vector<48x256xf32>
      %mul3A_1263 = arith.mulf %tanh3A_1260, %mul3A_1262 : vector<48x256xf32>
      %add3A_1264 = arith.constant 5.000000e-01 : f32
      %add3A_1265 = vector.broadcast %add3A_1264 : f32 to vector<48x256xf32>
      %add3A_1266 = arith.addf %mul3A_1263, %add3A_1265 : vector<48x256xf32>
      %slice3A_1267 = vector.extract_strided_slice %add3A_1216 {offsets = [0, 256], sizes = [48, 256], strides = [1, 1]} : vector<48x768xf32> to vector<48x256xf32>
      %slice3A_1268 = vector.extract_strided_slice %dot_general3A_1219 {offsets = [0, 256], sizes = [48, 256], strides = [1, 1]} : vector<48x768xf32> to vector<48x256xf32>
      %add3A_1269 = arith.addf %slice3A_1267, %slice3A_1268 : vector<48x256xf32>
      %mul3A_1270 = arith.constant 5.000000e-01 : f32
      %mul3A_1271 = vector.broadcast %mul3A_1270 : f32 to vector<48x256xf32>
      %mul3A_1272 = arith.mulf %add3A_1269, %mul3A_1271 : vector<48x256xf32>
      %tanh3A_1273 = math.tanh %mul3A_1272 : vector<48x256xf32>
      %mul3A_1274 = arith.constant 5.000000e-01 : f32
      %mul3A_1275 = vector.broadcast %mul3A_1274 : f32 to vector<48x256xf32>
      %mul3A_1276 = arith.mulf %tanh3A_1273, %mul3A_1275 : vector<48x256xf32>
      %add3A_1277 = arith.constant 5.000000e-01 : f32
      %add3A_1278 = vector.broadcast %add3A_1277 : f32 to vector<48x256xf32>
      %add3A_1279 = arith.addf %mul3A_1276, %add3A_1278 : vector<48x256xf32>
      %slice3A_1280 = vector.extract_strided_slice %add3A_1216 {offsets = [0, 512], sizes = [48, 256], strides = [1, 1]} : vector<48x768xf32> to vector<48x256xf32>
      %slice3A_1281 = vector.extract_strided_slice %dot_general3A_1219 {offsets = [0, 512], sizes = [48, 256], strides = [1, 1]} : vector<48x768xf32> to vector<48x256xf32>
      %mul3A_1282 = arith.mulf %add3A_1266, %slice3A_1281 : vector<48x256xf32>
      %add3A_1283 = arith.addf %slice3A_1280, %mul3A_1282 : vector<48x256xf32>
      %tanh3A_1284 = math.tanh %add3A_1283 : vector<48x256xf32>
      %sub3A_1285 = arith.subf %add3A_1196, %tanh3A_1284 : vector<48x256xf32>
      %mul3A_1286 = arith.mulf %add3A_1279, %sub3A_1285 : vector<48x256xf32>
      %add3A_1287 = arith.addf %tanh3A_1284, %mul3A_1286 : vector<48x256xf32>
      %add3A_1288 = arith.constant 13 : i32
      %add3A_1289 = arith.addi %mul3A_107, %add3A_1288 : i32
      %get3A_1290 = arith.index_cast %add3A_1289 : i32 to index
      %get3A_1291 = arith.constant 0 : index
      %get3A_1292 = arith.constant 0 : index
      %get3A_1293 = vector.load %arg0[%get3A_1290, %get3A_1291, %get3A_1292] : memref<200x100x32xbf16, #tpu.memory_space<vmem>>, vector<1x100x32xbf16>
      %get3A_1294 = vector.shape_cast %get3A_1293 : vector<1x100x32xbf16> to vector<100x32xbf16>
      %slice3A_1295 = vector.extract_strided_slice %get3A_1294 {offsets = [0, 0], sizes = [52, 32], strides = [1, 1]} : vector<100x32xbf16> to vector<52x32xbf16>
      %dot_general3A_1296 = arith.constant dense<0.000000e+00> : vector<52x768xf32>
      %dot_general3A_1297 = tpu.matmul %slice3A_1295, %get3A_1, %dot_general3A_1296 {dimension_numbers = #tpu.dot_dimension_numbers<[1], [0], [0], [1], [0, 0, 1, 1], [], []>, transpose_lhs_hint = false} : vector<52x32xbf16>, vector<32x768xbf16>, vector<52x768xf32> -> vector<52x768xf32>
      %add3A_1298 = vector.broadcast %get3A_7 : vector<1x768xf32> to vector<52x768xf32>
      %add3A_1299 = arith.addf %dot_general3A_1297, %add3A_1298 : vector<52x768xf32>
      %convert_element_type3A_1300 = arith.truncf %add3A_1253 : vector<52x256xf32> to vector<52x256xbf16>
      %dot_general3A_1301 = arith.constant dense<0.000000e+00> : vector<52x768xf32>
      %dot_general3A_1302 = tpu.matmul %convert_element_type3A_1300, %get3A_4, %dot_general3A_1301 {dimension_numbers = #tpu.dot_dimension_numbers<[1], [0], [0], [1], [0, 0, 1, 1], [], []>, transpose_lhs_hint = false} : vector<52x256xbf16>, vector<256x768xbf16>, vector<52x768xf32> -> vector<52x768xf32>
      %slice3A_1303 = vector.extract_strided_slice %get3A_1294 {offsets = [52, 0], sizes = [48, 32], strides = [1, 1]} : vector<100x32xbf16> to vector<48x32xbf16>
      %dot_general3A_1304 = arith.constant dense<0.000000e+00> : vector<48x768xf32>
      %dot_general3A_1305 = tpu.matmul %slice3A_1303, %get3A_1, %dot_general3A_1304 {dimension_numbers = #tpu.dot_dimension_numbers<[1], [0], [0], [1], [0, 0, 1, 1], [], []>, transpose_lhs_hint = false} : vector<48x32xbf16>, vector<32x768xbf16>, vector<48x768xf32> -> vector<48x768xf32>
      %add3A_1306 = vector.broadcast %get3A_7 : vector<1x768xf32> to vector<48x768xf32>
      %add3A_1307 = arith.addf %dot_general3A_1305, %add3A_1306 : vector<48x768xf32>
      %convert_element_type3A_1308 = arith.truncf %add3A_1287 : vector<48x256xf32> to vector<48x256xbf16>
      %dot_general3A_1309 = arith.constant dense<0.000000e+00> : vector<48x768xf32>
      %dot_general3A_1310 = tpu.matmul %convert_element_type3A_1308, %get3A_4, %dot_general3A_1309 {dimension_numbers = #tpu.dot_dimension_numbers<[1], [0], [0], [1], [0, 0, 1, 1], [], []>, transpose_lhs_hint = false} : vector<48x256xbf16>, vector<256x768xbf16>, vector<48x768xf32> -> vector<48x768xf32>
      %slice3A_1311 = vector.extract_strided_slice %add3A_1299 {offsets = [0, 0], sizes = [52, 256], strides = [1, 1]} : vector<52x768xf32> to vector<52x256xf32>
      %slice3A_1312 = vector.extract_strided_slice %dot_general3A_1302 {offsets = [0, 0], sizes = [52, 256], strides = [1, 1]} : vector<52x768xf32> to vector<52x256xf32>
      %add3A_1313 = arith.addf %slice3A_1311, %slice3A_1312 : vector<52x256xf32>
      %mul3A_1314 = arith.constant 5.000000e-01 : f32
      %mul3A_1315 = vector.broadcast %mul3A_1314 : f32 to vector<52x256xf32>
      %mul3A_1316 = arith.mulf %add3A_1313, %mul3A_1315 : vector<52x256xf32>
      %tanh3A_1317 = math.tanh %mul3A_1316 : vector<52x256xf32>
      %mul3A_1318 = arith.constant 5.000000e-01 : f32
      %mul3A_1319 = vector.broadcast %mul3A_1318 : f32 to vector<52x256xf32>
      %mul3A_1320 = arith.mulf %tanh3A_1317, %mul3A_1319 : vector<52x256xf32>
      %add3A_1321 = arith.constant 5.000000e-01 : f32
      %add3A_1322 = vector.broadcast %add3A_1321 : f32 to vector<52x256xf32>
      %add3A_1323 = arith.addf %mul3A_1320, %add3A_1322 : vector<52x256xf32>
      %slice3A_1324 = vector.extract_strided_slice %add3A_1299 {offsets = [0, 256], sizes = [52, 256], strides = [1, 1]} : vector<52x768xf32> to vector<52x256xf32>
      %slice3A_1325 = vector.extract_strided_slice %dot_general3A_1302 {offsets = [0, 256], sizes = [52, 256], strides = [1, 1]} : vector<52x768xf32> to vector<52x256xf32>
      %add3A_1326 = arith.addf %slice3A_1324, %slice3A_1325 : vector<52x256xf32>
      %mul3A_1327 = arith.constant 5.000000e-01 : f32
      %mul3A_1328 = vector.broadcast %mul3A_1327 : f32 to vector<52x256xf32>
      %mul3A_1329 = arith.mulf %add3A_1326, %mul3A_1328 : vector<52x256xf32>
      %tanh3A_1330 = math.tanh %mul3A_1329 : vector<52x256xf32>
      %mul3A_1331 = arith.constant 5.000000e-01 : f32
      %mul3A_1332 = vector.broadcast %mul3A_1331 : f32 to vector<52x256xf32>
      %mul3A_1333 = arith.mulf %tanh3A_1330, %mul3A_1332 : vector<52x256xf32>
      %add3A_1334 = arith.constant 5.000000e-01 : f32
      %add3A_1335 = vector.broadcast %add3A_1334 : f32 to vector<52x256xf32>
      %add3A_1336 = arith.addf %mul3A_1333, %add3A_1335 : vector<52x256xf32>
      %slice3A_1337 = vector.extract_strided_slice %add3A_1299 {offsets = [0, 512], sizes = [52, 256], strides = [1, 1]} : vector<52x768xf32> to vector<52x256xf32>
      %slice3A_1338 = vector.extract_strided_slice %dot_general3A_1302 {offsets = [0, 512], sizes = [52, 256], strides = [1, 1]} : vector<52x768xf32> to vector<52x256xf32>
      %mul3A_1339 = arith.mulf %add3A_1323, %slice3A_1338 : vector<52x256xf32>
      %add3A_1340 = arith.addf %slice3A_1337, %mul3A_1339 : vector<52x256xf32>
      %tanh3A_1341 = math.tanh %add3A_1340 : vector<52x256xf32>
      %sub3A_1342 = arith.subf %add3A_1253, %tanh3A_1341 : vector<52x256xf32>
      %mul3A_1343 = arith.mulf %add3A_1336, %sub3A_1342 : vector<52x256xf32>
      %add3A_1344 = arith.addf %tanh3A_1341, %mul3A_1343 : vector<52x256xf32>
      %slice3A_1345 = vector.extract_strided_slice %add3A_1307 {offsets = [0, 0], sizes = [48, 256], strides = [1, 1]} : vector<48x768xf32> to vector<48x256xf32>
      %slice3A_1346 = vector.extract_strided_slice %dot_general3A_1310 {offsets = [0, 0], sizes = [48, 256], strides = [1, 1]} : vector<48x768xf32> to vector<48x256xf32>
      %add3A_1347 = arith.addf %slice3A_1345, %slice3A_1346 : vector<48x256xf32>
      %mul3A_1348 = arith.constant 5.000000e-01 : f32
      %mul3A_1349 = vector.broadcast %mul3A_1348 : f32 to vector<48x256xf32>
      %mul3A_1350 = arith.mulf %add3A_1347, %mul3A_1349 : vector<48x256xf32>
      %tanh3A_1351 = math.tanh %mul3A_1350 : vector<48x256xf32>
      %mul3A_1352 = arith.constant 5.000000e-01 : f32
      %mul3A_1353 = vector.broadcast %mul3A_1352 : f32 to vector<48x256xf32>
      %mul3A_1354 = arith.mulf %tanh3A_1351, %mul3A_1353 : vector<48x256xf32>
      %add3A_1355 = arith.constant 5.000000e-01 : f32
      %add3A_1356 = vector.broadcast %add3A_1355 : f32 to vector<48x256xf32>
      %add3A_1357 = arith.addf %mul3A_1354, %add3A_1356 : vector<48x256xf32>
      %slice3A_1358 = vector.extract_strided_slice %add3A_1307 {offsets = [0, 256], sizes = [48, 256], strides = [1, 1]} : vector<48x768xf32> to vector<48x256xf32>
      %slice3A_1359 = vector.extract_strided_slice %dot_general3A_1310 {offsets = [0, 256], sizes = [48, 256], strides = [1, 1]} : vector<48x768xf32> to vector<48x256xf32>
      %add3A_1360 = arith.addf %slice3A_1358, %slice3A_1359 : vector<48x256xf32>
      %mul3A_1361 = arith.constant 5.000000e-01 : f32
      %mul3A_1362 = vector.broadcast %mul3A_1361 : f32 to vector<48x256xf32>
      %mul3A_1363 = arith.mulf %add3A_1360, %mul3A_1362 : vector<48x256xf32>
      %tanh3A_1364 = math.tanh %mul3A_1363 : vector<48x256xf32>
      %mul3A_1365 = arith.constant 5.000000e-01 : f32
      %mul3A_1366 = vector.broadcast %mul3A_1365 : f32 to vector<48x256xf32>
      %mul3A_1367 = arith.mulf %tanh3A_1364, %mul3A_1366 : vector<48x256xf32>
      %add3A_1368 = arith.constant 5.000000e-01 : f32
      %add3A_1369 = vector.broadcast %add3A_1368 : f32 to vector<48x256xf32>
      %add3A_1370 = arith.addf %mul3A_1367, %add3A_1369 : vector<48x256xf32>
      %slice3A_1371 = vector.extract_strided_slice %add3A_1307 {offsets = [0, 512], sizes = [48, 256], strides = [1, 1]} : vector<48x768xf32> to vector<48x256xf32>
      %slice3A_1372 = vector.extract_strided_slice %dot_general3A_1310 {offsets = [0, 512], sizes = [48, 256], strides = [1, 1]} : vector<48x768xf32> to vector<48x256xf32>
      %mul3A_1373 = arith.mulf %add3A_1357, %slice3A_1372 : vector<48x256xf32>
      %add3A_1374 = arith.addf %slice3A_1371, %mul3A_1373 : vector<48x256xf32>
      %tanh3A_1375 = math.tanh %add3A_1374 : vector<48x256xf32>
      %sub3A_1376 = arith.subf %add3A_1287, %tanh3A_1375 : vector<48x256xf32>
      %mul3A_1377 = arith.mulf %add3A_1370, %sub3A_1376 : vector<48x256xf32>
      %add3A_1378 = arith.addf %tanh3A_1375, %mul3A_1377 : vector<48x256xf32>
      %add3A_1379 = arith.constant 14 : i32
      %add3A_1380 = arith.addi %mul3A_107, %add3A_1379 : i32
      %get3A_1381 = arith.index_cast %add3A_1380 : i32 to index
      %get3A_1382 = arith.constant 0 : index
      %get3A_1383 = arith.constant 0 : index
      %get3A_1384 = vector.load %arg0[%get3A_1381, %get3A_1382, %get3A_1383] : memref<200x100x32xbf16, #tpu.memory_space<vmem>>, vector<1x100x32xbf16>
      %get3A_1385 = vector.shape_cast %get3A_1384 : vector<1x100x32xbf16> to vector<100x32xbf16>
      %slice3A_1386 = vector.extract_strided_slice %get3A_1385 {offsets = [0, 0], sizes = [52, 32], strides = [1, 1]} : vector<100x32xbf16> to vector<52x32xbf16>
      %dot_general3A_1387 = arith.constant dense<0.000000e+00> : vector<52x768xf32>
      %dot_general3A_1388 = tpu.matmul %slice3A_1386, %get3A_1, %dot_general3A_1387 {dimension_numbers = #tpu.dot_dimension_numbers<[1], [0], [0], [1], [0, 0, 1, 1], [], []>, transpose_lhs_hint = false} : vector<52x32xbf16>, vector<32x768xbf16>, vector<52x768xf32> -> vector<52x768xf32>
      %add3A_1389 = vector.broadcast %get3A_7 : vector<1x768xf32> to vector<52x768xf32>
      %add3A_1390 = arith.addf %dot_general3A_1388, %add3A_1389 : vector<52x768xf32>
      %convert_element_type3A_1391 = arith.truncf %add3A_1344 : vector<52x256xf32> to vector<52x256xbf16>
      %dot_general3A_1392 = arith.constant dense<0.000000e+00> : vector<52x768xf32>
      %dot_general3A_1393 = tpu.matmul %convert_element_type3A_1391, %get3A_4, %dot_general3A_1392 {dimension_numbers = #tpu.dot_dimension_numbers<[1], [0], [0], [1], [0, 0, 1, 1], [], []>, transpose_lhs_hint = false} : vector<52x256xbf16>, vector<256x768xbf16>, vector<52x768xf32> -> vector<52x768xf32>
      %slice3A_1394 = vector.extract_strided_slice %get3A_1385 {offsets = [52, 0], sizes = [48, 32], strides = [1, 1]} : vector<100x32xbf16> to vector<48x32xbf16>
      %dot_general3A_1395 = arith.constant dense<0.000000e+00> : vector<48x768xf32>
      %dot_general3A_1396 = tpu.matmul %slice3A_1394, %get3A_1, %dot_general3A_1395 {dimension_numbers = #tpu.dot_dimension_numbers<[1], [0], [0], [1], [0, 0, 1, 1], [], []>, transpose_lhs_hint = false} : vector<48x32xbf16>, vector<32x768xbf16>, vector<48x768xf32> -> vector<48x768xf32>
      %add3A_1397 = vector.broadcast %get3A_7 : vector<1x768xf32> to vector<48x768xf32>
      %add3A_1398 = arith.addf %dot_general3A_1396, %add3A_1397 : vector<48x768xf32>
      %convert_element_type3A_1399 = arith.truncf %add3A_1378 : vector<48x256xf32> to vector<48x256xbf16>
      %dot_general3A_1400 = arith.constant dense<0.000000e+00> : vector<48x768xf32>
      %dot_general3A_1401 = tpu.matmul %convert_element_type3A_1399, %get3A_4, %dot_general3A_1400 {dimension_numbers = #tpu.dot_dimension_numbers<[1], [0], [0], [1], [0, 0, 1, 1], [], []>, transpose_lhs_hint = false} : vector<48x256xbf16>, vector<256x768xbf16>, vector<48x768xf32> -> vector<48x768xf32>
      %slice3A_1402 = vector.extract_strided_slice %add3A_1390 {offsets = [0, 0], sizes = [52, 256], strides = [1, 1]} : vector<52x768xf32> to vector<52x256xf32>
      %slice3A_1403 = vector.extract_strided_slice %dot_general3A_1393 {offsets = [0, 0], sizes = [52, 256], strides = [1, 1]} : vector<52x768xf32> to vector<52x256xf32>
      %add3A_1404 = arith.addf %slice3A_1402, %slice3A_1403 : vector<52x256xf32>
      %mul3A_1405 = arith.constant 5.000000e-01 : f32
      %mul3A_1406 = vector.broadcast %mul3A_1405 : f32 to vector<52x256xf32>
      %mul3A_1407 = arith.mulf %add3A_1404, %mul3A_1406 : vector<52x256xf32>
      %tanh3A_1408 = math.tanh %mul3A_1407 : vector<52x256xf32>
      %mul3A_1409 = arith.constant 5.000000e-01 : f32
      %mul3A_1410 = vector.broadcast %mul3A_1409 : f32 to vector<52x256xf32>
      %mul3A_1411 = arith.mulf %tanh3A_1408, %mul3A_1410 : vector<52x256xf32>
      %add3A_1412 = arith.constant 5.000000e-01 : f32
      %add3A_1413 = vector.broadcast %add3A_1412 : f32 to vector<52x256xf32>
      %add3A_1414 = arith.addf %mul3A_1411, %add3A_1413 : vector<52x256xf32>
      %slice3A_1415 = vector.extract_strided_slice %add3A_1390 {offsets = [0, 256], sizes = [52, 256], strides = [1, 1]} : vector<52x768xf32> to vector<52x256xf32>
      %slice3A_1416 = vector.extract_strided_slice %dot_general3A_1393 {offsets = [0, 256], sizes = [52, 256], strides = [1, 1]} : vector<52x768xf32> to vector<52x256xf32>
      %add3A_1417 = arith.addf %slice3A_1415, %slice3A_1416 : vector<52x256xf32>
      %mul3A_1418 = arith.constant 5.000000e-01 : f32
      %mul3A_1419 = vector.broadcast %mul3A_1418 : f32 to vector<52x256xf32>
      %mul3A_1420 = arith.mulf %add3A_1417, %mul3A_1419 : vector<52x256xf32>
      %tanh3A_1421 = math.tanh %mul3A_1420 : vector<52x256xf32>
      %mul3A_1422 = arith.constant 5.000000e-01 : f32
      %mul3A_1423 = vector.broadcast %mul3A_1422 : f32 to vector<52x256xf32>
      %mul3A_1424 = arith.mulf %tanh3A_1421, %mul3A_1423 : vector<52x256xf32>
      %add3A_1425 = arith.constant 5.000000e-01 : f32
      %add3A_1426 = vector.broadcast %add3A_1425 : f32 to vector<52x256xf32>
      %add3A_1427 = arith.addf %mul3A_1424, %add3A_1426 : vector<52x256xf32>
      %slice3A_1428 = vector.extract_strided_slice %add3A_1390 {offsets = [0, 512], sizes = [52, 256], strides = [1, 1]} : vector<52x768xf32> to vector<52x256xf32>
      %slice3A_1429 = vector.extract_strided_slice %dot_general3A_1393 {offsets = [0, 512], sizes = [52, 256], strides = [1, 1]} : vector<52x768xf32> to vector<52x256xf32>
      %mul3A_1430 = arith.mulf %add3A_1414, %slice3A_1429 : vector<52x256xf32>
      %add3A_1431 = arith.addf %slice3A_1428, %mul3A_1430 : vector<52x256xf32>
      %tanh3A_1432 = math.tanh %add3A_1431 : vector<52x256xf32>
      %sub3A_1433 = arith.subf %add3A_1344, %tanh3A_1432 : vector<52x256xf32>
      %mul3A_1434 = arith.mulf %add3A_1427, %sub3A_1433 : vector<52x256xf32>
      %add3A_1435 = arith.addf %tanh3A_1432, %mul3A_1434 : vector<52x256xf32>
      %slice3A_1436 = vector.extract_strided_slice %add3A_1398 {offsets = [0, 0], sizes = [48, 256], strides = [1, 1]} : vector<48x768xf32> to vector<48x256xf32>
      %slice3A_1437 = vector.extract_strided_slice %dot_general3A_1401 {offsets = [0, 0], sizes = [48, 256], strides = [1, 1]} : vector<48x768xf32> to vector<48x256xf32>
      %add3A_1438 = arith.addf %slice3A_1436, %slice3A_1437 : vector<48x256xf32>
      %mul3A_1439 = arith.constant 5.000000e-01 : f32
      %mul3A_1440 = vector.broadcast %mul3A_1439 : f32 to vector<48x256xf32>
      %mul3A_1441 = arith.mulf %add3A_1438, %mul3A_1440 : vector<48x256xf32>
      %tanh3A_1442 = math.tanh %mul3A_1441 : vector<48x256xf32>
      %mul3A_1443 = arith.constant 5.000000e-01 : f32
      %mul3A_1444 = vector.broadcast %mul3A_1443 : f32 to vector<48x256xf32>
      %mul3A_1445 = arith.mulf %tanh3A_1442, %mul3A_1444 : vector<48x256xf32>
      %add3A_1446 = arith.constant 5.000000e-01 : f32
      %add3A_1447 = vector.broadcast %add3A_1446 : f32 to vector<48x256xf32>
      %add3A_1448 = arith.addf %mul3A_1445, %add3A_1447 : vector<48x256xf32>
      %slice3A_1449 = vector.extract_strided_slice %add3A_1398 {offsets = [0, 256], sizes = [48, 256], strides = [1, 1]} : vector<48x768xf32> to vector<48x256xf32>
      %slice3A_1450 = vector.extract_strided_slice %dot_general3A_1401 {offsets = [0, 256], sizes = [48, 256], strides = [1, 1]} : vector<48x768xf32> to vector<48x256xf32>
      %add3A_1451 = arith.addf %slice3A_1449, %slice3A_1450 : vector<48x256xf32>
      %mul3A_1452 = arith.constant 5.000000e-01 : f32
      %mul3A_1453 = vector.broadcast %mul3A_1452 : f32 to vector<48x256xf32>
      %mul3A_1454 = arith.mulf %add3A_1451, %mul3A_1453 : vector<48x256xf32>
      %tanh3A_1455 = math.tanh %mul3A_1454 : vector<48x256xf32>
      %mul3A_1456 = arith.constant 5.000000e-01 : f32
      %mul3A_1457 = vector.broadcast %mul3A_1456 : f32 to vector<48x256xf32>
      %mul3A_1458 = arith.mulf %tanh3A_1455, %mul3A_1457 : vector<48x256xf32>
      %add3A_1459 = arith.constant 5.000000e-01 : f32
      %add3A_1460 = vector.broadcast %add3A_1459 : f32 to vector<48x256xf32>
      %add3A_1461 = arith.addf %mul3A_1458, %add3A_1460 : vector<48x256xf32>
      %slice3A_1462 = vector.extract_strided_slice %add3A_1398 {offsets = [0, 512], sizes = [48, 256], strides = [1, 1]} : vector<48x768xf32> to vector<48x256xf32>
      %slice3A_1463 = vector.extract_strided_slice %dot_general3A_1401 {offsets = [0, 512], sizes = [48, 256], strides = [1, 1]} : vector<48x768xf32> to vector<48x256xf32>
      %mul3A_1464 = arith.mulf %add3A_1448, %slice3A_1463 : vector<48x256xf32>
      %add3A_1465 = arith.addf %slice3A_1462, %mul3A_1464 : vector<48x256xf32>
      %tanh3A_1466 = math.tanh %add3A_1465 : vector<48x256xf32>
      %sub3A_1467 = arith.subf %add3A_1378, %tanh3A_1466 : vector<48x256xf32>
      %mul3A_1468 = arith.mulf %add3A_1461, %sub3A_1467 : vector<48x256xf32>
      %add3A_1469 = arith.addf %tanh3A_1466, %mul3A_1468 : vector<48x256xf32>
      %add3A_1470 = arith.constant 15 : i32
      %add3A_1471 = arith.addi %mul3A_107, %add3A_1470 : i32
      %get3A_1472 = arith.index_cast %add3A_1471 : i32 to index
      %get3A_1473 = arith.constant 0 : index
      %get3A_1474 = arith.constant 0 : index
      %get3A_1475 = vector.load %arg0[%get3A_1472, %get3A_1473, %get3A_1474] : memref<200x100x32xbf16, #tpu.memory_space<vmem>>, vector<1x100x32xbf16>
      %get3A_1476 = vector.shape_cast %get3A_1475 : vector<1x100x32xbf16> to vector<100x32xbf16>
      %slice3A_1477 = vector.extract_strided_slice %get3A_1476 {offsets = [0, 0], sizes = [52, 32], strides = [1, 1]} : vector<100x32xbf16> to vector<52x32xbf16>
      %dot_general3A_1478 = arith.constant dense<0.000000e+00> : vector<52x768xf32>
      %dot_general3A_1479 = tpu.matmul %slice3A_1477, %get3A_1, %dot_general3A_1478 {dimension_numbers = #tpu.dot_dimension_numbers<[1], [0], [0], [1], [0, 0, 1, 1], [], []>, transpose_lhs_hint = false} : vector<52x32xbf16>, vector<32x768xbf16>, vector<52x768xf32> -> vector<52x768xf32>
      %add3A_1480 = vector.broadcast %get3A_7 : vector<1x768xf32> to vector<52x768xf32>
      %add3A_1481 = arith.addf %dot_general3A_1479, %add3A_1480 : vector<52x768xf32>
      %convert_element_type3A_1482 = arith.truncf %add3A_1435 : vector<52x256xf32> to vector<52x256xbf16>
      %dot_general3A_1483 = arith.constant dense<0.000000e+00> : vector<52x768xf32>
      %dot_general3A_1484 = tpu.matmul %convert_element_type3A_1482, %get3A_4, %dot_general3A_1483 {dimension_numbers = #tpu.dot_dimension_numbers<[1], [0], [0], [1], [0, 0, 1, 1], [], []>, transpose_lhs_hint = false} : vector<52x256xbf16>, vector<256x768xbf16>, vector<52x768xf32> -> vector<52x768xf32>
      %slice3A_1485 = vector.extract_strided_slice %get3A_1476 {offsets = [52, 0], sizes = [48, 32], strides = [1, 1]} : vector<100x32xbf16> to vector<48x32xbf16>
      %dot_general3A_1486 = arith.constant dense<0.000000e+00> : vector<48x768xf32>
      %dot_general3A_1487 = tpu.matmul %slice3A_1485, %get3A_1, %dot_general3A_1486 {dimension_numbers = #tpu.dot_dimension_numbers<[1], [0], [0], [1], [0, 0, 1, 1], [], []>, transpose_lhs_hint = false} : vector<48x32xbf16>, vector<32x768xbf16>, vector<48x768xf32> -> vector<48x768xf32>
      %add3A_1488 = vector.broadcast %get3A_7 : vector<1x768xf32> to vector<48x768xf32>
      %add3A_1489 = arith.addf %dot_general3A_1487, %add3A_1488 : vector<48x768xf32>
      %convert_element_type3A_1490 = arith.truncf %add3A_1469 : vector<48x256xf32> to vector<48x256xbf16>
      %dot_general3A_1491 = arith.constant dense<0.000000e+00> : vector<48x768xf32>
      %dot_general3A_1492 = tpu.matmul %convert_element_type3A_1490, %get3A_4, %dot_general3A_1491 {dimension_numbers = #tpu.dot_dimension_numbers<[1], [0], [0], [1], [0, 0, 1, 1], [], []>, transpose_lhs_hint = false} : vector<48x256xbf16>, vector<256x768xbf16>, vector<48x768xf32> -> vector<48x768xf32>
      %slice3A_1493 = vector.extract_strided_slice %add3A_1481 {offsets = [0, 0], sizes = [52, 256], strides = [1, 1]} : vector<52x768xf32> to vector<52x256xf32>
      %slice3A_1494 = vector.extract_strided_slice %dot_general3A_1484 {offsets = [0, 0], sizes = [52, 256], strides = [1, 1]} : vector<52x768xf32> to vector<52x256xf32>
      %add3A_1495 = arith.addf %slice3A_1493, %slice3A_1494 : vector<52x256xf32>
      %mul3A_1496 = arith.constant 5.000000e-01 : f32
      %mul3A_1497 = vector.broadcast %mul3A_1496 : f32 to vector<52x256xf32>
      %mul3A_1498 = arith.mulf %add3A_1495, %mul3A_1497 : vector<52x256xf32>
      %tanh3A_1499 = math.tanh %mul3A_1498 : vector<52x256xf32>
      %mul3A_1500 = arith.constant 5.000000e-01 : f32
      %mul3A_1501 = vector.broadcast %mul3A_1500 : f32 to vector<52x256xf32>
      %mul3A_1502 = arith.mulf %tanh3A_1499, %mul3A_1501 : vector<52x256xf32>
      %add3A_1503 = arith.constant 5.000000e-01 : f32
      %add3A_1504 = vector.broadcast %add3A_1503 : f32 to vector<52x256xf32>
      %add3A_1505 = arith.addf %mul3A_1502, %add3A_1504 : vector<52x256xf32>
      %slice3A_1506 = vector.extract_strided_slice %add3A_1481 {offsets = [0, 256], sizes = [52, 256], strides = [1, 1]} : vector<52x768xf32> to vector<52x256xf32>
      %slice3A_1507 = vector.extract_strided_slice %dot_general3A_1484 {offsets = [0, 256], sizes = [52, 256], strides = [1, 1]} : vector<52x768xf32> to vector<52x256xf32>
      %add3A_1508 = arith.addf %slice3A_1506, %slice3A_1507 : vector<52x256xf32>
      %mul3A_1509 = arith.constant 5.000000e-01 : f32
      %mul3A_1510 = vector.broadcast %mul3A_1509 : f32 to vector<52x256xf32>
      %mul3A_1511 = arith.mulf %add3A_1508, %mul3A_1510 : vector<52x256xf32>
      %tanh3A_1512 = math.tanh %mul3A_1511 : vector<52x256xf32>
      %mul3A_1513 = arith.constant 5.000000e-01 : f32
      %mul3A_1514 = vector.broadcast %mul3A_1513 : f32 to vector<52x256xf32>
      %mul3A_1515 = arith.mulf %tanh3A_1512, %mul3A_1514 : vector<52x256xf32>
      %add3A_1516 = arith.constant 5.000000e-01 : f32
      %add3A_1517 = vector.broadcast %add3A_1516 : f32 to vector<52x256xf32>
      %add3A_1518 = arith.addf %mul3A_1515, %add3A_1517 : vector<52x256xf32>
      %slice3A_1519 = vector.extract_strided_slice %add3A_1481 {offsets = [0, 512], sizes = [52, 256], strides = [1, 1]} : vector<52x768xf32> to vector<52x256xf32>
      %slice3A_1520 = vector.extract_strided_slice %dot_general3A_1484 {offsets = [0, 512], sizes = [52, 256], strides = [1, 1]} : vector<52x768xf32> to vector<52x256xf32>
      %mul3A_1521 = arith.mulf %add3A_1505, %slice3A_1520 : vector<52x256xf32>
      %add3A_1522 = arith.addf %slice3A_1519, %mul3A_1521 : vector<52x256xf32>
      %tanh3A_1523 = math.tanh %add3A_1522 : vector<52x256xf32>
      %sub3A_1524 = arith.subf %add3A_1435, %tanh3A_1523 : vector<52x256xf32>
      %mul3A_1525 = arith.mulf %add3A_1518, %sub3A_1524 : vector<52x256xf32>
      %add3A_1526 = arith.addf %tanh3A_1523, %mul3A_1525 : vector<52x256xf32>
      %slice3A_1527 = vector.extract_strided_slice %add3A_1489 {offsets = [0, 0], sizes = [48, 256], strides = [1, 1]} : vector<48x768xf32> to vector<48x256xf32>
      %slice3A_1528 = vector.extract_strided_slice %dot_general3A_1492 {offsets = [0, 0], sizes = [48, 256], strides = [1, 1]} : vector<48x768xf32> to vector<48x256xf32>
      %add3A_1529 = arith.addf %slice3A_1527, %slice3A_1528 : vector<48x256xf32>
      %mul3A_1530 = arith.constant 5.000000e-01 : f32
      %mul3A_1531 = vector.broadcast %mul3A_1530 : f32 to vector<48x256xf32>
      %mul3A_1532 = arith.mulf %add3A_1529, %mul3A_1531 : vector<48x256xf32>
      %tanh3A_1533 = math.tanh %mul3A_1532 : vector<48x256xf32>
      %mul3A_1534 = arith.constant 5.000000e-01 : f32
      %mul3A_1535 = vector.broadcast %mul3A_1534 : f32 to vector<48x256xf32>
      %mul3A_1536 = arith.mulf %tanh3A_1533, %mul3A_1535 : vector<48x256xf32>
      %add3A_1537 = arith.constant 5.000000e-01 : f32
      %add3A_1538 = vector.broadcast %add3A_1537 : f32 to vector<48x256xf32>
      %add3A_1539 = arith.addf %mul3A_1536, %add3A_1538 : vector<48x256xf32>
      %slice3A_1540 = vector.extract_strided_slice %add3A_1489 {offsets = [0, 256], sizes = [48, 256], strides = [1, 1]} : vector<48x768xf32> to vector<48x256xf32>
      %slice3A_1541 = vector.extract_strided_slice %dot_general3A_1492 {offsets = [0, 256], sizes = [48, 256], strides = [1, 1]} : vector<48x768xf32> to vector<48x256xf32>
      %add3A_1542 = arith.addf %slice3A_1540, %slice3A_1541 : vector<48x256xf32>
      %mul3A_1543 = arith.constant 5.000000e-01 : f32
      %mul3A_1544 = vector.broadcast %mul3A_1543 : f32 to vector<48x256xf32>
      %mul3A_1545 = arith.mulf %add3A_1542, %mul3A_1544 : vector<48x256xf32>
      %tanh3A_1546 = math.tanh %mul3A_1545 : vector<48x256xf32>
      %mul3A_1547 = arith.constant 5.000000e-01 : f32
      %mul3A_1548 = vector.broadcast %mul3A_1547 : f32 to vector<48x256xf32>
      %mul3A_1549 = arith.mulf %tanh3A_1546, %mul3A_1548 : vector<48x256xf32>
      %add3A_1550 = arith.constant 5.000000e-01 : f32
      %add3A_1551 = vector.broadcast %add3A_1550 : f32 to vector<48x256xf32>
      %add3A_1552 = arith.addf %mul3A_1549, %add3A_1551 : vector<48x256xf32>
      %slice3A_1553 = vector.extract_strided_slice %add3A_1489 {offsets = [0, 512], sizes = [48, 256], strides = [1, 1]} : vector<48x768xf32> to vector<48x256xf32>
      %slice3A_1554 = vector.extract_strided_slice %dot_general3A_1492 {offsets = [0, 512], sizes = [48, 256], strides = [1, 1]} : vector<48x768xf32> to vector<48x256xf32>
      %mul3A_1555 = arith.mulf %add3A_1539, %slice3A_1554 : vector<48x256xf32>
      %add3A_1556 = arith.addf %slice3A_1553, %mul3A_1555 : vector<48x256xf32>
      %tanh3A_1557 = math.tanh %add3A_1556 : vector<48x256xf32>
      %sub3A_1558 = arith.subf %add3A_1469, %tanh3A_1557 : vector<48x256xf32>
      %mul3A_1559 = arith.mulf %add3A_1552, %sub3A_1558 : vector<48x256xf32>
      %add3A_1560 = arith.addf %tanh3A_1557, %mul3A_1559 : vector<48x256xf32>
      %add3A_1561 = arith.constant 16 : i32
      %add3A_1562 = arith.addi %mul3A_107, %add3A_1561 : i32
      %get3A_1563 = arith.index_cast %add3A_1562 : i32 to index
      %get3A_1564 = arith.constant 0 : index
      %get3A_1565 = arith.constant 0 : index
      %get3A_1566 = vector.load %arg0[%get3A_1563, %get3A_1564, %get3A_1565] : memref<200x100x32xbf16, #tpu.memory_space<vmem>>, vector<1x100x32xbf16>
      %get3A_1567 = vector.shape_cast %get3A_1566 : vector<1x100x32xbf16> to vector<100x32xbf16>
      %slice3A_1568 = vector.extract_strided_slice %get3A_1567 {offsets = [0, 0], sizes = [52, 32], strides = [1, 1]} : vector<100x32xbf16> to vector<52x32xbf16>
      %dot_general3A_1569 = arith.constant dense<0.000000e+00> : vector<52x768xf32>
      %dot_general3A_1570 = tpu.matmul %slice3A_1568, %get3A_1, %dot_general3A_1569 {dimension_numbers = #tpu.dot_dimension_numbers<[1], [0], [0], [1], [0, 0, 1, 1], [], []>, transpose_lhs_hint = false} : vector<52x32xbf16>, vector<32x768xbf16>, vector<52x768xf32> -> vector<52x768xf32>
      %add3A_1571 = vector.broadcast %get3A_7 : vector<1x768xf32> to vector<52x768xf32>
      %add3A_1572 = arith.addf %dot_general3A_1570, %add3A_1571 : vector<52x768xf32>
      %convert_element_type3A_1573 = arith.truncf %add3A_1526 : vector<52x256xf32> to vector<52x256xbf16>
      %dot_general3A_1574 = arith.constant dense<0.000000e+00> : vector<52x768xf32>
      %dot_general3A_1575 = tpu.matmul %convert_element_type3A_1573, %get3A_4, %dot_general3A_1574 {dimension_numbers = #tpu.dot_dimension_numbers<[1], [0], [0], [1], [0, 0, 1, 1], [], []>, transpose_lhs_hint = false} : vector<52x256xbf16>, vector<256x768xbf16>, vector<52x768xf32> -> vector<52x768xf32>
      %slice3A_1576 = vector.extract_strided_slice %get3A_1567 {offsets = [52, 0], sizes = [48, 32], strides = [1, 1]} : vector<100x32xbf16> to vector<48x32xbf16>
      %dot_general3A_1577 = arith.constant dense<0.000000e+00> : vector<48x768xf32>
      %dot_general3A_1578 = tpu.matmul %slice3A_1576, %get3A_1, %dot_general3A_1577 {dimension_numbers = #tpu.dot_dimension_numbers<[1], [0], [0], [1], [0, 0, 1, 1], [], []>, transpose_lhs_hint = false} : vector<48x32xbf16>, vector<32x768xbf16>, vector<48x768xf32> -> vector<48x768xf32>
      %add3A_1579 = vector.broadcast %get3A_7 : vector<1x768xf32> to vector<48x768xf32>
      %add3A_1580 = arith.addf %dot_general3A_1578, %add3A_1579 : vector<48x768xf32>
      %convert_element_type3A_1581 = arith.truncf %add3A_1560 : vector<48x256xf32> to vector<48x256xbf16>
      %dot_general3A_1582 = arith.constant dense<0.000000e+00> : vector<48x768xf32>
      %dot_general3A_1583 = tpu.matmul %convert_element_type3A_1581, %get3A_4, %dot_general3A_1582 {dimension_numbers = #tpu.dot_dimension_numbers<[1], [0], [0], [1], [0, 0, 1, 1], [], []>, transpose_lhs_hint = false} : vector<48x256xbf16>, vector<256x768xbf16>, vector<48x768xf32> -> vector<48x768xf32>
      %slice3A_1584 = vector.extract_strided_slice %add3A_1572 {offsets = [0, 0], sizes = [52, 256], strides = [1, 1]} : vector<52x768xf32> to vector<52x256xf32>
      %slice3A_1585 = vector.extract_strided_slice %dot_general3A_1575 {offsets = [0, 0], sizes = [52, 256], strides = [1, 1]} : vector<52x768xf32> to vector<52x256xf32>
      %add3A_1586 = arith.addf %slice3A_1584, %slice3A_1585 : vector<52x256xf32>
      %mul3A_1587 = arith.constant 5.000000e-01 : f32
      %mul3A_1588 = vector.broadcast %mul3A_1587 : f32 to vector<52x256xf32>
      %mul3A_1589 = arith.mulf %add3A_1586, %mul3A_1588 : vector<52x256xf32>
      %tanh3A_1590 = math.tanh %mul3A_1589 : vector<52x256xf32>
      %mul3A_1591 = arith.constant 5.000000e-01 : f32
      %mul3A_1592 = vector.broadcast %mul3A_1591 : f32 to vector<52x256xf32>
      %mul3A_1593 = arith.mulf %tanh3A_1590, %mul3A_1592 : vector<52x256xf32>
      %add3A_1594 = arith.constant 5.000000e-01 : f32
      %add3A_1595 = vector.broadcast %add3A_1594 : f32 to vector<52x256xf32>
      %add3A_1596 = arith.addf %mul3A_1593, %add3A_1595 : vector<52x256xf32>
      %slice3A_1597 = vector.extract_strided_slice %add3A_1572 {offsets = [0, 256], sizes = [52, 256], strides = [1, 1]} : vector<52x768xf32> to vector<52x256xf32>
      %slice3A_1598 = vector.extract_strided_slice %dot_general3A_1575 {offsets = [0, 256], sizes = [52, 256], strides = [1, 1]} : vector<52x768xf32> to vector<52x256xf32>
      %add3A_1599 = arith.addf %slice3A_1597, %slice3A_1598 : vector<52x256xf32>
      %mul3A_1600 = arith.constant 5.000000e-01 : f32
      %mul3A_1601 = vector.broadcast %mul3A_1600 : f32 to vector<52x256xf32>
      %mul3A_1602 = arith.mulf %add3A_1599, %mul3A_1601 : vector<52x256xf32>
      %tanh3A_1603 = math.tanh %mul3A_1602 : vector<52x256xf32>
      %mul3A_1604 = arith.constant 5.000000e-01 : f32
      %mul3A_1605 = vector.broadcast %mul3A_1604 : f32 to vector<52x256xf32>
      %mul3A_1606 = arith.mulf %tanh3A_1603, %mul3A_1605 : vector<52x256xf32>
      %add3A_1607 = arith.constant 5.000000e-01 : f32
      %add3A_1608 = vector.broadcast %add3A_1607 : f32 to vector<52x256xf32>
      %add3A_1609 = arith.addf %mul3A_1606, %add3A_1608 : vector<52x256xf32>
      %slice3A_1610 = vector.extract_strided_slice %add3A_1572 {offsets = [0, 512], sizes = [52, 256], strides = [1, 1]} : vector<52x768xf32> to vector<52x256xf32>
      %slice3A_1611 = vector.extract_strided_slice %dot_general3A_1575 {offsets = [0, 512], sizes = [52, 256], strides = [1, 1]} : vector<52x768xf32> to vector<52x256xf32>
      %mul3A_1612 = arith.mulf %add3A_1596, %slice3A_1611 : vector<52x256xf32>
      %add3A_1613 = arith.addf %slice3A_1610, %mul3A_1612 : vector<52x256xf32>
      %tanh3A_1614 = math.tanh %add3A_1613 : vector<52x256xf32>
      %sub3A_1615 = arith.subf %add3A_1526, %tanh3A_1614 : vector<52x256xf32>
      %mul3A_1616 = arith.mulf %add3A_1609, %sub3A_1615 : vector<52x256xf32>
      %add3A_1617 = arith.addf %tanh3A_1614, %mul3A_1616 : vector<52x256xf32>
      %slice3A_1618 = vector.extract_strided_slice %add3A_1580 {offsets = [0, 0], sizes = [48, 256], strides = [1, 1]} : vector<48x768xf32> to vector<48x256xf32>
      %slice3A_1619 = vector.extract_strided_slice %dot_general3A_1583 {offsets = [0, 0], sizes = [48, 256], strides = [1, 1]} : vector<48x768xf32> to vector<48x256xf32>
      %add3A_1620 = arith.addf %slice3A_1618, %slice3A_1619 : vector<48x256xf32>
      %mul3A_1621 = arith.constant 5.000000e-01 : f32
      %mul3A_1622 = vector.broadcast %mul3A_1621 : f32 to vector<48x256xf32>
      %mul3A_1623 = arith.mulf %add3A_1620, %mul3A_1622 : vector<48x256xf32>
      %tanh3A_1624 = math.tanh %mul3A_1623 : vector<48x256xf32>
      %mul3A_1625 = arith.constant 5.000000e-01 : f32
      %mul3A_1626 = vector.broadcast %mul3A_1625 : f32 to vector<48x256xf32>
      %mul3A_1627 = arith.mulf %tanh3A_1624, %mul3A_1626 : vector<48x256xf32>
      %add3A_1628 = arith.constant 5.000000e-01 : f32
      %add3A_1629 = vector.broadcast %add3A_1628 : f32 to vector<48x256xf32>
      %add3A_1630 = arith.addf %mul3A_1627, %add3A_1629 : vector<48x256xf32>
      %slice3A_1631 = vector.extract_strided_slice %add3A_1580 {offsets = [0, 256], sizes = [48, 256], strides = [1, 1]} : vector<48x768xf32> to vector<48x256xf32>
      %slice3A_1632 = vector.extract_strided_slice %dot_general3A_1583 {offsets = [0, 256], sizes = [48, 256], strides = [1, 1]} : vector<48x768xf32> to vector<48x256xf32>
      %add3A_1633 = arith.addf %slice3A_1631, %slice3A_1632 : vector<48x256xf32>
      %mul3A_1634 = arith.constant 5.000000e-01 : f32
      %mul3A_1635 = vector.broadcast %mul3A_1634 : f32 to vector<48x256xf32>
      %mul3A_1636 = arith.mulf %add3A_1633, %mul3A_1635 : vector<48x256xf32>
      %tanh3A_1637 = math.tanh %mul3A_1636 : vector<48x256xf32>
      %mul3A_1638 = arith.constant 5.000000e-01 : f32
      %mul3A_1639 = vector.broadcast %mul3A_1638 : f32 to vector<48x256xf32>
      %mul3A_1640 = arith.mulf %tanh3A_1637, %mul3A_1639 : vector<48x256xf32>
      %add3A_1641 = arith.constant 5.000000e-01 : f32
      %add3A_1642 = vector.broadcast %add3A_1641 : f32 to vector<48x256xf32>
      %add3A_1643 = arith.addf %mul3A_1640, %add3A_1642 : vector<48x256xf32>
      %slice3A_1644 = vector.extract_strided_slice %add3A_1580 {offsets = [0, 512], sizes = [48, 256], strides = [1, 1]} : vector<48x768xf32> to vector<48x256xf32>
      %slice3A_1645 = vector.extract_strided_slice %dot_general3A_1583 {offsets = [0, 512], sizes = [48, 256], strides = [1, 1]} : vector<48x768xf32> to vector<48x256xf32>
      %mul3A_1646 = arith.mulf %add3A_1630, %slice3A_1645 : vector<48x256xf32>
      %add3A_1647 = arith.addf %slice3A_1644, %mul3A_1646 : vector<48x256xf32>
      %tanh3A_1648 = math.tanh %add3A_1647 : vector<48x256xf32>
      %sub3A_1649 = arith.subf %add3A_1560, %tanh3A_1648 : vector<48x256xf32>
      %mul3A_1650 = arith.mulf %add3A_1643, %sub3A_1649 : vector<48x256xf32>
      %add3A_1651 = arith.addf %tanh3A_1648, %mul3A_1650 : vector<48x256xf32>
      %add3A_1652 = arith.constant 17 : i32
      %add3A_1653 = arith.addi %mul3A_107, %add3A_1652 : i32
      %get3A_1654 = arith.index_cast %add3A_1653 : i32 to index
      %get3A_1655 = arith.constant 0 : index
      %get3A_1656 = arith.constant 0 : index
      %get3A_1657 = vector.load %arg0[%get3A_1654, %get3A_1655, %get3A_1656] : memref<200x100x32xbf16, #tpu.memory_space<vmem>>, vector<1x100x32xbf16>
      %get3A_1658 = vector.shape_cast %get3A_1657 : vector<1x100x32xbf16> to vector<100x32xbf16>
      %slice3A_1659 = vector.extract_strided_slice %get3A_1658 {offsets = [0, 0], sizes = [52, 32], strides = [1, 1]} : vector<100x32xbf16> to vector<52x32xbf16>
      %dot_general3A_1660 = arith.constant dense<0.000000e+00> : vector<52x768xf32>
      %dot_general3A_1661 = tpu.matmul %slice3A_1659, %get3A_1, %dot_general3A_1660 {dimension_numbers = #tpu.dot_dimension_numbers<[1], [0], [0], [1], [0, 0, 1, 1], [], []>, transpose_lhs_hint = false} : vector<52x32xbf16>, vector<32x768xbf16>, vector<52x768xf32> -> vector<52x768xf32>
      %add3A_1662 = vector.broadcast %get3A_7 : vector<1x768xf32> to vector<52x768xf32>
      %add3A_1663 = arith.addf %dot_general3A_1661, %add3A_1662 : vector<52x768xf32>
      %convert_element_type3A_1664 = arith.truncf %add3A_1617 : vector<52x256xf32> to vector<52x256xbf16>
      %dot_general3A_1665 = arith.constant dense<0.000000e+00> : vector<52x768xf32>
      %dot_general3A_1666 = tpu.matmul %convert_element_type3A_1664, %get3A_4, %dot_general3A_1665 {dimension_numbers = #tpu.dot_dimension_numbers<[1], [0], [0], [1], [0, 0, 1, 1], [], []>, transpose_lhs_hint = false} : vector<52x256xbf16>, vector<256x768xbf16>, vector<52x768xf32> -> vector<52x768xf32>
      %slice3A_1667 = vector.extract_strided_slice %get3A_1658 {offsets = [52, 0], sizes = [48, 32], strides = [1, 1]} : vector<100x32xbf16> to vector<48x32xbf16>
      %dot_general3A_1668 = arith.constant dense<0.000000e+00> : vector<48x768xf32>
      %dot_general3A_1669 = tpu.matmul %slice3A_1667, %get3A_1, %dot_general3A_1668 {dimension_numbers = #tpu.dot_dimension_numbers<[1], [0], [0], [1], [0, 0, 1, 1], [], []>, transpose_lhs_hint = false} : vector<48x32xbf16>, vector<32x768xbf16>, vector<48x768xf32> -> vector<48x768xf32>
      %add3A_1670 = vector.broadcast %get3A_7 : vector<1x768xf32> to vector<48x768xf32>
      %add3A_1671 = arith.addf %dot_general3A_1669, %add3A_1670 : vector<48x768xf32>
      %convert_element_type3A_1672 = arith.truncf %add3A_1651 : vector<48x256xf32> to vector<48x256xbf16>
      %dot_general3A_1673 = arith.constant dense<0.000000e+00> : vector<48x768xf32>
      %dot_general3A_1674 = tpu.matmul %convert_element_type3A_1672, %get3A_4, %dot_general3A_1673 {dimension_numbers = #tpu.dot_dimension_numbers<[1], [0], [0], [1], [0, 0, 1, 1], [], []>, transpose_lhs_hint = false} : vector<48x256xbf16>, vector<256x768xbf16>, vector<48x768xf32> -> vector<48x768xf32>
      %slice3A_1675 = vector.extract_strided_slice %add3A_1663 {offsets = [0, 0], sizes = [52, 256], strides = [1, 1]} : vector<52x768xf32> to vector<52x256xf32>
      %slice3A_1676 = vector.extract_strided_slice %dot_general3A_1666 {offsets = [0, 0], sizes = [52, 256], strides = [1, 1]} : vector<52x768xf32> to vector<52x256xf32>
      %add3A_1677 = arith.addf %slice3A_1675, %slice3A_1676 : vector<52x256xf32>
      %mul3A_1678 = arith.constant 5.000000e-01 : f32
      %mul3A_1679 = vector.broadcast %mul3A_1678 : f32 to vector<52x256xf32>
      %mul3A_1680 = arith.mulf %add3A_1677, %mul3A_1679 : vector<52x256xf32>
      %tanh3A_1681 = math.tanh %mul3A_1680 : vector<52x256xf32>
      %mul3A_1682 = arith.constant 5.000000e-01 : f32
      %mul3A_1683 = vector.broadcast %mul3A_1682 : f32 to vector<52x256xf32>
      %mul3A_1684 = arith.mulf %tanh3A_1681, %mul3A_1683 : vector<52x256xf32>
      %add3A_1685 = arith.constant 5.000000e-01 : f32
      %add3A_1686 = vector.broadcast %add3A_1685 : f32 to vector<52x256xf32>
      %add3A_1687 = arith.addf %mul3A_1684, %add3A_1686 : vector<52x256xf32>
      %slice3A_1688 = vector.extract_strided_slice %add3A_1663 {offsets = [0, 256], sizes = [52, 256], strides = [1, 1]} : vector<52x768xf32> to vector<52x256xf32>
      %slice3A_1689 = vector.extract_strided_slice %dot_general3A_1666 {offsets = [0, 256], sizes = [52, 256], strides = [1, 1]} : vector<52x768xf32> to vector<52x256xf32>
      %add3A_1690 = arith.addf %slice3A_1688, %slice3A_1689 : vector<52x256xf32>
      %mul3A_1691 = arith.constant 5.000000e-01 : f32
      %mul3A_1692 = vector.broadcast %mul3A_1691 : f32 to vector<52x256xf32>
      %mul3A_1693 = arith.mulf %add3A_1690, %mul3A_1692 : vector<52x256xf32>
      %tanh3A_1694 = math.tanh %mul3A_1693 : vector<52x256xf32>
      %mul3A_1695 = arith.constant 5.000000e-01 : f32
      %mul3A_1696 = vector.broadcast %mul3A_1695 : f32 to vector<52x256xf32>
      %mul3A_1697 = arith.mulf %tanh3A_1694, %mul3A_1696 : vector<52x256xf32>
      %add3A_1698 = arith.constant 5.000000e-01 : f32
      %add3A_1699 = vector.broadcast %add3A_1698 : f32 to vector<52x256xf32>
      %add3A_1700 = arith.addf %mul3A_1697, %add3A_1699 : vector<52x256xf32>
      %slice3A_1701 = vector.extract_strided_slice %add3A_1663 {offsets = [0, 512], sizes = [52, 256], strides = [1, 1]} : vector<52x768xf32> to vector<52x256xf32>
      %slice3A_1702 = vector.extract_strided_slice %dot_general3A_1666 {offsets = [0, 512], sizes = [52, 256], strides = [1, 1]} : vector<52x768xf32> to vector<52x256xf32>
      %mul3A_1703 = arith.mulf %add3A_1687, %slice3A_1702 : vector<52x256xf32>
      %add3A_1704 = arith.addf %slice3A_1701, %mul3A_1703 : vector<52x256xf32>
      %tanh3A_1705 = math.tanh %add3A_1704 : vector<52x256xf32>
      %sub3A_1706 = arith.subf %add3A_1617, %tanh3A_1705 : vector<52x256xf32>
      %mul3A_1707 = arith.mulf %add3A_1700, %sub3A_1706 : vector<52x256xf32>
      %add3A_1708 = arith.addf %tanh3A_1705, %mul3A_1707 : vector<52x256xf32>
      %slice3A_1709 = vector.extract_strided_slice %add3A_1671 {offsets = [0, 0], sizes = [48, 256], strides = [1, 1]} : vector<48x768xf32> to vector<48x256xf32>
      %slice3A_1710 = vector.extract_strided_slice %dot_general3A_1674 {offsets = [0, 0], sizes = [48, 256], strides = [1, 1]} : vector<48x768xf32> to vector<48x256xf32>
      %add3A_1711 = arith.addf %slice3A_1709, %slice3A_1710 : vector<48x256xf32>
      %mul3A_1712 = arith.constant 5.000000e-01 : f32
      %mul3A_1713 = vector.broadcast %mul3A_1712 : f32 to vector<48x256xf32>
      %mul3A_1714 = arith.mulf %add3A_1711, %mul3A_1713 : vector<48x256xf32>
      %tanh3A_1715 = math.tanh %mul3A_1714 : vector<48x256xf32>
      %mul3A_1716 = arith.constant 5.000000e-01 : f32
      %mul3A_1717 = vector.broadcast %mul3A_1716 : f32 to vector<48x256xf32>
      %mul3A_1718 = arith.mulf %tanh3A_1715, %mul3A_1717 : vector<48x256xf32>
      %add3A_1719 = arith.constant 5.000000e-01 : f32
      %add3A_1720 = vector.broadcast %add3A_1719 : f32 to vector<48x256xf32>
      %add3A_1721 = arith.addf %mul3A_1718, %add3A_1720 : vector<48x256xf32>
      %slice3A_1722 = vector.extract_strided_slice %add3A_1671 {offsets = [0, 256], sizes = [48, 256], strides = [1, 1]} : vector<48x768xf32> to vector<48x256xf32>
      %slice3A_1723 = vector.extract_strided_slice %dot_general3A_1674 {offsets = [0, 256], sizes = [48, 256], strides = [1, 1]} : vector<48x768xf32> to vector<48x256xf32>
      %add3A_1724 = arith.addf %slice3A_1722, %slice3A_1723 : vector<48x256xf32>
      %mul3A_1725 = arith.constant 5.000000e-01 : f32
      %mul3A_1726 = vector.broadcast %mul3A_1725 : f32 to vector<48x256xf32>
      %mul3A_1727 = arith.mulf %add3A_1724, %mul3A_1726 : vector<48x256xf32>
      %tanh3A_1728 = math.tanh %mul3A_1727 : vector<48x256xf32>
      %mul3A_1729 = arith.constant 5.000000e-01 : f32
      %mul3A_1730 = vector.broadcast %mul3A_1729 : f32 to vector<48x256xf32>
      %mul3A_1731 = arith.mulf %tanh3A_1728, %mul3A_1730 : vector<48x256xf32>
      %add3A_1732 = arith.constant 5.000000e-01 : f32
      %add3A_1733 = vector.broadcast %add3A_1732 : f32 to vector<48x256xf32>
      %add3A_1734 = arith.addf %mul3A_1731, %add3A_1733 : vector<48x256xf32>
      %slice3A_1735 = vector.extract_strided_slice %add3A_1671 {offsets = [0, 512], sizes = [48, 256], strides = [1, 1]} : vector<48x768xf32> to vector<48x256xf32>
      %slice3A_1736 = vector.extract_strided_slice %dot_general3A_1674 {offsets = [0, 512], sizes = [48, 256], strides = [1, 1]} : vector<48x768xf32> to vector<48x256xf32>
      %mul3A_1737 = arith.mulf %add3A_1721, %slice3A_1736 : vector<48x256xf32>
      %add3A_1738 = arith.addf %slice3A_1735, %mul3A_1737 : vector<48x256xf32>
      %tanh3A_1739 = math.tanh %add3A_1738 : vector<48x256xf32>
      %sub3A_1740 = arith.subf %add3A_1651, %tanh3A_1739 : vector<48x256xf32>
      %mul3A_1741 = arith.mulf %add3A_1734, %sub3A_1740 : vector<48x256xf32>
      %add3A_1742 = arith.addf %tanh3A_1739, %mul3A_1741 : vector<48x256xf32>
      %add3A_1743 = arith.constant 18 : i32
      %add3A_1744 = arith.addi %mul3A_107, %add3A_1743 : i32
      %get3A_1745 = arith.index_cast %add3A_1744 : i32 to index
      %get3A_1746 = arith.constant 0 : index
      %get3A_1747 = arith.constant 0 : index
      %get3A_1748 = vector.load %arg0[%get3A_1745, %get3A_1746, %get3A_1747] : memref<200x100x32xbf16, #tpu.memory_space<vmem>>, vector<1x100x32xbf16>
      %get3A_1749 = vector.shape_cast %get3A_1748 : vector<1x100x32xbf16> to vector<100x32xbf16>
      %slice3A_1750 = vector.extract_strided_slice %get3A_1749 {offsets = [0, 0], sizes = [52, 32], strides = [1, 1]} : vector<100x32xbf16> to vector<52x32xbf16>
      %dot_general3A_1751 = arith.constant dense<0.000000e+00> : vector<52x768xf32>
      %dot_general3A_1752 = tpu.matmul %slice3A_1750, %get3A_1, %dot_general3A_1751 {dimension_numbers = #tpu.dot_dimension_numbers<[1], [0], [0], [1], [0, 0, 1, 1], [], []>, transpose_lhs_hint = false} : vector<52x32xbf16>, vector<32x768xbf16>, vector<52x768xf32> -> vector<52x768xf32>
      %add3A_1753 = vector.broadcast %get3A_7 : vector<1x768xf32> to vector<52x768xf32>
      %add3A_1754 = arith.addf %dot_general3A_1752, %add3A_1753 : vector<52x768xf32>
      %convert_element_type3A_1755 = arith.truncf %add3A_1708 : vector<52x256xf32> to vector<52x256xbf16>
      %dot_general3A_1756 = arith.constant dense<0.000000e+00> : vector<52x768xf32>
      %dot_general3A_1757 = tpu.matmul %convert_element_type3A_1755, %get3A_4, %dot_general3A_1756 {dimension_numbers = #tpu.dot_dimension_numbers<[1], [0], [0], [1], [0, 0, 1, 1], [], []>, transpose_lhs_hint = false} : vector<52x256xbf16>, vector<256x768xbf16>, vector<52x768xf32> -> vector<52x768xf32>
      %slice3A_1758 = vector.extract_strided_slice %get3A_1749 {offsets = [52, 0], sizes = [48, 32], strides = [1, 1]} : vector<100x32xbf16> to vector<48x32xbf16>
      %dot_general3A_1759 = arith.constant dense<0.000000e+00> : vector<48x768xf32>
      %dot_general3A_1760 = tpu.matmul %slice3A_1758, %get3A_1, %dot_general3A_1759 {dimension_numbers = #tpu.dot_dimension_numbers<[1], [0], [0], [1], [0, 0, 1, 1], [], []>, transpose_lhs_hint = false} : vector<48x32xbf16>, vector<32x768xbf16>, vector<48x768xf32> -> vector<48x768xf32>
      %add3A_1761 = vector.broadcast %get3A_7 : vector<1x768xf32> to vector<48x768xf32>
      %add3A_1762 = arith.addf %dot_general3A_1760, %add3A_1761 : vector<48x768xf32>
      %convert_element_type3A_1763 = arith.truncf %add3A_1742 : vector<48x256xf32> to vector<48x256xbf16>
      %dot_general3A_1764 = arith.constant dense<0.000000e+00> : vector<48x768xf32>
      %dot_general3A_1765 = tpu.matmul %convert_element_type3A_1763, %get3A_4, %dot_general3A_1764 {dimension_numbers = #tpu.dot_dimension_numbers<[1], [0], [0], [1], [0, 0, 1, 1], [], []>, transpose_lhs_hint = false} : vector<48x256xbf16>, vector<256x768xbf16>, vector<48x768xf32> -> vector<48x768xf32>
      %slice3A_1766 = vector.extract_strided_slice %add3A_1754 {offsets = [0, 0], sizes = [52, 256], strides = [1, 1]} : vector<52x768xf32> to vector<52x256xf32>
      %slice3A_1767 = vector.extract_strided_slice %dot_general3A_1757 {offsets = [0, 0], sizes = [52, 256], strides = [1, 1]} : vector<52x768xf32> to vector<52x256xf32>
      %add3A_1768 = arith.addf %slice3A_1766, %slice3A_1767 : vector<52x256xf32>
      %mul3A_1769 = arith.constant 5.000000e-01 : f32
      %mul3A_1770 = vector.broadcast %mul3A_1769 : f32 to vector<52x256xf32>
      %mul3A_1771 = arith.mulf %add3A_1768, %mul3A_1770 : vector<52x256xf32>
      %tanh3A_1772 = math.tanh %mul3A_1771 : vector<52x256xf32>
      %mul3A_1773 = arith.constant 5.000000e-01 : f32
      %mul3A_1774 = vector.broadcast %mul3A_1773 : f32 to vector<52x256xf32>
      %mul3A_1775 = arith.mulf %tanh3A_1772, %mul3A_1774 : vector<52x256xf32>
      %add3A_1776 = arith.constant 5.000000e-01 : f32
      %add3A_1777 = vector.broadcast %add3A_1776 : f32 to vector<52x256xf32>
      %add3A_1778 = arith.addf %mul3A_1775, %add3A_1777 : vector<52x256xf32>
      %slice3A_1779 = vector.extract_strided_slice %add3A_1754 {offsets = [0, 256], sizes = [52, 256], strides = [1, 1]} : vector<52x768xf32> to vector<52x256xf32>
      %slice3A_1780 = vector.extract_strided_slice %dot_general3A_1757 {offsets = [0, 256], sizes = [52, 256], strides = [1, 1]} : vector<52x768xf32> to vector<52x256xf32>
      %add3A_1781 = arith.addf %slice3A_1779, %slice3A_1780 : vector<52x256xf32>
      %mul3A_1782 = arith.constant 5.000000e-01 : f32
      %mul3A_1783 = vector.broadcast %mul3A_1782 : f32 to vector<52x256xf32>
      %mul3A_1784 = arith.mulf %add3A_1781, %mul3A_1783 : vector<52x256xf32>
      %tanh3A_1785 = math.tanh %mul3A_1784 : vector<52x256xf32>
      %mul3A_1786 = arith.constant 5.000000e-01 : f32
      %mul3A_1787 = vector.broadcast %mul3A_1786 : f32 to vector<52x256xf32>
      %mul3A_1788 = arith.mulf %tanh3A_1785, %mul3A_1787 : vector<52x256xf32>
      %add3A_1789 = arith.constant 5.000000e-01 : f32
      %add3A_1790 = vector.broadcast %add3A_1789 : f32 to vector<52x256xf32>
      %add3A_1791 = arith.addf %mul3A_1788, %add3A_1790 : vector<52x256xf32>
      %slice3A_1792 = vector.extract_strided_slice %add3A_1754 {offsets = [0, 512], sizes = [52, 256], strides = [1, 1]} : vector<52x768xf32> to vector<52x256xf32>
      %slice3A_1793 = vector.extract_strided_slice %dot_general3A_1757 {offsets = [0, 512], sizes = [52, 256], strides = [1, 1]} : vector<52x768xf32> to vector<52x256xf32>
      %mul3A_1794 = arith.mulf %add3A_1778, %slice3A_1793 : vector<52x256xf32>
      %add3A_1795 = arith.addf %slice3A_1792, %mul3A_1794 : vector<52x256xf32>
      %tanh3A_1796 = math.tanh %add3A_1795 : vector<52x256xf32>
      %sub3A_1797 = arith.subf %add3A_1708, %tanh3A_1796 : vector<52x256xf32>
      %mul3A_1798 = arith.mulf %add3A_1791, %sub3A_1797 : vector<52x256xf32>
      %add3A_1799 = arith.addf %tanh3A_1796, %mul3A_1798 : vector<52x256xf32>
      %slice3A_1800 = vector.extract_strided_slice %add3A_1762 {offsets = [0, 0], sizes = [48, 256], strides = [1, 1]} : vector<48x768xf32> to vector<48x256xf32>
      %slice3A_1801 = vector.extract_strided_slice %dot_general3A_1765 {offsets = [0, 0], sizes = [48, 256], strides = [1, 1]} : vector<48x768xf32> to vector<48x256xf32>
      %add3A_1802 = arith.addf %slice3A_1800, %slice3A_1801 : vector<48x256xf32>
      %mul3A_1803 = arith.constant 5.000000e-01 : f32
      %mul3A_1804 = vector.broadcast %mul3A_1803 : f32 to vector<48x256xf32>
      %mul3A_1805 = arith.mulf %add3A_1802, %mul3A_1804 : vector<48x256xf32>
      %tanh3A_1806 = math.tanh %mul3A_1805 : vector<48x256xf32>
      %mul3A_1807 = arith.constant 5.000000e-01 : f32
      %mul3A_1808 = vector.broadcast %mul3A_1807 : f32 to vector<48x256xf32>
      %mul3A_1809 = arith.mulf %tanh3A_1806, %mul3A_1808 : vector<48x256xf32>
      %add3A_1810 = arith.constant 5.000000e-01 : f32
      %add3A_1811 = vector.broadcast %add3A_1810 : f32 to vector<48x256xf32>
      %add3A_1812 = arith.addf %mul3A_1809, %add3A_1811 : vector<48x256xf32>
      %slice3A_1813 = vector.extract_strided_slice %add3A_1762 {offsets = [0, 256], sizes = [48, 256], strides = [1, 1]} : vector<48x768xf32> to vector<48x256xf32>
      %slice3A_1814 = vector.extract_strided_slice %dot_general3A_1765 {offsets = [0, 256], sizes = [48, 256], strides = [1, 1]} : vector<48x768xf32> to vector<48x256xf32>
      %add3A_1815 = arith.addf %slice3A_1813, %slice3A_1814 : vector<48x256xf32>
      %mul3A_1816 = arith.constant 5.000000e-01 : f32
      %mul3A_1817 = vector.broadcast %mul3A_1816 : f32 to vector<48x256xf32>
      %mul3A_1818 = arith.mulf %add3A_1815, %mul3A_1817 : vector<48x256xf32>
      %tanh3A_1819 = math.tanh %mul3A_1818 : vector<48x256xf32>
      %mul3A_1820 = arith.constant 5.000000e-01 : f32
      %mul3A_1821 = vector.broadcast %mul3A_1820 : f32 to vector<48x256xf32>
      %mul3A_1822 = arith.mulf %tanh3A_1819, %mul3A_1821 : vector<48x256xf32>
      %add3A_1823 = arith.constant 5.000000e-01 : f32
      %add3A_1824 = vector.broadcast %add3A_1823 : f32 to vector<48x256xf32>
      %add3A_1825 = arith.addf %mul3A_1822, %add3A_1824 : vector<48x256xf32>
      %slice3A_1826 = vector.extract_strided_slice %add3A_1762 {offsets = [0, 512], sizes = [48, 256], strides = [1, 1]} : vector<48x768xf32> to vector<48x256xf32>
      %slice3A_1827 = vector.extract_strided_slice %dot_general3A_1765 {offsets = [0, 512], sizes = [48, 256], strides = [1, 1]} : vector<48x768xf32> to vector<48x256xf32>
      %mul3A_1828 = arith.mulf %add3A_1812, %slice3A_1827 : vector<48x256xf32>
      %add3A_1829 = arith.addf %slice3A_1826, %mul3A_1828 : vector<48x256xf32>
      %tanh3A_1830 = math.tanh %add3A_1829 : vector<48x256xf32>
      %sub3A_1831 = arith.subf %add3A_1742, %tanh3A_1830 : vector<48x256xf32>
      %mul3A_1832 = arith.mulf %add3A_1825, %sub3A_1831 : vector<48x256xf32>
      %add3A_1833 = arith.addf %tanh3A_1830, %mul3A_1832 : vector<48x256xf32>
      %add3A_1834 = arith.constant 19 : i32
      %add3A_1835 = arith.addi %mul3A_107, %add3A_1834 : i32
      %get3A_1836 = arith.index_cast %add3A_1835 : i32 to index
      %get3A_1837 = arith.constant 0 : index
      %get3A_1838 = arith.constant 0 : index
      %get3A_1839 = vector.load %arg0[%get3A_1836, %get3A_1837, %get3A_1838] : memref<200x100x32xbf16, #tpu.memory_space<vmem>>, vector<1x100x32xbf16>
      %get3A_1840 = vector.shape_cast %get3A_1839 : vector<1x100x32xbf16> to vector<100x32xbf16>
      %slice3A_1841 = vector.extract_strided_slice %get3A_1840 {offsets = [0, 0], sizes = [52, 32], strides = [1, 1]} : vector<100x32xbf16> to vector<52x32xbf16>
      %dot_general3A_1842 = arith.constant dense<0.000000e+00> : vector<52x768xf32>
      %dot_general3A_1843 = tpu.matmul %slice3A_1841, %get3A_1, %dot_general3A_1842 {dimension_numbers = #tpu.dot_dimension_numbers<[1], [0], [0], [1], [0, 0, 1, 1], [], []>, transpose_lhs_hint = false} : vector<52x32xbf16>, vector<32x768xbf16>, vector<52x768xf32> -> vector<52x768xf32>
      %add3A_1844 = vector.broadcast %get3A_7 : vector<1x768xf32> to vector<52x768xf32>
      %add3A_1845 = arith.addf %dot_general3A_1843, %add3A_1844 : vector<52x768xf32>
      %convert_element_type3A_1846 = arith.truncf %add3A_1799 : vector<52x256xf32> to vector<52x256xbf16>
      %dot_general3A_1847 = arith.constant dense<0.000000e+00> : vector<52x768xf32>
      %dot_general3A_1848 = tpu.matmul %convert_element_type3A_1846, %get3A_4, %dot_general3A_1847 {dimension_numbers = #tpu.dot_dimension_numbers<[1], [0], [0], [1], [0, 0, 1, 1], [], []>, transpose_lhs_hint = false} : vector<52x256xbf16>, vector<256x768xbf16>, vector<52x768xf32> -> vector<52x768xf32>
      %slice3A_1849 = vector.extract_strided_slice %get3A_1840 {offsets = [52, 0], sizes = [48, 32], strides = [1, 1]} : vector<100x32xbf16> to vector<48x32xbf16>
      %dot_general3A_1850 = arith.constant dense<0.000000e+00> : vector<48x768xf32>
      %dot_general3A_1851 = tpu.matmul %slice3A_1849, %get3A_1, %dot_general3A_1850 {dimension_numbers = #tpu.dot_dimension_numbers<[1], [0], [0], [1], [0, 0, 1, 1], [], []>, transpose_lhs_hint = false} : vector<48x32xbf16>, vector<32x768xbf16>, vector<48x768xf32> -> vector<48x768xf32>
      %add3A_1852 = vector.broadcast %get3A_7 : vector<1x768xf32> to vector<48x768xf32>
      %add3A_1853 = arith.addf %dot_general3A_1851, %add3A_1852 : vector<48x768xf32>
      %convert_element_type3A_1854 = arith.truncf %add3A_1833 : vector<48x256xf32> to vector<48x256xbf16>
      %dot_general3A_1855 = arith.constant dense<0.000000e+00> : vector<48x768xf32>
      %dot_general3A_1856 = tpu.matmul %convert_element_type3A_1854, %get3A_4, %dot_general3A_1855 {dimension_numbers = #tpu.dot_dimension_numbers<[1], [0], [0], [1], [0, 0, 1, 1], [], []>, transpose_lhs_hint = false} : vector<48x256xbf16>, vector<256x768xbf16>, vector<48x768xf32> -> vector<48x768xf32>
      %slice3A_1857 = vector.extract_strided_slice %add3A_1845 {offsets = [0, 0], sizes = [52, 256], strides = [1, 1]} : vector<52x768xf32> to vector<52x256xf32>
      %slice3A_1858 = vector.extract_strided_slice %dot_general3A_1848 {offsets = [0, 0], sizes = [52, 256], strides = [1, 1]} : vector<52x768xf32> to vector<52x256xf32>
      %add3A_1859 = arith.addf %slice3A_1857, %slice3A_1858 : vector<52x256xf32>
      %mul3A_1860 = arith.constant 5.000000e-01 : f32
      %mul3A_1861 = vector.broadcast %mul3A_1860 : f32 to vector<52x256xf32>
      %mul3A_1862 = arith.mulf %add3A_1859, %mul3A_1861 : vector<52x256xf32>
      %tanh3A_1863 = math.tanh %mul3A_1862 : vector<52x256xf32>
      %mul3A_1864 = arith.constant 5.000000e-01 : f32
      %mul3A_1865 = vector.broadcast %mul3A_1864 : f32 to vector<52x256xf32>
      %mul3A_1866 = arith.mulf %tanh3A_1863, %mul3A_1865 : vector<52x256xf32>
      %add3A_1867 = arith.constant 5.000000e-01 : f32
      %add3A_1868 = vector.broadcast %add3A_1867 : f32 to vector<52x256xf32>
      %add3A_1869 = arith.addf %mul3A_1866, %add3A_1868 : vector<52x256xf32>
      %slice3A_1870 = vector.extract_strided_slice %add3A_1845 {offsets = [0, 256], sizes = [52, 256], strides = [1, 1]} : vector<52x768xf32> to vector<52x256xf32>
      %slice3A_1871 = vector.extract_strided_slice %dot_general3A_1848 {offsets = [0, 256], sizes = [52, 256], strides = [1, 1]} : vector<52x768xf32> to vector<52x256xf32>
      %add3A_1872 = arith.addf %slice3A_1870, %slice3A_1871 : vector<52x256xf32>
      %mul3A_1873 = arith.constant 5.000000e-01 : f32
      %mul3A_1874 = vector.broadcast %mul3A_1873 : f32 to vector<52x256xf32>
      %mul3A_1875 = arith.mulf %add3A_1872, %mul3A_1874 : vector<52x256xf32>
      %tanh3A_1876 = math.tanh %mul3A_1875 : vector<52x256xf32>
      %mul3A_1877 = arith.constant 5.000000e-01 : f32
      %mul3A_1878 = vector.broadcast %mul3A_1877 : f32 to vector<52x256xf32>
      %mul3A_1879 = arith.mulf %tanh3A_1876, %mul3A_1878 : vector<52x256xf32>
      %add3A_1880 = arith.constant 5.000000e-01 : f32
      %add3A_1881 = vector.broadcast %add3A_1880 : f32 to vector<52x256xf32>
      %add3A_1882 = arith.addf %mul3A_1879, %add3A_1881 : vector<52x256xf32>
      %slice3A_1883 = vector.extract_strided_slice %add3A_1845 {offsets = [0, 512], sizes = [52, 256], strides = [1, 1]} : vector<52x768xf32> to vector<52x256xf32>
      %slice3A_1884 = vector.extract_strided_slice %dot_general3A_1848 {offsets = [0, 512], sizes = [52, 256], strides = [1, 1]} : vector<52x768xf32> to vector<52x256xf32>
      %mul3A_1885 = arith.mulf %add3A_1869, %slice3A_1884 : vector<52x256xf32>
      %add3A_1886 = arith.addf %slice3A_1883, %mul3A_1885 : vector<52x256xf32>
      %tanh3A_1887 = math.tanh %add3A_1886 : vector<52x256xf32>
      %sub3A_1888 = arith.subf %add3A_1799, %tanh3A_1887 : vector<52x256xf32>
      %mul3A_1889 = arith.mulf %add3A_1882, %sub3A_1888 : vector<52x256xf32>
      %add3A_1890 = arith.addf %tanh3A_1887, %mul3A_1889 : vector<52x256xf32>
      %slice3A_1891 = vector.extract_strided_slice %add3A_1853 {offsets = [0, 0], sizes = [48, 256], strides = [1, 1]} : vector<48x768xf32> to vector<48x256xf32>
      %slice3A_1892 = vector.extract_strided_slice %dot_general3A_1856 {offsets = [0, 0], sizes = [48, 256], strides = [1, 1]} : vector<48x768xf32> to vector<48x256xf32>
      %add3A_1893 = arith.addf %slice3A_1891, %slice3A_1892 : vector<48x256xf32>
      %mul3A_1894 = arith.constant 5.000000e-01 : f32
      %mul3A_1895 = vector.broadcast %mul3A_1894 : f32 to vector<48x256xf32>
      %mul3A_1896 = arith.mulf %add3A_1893, %mul3A_1895 : vector<48x256xf32>
      %tanh3A_1897 = math.tanh %mul3A_1896 : vector<48x256xf32>
      %mul3A_1898 = arith.constant 5.000000e-01 : f32
      %mul3A_1899 = vector.broadcast %mul3A_1898 : f32 to vector<48x256xf32>
      %mul3A_1900 = arith.mulf %tanh3A_1897, %mul3A_1899 : vector<48x256xf32>
      %add3A_1901 = arith.constant 5.000000e-01 : f32
      %add3A_1902 = vector.broadcast %add3A_1901 : f32 to vector<48x256xf32>
      %add3A_1903 = arith.addf %mul3A_1900, %add3A_1902 : vector<48x256xf32>
      %slice3A_1904 = vector.extract_strided_slice %add3A_1853 {offsets = [0, 256], sizes = [48, 256], strides = [1, 1]} : vector<48x768xf32> to vector<48x256xf32>
      %slice3A_1905 = vector.extract_strided_slice %dot_general3A_1856 {offsets = [0, 256], sizes = [48, 256], strides = [1, 1]} : vector<48x768xf32> to vector<48x256xf32>
      %add3A_1906 = arith.addf %slice3A_1904, %slice3A_1905 : vector<48x256xf32>
      %mul3A_1907 = arith.constant 5.000000e-01 : f32
      %mul3A_1908 = vector.broadcast %mul3A_1907 : f32 to vector<48x256xf32>
      %mul3A_1909 = arith.mulf %add3A_1906, %mul3A_1908 : vector<48x256xf32>
      %tanh3A_1910 = math.tanh %mul3A_1909 : vector<48x256xf32>
      %mul3A_1911 = arith.constant 5.000000e-01 : f32
      %mul3A_1912 = vector.broadcast %mul3A_1911 : f32 to vector<48x256xf32>
      %mul3A_1913 = arith.mulf %tanh3A_1910, %mul3A_1912 : vector<48x256xf32>
      %add3A_1914 = arith.constant 5.000000e-01 : f32
      %add3A_1915 = vector.broadcast %add3A_1914 : f32 to vector<48x256xf32>
      %add3A_1916 = arith.addf %mul3A_1913, %add3A_1915 : vector<48x256xf32>
      %slice3A_1917 = vector.extract_strided_slice %add3A_1853 {offsets = [0, 512], sizes = [48, 256], strides = [1, 1]} : vector<48x768xf32> to vector<48x256xf32>
      %slice3A_1918 = vector.extract_strided_slice %dot_general3A_1856 {offsets = [0, 512], sizes = [48, 256], strides = [1, 1]} : vector<48x768xf32> to vector<48x256xf32>
      %mul3A_1919 = arith.mulf %add3A_1903, %slice3A_1918 : vector<48x256xf32>
      %add3A_1920 = arith.addf %slice3A_1917, %mul3A_1919 : vector<48x256xf32>
      %tanh3A_1921 = math.tanh %add3A_1920 : vector<48x256xf32>
      %sub3A_1922 = arith.subf %add3A_1833, %tanh3A_1921 : vector<48x256xf32>
      %mul3A_1923 = arith.mulf %add3A_1916, %sub3A_1922 : vector<48x256xf32>
      %add3A_1924 = arith.addf %tanh3A_1921, %mul3A_1923 : vector<48x256xf32>
      %add3A_1925 = arith.constant 20 : i32
      %add3A_1926 = arith.addi %mul3A_107, %add3A_1925 : i32
      %get3A_1927 = arith.index_cast %add3A_1926 : i32 to index
      %get3A_1928 = arith.constant 0 : index
      %get3A_1929 = arith.constant 0 : index
      %get3A_1930 = vector.load %arg0[%get3A_1927, %get3A_1928, %get3A_1929] : memref<200x100x32xbf16, #tpu.memory_space<vmem>>, vector<1x100x32xbf16>
      %get3A_1931 = vector.shape_cast %get3A_1930 : vector<1x100x32xbf16> to vector<100x32xbf16>
      %slice3A_1932 = vector.extract_strided_slice %get3A_1931 {offsets = [0, 0], sizes = [52, 32], strides = [1, 1]} : vector<100x32xbf16> to vector<52x32xbf16>
      %dot_general3A_1933 = arith.constant dense<0.000000e+00> : vector<52x768xf32>
      %dot_general3A_1934 = tpu.matmul %slice3A_1932, %get3A_1, %dot_general3A_1933 {dimension_numbers = #tpu.dot_dimension_numbers<[1], [0], [0], [1], [0, 0, 1, 1], [], []>, transpose_lhs_hint = false} : vector<52x32xbf16>, vector<32x768xbf16>, vector<52x768xf32> -> vector<52x768xf32>
      %add3A_1935 = vector.broadcast %get3A_7 : vector<1x768xf32> to vector<52x768xf32>
      %add3A_1936 = arith.addf %dot_general3A_1934, %add3A_1935 : vector<52x768xf32>
      %convert_element_type3A_1937 = arith.truncf %add3A_1890 : vector<52x256xf32> to vector<52x256xbf16>
      %dot_general3A_1938 = arith.constant dense<0.000000e+00> : vector<52x768xf32>
      %dot_general3A_1939 = tpu.matmul %convert_element_type3A_1937, %get3A_4, %dot_general3A_1938 {dimension_numbers = #tpu.dot_dimension_numbers<[1], [0], [0], [1], [0, 0, 1, 1], [], []>, transpose_lhs_hint = false} : vector<52x256xbf16>, vector<256x768xbf16>, vector<52x768xf32> -> vector<52x768xf32>
      %slice3A_1940 = vector.extract_strided_slice %get3A_1931 {offsets = [52, 0], sizes = [48, 32], strides = [1, 1]} : vector<100x32xbf16> to vector<48x32xbf16>
      %dot_general3A_1941 = arith.constant dense<0.000000e+00> : vector<48x768xf32>
      %dot_general3A_1942 = tpu.matmul %slice3A_1940, %get3A_1, %dot_general3A_1941 {dimension_numbers = #tpu.dot_dimension_numbers<[1], [0], [0], [1], [0, 0, 1, 1], [], []>, transpose_lhs_hint = false} : vector<48x32xbf16>, vector<32x768xbf16>, vector<48x768xf32> -> vector<48x768xf32>
      %add3A_1943 = vector.broadcast %get3A_7 : vector<1x768xf32> to vector<48x768xf32>
      %add3A_1944 = arith.addf %dot_general3A_1942, %add3A_1943 : vector<48x768xf32>
      %convert_element_type3A_1945 = arith.truncf %add3A_1924 : vector<48x256xf32> to vector<48x256xbf16>
      %dot_general3A_1946 = arith.constant dense<0.000000e+00> : vector<48x768xf32>
      %dot_general3A_1947 = tpu.matmul %convert_element_type3A_1945, %get3A_4, %dot_general3A_1946 {dimension_numbers = #tpu.dot_dimension_numbers<[1], [0], [0], [1], [0, 0, 1, 1], [], []>, transpose_lhs_hint = false} : vector<48x256xbf16>, vector<256x768xbf16>, vector<48x768xf32> -> vector<48x768xf32>
      %slice3A_1948 = vector.extract_strided_slice %add3A_1936 {offsets = [0, 0], sizes = [52, 256], strides = [1, 1]} : vector<52x768xf32> to vector<52x256xf32>
      %slice3A_1949 = vector.extract_strided_slice %dot_general3A_1939 {offsets = [0, 0], sizes = [52, 256], strides = [1, 1]} : vector<52x768xf32> to vector<52x256xf32>
      %add3A_1950 = arith.addf %slice3A_1948, %slice3A_1949 : vector<52x256xf32>
      %mul3A_1951 = arith.constant 5.000000e-01 : f32
      %mul3A_1952 = vector.broadcast %mul3A_1951 : f32 to vector<52x256xf32>
      %mul3A_1953 = arith.mulf %add3A_1950, %mul3A_1952 : vector<52x256xf32>
      %tanh3A_1954 = math.tanh %mul3A_1953 : vector<52x256xf32>
      %mul3A_1955 = arith.constant 5.000000e-01 : f32
      %mul3A_1956 = vector.broadcast %mul3A_1955 : f32 to vector<52x256xf32>
      %mul3A_1957 = arith.mulf %tanh3A_1954, %mul3A_1956 : vector<52x256xf32>
      %add3A_1958 = arith.constant 5.000000e-01 : f32
      %add3A_1959 = vector.broadcast %add3A_1958 : f32 to vector<52x256xf32>
      %add3A_1960 = arith.addf %mul3A_1957, %add3A_1959 : vector<52x256xf32>
      %slice3A_1961 = vector.extract_strided_slice %add3A_1936 {offsets = [0, 256], sizes = [52, 256], strides = [1, 1]} : vector<52x768xf32> to vector<52x256xf32>
      %slice3A_1962 = vector.extract_strided_slice %dot_general3A_1939 {offsets = [0, 256], sizes = [52, 256], strides = [1, 1]} : vector<52x768xf32> to vector<52x256xf32>
      %add3A_1963 = arith.addf %slice3A_1961, %slice3A_1962 : vector<52x256xf32>
      %mul3A_1964 = arith.constant 5.000000e-01 : f32
      %mul3A_1965 = vector.broadcast %mul3A_1964 : f32 to vector<52x256xf32>
      %mul3A_1966 = arith.mulf %add3A_1963, %mul3A_1965 : vector<52x256xf32>
      %tanh3A_1967 = math.tanh %mul3A_1966 : vector<52x256xf32>
      %mul3A_1968 = arith.constant 5.000000e-01 : f32
      %mul3A_1969 = vector.broadcast %mul3A_1968 : f32 to vector<52x256xf32>
      %mul3A_1970 = arith.mulf %tanh3A_1967, %mul3A_1969 : vector<52x256xf32>
      %add3A_1971 = arith.constant 5.000000e-01 : f32
      %add3A_1972 = vector.broadcast %add3A_1971 : f32 to vector<52x256xf32>
      %add3A_1973 = arith.addf %mul3A_1970, %add3A_1972 : vector<52x256xf32>
      %slice3A_1974 = vector.extract_strided_slice %add3A_1936 {offsets = [0, 512], sizes = [52, 256], strides = [1, 1]} : vector<52x768xf32> to vector<52x256xf32>
      %slice3A_1975 = vector.extract_strided_slice %dot_general3A_1939 {offsets = [0, 512], sizes = [52, 256], strides = [1, 1]} : vector<52x768xf32> to vector<52x256xf32>
      %mul3A_1976 = arith.mulf %add3A_1960, %slice3A_1975 : vector<52x256xf32>
      %add3A_1977 = arith.addf %slice3A_1974, %mul3A_1976 : vector<52x256xf32>
      %tanh3A_1978 = math.tanh %add3A_1977 : vector<52x256xf32>
      %sub3A_1979 = arith.subf %add3A_1890, %tanh3A_1978 : vector<52x256xf32>
      %mul3A_1980 = arith.mulf %add3A_1973, %sub3A_1979 : vector<52x256xf32>
      %add3A_1981 = arith.addf %tanh3A_1978, %mul3A_1980 : vector<52x256xf32>
      %slice3A_1982 = vector.extract_strided_slice %add3A_1944 {offsets = [0, 0], sizes = [48, 256], strides = [1, 1]} : vector<48x768xf32> to vector<48x256xf32>
      %slice3A_1983 = vector.extract_strided_slice %dot_general3A_1947 {offsets = [0, 0], sizes = [48, 256], strides = [1, 1]} : vector<48x768xf32> to vector<48x256xf32>
      %add3A_1984 = arith.addf %slice3A_1982, %slice3A_1983 : vector<48x256xf32>
      %mul3A_1985 = arith.constant 5.000000e-01 : f32
      %mul3A_1986 = vector.broadcast %mul3A_1985 : f32 to vector<48x256xf32>
      %mul3A_1987 = arith.mulf %add3A_1984, %mul3A_1986 : vector<48x256xf32>
      %tanh3A_1988 = math.tanh %mul3A_1987 : vector<48x256xf32>
      %mul3A_1989 = arith.constant 5.000000e-01 : f32
      %mul3A_1990 = vector.broadcast %mul3A_1989 : f32 to vector<48x256xf32>
      %mul3A_1991 = arith.mulf %tanh3A_1988, %mul3A_1990 : vector<48x256xf32>
      %add3A_1992 = arith.constant 5.000000e-01 : f32
      %add3A_1993 = vector.broadcast %add3A_1992 : f32 to vector<48x256xf32>
      %add3A_1994 = arith.addf %mul3A_1991, %add3A_1993 : vector<48x256xf32>
      %slice3A_1995 = vector.extract_strided_slice %add3A_1944 {offsets = [0, 256], sizes = [48, 256], strides = [1, 1]} : vector<48x768xf32> to vector<48x256xf32>
      %slice3A_1996 = vector.extract_strided_slice %dot_general3A_1947 {offsets = [0, 256], sizes = [48, 256], strides = [1, 1]} : vector<48x768xf32> to vector<48x256xf32>
      %add3A_1997 = arith.addf %slice3A_1995, %slice3A_1996 : vector<48x256xf32>
      %mul3A_1998 = arith.constant 5.000000e-01 : f32
      %mul3A_1999 = vector.broadcast %mul3A_1998 : f32 to vector<48x256xf32>
      %mul3A_2000 = arith.mulf %add3A_1997, %mul3A_1999 : vector<48x256xf32>
      %tanh3A_2001 = math.tanh %mul3A_2000 : vector<48x256xf32>
      %mul3A_2002 = arith.constant 5.000000e-01 : f32
      %mul3A_2003 = vector.broadcast %mul3A_2002 : f32 to vector<48x256xf32>
      %mul3A_2004 = arith.mulf %tanh3A_2001, %mul3A_2003 : vector<48x256xf32>
      %add3A_2005 = arith.constant 5.000000e-01 : f32
      %add3A_2006 = vector.broadcast %add3A_2005 : f32 to vector<48x256xf32>
      %add3A_2007 = arith.addf %mul3A_2004, %add3A_2006 : vector<48x256xf32>
      %slice3A_2008 = vector.extract_strided_slice %add3A_1944 {offsets = [0, 512], sizes = [48, 256], strides = [1, 1]} : vector<48x768xf32> to vector<48x256xf32>
      %slice3A_2009 = vector.extract_strided_slice %dot_general3A_1947 {offsets = [0, 512], sizes = [48, 256], strides = [1, 1]} : vector<48x768xf32> to vector<48x256xf32>
      %mul3A_2010 = arith.mulf %add3A_1994, %slice3A_2009 : vector<48x256xf32>
      %add3A_2011 = arith.addf %slice3A_2008, %mul3A_2010 : vector<48x256xf32>
      %tanh3A_2012 = math.tanh %add3A_2011 : vector<48x256xf32>
      %sub3A_2013 = arith.subf %add3A_1924, %tanh3A_2012 : vector<48x256xf32>
      %mul3A_2014 = arith.mulf %add3A_2007, %sub3A_2013 : vector<48x256xf32>
      %add3A_2015 = arith.addf %tanh3A_2012, %mul3A_2014 : vector<48x256xf32>
      %add3A_2016 = arith.constant 21 : i32
      %add3A_2017 = arith.addi %mul3A_107, %add3A_2016 : i32
      %get3A_2018 = arith.index_cast %add3A_2017 : i32 to index
      %get3A_2019 = arith.constant 0 : index
      %get3A_2020 = arith.constant 0 : index
      %get3A_2021 = vector.load %arg0[%get3A_2018, %get3A_2019, %get3A_2020] : memref<200x100x32xbf16, #tpu.memory_space<vmem>>, vector<1x100x32xbf16>
      %get3A_2022 = vector.shape_cast %get3A_2021 : vector<1x100x32xbf16> to vector<100x32xbf16>
      %slice3A_2023 = vector.extract_strided_slice %get3A_2022 {offsets = [0, 0], sizes = [52, 32], strides = [1, 1]} : vector<100x32xbf16> to vector<52x32xbf16>
      %dot_general3A_2024 = arith.constant dense<0.000000e+00> : vector<52x768xf32>
      %dot_general3A_2025 = tpu.matmul %slice3A_2023, %get3A_1, %dot_general3A_2024 {dimension_numbers = #tpu.dot_dimension_numbers<[1], [0], [0], [1], [0, 0, 1, 1], [], []>, transpose_lhs_hint = false} : vector<52x32xbf16>, vector<32x768xbf16>, vector<52x768xf32> -> vector<52x768xf32>
      %add3A_2026 = vector.broadcast %get3A_7 : vector<1x768xf32> to vector<52x768xf32>
      %add3A_2027 = arith.addf %dot_general3A_2025, %add3A_2026 : vector<52x768xf32>
      %convert_element_type3A_2028 = arith.truncf %add3A_1981 : vector<52x256xf32> to vector<52x256xbf16>
      %dot_general3A_2029 = arith.constant dense<0.000000e+00> : vector<52x768xf32>
      %dot_general3A_2030 = tpu.matmul %convert_element_type3A_2028, %get3A_4, %dot_general3A_2029 {dimension_numbers = #tpu.dot_dimension_numbers<[1], [0], [0], [1], [0, 0, 1, 1], [], []>, transpose_lhs_hint = false} : vector<52x256xbf16>, vector<256x768xbf16>, vector<52x768xf32> -> vector<52x768xf32>
      %slice3A_2031 = vector.extract_strided_slice %get3A_2022 {offsets = [52, 0], sizes = [48, 32], strides = [1, 1]} : vector<100x32xbf16> to vector<48x32xbf16>
      %dot_general3A_2032 = arith.constant dense<0.000000e+00> : vector<48x768xf32>
      %dot_general3A_2033 = tpu.matmul %slice3A_2031, %get3A_1, %dot_general3A_2032 {dimension_numbers = #tpu.dot_dimension_numbers<[1], [0], [0], [1], [0, 0, 1, 1], [], []>, transpose_lhs_hint = false} : vector<48x32xbf16>, vector<32x768xbf16>, vector<48x768xf32> -> vector<48x768xf32>
      %add3A_2034 = vector.broadcast %get3A_7 : vector<1x768xf32> to vector<48x768xf32>
      %add3A_2035 = arith.addf %dot_general3A_2033, %add3A_2034 : vector<48x768xf32>
      %convert_element_type3A_2036 = arith.truncf %add3A_2015 : vector<48x256xf32> to vector<48x256xbf16>
      %dot_general3A_2037 = arith.constant dense<0.000000e+00> : vector<48x768xf32>
      %dot_general3A_2038 = tpu.matmul %convert_element_type3A_2036, %get3A_4, %dot_general3A_2037 {dimension_numbers = #tpu.dot_dimension_numbers<[1], [0], [0], [1], [0, 0, 1, 1], [], []>, transpose_lhs_hint = false} : vector<48x256xbf16>, vector<256x768xbf16>, vector<48x768xf32> -> vector<48x768xf32>
      %slice3A_2039 = vector.extract_strided_slice %add3A_2027 {offsets = [0, 0], sizes = [52, 256], strides = [1, 1]} : vector<52x768xf32> to vector<52x256xf32>
      %slice3A_2040 = vector.extract_strided_slice %dot_general3A_2030 {offsets = [0, 0], sizes = [52, 256], strides = [1, 1]} : vector<52x768xf32> to vector<52x256xf32>
      %add3A_2041 = arith.addf %slice3A_2039, %slice3A_2040 : vector<52x256xf32>
      %mul3A_2042 = arith.constant 5.000000e-01 : f32
      %mul3A_2043 = vector.broadcast %mul3A_2042 : f32 to vector<52x256xf32>
      %mul3A_2044 = arith.mulf %add3A_2041, %mul3A_2043 : vector<52x256xf32>
      %tanh3A_2045 = math.tanh %mul3A_2044 : vector<52x256xf32>
      %mul3A_2046 = arith.constant 5.000000e-01 : f32
      %mul3A_2047 = vector.broadcast %mul3A_2046 : f32 to vector<52x256xf32>
      %mul3A_2048 = arith.mulf %tanh3A_2045, %mul3A_2047 : vector<52x256xf32>
      %add3A_2049 = arith.constant 5.000000e-01 : f32
      %add3A_2050 = vector.broadcast %add3A_2049 : f32 to vector<52x256xf32>
      %add3A_2051 = arith.addf %mul3A_2048, %add3A_2050 : vector<52x256xf32>
      %slice3A_2052 = vector.extract_strided_slice %add3A_2027 {offsets = [0, 256], sizes = [52, 256], strides = [1, 1]} : vector<52x768xf32> to vector<52x256xf32>
      %slice3A_2053 = vector.extract_strided_slice %dot_general3A_2030 {offsets = [0, 256], sizes = [52, 256], strides = [1, 1]} : vector<52x768xf32> to vector<52x256xf32>
      %add3A_2054 = arith.addf %slice3A_2052, %slice3A_2053 : vector<52x256xf32>
      %mul3A_2055 = arith.constant 5.000000e-01 : f32
      %mul3A_2056 = vector.broadcast %mul3A_2055 : f32 to vector<52x256xf32>
      %mul3A_2057 = arith.mulf %add3A_2054, %mul3A_2056 : vector<52x256xf32>
      %tanh3A_2058 = math.tanh %mul3A_2057 : vector<52x256xf32>
      %mul3A_2059 = arith.constant 5.000000e-01 : f32
      %mul3A_2060 = vector.broadcast %mul3A_2059 : f32 to vector<52x256xf32>
      %mul3A_2061 = arith.mulf %tanh3A_2058, %mul3A_2060 : vector<52x256xf32>
      %add3A_2062 = arith.constant 5.000000e-01 : f32
      %add3A_2063 = vector.broadcast %add3A_2062 : f32 to vector<52x256xf32>
      %add3A_2064 = arith.addf %mul3A_2061, %add3A_2063 : vector<52x256xf32>
      %slice3A_2065 = vector.extract_strided_slice %add3A_2027 {offsets = [0, 512], sizes = [52, 256], strides = [1, 1]} : vector<52x768xf32> to vector<52x256xf32>
      %slice3A_2066 = vector.extract_strided_slice %dot_general3A_2030 {offsets = [0, 512], sizes = [52, 256], strides = [1, 1]} : vector<52x768xf32> to vector<52x256xf32>
      %mul3A_2067 = arith.mulf %add3A_2051, %slice3A_2066 : vector<52x256xf32>
      %add3A_2068 = arith.addf %slice3A_2065, %mul3A_2067 : vector<52x256xf32>
      %tanh3A_2069 = math.tanh %add3A_2068 : vector<52x256xf32>
      %sub3A_2070 = arith.subf %add3A_1981, %tanh3A_2069 : vector<52x256xf32>
      %mul3A_2071 = arith.mulf %add3A_2064, %sub3A_2070 : vector<52x256xf32>
      %add3A_2072 = arith.addf %tanh3A_2069, %mul3A_2071 : vector<52x256xf32>
      %slice3A_2073 = vector.extract_strided_slice %add3A_2035 {offsets = [0, 0], sizes = [48, 256], strides = [1, 1]} : vector<48x768xf32> to vector<48x256xf32>
      %slice3A_2074 = vector.extract_strided_slice %dot_general3A_2038 {offsets = [0, 0], sizes = [48, 256], strides = [1, 1]} : vector<48x768xf32> to vector<48x256xf32>
      %add3A_2075 = arith.addf %slice3A_2073, %slice3A_2074 : vector<48x256xf32>
      %mul3A_2076 = arith.constant 5.000000e-01 : f32
      %mul3A_2077 = vector.broadcast %mul3A_2076 : f32 to vector<48x256xf32>
      %mul3A_2078 = arith.mulf %add3A_2075, %mul3A_2077 : vector<48x256xf32>
      %tanh3A_2079 = math.tanh %mul3A_2078 : vector<48x256xf32>
      %mul3A_2080 = arith.constant 5.000000e-01 : f32
      %mul3A_2081 = vector.broadcast %mul3A_2080 : f32 to vector<48x256xf32>
      %mul3A_2082 = arith.mulf %tanh3A_2079, %mul3A_2081 : vector<48x256xf32>
      %add3A_2083 = arith.constant 5.000000e-01 : f32
      %add3A_2084 = vector.broadcast %add3A_2083 : f32 to vector<48x256xf32>
      %add3A_2085 = arith.addf %mul3A_2082, %add3A_2084 : vector<48x256xf32>
      %slice3A_2086 = vector.extract_strided_slice %add3A_2035 {offsets = [0, 256], sizes = [48, 256], strides = [1, 1]} : vector<48x768xf32> to vector<48x256xf32>
      %slice3A_2087 = vector.extract_strided_slice %dot_general3A_2038 {offsets = [0, 256], sizes = [48, 256], strides = [1, 1]} : vector<48x768xf32> to vector<48x256xf32>
      %add3A_2088 = arith.addf %slice3A_2086, %slice3A_2087 : vector<48x256xf32>
      %mul3A_2089 = arith.constant 5.000000e-01 : f32
      %mul3A_2090 = vector.broadcast %mul3A_2089 : f32 to vector<48x256xf32>
      %mul3A_2091 = arith.mulf %add3A_2088, %mul3A_2090 : vector<48x256xf32>
      %tanh3A_2092 = math.tanh %mul3A_2091 : vector<48x256xf32>
      %mul3A_2093 = arith.constant 5.000000e-01 : f32
      %mul3A_2094 = vector.broadcast %mul3A_2093 : f32 to vector<48x256xf32>
      %mul3A_2095 = arith.mulf %tanh3A_2092, %mul3A_2094 : vector<48x256xf32>
      %add3A_2096 = arith.constant 5.000000e-01 : f32
      %add3A_2097 = vector.broadcast %add3A_2096 : f32 to vector<48x256xf32>
      %add3A_2098 = arith.addf %mul3A_2095, %add3A_2097 : vector<48x256xf32>
      %slice3A_2099 = vector.extract_strided_slice %add3A_2035 {offsets = [0, 512], sizes = [48, 256], strides = [1, 1]} : vector<48x768xf32> to vector<48x256xf32>
      %slice3A_2100 = vector.extract_strided_slice %dot_general3A_2038 {offsets = [0, 512], sizes = [48, 256], strides = [1, 1]} : vector<48x768xf32> to vector<48x256xf32>
      %mul3A_2101 = arith.mulf %add3A_2085, %slice3A_2100 : vector<48x256xf32>
      %add3A_2102 = arith.addf %slice3A_2099, %mul3A_2101 : vector<48x256xf32>
      %tanh3A_2103 = math.tanh %add3A_2102 : vector<48x256xf32>
      %sub3A_2104 = arith.subf %add3A_2015, %tanh3A_2103 : vector<48x256xf32>
      %mul3A_2105 = arith.mulf %add3A_2098, %sub3A_2104 : vector<48x256xf32>
      %add3A_2106 = arith.addf %tanh3A_2103, %mul3A_2105 : vector<48x256xf32>
      %add3A_2107 = arith.constant 22 : i32
      %add3A_2108 = arith.addi %mul3A_107, %add3A_2107 : i32
      %get3A_2109 = arith.index_cast %add3A_2108 : i32 to index
      %get3A_2110 = arith.constant 0 : index
      %get3A_2111 = arith.constant 0 : index
      %get3A_2112 = vector.load %arg0[%get3A_2109, %get3A_2110, %get3A_2111] : memref<200x100x32xbf16, #tpu.memory_space<vmem>>, vector<1x100x32xbf16>
      %get3A_2113 = vector.shape_cast %get3A_2112 : vector<1x100x32xbf16> to vector<100x32xbf16>
      %slice3A_2114 = vector.extract_strided_slice %get3A_2113 {offsets = [0, 0], sizes = [52, 32], strides = [1, 1]} : vector<100x32xbf16> to vector<52x32xbf16>
      %dot_general3A_2115 = arith.constant dense<0.000000e+00> : vector<52x768xf32>
      %dot_general3A_2116 = tpu.matmul %slice3A_2114, %get3A_1, %dot_general3A_2115 {dimension_numbers = #tpu.dot_dimension_numbers<[1], [0], [0], [1], [0, 0, 1, 1], [], []>, transpose_lhs_hint = false} : vector<52x32xbf16>, vector<32x768xbf16>, vector<52x768xf32> -> vector<52x768xf32>
      %add3A_2117 = vector.broadcast %get3A_7 : vector<1x768xf32> to vector<52x768xf32>
      %add3A_2118 = arith.addf %dot_general3A_2116, %add3A_2117 : vector<52x768xf32>
      %convert_element_type3A_2119 = arith.truncf %add3A_2072 : vector<52x256xf32> to vector<52x256xbf16>
      %dot_general3A_2120 = arith.constant dense<0.000000e+00> : vector<52x768xf32>
      %dot_general3A_2121 = tpu.matmul %convert_element_type3A_2119, %get3A_4, %dot_general3A_2120 {dimension_numbers = #tpu.dot_dimension_numbers<[1], [0], [0], [1], [0, 0, 1, 1], [], []>, transpose_lhs_hint = false} : vector<52x256xbf16>, vector<256x768xbf16>, vector<52x768xf32> -> vector<52x768xf32>
      %slice3A_2122 = vector.extract_strided_slice %get3A_2113 {offsets = [52, 0], sizes = [48, 32], strides = [1, 1]} : vector<100x32xbf16> to vector<48x32xbf16>
      %dot_general3A_2123 = arith.constant dense<0.000000e+00> : vector<48x768xf32>
      %dot_general3A_2124 = tpu.matmul %slice3A_2122, %get3A_1, %dot_general3A_2123 {dimension_numbers = #tpu.dot_dimension_numbers<[1], [0], [0], [1], [0, 0, 1, 1], [], []>, transpose_lhs_hint = false} : vector<48x32xbf16>, vector<32x768xbf16>, vector<48x768xf32> -> vector<48x768xf32>
      %add3A_2125 = vector.broadcast %get3A_7 : vector<1x768xf32> to vector<48x768xf32>
      %add3A_2126 = arith.addf %dot_general3A_2124, %add3A_2125 : vector<48x768xf32>
      %convert_element_type3A_2127 = arith.truncf %add3A_2106 : vector<48x256xf32> to vector<48x256xbf16>
      %dot_general3A_2128 = arith.constant dense<0.000000e+00> : vector<48x768xf32>
      %dot_general3A_2129 = tpu.matmul %convert_element_type3A_2127, %get3A_4, %dot_general3A_2128 {dimension_numbers = #tpu.dot_dimension_numbers<[1], [0], [0], [1], [0, 0, 1, 1], [], []>, transpose_lhs_hint = false} : vector<48x256xbf16>, vector<256x768xbf16>, vector<48x768xf32> -> vector<48x768xf32>
      %slice3A_2130 = vector.extract_strided_slice %add3A_2118 {offsets = [0, 0], sizes = [52, 256], strides = [1, 1]} : vector<52x768xf32> to vector<52x256xf32>
      %slice3A_2131 = vector.extract_strided_slice %dot_general3A_2121 {offsets = [0, 0], sizes = [52, 256], strides = [1, 1]} : vector<52x768xf32> to vector<52x256xf32>
      %add3A_2132 = arith.addf %slice3A_2130, %slice3A_2131 : vector<52x256xf32>
      %mul3A_2133 = arith.constant 5.000000e-01 : f32
      %mul3A_2134 = vector.broadcast %mul3A_2133 : f32 to vector<52x256xf32>
      %mul3A_2135 = arith.mulf %add3A_2132, %mul3A_2134 : vector<52x256xf32>
      %tanh3A_2136 = math.tanh %mul3A_2135 : vector<52x256xf32>
      %mul3A_2137 = arith.constant 5.000000e-01 : f32
      %mul3A_2138 = vector.broadcast %mul3A_2137 : f32 to vector<52x256xf32>
      %mul3A_2139 = arith.mulf %tanh3A_2136, %mul3A_2138 : vector<52x256xf32>
      %add3A_2140 = arith.constant 5.000000e-01 : f32
      %add3A_2141 = vector.broadcast %add3A_2140 : f32 to vector<52x256xf32>
      %add3A_2142 = arith.addf %mul3A_2139, %add3A_2141 : vector<52x256xf32>
      %slice3A_2143 = vector.extract_strided_slice %add3A_2118 {offsets = [0, 256], sizes = [52, 256], strides = [1, 1]} : vector<52x768xf32> to vector<52x256xf32>
      %slice3A_2144 = vector.extract_strided_slice %dot_general3A_2121 {offsets = [0, 256], sizes = [52, 256], strides = [1, 1]} : vector<52x768xf32> to vector<52x256xf32>
      %add3A_2145 = arith.addf %slice3A_2143, %slice3A_2144 : vector<52x256xf32>
      %mul3A_2146 = arith.constant 5.000000e-01 : f32
      %mul3A_2147 = vector.broadcast %mul3A_2146 : f32 to vector<52x256xf32>
      %mul3A_2148 = arith.mulf %add3A_2145, %mul3A_2147 : vector<52x256xf32>
      %tanh3A_2149 = math.tanh %mul3A_2148 : vector<52x256xf32>
      %mul3A_2150 = arith.constant 5.000000e-01 : f32
      %mul3A_2151 = vector.broadcast %mul3A_2150 : f32 to vector<52x256xf32>
      %mul3A_2152 = arith.mulf %tanh3A_2149, %mul3A_2151 : vector<52x256xf32>
      %add3A_2153 = arith.constant 5.000000e-01 : f32
      %add3A_2154 = vector.broadcast %add3A_2153 : f32 to vector<52x256xf32>
      %add3A_2155 = arith.addf %mul3A_2152, %add3A_2154 : vector<52x256xf32>
      %slice3A_2156 = vector.extract_strided_slice %add3A_2118 {offsets = [0, 512], sizes = [52, 256], strides = [1, 1]} : vector<52x768xf32> to vector<52x256xf32>
      %slice3A_2157 = vector.extract_strided_slice %dot_general3A_2121 {offsets = [0, 512], sizes = [52, 256], strides = [1, 1]} : vector<52x768xf32> to vector<52x256xf32>
      %mul3A_2158 = arith.mulf %add3A_2142, %slice3A_2157 : vector<52x256xf32>
      %add3A_2159 = arith.addf %slice3A_2156, %mul3A_2158 : vector<52x256xf32>
      %tanh3A_2160 = math.tanh %add3A_2159 : vector<52x256xf32>
      %sub3A_2161 = arith.subf %add3A_2072, %tanh3A_2160 : vector<52x256xf32>
      %mul3A_2162 = arith.mulf %add3A_2155, %sub3A_2161 : vector<52x256xf32>
      %add3A_2163 = arith.addf %tanh3A_2160, %mul3A_2162 : vector<52x256xf32>
      %slice3A_2164 = vector.extract_strided_slice %add3A_2126 {offsets = [0, 0], sizes = [48, 256], strides = [1, 1]} : vector<48x768xf32> to vector<48x256xf32>
      %slice3A_2165 = vector.extract_strided_slice %dot_general3A_2129 {offsets = [0, 0], sizes = [48, 256], strides = [1, 1]} : vector<48x768xf32> to vector<48x256xf32>
      %add3A_2166 = arith.addf %slice3A_2164, %slice3A_2165 : vector<48x256xf32>
      %mul3A_2167 = arith.constant 5.000000e-01 : f32
      %mul3A_2168 = vector.broadcast %mul3A_2167 : f32 to vector<48x256xf32>
      %mul3A_2169 = arith.mulf %add3A_2166, %mul3A_2168 : vector<48x256xf32>
      %tanh3A_2170 = math.tanh %mul3A_2169 : vector<48x256xf32>
      %mul3A_2171 = arith.constant 5.000000e-01 : f32
      %mul3A_2172 = vector.broadcast %mul3A_2171 : f32 to vector<48x256xf32>
      %mul3A_2173 = arith.mulf %tanh3A_2170, %mul3A_2172 : vector<48x256xf32>
      %add3A_2174 = arith.constant 5.000000e-01 : f32
      %add3A_2175 = vector.broadcast %add3A_2174 : f32 to vector<48x256xf32>
      %add3A_2176 = arith.addf %mul3A_2173, %add3A_2175 : vector<48x256xf32>
      %slice3A_2177 = vector.extract_strided_slice %add3A_2126 {offsets = [0, 256], sizes = [48, 256], strides = [1, 1]} : vector<48x768xf32> to vector<48x256xf32>
      %slice3A_2178 = vector.extract_strided_slice %dot_general3A_2129 {offsets = [0, 256], sizes = [48, 256], strides = [1, 1]} : vector<48x768xf32> to vector<48x256xf32>
      %add3A_2179 = arith.addf %slice3A_2177, %slice3A_2178 : vector<48x256xf32>
      %mul3A_2180 = arith.constant 5.000000e-01 : f32
      %mul3A_2181 = vector.broadcast %mul3A_2180 : f32 to vector<48x256xf32>
      %mul3A_2182 = arith.mulf %add3A_2179, %mul3A_2181 : vector<48x256xf32>
      %tanh3A_2183 = math.tanh %mul3A_2182 : vector<48x256xf32>
      %mul3A_2184 = arith.constant 5.000000e-01 : f32
      %mul3A_2185 = vector.broadcast %mul3A_2184 : f32 to vector<48x256xf32>
      %mul3A_2186 = arith.mulf %tanh3A_2183, %mul3A_2185 : vector<48x256xf32>
      %add3A_2187 = arith.constant 5.000000e-01 : f32
      %add3A_2188 = vector.broadcast %add3A_2187 : f32 to vector<48x256xf32>
      %add3A_2189 = arith.addf %mul3A_2186, %add3A_2188 : vector<48x256xf32>
      %slice3A_2190 = vector.extract_strided_slice %add3A_2126 {offsets = [0, 512], sizes = [48, 256], strides = [1, 1]} : vector<48x768xf32> to vector<48x256xf32>
      %slice3A_2191 = vector.extract_strided_slice %dot_general3A_2129 {offsets = [0, 512], sizes = [48, 256], strides = [1, 1]} : vector<48x768xf32> to vector<48x256xf32>
      %mul3A_2192 = arith.mulf %add3A_2176, %slice3A_2191 : vector<48x256xf32>
      %add3A_2193 = arith.addf %slice3A_2190, %mul3A_2192 : vector<48x256xf32>
      %tanh3A_2194 = math.tanh %add3A_2193 : vector<48x256xf32>
      %sub3A_2195 = arith.subf %add3A_2106, %tanh3A_2194 : vector<48x256xf32>
      %mul3A_2196 = arith.mulf %add3A_2189, %sub3A_2195 : vector<48x256xf32>
      %add3A_2197 = arith.addf %tanh3A_2194, %mul3A_2196 : vector<48x256xf32>
      %add3A_2198 = arith.constant 23 : i32
      %add3A_2199 = arith.addi %mul3A_107, %add3A_2198 : i32
      %get3A_2200 = arith.index_cast %add3A_2199 : i32 to index
      %get3A_2201 = arith.constant 0 : index
      %get3A_2202 = arith.constant 0 : index
      %get3A_2203 = vector.load %arg0[%get3A_2200, %get3A_2201, %get3A_2202] : memref<200x100x32xbf16, #tpu.memory_space<vmem>>, vector<1x100x32xbf16>
      %get3A_2204 = vector.shape_cast %get3A_2203 : vector<1x100x32xbf16> to vector<100x32xbf16>
      %slice3A_2205 = vector.extract_strided_slice %get3A_2204 {offsets = [0, 0], sizes = [52, 32], strides = [1, 1]} : vector<100x32xbf16> to vector<52x32xbf16>
      %dot_general3A_2206 = arith.constant dense<0.000000e+00> : vector<52x768xf32>
      %dot_general3A_2207 = tpu.matmul %slice3A_2205, %get3A_1, %dot_general3A_2206 {dimension_numbers = #tpu.dot_dimension_numbers<[1], [0], [0], [1], [0, 0, 1, 1], [], []>, transpose_lhs_hint = false} : vector<52x32xbf16>, vector<32x768xbf16>, vector<52x768xf32> -> vector<52x768xf32>
      %add3A_2208 = vector.broadcast %get3A_7 : vector<1x768xf32> to vector<52x768xf32>
      %add3A_2209 = arith.addf %dot_general3A_2207, %add3A_2208 : vector<52x768xf32>
      %convert_element_type3A_2210 = arith.truncf %add3A_2163 : vector<52x256xf32> to vector<52x256xbf16>
      %dot_general3A_2211 = arith.constant dense<0.000000e+00> : vector<52x768xf32>
      %dot_general3A_2212 = tpu.matmul %convert_element_type3A_2210, %get3A_4, %dot_general3A_2211 {dimension_numbers = #tpu.dot_dimension_numbers<[1], [0], [0], [1], [0, 0, 1, 1], [], []>, transpose_lhs_hint = false} : vector<52x256xbf16>, vector<256x768xbf16>, vector<52x768xf32> -> vector<52x768xf32>
      %slice3A_2213 = vector.extract_strided_slice %get3A_2204 {offsets = [52, 0], sizes = [48, 32], strides = [1, 1]} : vector<100x32xbf16> to vector<48x32xbf16>
      %dot_general3A_2214 = arith.constant dense<0.000000e+00> : vector<48x768xf32>
      %dot_general3A_2215 = tpu.matmul %slice3A_2213, %get3A_1, %dot_general3A_2214 {dimension_numbers = #tpu.dot_dimension_numbers<[1], [0], [0], [1], [0, 0, 1, 1], [], []>, transpose_lhs_hint = false} : vector<48x32xbf16>, vector<32x768xbf16>, vector<48x768xf32> -> vector<48x768xf32>
      %add3A_2216 = vector.broadcast %get3A_7 : vector<1x768xf32> to vector<48x768xf32>
      %add3A_2217 = arith.addf %dot_general3A_2215, %add3A_2216 : vector<48x768xf32>
      %convert_element_type3A_2218 = arith.truncf %add3A_2197 : vector<48x256xf32> to vector<48x256xbf16>
      %dot_general3A_2219 = arith.constant dense<0.000000e+00> : vector<48x768xf32>
      %dot_general3A_2220 = tpu.matmul %convert_element_type3A_2218, %get3A_4, %dot_general3A_2219 {dimension_numbers = #tpu.dot_dimension_numbers<[1], [0], [0], [1], [0, 0, 1, 1], [], []>, transpose_lhs_hint = false} : vector<48x256xbf16>, vector<256x768xbf16>, vector<48x768xf32> -> vector<48x768xf32>
      %slice3A_2221 = vector.extract_strided_slice %add3A_2209 {offsets = [0, 0], sizes = [52, 256], strides = [1, 1]} : vector<52x768xf32> to vector<52x256xf32>
      %slice3A_2222 = vector.extract_strided_slice %dot_general3A_2212 {offsets = [0, 0], sizes = [52, 256], strides = [1, 1]} : vector<52x768xf32> to vector<52x256xf32>
      %add3A_2223 = arith.addf %slice3A_2221, %slice3A_2222 : vector<52x256xf32>
      %mul3A_2224 = arith.constant 5.000000e-01 : f32
      %mul3A_2225 = vector.broadcast %mul3A_2224 : f32 to vector<52x256xf32>
      %mul3A_2226 = arith.mulf %add3A_2223, %mul3A_2225 : vector<52x256xf32>
      %tanh3A_2227 = math.tanh %mul3A_2226 : vector<52x256xf32>
      %mul3A_2228 = arith.constant 5.000000e-01 : f32
      %mul3A_2229 = vector.broadcast %mul3A_2228 : f32 to vector<52x256xf32>
      %mul3A_2230 = arith.mulf %tanh3A_2227, %mul3A_2229 : vector<52x256xf32>
      %add3A_2231 = arith.constant 5.000000e-01 : f32
      %add3A_2232 = vector.broadcast %add3A_2231 : f32 to vector<52x256xf32>
      %add3A_2233 = arith.addf %mul3A_2230, %add3A_2232 : vector<52x256xf32>
      %slice3A_2234 = vector.extract_strided_slice %add3A_2209 {offsets = [0, 256], sizes = [52, 256], strides = [1, 1]} : vector<52x768xf32> to vector<52x256xf32>
      %slice3A_2235 = vector.extract_strided_slice %dot_general3A_2212 {offsets = [0, 256], sizes = [52, 256], strides = [1, 1]} : vector<52x768xf32> to vector<52x256xf32>
      %add3A_2236 = arith.addf %slice3A_2234, %slice3A_2235 : vector<52x256xf32>
      %mul3A_2237 = arith.constant 5.000000e-01 : f32
      %mul3A_2238 = vector.broadcast %mul3A_2237 : f32 to vector<52x256xf32>
      %mul3A_2239 = arith.mulf %add3A_2236, %mul3A_2238 : vector<52x256xf32>
      %tanh3A_2240 = math.tanh %mul3A_2239 : vector<52x256xf32>
      %mul3A_2241 = arith.constant 5.000000e-01 : f32
      %mul3A_2242 = vector.broadcast %mul3A_2241 : f32 to vector<52x256xf32>
      %mul3A_2243 = arith.mulf %tanh3A_2240, %mul3A_2242 : vector<52x256xf32>
      %add3A_2244 = arith.constant 5.000000e-01 : f32
      %add3A_2245 = vector.broadcast %add3A_2244 : f32 to vector<52x256xf32>
      %add3A_2246 = arith.addf %mul3A_2243, %add3A_2245 : vector<52x256xf32>
      %slice3A_2247 = vector.extract_strided_slice %add3A_2209 {offsets = [0, 512], sizes = [52, 256], strides = [1, 1]} : vector<52x768xf32> to vector<52x256xf32>
      %slice3A_2248 = vector.extract_strided_slice %dot_general3A_2212 {offsets = [0, 512], sizes = [52, 256], strides = [1, 1]} : vector<52x768xf32> to vector<52x256xf32>
      %mul3A_2249 = arith.mulf %add3A_2233, %slice3A_2248 : vector<52x256xf32>
      %add3A_2250 = arith.addf %slice3A_2247, %mul3A_2249 : vector<52x256xf32>
      %tanh3A_2251 = math.tanh %add3A_2250 : vector<52x256xf32>
      %sub3A_2252 = arith.subf %add3A_2163, %tanh3A_2251 : vector<52x256xf32>
      %mul3A_2253 = arith.mulf %add3A_2246, %sub3A_2252 : vector<52x256xf32>
      %add3A_2254 = arith.addf %tanh3A_2251, %mul3A_2253 : vector<52x256xf32>
      %slice3A_2255 = vector.extract_strided_slice %add3A_2217 {offsets = [0, 0], sizes = [48, 256], strides = [1, 1]} : vector<48x768xf32> to vector<48x256xf32>
      %slice3A_2256 = vector.extract_strided_slice %dot_general3A_2220 {offsets = [0, 0], sizes = [48, 256], strides = [1, 1]} : vector<48x768xf32> to vector<48x256xf32>
      %add3A_2257 = arith.addf %slice3A_2255, %slice3A_2256 : vector<48x256xf32>
      %mul3A_2258 = arith.constant 5.000000e-01 : f32
      %mul3A_2259 = vector.broadcast %mul3A_2258 : f32 to vector<48x256xf32>
      %mul3A_2260 = arith.mulf %add3A_2257, %mul3A_2259 : vector<48x256xf32>
      %tanh3A_2261 = math.tanh %mul3A_2260 : vector<48x256xf32>
      %mul3A_2262 = arith.constant 5.000000e-01 : f32
      %mul3A_2263 = vector.broadcast %mul3A_2262 : f32 to vector<48x256xf32>
      %mul3A_2264 = arith.mulf %tanh3A_2261, %mul3A_2263 : vector<48x256xf32>
      %add3A_2265 = arith.constant 5.000000e-01 : f32
      %add3A_2266 = vector.broadcast %add3A_2265 : f32 to vector<48x256xf32>
      %add3A_2267 = arith.addf %mul3A_2264, %add3A_2266 : vector<48x256xf32>
      %slice3A_2268 = vector.extract_strided_slice %add3A_2217 {offsets = [0, 256], sizes = [48, 256], strides = [1, 1]} : vector<48x768xf32> to vector<48x256xf32>
      %slice3A_2269 = vector.extract_strided_slice %dot_general3A_2220 {offsets = [0, 256], sizes = [48, 256], strides = [1, 1]} : vector<48x768xf32> to vector<48x256xf32>
      %add3A_2270 = arith.addf %slice3A_2268, %slice3A_2269 : vector<48x256xf32>
      %mul3A_2271 = arith.constant 5.000000e-01 : f32
      %mul3A_2272 = vector.broadcast %mul3A_2271 : f32 to vector<48x256xf32>
      %mul3A_2273 = arith.mulf %add3A_2270, %mul3A_2272 : vector<48x256xf32>
      %tanh3A_2274 = math.tanh %mul3A_2273 : vector<48x256xf32>
      %mul3A_2275 = arith.constant 5.000000e-01 : f32
      %mul3A_2276 = vector.broadcast %mul3A_2275 : f32 to vector<48x256xf32>
      %mul3A_2277 = arith.mulf %tanh3A_2274, %mul3A_2276 : vector<48x256xf32>
      %add3A_2278 = arith.constant 5.000000e-01 : f32
      %add3A_2279 = vector.broadcast %add3A_2278 : f32 to vector<48x256xf32>
      %add3A_2280 = arith.addf %mul3A_2277, %add3A_2279 : vector<48x256xf32>
      %slice3A_2281 = vector.extract_strided_slice %add3A_2217 {offsets = [0, 512], sizes = [48, 256], strides = [1, 1]} : vector<48x768xf32> to vector<48x256xf32>
      %slice3A_2282 = vector.extract_strided_slice %dot_general3A_2220 {offsets = [0, 512], sizes = [48, 256], strides = [1, 1]} : vector<48x768xf32> to vector<48x256xf32>
      %mul3A_2283 = arith.mulf %add3A_2267, %slice3A_2282 : vector<48x256xf32>
      %add3A_2284 = arith.addf %slice3A_2281, %mul3A_2283 : vector<48x256xf32>
      %tanh3A_2285 = math.tanh %add3A_2284 : vector<48x256xf32>
      %sub3A_2286 = arith.subf %add3A_2197, %tanh3A_2285 : vector<48x256xf32>
      %mul3A_2287 = arith.mulf %add3A_2280, %sub3A_2286 : vector<48x256xf32>
      %add3A_2288 = arith.addf %tanh3A_2285, %mul3A_2287 : vector<48x256xf32>
      %add3A_2289 = arith.constant 24 : i32
      %add3A_2290 = arith.addi %mul3A_107, %add3A_2289 : i32
      %get3A_2291 = arith.index_cast %add3A_2290 : i32 to index
      %get3A_2292 = arith.constant 0 : index
      %get3A_2293 = arith.constant 0 : index
      %get3A_2294 = vector.load %arg0[%get3A_2291, %get3A_2292, %get3A_2293] : memref<200x100x32xbf16, #tpu.memory_space<vmem>>, vector<1x100x32xbf16>
      %get3A_2295 = vector.shape_cast %get3A_2294 : vector<1x100x32xbf16> to vector<100x32xbf16>
      %slice3A_2296 = vector.extract_strided_slice %get3A_2295 {offsets = [0, 0], sizes = [52, 32], strides = [1, 1]} : vector<100x32xbf16> to vector<52x32xbf16>
      %dot_general3A_2297 = arith.constant dense<0.000000e+00> : vector<52x768xf32>
      %dot_general3A_2298 = tpu.matmul %slice3A_2296, %get3A_1, %dot_general3A_2297 {dimension_numbers = #tpu.dot_dimension_numbers<[1], [0], [0], [1], [0, 0, 1, 1], [], []>, transpose_lhs_hint = false} : vector<52x32xbf16>, vector<32x768xbf16>, vector<52x768xf32> -> vector<52x768xf32>
      %add3A_2299 = vector.broadcast %get3A_7 : vector<1x768xf32> to vector<52x768xf32>
      %add3A_2300 = arith.addf %dot_general3A_2298, %add3A_2299 : vector<52x768xf32>
      %convert_element_type3A_2301 = arith.truncf %add3A_2254 : vector<52x256xf32> to vector<52x256xbf16>
      %dot_general3A_2302 = arith.constant dense<0.000000e+00> : vector<52x768xf32>
      %dot_general3A_2303 = tpu.matmul %convert_element_type3A_2301, %get3A_4, %dot_general3A_2302 {dimension_numbers = #tpu.dot_dimension_numbers<[1], [0], [0], [1], [0, 0, 1, 1], [], []>, transpose_lhs_hint = false} : vector<52x256xbf16>, vector<256x768xbf16>, vector<52x768xf32> -> vector<52x768xf32>
      %slice3A_2304 = vector.extract_strided_slice %get3A_2295 {offsets = [52, 0], sizes = [48, 32], strides = [1, 1]} : vector<100x32xbf16> to vector<48x32xbf16>
      %dot_general3A_2305 = arith.constant dense<0.000000e+00> : vector<48x768xf32>
      %dot_general3A_2306 = tpu.matmul %slice3A_2304, %get3A_1, %dot_general3A_2305 {dimension_numbers = #tpu.dot_dimension_numbers<[1], [0], [0], [1], [0, 0, 1, 1], [], []>, transpose_lhs_hint = false} : vector<48x32xbf16>, vector<32x768xbf16>, vector<48x768xf32> -> vector<48x768xf32>
      %add3A_2307 = vector.broadcast %get3A_7 : vector<1x768xf32> to vector<48x768xf32>
      %add3A_2308 = arith.addf %dot_general3A_2306, %add3A_2307 : vector<48x768xf32>
      %convert_element_type3A_2309 = arith.truncf %add3A_2288 : vector<48x256xf32> to vector<48x256xbf16>
      %dot_general3A_2310 = arith.constant dense<0.000000e+00> : vector<48x768xf32>
      %dot_general3A_2311 = tpu.matmul %convert_element_type3A_2309, %get3A_4, %dot_general3A_2310 {dimension_numbers = #tpu.dot_dimension_numbers<[1], [0], [0], [1], [0, 0, 1, 1], [], []>, transpose_lhs_hint = false} : vector<48x256xbf16>, vector<256x768xbf16>, vector<48x768xf32> -> vector<48x768xf32>
      %slice3A_2312 = vector.extract_strided_slice %add3A_2300 {offsets = [0, 0], sizes = [52, 256], strides = [1, 1]} : vector<52x768xf32> to vector<52x256xf32>
      %slice3A_2313 = vector.extract_strided_slice %dot_general3A_2303 {offsets = [0, 0], sizes = [52, 256], strides = [1, 1]} : vector<52x768xf32> to vector<52x256xf32>
      %add3A_2314 = arith.addf %slice3A_2312, %slice3A_2313 : vector<52x256xf32>
      %mul3A_2315 = arith.constant 5.000000e-01 : f32
      %mul3A_2316 = vector.broadcast %mul3A_2315 : f32 to vector<52x256xf32>
      %mul3A_2317 = arith.mulf %add3A_2314, %mul3A_2316 : vector<52x256xf32>
      %tanh3A_2318 = math.tanh %mul3A_2317 : vector<52x256xf32>
      %mul3A_2319 = arith.constant 5.000000e-01 : f32
      %mul3A_2320 = vector.broadcast %mul3A_2319 : f32 to vector<52x256xf32>
      %mul3A_2321 = arith.mulf %tanh3A_2318, %mul3A_2320 : vector<52x256xf32>
      %add3A_2322 = arith.constant 5.000000e-01 : f32
      %add3A_2323 = vector.broadcast %add3A_2322 : f32 to vector<52x256xf32>
      %add3A_2324 = arith.addf %mul3A_2321, %add3A_2323 : vector<52x256xf32>
      %slice3A_2325 = vector.extract_strided_slice %add3A_2300 {offsets = [0, 256], sizes = [52, 256], strides = [1, 1]} : vector<52x768xf32> to vector<52x256xf32>
      %slice3A_2326 = vector.extract_strided_slice %dot_general3A_2303 {offsets = [0, 256], sizes = [52, 256], strides = [1, 1]} : vector<52x768xf32> to vector<52x256xf32>
      %add3A_2327 = arith.addf %slice3A_2325, %slice3A_2326 : vector<52x256xf32>
      %mul3A_2328 = arith.constant 5.000000e-01 : f32
      %mul3A_2329 = vector.broadcast %mul3A_2328 : f32 to vector<52x256xf32>
      %mul3A_2330 = arith.mulf %add3A_2327, %mul3A_2329 : vector<52x256xf32>
      %tanh3A_2331 = math.tanh %mul3A_2330 : vector<52x256xf32>
      %mul3A_2332 = arith.constant 5.000000e-01 : f32
      %mul3A_2333 = vector.broadcast %mul3A_2332 : f32 to vector<52x256xf32>
      %mul3A_2334 = arith.mulf %tanh3A_2331, %mul3A_2333 : vector<52x256xf32>
      %add3A_2335 = arith.constant 5.000000e-01 : f32
      %add3A_2336 = vector.broadcast %add3A_2335 : f32 to vector<52x256xf32>
      %add3A_2337 = arith.addf %mul3A_2334, %add3A_2336 : vector<52x256xf32>
      %slice3A_2338 = vector.extract_strided_slice %add3A_2300 {offsets = [0, 512], sizes = [52, 256], strides = [1, 1]} : vector<52x768xf32> to vector<52x256xf32>
      %slice3A_2339 = vector.extract_strided_slice %dot_general3A_2303 {offsets = [0, 512], sizes = [52, 256], strides = [1, 1]} : vector<52x768xf32> to vector<52x256xf32>
      %mul3A_2340 = arith.mulf %add3A_2324, %slice3A_2339 : vector<52x256xf32>
      %add3A_2341 = arith.addf %slice3A_2338, %mul3A_2340 : vector<52x256xf32>
      %tanh3A_2342 = math.tanh %add3A_2341 : vector<52x256xf32>
      %sub3A_2343 = arith.subf %add3A_2254, %tanh3A_2342 : vector<52x256xf32>
      %mul3A_2344 = arith.mulf %add3A_2337, %sub3A_2343 : vector<52x256xf32>
      %add3A_2345 = arith.addf %tanh3A_2342, %mul3A_2344 : vector<52x256xf32>
      %slice3A_2346 = vector.extract_strided_slice %add3A_2308 {offsets = [0, 0], sizes = [48, 256], strides = [1, 1]} : vector<48x768xf32> to vector<48x256xf32>
      %slice3A_2347 = vector.extract_strided_slice %dot_general3A_2311 {offsets = [0, 0], sizes = [48, 256], strides = [1, 1]} : vector<48x768xf32> to vector<48x256xf32>
      %add3A_2348 = arith.addf %slice3A_2346, %slice3A_2347 : vector<48x256xf32>
      %mul3A_2349 = arith.constant 5.000000e-01 : f32
      %mul3A_2350 = vector.broadcast %mul3A_2349 : f32 to vector<48x256xf32>
      %mul3A_2351 = arith.mulf %add3A_2348, %mul3A_2350 : vector<48x256xf32>
      %tanh3A_2352 = math.tanh %mul3A_2351 : vector<48x256xf32>
      %mul3A_2353 = arith.constant 5.000000e-01 : f32
      %mul3A_2354 = vector.broadcast %mul3A_2353 : f32 to vector<48x256xf32>
      %mul3A_2355 = arith.mulf %tanh3A_2352, %mul3A_2354 : vector<48x256xf32>
      %add3A_2356 = arith.constant 5.000000e-01 : f32
      %add3A_2357 = vector.broadcast %add3A_2356 : f32 to vector<48x256xf32>
      %add3A_2358 = arith.addf %mul3A_2355, %add3A_2357 : vector<48x256xf32>
      %slice3A_2359 = vector.extract_strided_slice %add3A_2308 {offsets = [0, 256], sizes = [48, 256], strides = [1, 1]} : vector<48x768xf32> to vector<48x256xf32>
      %slice3A_2360 = vector.extract_strided_slice %dot_general3A_2311 {offsets = [0, 256], sizes = [48, 256], strides = [1, 1]} : vector<48x768xf32> to vector<48x256xf32>
      %add3A_2361 = arith.addf %slice3A_2359, %slice3A_2360 : vector<48x256xf32>
      %mul3A_2362 = arith.constant 5.000000e-01 : f32
      %mul3A_2363 = vector.broadcast %mul3A_2362 : f32 to vector<48x256xf32>
      %mul3A_2364 = arith.mulf %add3A_2361, %mul3A_2363 : vector<48x256xf32>
      %tanh3A_2365 = math.tanh %mul3A_2364 : vector<48x256xf32>
      %mul3A_2366 = arith.constant 5.000000e-01 : f32
      %mul3A_2367 = vector.broadcast %mul3A_2366 : f32 to vector<48x256xf32>
      %mul3A_2368 = arith.mulf %tanh3A_2365, %mul3A_2367 : vector<48x256xf32>
      %add3A_2369 = arith.constant 5.000000e-01 : f32
      %add3A_2370 = vector.broadcast %add3A_2369 : f32 to vector<48x256xf32>
      %add3A_2371 = arith.addf %mul3A_2368, %add3A_2370 : vector<48x256xf32>
      %slice3A_2372 = vector.extract_strided_slice %add3A_2308 {offsets = [0, 512], sizes = [48, 256], strides = [1, 1]} : vector<48x768xf32> to vector<48x256xf32>
      %slice3A_2373 = vector.extract_strided_slice %dot_general3A_2311 {offsets = [0, 512], sizes = [48, 256], strides = [1, 1]} : vector<48x768xf32> to vector<48x256xf32>
      %mul3A_2374 = arith.mulf %add3A_2358, %slice3A_2373 : vector<48x256xf32>
      %add3A_2375 = arith.addf %slice3A_2372, %mul3A_2374 : vector<48x256xf32>
      %tanh3A_2376 = math.tanh %add3A_2375 : vector<48x256xf32>
      %sub3A_2377 = arith.subf %add3A_2288, %tanh3A_2376 : vector<48x256xf32>
      %mul3A_2378 = arith.mulf %add3A_2371, %sub3A_2377 : vector<48x256xf32>
      %add3A_2379 = arith.addf %tanh3A_2376, %mul3A_2378 : vector<48x256xf32>
      %add3A_2380 = arith.constant 25 : i32
      %add3A_2381 = arith.addi %mul3A_107, %add3A_2380 : i32
      %get3A_2382 = arith.index_cast %add3A_2381 : i32 to index
      %get3A_2383 = arith.constant 0 : index
      %get3A_2384 = arith.constant 0 : index
      %get3A_2385 = vector.load %arg0[%get3A_2382, %get3A_2383, %get3A_2384] : memref<200x100x32xbf16, #tpu.memory_space<vmem>>, vector<1x100x32xbf16>
      %get3A_2386 = vector.shape_cast %get3A_2385 : vector<1x100x32xbf16> to vector<100x32xbf16>
      %slice3A_2387 = vector.extract_strided_slice %get3A_2386 {offsets = [0, 0], sizes = [52, 32], strides = [1, 1]} : vector<100x32xbf16> to vector<52x32xbf16>
      %dot_general3A_2388 = arith.constant dense<0.000000e+00> : vector<52x768xf32>
      %dot_general3A_2389 = tpu.matmul %slice3A_2387, %get3A_1, %dot_general3A_2388 {dimension_numbers = #tpu.dot_dimension_numbers<[1], [0], [0], [1], [0, 0, 1, 1], [], []>, transpose_lhs_hint = false} : vector<52x32xbf16>, vector<32x768xbf16>, vector<52x768xf32> -> vector<52x768xf32>
      %add3A_2390 = vector.broadcast %get3A_7 : vector<1x768xf32> to vector<52x768xf32>
      %add3A_2391 = arith.addf %dot_general3A_2389, %add3A_2390 : vector<52x768xf32>
      %convert_element_type3A_2392 = arith.truncf %add3A_2345 : vector<52x256xf32> to vector<52x256xbf16>
      %dot_general3A_2393 = arith.constant dense<0.000000e+00> : vector<52x768xf32>
      %dot_general3A_2394 = tpu.matmul %convert_element_type3A_2392, %get3A_4, %dot_general3A_2393 {dimension_numbers = #tpu.dot_dimension_numbers<[1], [0], [0], [1], [0, 0, 1, 1], [], []>, transpose_lhs_hint = false} : vector<52x256xbf16>, vector<256x768xbf16>, vector<52x768xf32> -> vector<52x768xf32>
      %slice3A_2395 = vector.extract_strided_slice %get3A_2386 {offsets = [52, 0], sizes = [48, 32], strides = [1, 1]} : vector<100x32xbf16> to vector<48x32xbf16>
      %dot_general3A_2396 = arith.constant dense<0.000000e+00> : vector<48x768xf32>
      %dot_general3A_2397 = tpu.matmul %slice3A_2395, %get3A_1, %dot_general3A_2396 {dimension_numbers = #tpu.dot_dimension_numbers<[1], [0], [0], [1], [0, 0, 1, 1], [], []>, transpose_lhs_hint = false} : vector<48x32xbf16>, vector<32x768xbf16>, vector<48x768xf32> -> vector<48x768xf32>
      %add3A_2398 = vector.broadcast %get3A_7 : vector<1x768xf32> to vector<48x768xf32>
      %add3A_2399 = arith.addf %dot_general3A_2397, %add3A_2398 : vector<48x768xf32>
      %convert_element_type3A_2400 = arith.truncf %add3A_2379 : vector<48x256xf32> to vector<48x256xbf16>
      %dot_general3A_2401 = arith.constant dense<0.000000e+00> : vector<48x768xf32>
      %dot_general3A_2402 = tpu.matmul %convert_element_type3A_2400, %get3A_4, %dot_general3A_2401 {dimension_numbers = #tpu.dot_dimension_numbers<[1], [0], [0], [1], [0, 0, 1, 1], [], []>, transpose_lhs_hint = false} : vector<48x256xbf16>, vector<256x768xbf16>, vector<48x768xf32> -> vector<48x768xf32>
      %slice3A_2403 = vector.extract_strided_slice %add3A_2391 {offsets = [0, 0], sizes = [52, 256], strides = [1, 1]} : vector<52x768xf32> to vector<52x256xf32>
      %slice3A_2404 = vector.extract_strided_slice %dot_general3A_2394 {offsets = [0, 0], sizes = [52, 256], strides = [1, 1]} : vector<52x768xf32> to vector<52x256xf32>
      %add3A_2405 = arith.addf %slice3A_2403, %slice3A_2404 : vector<52x256xf32>
      %mul3A_2406 = arith.constant 5.000000e-01 : f32
      %mul3A_2407 = vector.broadcast %mul3A_2406 : f32 to vector<52x256xf32>
      %mul3A_2408 = arith.mulf %add3A_2405, %mul3A_2407 : vector<52x256xf32>
      %tanh3A_2409 = math.tanh %mul3A_2408 : vector<52x256xf32>
      %mul3A_2410 = arith.constant 5.000000e-01 : f32
      %mul3A_2411 = vector.broadcast %mul3A_2410 : f32 to vector<52x256xf32>
      %mul3A_2412 = arith.mulf %tanh3A_2409, %mul3A_2411 : vector<52x256xf32>
      %add3A_2413 = arith.constant 5.000000e-01 : f32
      %add3A_2414 = vector.broadcast %add3A_2413 : f32 to vector<52x256xf32>
      %add3A_2415 = arith.addf %mul3A_2412, %add3A_2414 : vector<52x256xf32>
      %slice3A_2416 = vector.extract_strided_slice %add3A_2391 {offsets = [0, 256], sizes = [52, 256], strides = [1, 1]} : vector<52x768xf32> to vector<52x256xf32>
      %slice3A_2417 = vector.extract_strided_slice %dot_general3A_2394 {offsets = [0, 256], sizes = [52, 256], strides = [1, 1]} : vector<52x768xf32> to vector<52x256xf32>
      %add3A_2418 = arith.addf %slice3A_2416, %slice3A_2417 : vector<52x256xf32>
      %mul3A_2419 = arith.constant 5.000000e-01 : f32
      %mul3A_2420 = vector.broadcast %mul3A_2419 : f32 to vector<52x256xf32>
      %mul3A_2421 = arith.mulf %add3A_2418, %mul3A_2420 : vector<52x256xf32>
      %tanh3A_2422 = math.tanh %mul3A_2421 : vector<52x256xf32>
      %mul3A_2423 = arith.constant 5.000000e-01 : f32
      %mul3A_2424 = vector.broadcast %mul3A_2423 : f32 to vector<52x256xf32>
      %mul3A_2425 = arith.mulf %tanh3A_2422, %mul3A_2424 : vector<52x256xf32>
      %add3A_2426 = arith.constant 5.000000e-01 : f32
      %add3A_2427 = vector.broadcast %add3A_2426 : f32 to vector<52x256xf32>
      %add3A_2428 = arith.addf %mul3A_2425, %add3A_2427 : vector<52x256xf32>
      %slice3A_2429 = vector.extract_strided_slice %add3A_2391 {offsets = [0, 512], sizes = [52, 256], strides = [1, 1]} : vector<52x768xf32> to vector<52x256xf32>
      %slice3A_2430 = vector.extract_strided_slice %dot_general3A_2394 {offsets = [0, 512], sizes = [52, 256], strides = [1, 1]} : vector<52x768xf32> to vector<52x256xf32>
      %mul3A_2431 = arith.mulf %add3A_2415, %slice3A_2430 : vector<52x256xf32>
      %add3A_2432 = arith.addf %slice3A_2429, %mul3A_2431 : vector<52x256xf32>
      %tanh3A_2433 = math.tanh %add3A_2432 : vector<52x256xf32>
      %sub3A_2434 = arith.subf %add3A_2345, %tanh3A_2433 : vector<52x256xf32>
      %mul3A_2435 = arith.mulf %add3A_2428, %sub3A_2434 : vector<52x256xf32>
      %add3A_2436 = arith.addf %tanh3A_2433, %mul3A_2435 : vector<52x256xf32>
      %slice3A_2437 = vector.extract_strided_slice %add3A_2399 {offsets = [0, 0], sizes = [48, 256], strides = [1, 1]} : vector<48x768xf32> to vector<48x256xf32>
      %slice3A_2438 = vector.extract_strided_slice %dot_general3A_2402 {offsets = [0, 0], sizes = [48, 256], strides = [1, 1]} : vector<48x768xf32> to vector<48x256xf32>
      %add3A_2439 = arith.addf %slice3A_2437, %slice3A_2438 : vector<48x256xf32>
      %mul3A_2440 = arith.constant 5.000000e-01 : f32
      %mul3A_2441 = vector.broadcast %mul3A_2440 : f32 to vector<48x256xf32>
      %mul3A_2442 = arith.mulf %add3A_2439, %mul3A_2441 : vector<48x256xf32>
      %tanh3A_2443 = math.tanh %mul3A_2442 : vector<48x256xf32>
      %mul3A_2444 = arith.constant 5.000000e-01 : f32
      %mul3A_2445 = vector.broadcast %mul3A_2444 : f32 to vector<48x256xf32>
      %mul3A_2446 = arith.mulf %tanh3A_2443, %mul3A_2445 : vector<48x256xf32>
      %add3A_2447 = arith.constant 5.000000e-01 : f32
      %add3A_2448 = vector.broadcast %add3A_2447 : f32 to vector<48x256xf32>
      %add3A_2449 = arith.addf %mul3A_2446, %add3A_2448 : vector<48x256xf32>
      %slice3A_2450 = vector.extract_strided_slice %add3A_2399 {offsets = [0, 256], sizes = [48, 256], strides = [1, 1]} : vector<48x768xf32> to vector<48x256xf32>
      %slice3A_2451 = vector.extract_strided_slice %dot_general3A_2402 {offsets = [0, 256], sizes = [48, 256], strides = [1, 1]} : vector<48x768xf32> to vector<48x256xf32>
      %add3A_2452 = arith.addf %slice3A_2450, %slice3A_2451 : vector<48x256xf32>
      %mul3A_2453 = arith.constant 5.000000e-01 : f32
      %mul3A_2454 = vector.broadcast %mul3A_2453 : f32 to vector<48x256xf32>
      %mul3A_2455 = arith.mulf %add3A_2452, %mul3A_2454 : vector<48x256xf32>
      %tanh3A_2456 = math.tanh %mul3A_2455 : vector<48x256xf32>
      %mul3A_2457 = arith.constant 5.000000e-01 : f32
      %mul3A_2458 = vector.broadcast %mul3A_2457 : f32 to vector<48x256xf32>
      %mul3A_2459 = arith.mulf %tanh3A_2456, %mul3A_2458 : vector<48x256xf32>
      %add3A_2460 = arith.constant 5.000000e-01 : f32
      %add3A_2461 = vector.broadcast %add3A_2460 : f32 to vector<48x256xf32>
      %add3A_2462 = arith.addf %mul3A_2459, %add3A_2461 : vector<48x256xf32>
      %slice3A_2463 = vector.extract_strided_slice %add3A_2399 {offsets = [0, 512], sizes = [48, 256], strides = [1, 1]} : vector<48x768xf32> to vector<48x256xf32>
      %slice3A_2464 = vector.extract_strided_slice %dot_general3A_2402 {offsets = [0, 512], sizes = [48, 256], strides = [1, 1]} : vector<48x768xf32> to vector<48x256xf32>
      %mul3A_2465 = arith.mulf %add3A_2449, %slice3A_2464 : vector<48x256xf32>
      %add3A_2466 = arith.addf %slice3A_2463, %mul3A_2465 : vector<48x256xf32>
      %tanh3A_2467 = math.tanh %add3A_2466 : vector<48x256xf32>
      %sub3A_2468 = arith.subf %add3A_2379, %tanh3A_2467 : vector<48x256xf32>
      %mul3A_2469 = arith.mulf %add3A_2462, %sub3A_2468 : vector<48x256xf32>
      %add3A_2470 = arith.addf %tanh3A_2467, %mul3A_2469 : vector<48x256xf32>
      %add3A_2471 = arith.constant 26 : i32
      %add3A_2472 = arith.addi %mul3A_107, %add3A_2471 : i32
      %get3A_2473 = arith.index_cast %add3A_2472 : i32 to index
      %get3A_2474 = arith.constant 0 : index
      %get3A_2475 = arith.constant 0 : index
      %get3A_2476 = vector.load %arg0[%get3A_2473, %get3A_2474, %get3A_2475] : memref<200x100x32xbf16, #tpu.memory_space<vmem>>, vector<1x100x32xbf16>
      %get3A_2477 = vector.shape_cast %get3A_2476 : vector<1x100x32xbf16> to vector<100x32xbf16>
      %slice3A_2478 = vector.extract_strided_slice %get3A_2477 {offsets = [0, 0], sizes = [52, 32], strides = [1, 1]} : vector<100x32xbf16> to vector<52x32xbf16>
      %dot_general3A_2479 = arith.constant dense<0.000000e+00> : vector<52x768xf32>
      %dot_general3A_2480 = tpu.matmul %slice3A_2478, %get3A_1, %dot_general3A_2479 {dimension_numbers = #tpu.dot_dimension_numbers<[1], [0], [0], [1], [0, 0, 1, 1], [], []>, transpose_lhs_hint = false} : vector<52x32xbf16>, vector<32x768xbf16>, vector<52x768xf32> -> vector<52x768xf32>
      %add3A_2481 = vector.broadcast %get3A_7 : vector<1x768xf32> to vector<52x768xf32>
      %add3A_2482 = arith.addf %dot_general3A_2480, %add3A_2481 : vector<52x768xf32>
      %convert_element_type3A_2483 = arith.truncf %add3A_2436 : vector<52x256xf32> to vector<52x256xbf16>
      %dot_general3A_2484 = arith.constant dense<0.000000e+00> : vector<52x768xf32>
      %dot_general3A_2485 = tpu.matmul %convert_element_type3A_2483, %get3A_4, %dot_general3A_2484 {dimension_numbers = #tpu.dot_dimension_numbers<[1], [0], [0], [1], [0, 0, 1, 1], [], []>, transpose_lhs_hint = false} : vector<52x256xbf16>, vector<256x768xbf16>, vector<52x768xf32> -> vector<52x768xf32>
      %slice3A_2486 = vector.extract_strided_slice %get3A_2477 {offsets = [52, 0], sizes = [48, 32], strides = [1, 1]} : vector<100x32xbf16> to vector<48x32xbf16>
      %dot_general3A_2487 = arith.constant dense<0.000000e+00> : vector<48x768xf32>
      %dot_general3A_2488 = tpu.matmul %slice3A_2486, %get3A_1, %dot_general3A_2487 {dimension_numbers = #tpu.dot_dimension_numbers<[1], [0], [0], [1], [0, 0, 1, 1], [], []>, transpose_lhs_hint = false} : vector<48x32xbf16>, vector<32x768xbf16>, vector<48x768xf32> -> vector<48x768xf32>
      %add3A_2489 = vector.broadcast %get3A_7 : vector<1x768xf32> to vector<48x768xf32>
      %add3A_2490 = arith.addf %dot_general3A_2488, %add3A_2489 : vector<48x768xf32>
      %convert_element_type3A_2491 = arith.truncf %add3A_2470 : vector<48x256xf32> to vector<48x256xbf16>
      %dot_general3A_2492 = arith.constant dense<0.000000e+00> : vector<48x768xf32>
      %dot_general3A_2493 = tpu.matmul %convert_element_type3A_2491, %get3A_4, %dot_general3A_2492 {dimension_numbers = #tpu.dot_dimension_numbers<[1], [0], [0], [1], [0, 0, 1, 1], [], []>, transpose_lhs_hint = false} : vector<48x256xbf16>, vector<256x768xbf16>, vector<48x768xf32> -> vector<48x768xf32>
      %slice3A_2494 = vector.extract_strided_slice %add3A_2482 {offsets = [0, 0], sizes = [52, 256], strides = [1, 1]} : vector<52x768xf32> to vector<52x256xf32>
      %slice3A_2495 = vector.extract_strided_slice %dot_general3A_2485 {offsets = [0, 0], sizes = [52, 256], strides = [1, 1]} : vector<52x768xf32> to vector<52x256xf32>
      %add3A_2496 = arith.addf %slice3A_2494, %slice3A_2495 : vector<52x256xf32>
      %mul3A_2497 = arith.constant 5.000000e-01 : f32
      %mul3A_2498 = vector.broadcast %mul3A_2497 : f32 to vector<52x256xf32>
      %mul3A_2499 = arith.mulf %add3A_2496, %mul3A_2498 : vector<52x256xf32>
      %tanh3A_2500 = math.tanh %mul3A_2499 : vector<52x256xf32>
      %mul3A_2501 = arith.constant 5.000000e-01 : f32
      %mul3A_2502 = vector.broadcast %mul3A_2501 : f32 to vector<52x256xf32>
      %mul3A_2503 = arith.mulf %tanh3A_2500, %mul3A_2502 : vector<52x256xf32>
      %add3A_2504 = arith.constant 5.000000e-01 : f32
      %add3A_2505 = vector.broadcast %add3A_2504 : f32 to vector<52x256xf32>
      %add3A_2506 = arith.addf %mul3A_2503, %add3A_2505 : vector<52x256xf32>
      %slice3A_2507 = vector.extract_strided_slice %add3A_2482 {offsets = [0, 256], sizes = [52, 256], strides = [1, 1]} : vector<52x768xf32> to vector<52x256xf32>
      %slice3A_2508 = vector.extract_strided_slice %dot_general3A_2485 {offsets = [0, 256], sizes = [52, 256], strides = [1, 1]} : vector<52x768xf32> to vector<52x256xf32>
      %add3A_2509 = arith.addf %slice3A_2507, %slice3A_2508 : vector<52x256xf32>
      %mul3A_2510 = arith.constant 5.000000e-01 : f32
      %mul3A_2511 = vector.broadcast %mul3A_2510 : f32 to vector<52x256xf32>
      %mul3A_2512 = arith.mulf %add3A_2509, %mul3A_2511 : vector<52x256xf32>
      %tanh3A_2513 = math.tanh %mul3A_2512 : vector<52x256xf32>
      %mul3A_2514 = arith.constant 5.000000e-01 : f32
      %mul3A_2515 = vector.broadcast %mul3A_2514 : f32 to vector<52x256xf32>
      %mul3A_2516 = arith.mulf %tanh3A_2513, %mul3A_2515 : vector<52x256xf32>
      %add3A_2517 = arith.constant 5.000000e-01 : f32
      %add3A_2518 = vector.broadcast %add3A_2517 : f32 to vector<52x256xf32>
      %add3A_2519 = arith.addf %mul3A_2516, %add3A_2518 : vector<52x256xf32>
      %slice3A_2520 = vector.extract_strided_slice %add3A_2482 {offsets = [0, 512], sizes = [52, 256], strides = [1, 1]} : vector<52x768xf32> to vector<52x256xf32>
      %slice3A_2521 = vector.extract_strided_slice %dot_general3A_2485 {offsets = [0, 512], sizes = [52, 256], strides = [1, 1]} : vector<52x768xf32> to vector<52x256xf32>
      %mul3A_2522 = arith.mulf %add3A_2506, %slice3A_2521 : vector<52x256xf32>
      %add3A_2523 = arith.addf %slice3A_2520, %mul3A_2522 : vector<52x256xf32>
      %tanh3A_2524 = math.tanh %add3A_2523 : vector<52x256xf32>
      %sub3A_2525 = arith.subf %add3A_2436, %tanh3A_2524 : vector<52x256xf32>
      %mul3A_2526 = arith.mulf %add3A_2519, %sub3A_2525 : vector<52x256xf32>
      %add3A_2527 = arith.addf %tanh3A_2524, %mul3A_2526 : vector<52x256xf32>
      %slice3A_2528 = vector.extract_strided_slice %add3A_2490 {offsets = [0, 0], sizes = [48, 256], strides = [1, 1]} : vector<48x768xf32> to vector<48x256xf32>
      %slice3A_2529 = vector.extract_strided_slice %dot_general3A_2493 {offsets = [0, 0], sizes = [48, 256], strides = [1, 1]} : vector<48x768xf32> to vector<48x256xf32>
      %add3A_2530 = arith.addf %slice3A_2528, %slice3A_2529 : vector<48x256xf32>
      %mul3A_2531 = arith.constant 5.000000e-01 : f32
      %mul3A_2532 = vector.broadcast %mul3A_2531 : f32 to vector<48x256xf32>
      %mul3A_2533 = arith.mulf %add3A_2530, %mul3A_2532 : vector<48x256xf32>
      %tanh3A_2534 = math.tanh %mul3A_2533 : vector<48x256xf32>
      %mul3A_2535 = arith.constant 5.000000e-01 : f32
      %mul3A_2536 = vector.broadcast %mul3A_2535 : f32 to vector<48x256xf32>
      %mul3A_2537 = arith.mulf %tanh3A_2534, %mul3A_2536 : vector<48x256xf32>
      %add3A_2538 = arith.constant 5.000000e-01 : f32
      %add3A_2539 = vector.broadcast %add3A_2538 : f32 to vector<48x256xf32>
      %add3A_2540 = arith.addf %mul3A_2537, %add3A_2539 : vector<48x256xf32>
      %slice3A_2541 = vector.extract_strided_slice %add3A_2490 {offsets = [0, 256], sizes = [48, 256], strides = [1, 1]} : vector<48x768xf32> to vector<48x256xf32>
      %slice3A_2542 = vector.extract_strided_slice %dot_general3A_2493 {offsets = [0, 256], sizes = [48, 256], strides = [1, 1]} : vector<48x768xf32> to vector<48x256xf32>
      %add3A_2543 = arith.addf %slice3A_2541, %slice3A_2542 : vector<48x256xf32>
      %mul3A_2544 = arith.constant 5.000000e-01 : f32
      %mul3A_2545 = vector.broadcast %mul3A_2544 : f32 to vector<48x256xf32>
      %mul3A_2546 = arith.mulf %add3A_2543, %mul3A_2545 : vector<48x256xf32>
      %tanh3A_2547 = math.tanh %mul3A_2546 : vector<48x256xf32>
      %mul3A_2548 = arith.constant 5.000000e-01 : f32
      %mul3A_2549 = vector.broadcast %mul3A_2548 : f32 to vector<48x256xf32>
      %mul3A_2550 = arith.mulf %tanh3A_2547, %mul3A_2549 : vector<48x256xf32>
      %add3A_2551 = arith.constant 5.000000e-01 : f32
      %add3A_2552 = vector.broadcast %add3A_2551 : f32 to vector<48x256xf32>
      %add3A_2553 = arith.addf %mul3A_2550, %add3A_2552 : vector<48x256xf32>
      %slice3A_2554 = vector.extract_strided_slice %add3A_2490 {offsets = [0, 512], sizes = [48, 256], strides = [1, 1]} : vector<48x768xf32> to vector<48x256xf32>
      %slice3A_2555 = vector.extract_strided_slice %dot_general3A_2493 {offsets = [0, 512], sizes = [48, 256], strides = [1, 1]} : vector<48x768xf32> to vector<48x256xf32>
      %mul3A_2556 = arith.mulf %add3A_2540, %slice3A_2555 : vector<48x256xf32>
      %add3A_2557 = arith.addf %slice3A_2554, %mul3A_2556 : vector<48x256xf32>
      %tanh3A_2558 = math.tanh %add3A_2557 : vector<48x256xf32>
      %sub3A_2559 = arith.subf %add3A_2470, %tanh3A_2558 : vector<48x256xf32>
      %mul3A_2560 = arith.mulf %add3A_2553, %sub3A_2559 : vector<48x256xf32>
      %add3A_2561 = arith.addf %tanh3A_2558, %mul3A_2560 : vector<48x256xf32>
      %add3A_2562 = arith.constant 27 : i32
      %add3A_2563 = arith.addi %mul3A_107, %add3A_2562 : i32
      %get3A_2564 = arith.index_cast %add3A_2563 : i32 to index
      %get3A_2565 = arith.constant 0 : index
      %get3A_2566 = arith.constant 0 : index
      %get3A_2567 = vector.load %arg0[%get3A_2564, %get3A_2565, %get3A_2566] : memref<200x100x32xbf16, #tpu.memory_space<vmem>>, vector<1x100x32xbf16>
      %get3A_2568 = vector.shape_cast %get3A_2567 : vector<1x100x32xbf16> to vector<100x32xbf16>
      %slice3A_2569 = vector.extract_strided_slice %get3A_2568 {offsets = [0, 0], sizes = [52, 32], strides = [1, 1]} : vector<100x32xbf16> to vector<52x32xbf16>
      %dot_general3A_2570 = arith.constant dense<0.000000e+00> : vector<52x768xf32>
      %dot_general3A_2571 = tpu.matmul %slice3A_2569, %get3A_1, %dot_general3A_2570 {dimension_numbers = #tpu.dot_dimension_numbers<[1], [0], [0], [1], [0, 0, 1, 1], [], []>, transpose_lhs_hint = false} : vector<52x32xbf16>, vector<32x768xbf16>, vector<52x768xf32> -> vector<52x768xf32>
      %add3A_2572 = vector.broadcast %get3A_7 : vector<1x768xf32> to vector<52x768xf32>
      %add3A_2573 = arith.addf %dot_general3A_2571, %add3A_2572 : vector<52x768xf32>
      %convert_element_type3A_2574 = arith.truncf %add3A_2527 : vector<52x256xf32> to vector<52x256xbf16>
      %dot_general3A_2575 = arith.constant dense<0.000000e+00> : vector<52x768xf32>
      %dot_general3A_2576 = tpu.matmul %convert_element_type3A_2574, %get3A_4, %dot_general3A_2575 {dimension_numbers = #tpu.dot_dimension_numbers<[1], [0], [0], [1], [0, 0, 1, 1], [], []>, transpose_lhs_hint = false} : vector<52x256xbf16>, vector<256x768xbf16>, vector<52x768xf32> -> vector<52x768xf32>
      %slice3A_2577 = vector.extract_strided_slice %get3A_2568 {offsets = [52, 0], sizes = [48, 32], strides = [1, 1]} : vector<100x32xbf16> to vector<48x32xbf16>
      %dot_general3A_2578 = arith.constant dense<0.000000e+00> : vector<48x768xf32>
      %dot_general3A_2579 = tpu.matmul %slice3A_2577, %get3A_1, %dot_general3A_2578 {dimension_numbers = #tpu.dot_dimension_numbers<[1], [0], [0], [1], [0, 0, 1, 1], [], []>, transpose_lhs_hint = false} : vector<48x32xbf16>, vector<32x768xbf16>, vector<48x768xf32> -> vector<48x768xf32>
      %add3A_2580 = vector.broadcast %get3A_7 : vector<1x768xf32> to vector<48x768xf32>
      %add3A_2581 = arith.addf %dot_general3A_2579, %add3A_2580 : vector<48x768xf32>
      %convert_element_type3A_2582 = arith.truncf %add3A_2561 : vector<48x256xf32> to vector<48x256xbf16>
      %dot_general3A_2583 = arith.constant dense<0.000000e+00> : vector<48x768xf32>
      %dot_general3A_2584 = tpu.matmul %convert_element_type3A_2582, %get3A_4, %dot_general3A_2583 {dimension_numbers = #tpu.dot_dimension_numbers<[1], [0], [0], [1], [0, 0, 1, 1], [], []>, transpose_lhs_hint = false} : vector<48x256xbf16>, vector<256x768xbf16>, vector<48x768xf32> -> vector<48x768xf32>
      %slice3A_2585 = vector.extract_strided_slice %add3A_2573 {offsets = [0, 0], sizes = [52, 256], strides = [1, 1]} : vector<52x768xf32> to vector<52x256xf32>
      %slice3A_2586 = vector.extract_strided_slice %dot_general3A_2576 {offsets = [0, 0], sizes = [52, 256], strides = [1, 1]} : vector<52x768xf32> to vector<52x256xf32>
      %add3A_2587 = arith.addf %slice3A_2585, %slice3A_2586 : vector<52x256xf32>
      %mul3A_2588 = arith.constant 5.000000e-01 : f32
      %mul3A_2589 = vector.broadcast %mul3A_2588 : f32 to vector<52x256xf32>
      %mul3A_2590 = arith.mulf %add3A_2587, %mul3A_2589 : vector<52x256xf32>
      %tanh3A_2591 = math.tanh %mul3A_2590 : vector<52x256xf32>
      %mul3A_2592 = arith.constant 5.000000e-01 : f32
      %mul3A_2593 = vector.broadcast %mul3A_2592 : f32 to vector<52x256xf32>
      %mul3A_2594 = arith.mulf %tanh3A_2591, %mul3A_2593 : vector<52x256xf32>
      %add3A_2595 = arith.constant 5.000000e-01 : f32
      %add3A_2596 = vector.broadcast %add3A_2595 : f32 to vector<52x256xf32>
      %add3A_2597 = arith.addf %mul3A_2594, %add3A_2596 : vector<52x256xf32>
      %slice3A_2598 = vector.extract_strided_slice %add3A_2573 {offsets = [0, 256], sizes = [52, 256], strides = [1, 1]} : vector<52x768xf32> to vector<52x256xf32>
      %slice3A_2599 = vector.extract_strided_slice %dot_general3A_2576 {offsets = [0, 256], sizes = [52, 256], strides = [1, 1]} : vector<52x768xf32> to vector<52x256xf32>
      %add3A_2600 = arith.addf %slice3A_2598, %slice3A_2599 : vector<52x256xf32>
      %mul3A_2601 = arith.constant 5.000000e-01 : f32
      %mul3A_2602 = vector.broadcast %mul3A_2601 : f32 to vector<52x256xf32>
      %mul3A_2603 = arith.mulf %add3A_2600, %mul3A_2602 : vector<52x256xf32>
      %tanh3A_2604 = math.tanh %mul3A_2603 : vector<52x256xf32>
      %mul3A_2605 = arith.constant 5.000000e-01 : f32
      %mul3A_2606 = vector.broadcast %mul3A_2605 : f32 to vector<52x256xf32>
      %mul3A_2607 = arith.mulf %tanh3A_2604, %mul3A_2606 : vector<52x256xf32>
      %add3A_2608 = arith.constant 5.000000e-01 : f32
      %add3A_2609 = vector.broadcast %add3A_2608 : f32 to vector<52x256xf32>
      %add3A_2610 = arith.addf %mul3A_2607, %add3A_2609 : vector<52x256xf32>
      %slice3A_2611 = vector.extract_strided_slice %add3A_2573 {offsets = [0, 512], sizes = [52, 256], strides = [1, 1]} : vector<52x768xf32> to vector<52x256xf32>
      %slice3A_2612 = vector.extract_strided_slice %dot_general3A_2576 {offsets = [0, 512], sizes = [52, 256], strides = [1, 1]} : vector<52x768xf32> to vector<52x256xf32>
      %mul3A_2613 = arith.mulf %add3A_2597, %slice3A_2612 : vector<52x256xf32>
      %add3A_2614 = arith.addf %slice3A_2611, %mul3A_2613 : vector<52x256xf32>
      %tanh3A_2615 = math.tanh %add3A_2614 : vector<52x256xf32>
      %sub3A_2616 = arith.subf %add3A_2527, %tanh3A_2615 : vector<52x256xf32>
      %mul3A_2617 = arith.mulf %add3A_2610, %sub3A_2616 : vector<52x256xf32>
      %add3A_2618 = arith.addf %tanh3A_2615, %mul3A_2617 : vector<52x256xf32>
      %slice3A_2619 = vector.extract_strided_slice %add3A_2581 {offsets = [0, 0], sizes = [48, 256], strides = [1, 1]} : vector<48x768xf32> to vector<48x256xf32>
      %slice3A_2620 = vector.extract_strided_slice %dot_general3A_2584 {offsets = [0, 0], sizes = [48, 256], strides = [1, 1]} : vector<48x768xf32> to vector<48x256xf32>
      %add3A_2621 = arith.addf %slice3A_2619, %slice3A_2620 : vector<48x256xf32>
      %mul3A_2622 = arith.constant 5.000000e-01 : f32
      %mul3A_2623 = vector.broadcast %mul3A_2622 : f32 to vector<48x256xf32>
      %mul3A_2624 = arith.mulf %add3A_2621, %mul3A_2623 : vector<48x256xf32>
      %tanh3A_2625 = math.tanh %mul3A_2624 : vector<48x256xf32>
      %mul3A_2626 = arith.constant 5.000000e-01 : f32
      %mul3A_2627 = vector.broadcast %mul3A_2626 : f32 to vector<48x256xf32>
      %mul3A_2628 = arith.mulf %tanh3A_2625, %mul3A_2627 : vector<48x256xf32>
      %add3A_2629 = arith.constant 5.000000e-01 : f32
      %add3A_2630 = vector.broadcast %add3A_2629 : f32 to vector<48x256xf32>
      %add3A_2631 = arith.addf %mul3A_2628, %add3A_2630 : vector<48x256xf32>
      %slice3A_2632 = vector.extract_strided_slice %add3A_2581 {offsets = [0, 256], sizes = [48, 256], strides = [1, 1]} : vector<48x768xf32> to vector<48x256xf32>
      %slice3A_2633 = vector.extract_strided_slice %dot_general3A_2584 {offsets = [0, 256], sizes = [48, 256], strides = [1, 1]} : vector<48x768xf32> to vector<48x256xf32>
      %add3A_2634 = arith.addf %slice3A_2632, %slice3A_2633 : vector<48x256xf32>
      %mul3A_2635 = arith.constant 5.000000e-01 : f32
      %mul3A_2636 = vector.broadcast %mul3A_2635 : f32 to vector<48x256xf32>
      %mul3A_2637 = arith.mulf %add3A_2634, %mul3A_2636 : vector<48x256xf32>
      %tanh3A_2638 = math.tanh %mul3A_2637 : vector<48x256xf32>
      %mul3A_2639 = arith.constant 5.000000e-01 : f32
      %mul3A_2640 = vector.broadcast %mul3A_2639 : f32 to vector<48x256xf32>
      %mul3A_2641 = arith.mulf %tanh3A_2638, %mul3A_2640 : vector<48x256xf32>
      %add3A_2642 = arith.constant 5.000000e-01 : f32
      %add3A_2643 = vector.broadcast %add3A_2642 : f32 to vector<48x256xf32>
      %add3A_2644 = arith.addf %mul3A_2641, %add3A_2643 : vector<48x256xf32>
      %slice3A_2645 = vector.extract_strided_slice %add3A_2581 {offsets = [0, 512], sizes = [48, 256], strides = [1, 1]} : vector<48x768xf32> to vector<48x256xf32>
      %slice3A_2646 = vector.extract_strided_slice %dot_general3A_2584 {offsets = [0, 512], sizes = [48, 256], strides = [1, 1]} : vector<48x768xf32> to vector<48x256xf32>
      %mul3A_2647 = arith.mulf %add3A_2631, %slice3A_2646 : vector<48x256xf32>
      %add3A_2648 = arith.addf %slice3A_2645, %mul3A_2647 : vector<48x256xf32>
      %tanh3A_2649 = math.tanh %add3A_2648 : vector<48x256xf32>
      %sub3A_2650 = arith.subf %add3A_2561, %tanh3A_2649 : vector<48x256xf32>
      %mul3A_2651 = arith.mulf %add3A_2644, %sub3A_2650 : vector<48x256xf32>
      %add3A_2652 = arith.addf %tanh3A_2649, %mul3A_2651 : vector<48x256xf32>
      %add3A_2653 = arith.constant 28 : i32
      %add3A_2654 = arith.addi %mul3A_107, %add3A_2653 : i32
      %get3A_2655 = arith.index_cast %add3A_2654 : i32 to index
      %get3A_2656 = arith.constant 0 : index
      %get3A_2657 = arith.constant 0 : index
      %get3A_2658 = vector.load %arg0[%get3A_2655, %get3A_2656, %get3A_2657] : memref<200x100x32xbf16, #tpu.memory_space<vmem>>, vector<1x100x32xbf16>
      %get3A_2659 = vector.shape_cast %get3A_2658 : vector<1x100x32xbf16> to vector<100x32xbf16>
      %slice3A_2660 = vector.extract_strided_slice %get3A_2659 {offsets = [0, 0], sizes = [52, 32], strides = [1, 1]} : vector<100x32xbf16> to vector<52x32xbf16>
      %dot_general3A_2661 = arith.constant dense<0.000000e+00> : vector<52x768xf32>
      %dot_general3A_2662 = tpu.matmul %slice3A_2660, %get3A_1, %dot_general3A_2661 {dimension_numbers = #tpu.dot_dimension_numbers<[1], [0], [0], [1], [0, 0, 1, 1], [], []>, transpose_lhs_hint = false} : vector<52x32xbf16>, vector<32x768xbf16>, vector<52x768xf32> -> vector<52x768xf32>
      %add3A_2663 = vector.broadcast %get3A_7 : vector<1x768xf32> to vector<52x768xf32>
      %add3A_2664 = arith.addf %dot_general3A_2662, %add3A_2663 : vector<52x768xf32>
      %convert_element_type3A_2665 = arith.truncf %add3A_2618 : vector<52x256xf32> to vector<52x256xbf16>
      %dot_general3A_2666 = arith.constant dense<0.000000e+00> : vector<52x768xf32>
      %dot_general3A_2667 = tpu.matmul %convert_element_type3A_2665, %get3A_4, %dot_general3A_2666 {dimension_numbers = #tpu.dot_dimension_numbers<[1], [0], [0], [1], [0, 0, 1, 1], [], []>, transpose_lhs_hint = false} : vector<52x256xbf16>, vector<256x768xbf16>, vector<52x768xf32> -> vector<52x768xf32>
      %slice3A_2668 = vector.extract_strided_slice %get3A_2659 {offsets = [52, 0], sizes = [48, 32], strides = [1, 1]} : vector<100x32xbf16> to vector<48x32xbf16>
      %dot_general3A_2669 = arith.constant dense<0.000000e+00> : vector<48x768xf32>
      %dot_general3A_2670 = tpu.matmul %slice3A_2668, %get3A_1, %dot_general3A_2669 {dimension_numbers = #tpu.dot_dimension_numbers<[1], [0], [0], [1], [0, 0, 1, 1], [], []>, transpose_lhs_hint = false} : vector<48x32xbf16>, vector<32x768xbf16>, vector<48x768xf32> -> vector<48x768xf32>
      %add3A_2671 = vector.broadcast %get3A_7 : vector<1x768xf32> to vector<48x768xf32>
      %add3A_2672 = arith.addf %dot_general3A_2670, %add3A_2671 : vector<48x768xf32>
      %convert_element_type3A_2673 = arith.truncf %add3A_2652 : vector<48x256xf32> to vector<48x256xbf16>
      %dot_general3A_2674 = arith.constant dense<0.000000e+00> : vector<48x768xf32>
      %dot_general3A_2675 = tpu.matmul %convert_element_type3A_2673, %get3A_4, %dot_general3A_2674 {dimension_numbers = #tpu.dot_dimension_numbers<[1], [0], [0], [1], [0, 0, 1, 1], [], []>, transpose_lhs_hint = false} : vector<48x256xbf16>, vector<256x768xbf16>, vector<48x768xf32> -> vector<48x768xf32>
      %slice3A_2676 = vector.extract_strided_slice %add3A_2664 {offsets = [0, 0], sizes = [52, 256], strides = [1, 1]} : vector<52x768xf32> to vector<52x256xf32>
      %slice3A_2677 = vector.extract_strided_slice %dot_general3A_2667 {offsets = [0, 0], sizes = [52, 256], strides = [1, 1]} : vector<52x768xf32> to vector<52x256xf32>
      %add3A_2678 = arith.addf %slice3A_2676, %slice3A_2677 : vector<52x256xf32>
      %mul3A_2679 = arith.constant 5.000000e-01 : f32
      %mul3A_2680 = vector.broadcast %mul3A_2679 : f32 to vector<52x256xf32>
      %mul3A_2681 = arith.mulf %add3A_2678, %mul3A_2680 : vector<52x256xf32>
      %tanh3A_2682 = math.tanh %mul3A_2681 : vector<52x256xf32>
      %mul3A_2683 = arith.constant 5.000000e-01 : f32
      %mul3A_2684 = vector.broadcast %mul3A_2683 : f32 to vector<52x256xf32>
      %mul3A_2685 = arith.mulf %tanh3A_2682, %mul3A_2684 : vector<52x256xf32>
      %add3A_2686 = arith.constant 5.000000e-01 : f32
      %add3A_2687 = vector.broadcast %add3A_2686 : f32 to vector<52x256xf32>
      %add3A_2688 = arith.addf %mul3A_2685, %add3A_2687 : vector<52x256xf32>
      %slice3A_2689 = vector.extract_strided_slice %add3A_2664 {offsets = [0, 256], sizes = [52, 256], strides = [1, 1]} : vector<52x768xf32> to vector<52x256xf32>
      %slice3A_2690 = vector.extract_strided_slice %dot_general3A_2667 {offsets = [0, 256], sizes = [52, 256], strides = [1, 1]} : vector<52x768xf32> to vector<52x256xf32>
      %add3A_2691 = arith.addf %slice3A_2689, %slice3A_2690 : vector<52x256xf32>
      %mul3A_2692 = arith.constant 5.000000e-01 : f32
      %mul3A_2693 = vector.broadcast %mul3A_2692 : f32 to vector<52x256xf32>
      %mul3A_2694 = arith.mulf %add3A_2691, %mul3A_2693 : vector<52x256xf32>
      %tanh3A_2695 = math.tanh %mul3A_2694 : vector<52x256xf32>
      %mul3A_2696 = arith.constant 5.000000e-01 : f32
      %mul3A_2697 = vector.broadcast %mul3A_2696 : f32 to vector<52x256xf32>
      %mul3A_2698 = arith.mulf %tanh3A_2695, %mul3A_2697 : vector<52x256xf32>
      %add3A_2699 = arith.constant 5.000000e-01 : f32
      %add3A_2700 = vector.broadcast %add3A_2699 : f32 to vector<52x256xf32>
      %add3A_2701 = arith.addf %mul3A_2698, %add3A_2700 : vector<52x256xf32>
      %slice3A_2702 = vector.extract_strided_slice %add3A_2664 {offsets = [0, 512], sizes = [52, 256], strides = [1, 1]} : vector<52x768xf32> to vector<52x256xf32>
      %slice3A_2703 = vector.extract_strided_slice %dot_general3A_2667 {offsets = [0, 512], sizes = [52, 256], strides = [1, 1]} : vector<52x768xf32> to vector<52x256xf32>
      %mul3A_2704 = arith.mulf %add3A_2688, %slice3A_2703 : vector<52x256xf32>
      %add3A_2705 = arith.addf %slice3A_2702, %mul3A_2704 : vector<52x256xf32>
      %tanh3A_2706 = math.tanh %add3A_2705 : vector<52x256xf32>
      %sub3A_2707 = arith.subf %add3A_2618, %tanh3A_2706 : vector<52x256xf32>
      %mul3A_2708 = arith.mulf %add3A_2701, %sub3A_2707 : vector<52x256xf32>
      %add3A_2709 = arith.addf %tanh3A_2706, %mul3A_2708 : vector<52x256xf32>
      %slice3A_2710 = vector.extract_strided_slice %add3A_2672 {offsets = [0, 0], sizes = [48, 256], strides = [1, 1]} : vector<48x768xf32> to vector<48x256xf32>
      %slice3A_2711 = vector.extract_strided_slice %dot_general3A_2675 {offsets = [0, 0], sizes = [48, 256], strides = [1, 1]} : vector<48x768xf32> to vector<48x256xf32>
      %add3A_2712 = arith.addf %slice3A_2710, %slice3A_2711 : vector<48x256xf32>
      %mul3A_2713 = arith.constant 5.000000e-01 : f32
      %mul3A_2714 = vector.broadcast %mul3A_2713 : f32 to vector<48x256xf32>
      %mul3A_2715 = arith.mulf %add3A_2712, %mul3A_2714 : vector<48x256xf32>
      %tanh3A_2716 = math.tanh %mul3A_2715 : vector<48x256xf32>
      %mul3A_2717 = arith.constant 5.000000e-01 : f32
      %mul3A_2718 = vector.broadcast %mul3A_2717 : f32 to vector<48x256xf32>
      %mul3A_2719 = arith.mulf %tanh3A_2716, %mul3A_2718 : vector<48x256xf32>
      %add3A_2720 = arith.constant 5.000000e-01 : f32
      %add3A_2721 = vector.broadcast %add3A_2720 : f32 to vector<48x256xf32>
      %add3A_2722 = arith.addf %mul3A_2719, %add3A_2721 : vector<48x256xf32>
      %slice3A_2723 = vector.extract_strided_slice %add3A_2672 {offsets = [0, 256], sizes = [48, 256], strides = [1, 1]} : vector<48x768xf32> to vector<48x256xf32>
      %slice3A_2724 = vector.extract_strided_slice %dot_general3A_2675 {offsets = [0, 256], sizes = [48, 256], strides = [1, 1]} : vector<48x768xf32> to vector<48x256xf32>
      %add3A_2725 = arith.addf %slice3A_2723, %slice3A_2724 : vector<48x256xf32>
      %mul3A_2726 = arith.constant 5.000000e-01 : f32
      %mul3A_2727 = vector.broadcast %mul3A_2726 : f32 to vector<48x256xf32>
      %mul3A_2728 = arith.mulf %add3A_2725, %mul3A_2727 : vector<48x256xf32>
      %tanh3A_2729 = math.tanh %mul3A_2728 : vector<48x256xf32>
      %mul3A_2730 = arith.constant 5.000000e-01 : f32
      %mul3A_2731 = vector.broadcast %mul3A_2730 : f32 to vector<48x256xf32>
      %mul3A_2732 = arith.mulf %tanh3A_2729, %mul3A_2731 : vector<48x256xf32>
      %add3A_2733 = arith.constant 5.000000e-01 : f32
      %add3A_2734 = vector.broadcast %add3A_2733 : f32 to vector<48x256xf32>
      %add3A_2735 = arith.addf %mul3A_2732, %add3A_2734 : vector<48x256xf32>
      %slice3A_2736 = vector.extract_strided_slice %add3A_2672 {offsets = [0, 512], sizes = [48, 256], strides = [1, 1]} : vector<48x768xf32> to vector<48x256xf32>
      %slice3A_2737 = vector.extract_strided_slice %dot_general3A_2675 {offsets = [0, 512], sizes = [48, 256], strides = [1, 1]} : vector<48x768xf32> to vector<48x256xf32>
      %mul3A_2738 = arith.mulf %add3A_2722, %slice3A_2737 : vector<48x256xf32>
      %add3A_2739 = arith.addf %slice3A_2736, %mul3A_2738 : vector<48x256xf32>
      %tanh3A_2740 = math.tanh %add3A_2739 : vector<48x256xf32>
      %sub3A_2741 = arith.subf %add3A_2652, %tanh3A_2740 : vector<48x256xf32>
      %mul3A_2742 = arith.mulf %add3A_2735, %sub3A_2741 : vector<48x256xf32>
      %add3A_2743 = arith.addf %tanh3A_2740, %mul3A_2742 : vector<48x256xf32>
      %add3A_2744 = arith.constant 29 : i32
      %add3A_2745 = arith.addi %mul3A_107, %add3A_2744 : i32
      %get3A_2746 = arith.index_cast %add3A_2745 : i32 to index
      %get3A_2747 = arith.constant 0 : index
      %get3A_2748 = arith.constant 0 : index
      %get3A_2749 = vector.load %arg0[%get3A_2746, %get3A_2747, %get3A_2748] : memref<200x100x32xbf16, #tpu.memory_space<vmem>>, vector<1x100x32xbf16>
      %get3A_2750 = vector.shape_cast %get3A_2749 : vector<1x100x32xbf16> to vector<100x32xbf16>
      %slice3A_2751 = vector.extract_strided_slice %get3A_2750 {offsets = [0, 0], sizes = [52, 32], strides = [1, 1]} : vector<100x32xbf16> to vector<52x32xbf16>
      %dot_general3A_2752 = arith.constant dense<0.000000e+00> : vector<52x768xf32>
      %dot_general3A_2753 = tpu.matmul %slice3A_2751, %get3A_1, %dot_general3A_2752 {dimension_numbers = #tpu.dot_dimension_numbers<[1], [0], [0], [1], [0, 0, 1, 1], [], []>, transpose_lhs_hint = false} : vector<52x32xbf16>, vector<32x768xbf16>, vector<52x768xf32> -> vector<52x768xf32>
      %add3A_2754 = vector.broadcast %get3A_7 : vector<1x768xf32> to vector<52x768xf32>
      %add3A_2755 = arith.addf %dot_general3A_2753, %add3A_2754 : vector<52x768xf32>
      %convert_element_type3A_2756 = arith.truncf %add3A_2709 : vector<52x256xf32> to vector<52x256xbf16>
      %dot_general3A_2757 = arith.constant dense<0.000000e+00> : vector<52x768xf32>
      %dot_general3A_2758 = tpu.matmul %convert_element_type3A_2756, %get3A_4, %dot_general3A_2757 {dimension_numbers = #tpu.dot_dimension_numbers<[1], [0], [0], [1], [0, 0, 1, 1], [], []>, transpose_lhs_hint = false} : vector<52x256xbf16>, vector<256x768xbf16>, vector<52x768xf32> -> vector<52x768xf32>
      %slice3A_2759 = vector.extract_strided_slice %get3A_2750 {offsets = [52, 0], sizes = [48, 32], strides = [1, 1]} : vector<100x32xbf16> to vector<48x32xbf16>
      %dot_general3A_2760 = arith.constant dense<0.000000e+00> : vector<48x768xf32>
      %dot_general3A_2761 = tpu.matmul %slice3A_2759, %get3A_1, %dot_general3A_2760 {dimension_numbers = #tpu.dot_dimension_numbers<[1], [0], [0], [1], [0, 0, 1, 1], [], []>, transpose_lhs_hint = false} : vector<48x32xbf16>, vector<32x768xbf16>, vector<48x768xf32> -> vector<48x768xf32>
      %add3A_2762 = vector.broadcast %get3A_7 : vector<1x768xf32> to vector<48x768xf32>
      %add3A_2763 = arith.addf %dot_general3A_2761, %add3A_2762 : vector<48x768xf32>
      %convert_element_type3A_2764 = arith.truncf %add3A_2743 : vector<48x256xf32> to vector<48x256xbf16>
      %dot_general3A_2765 = arith.constant dense<0.000000e+00> : vector<48x768xf32>
      %dot_general3A_2766 = tpu.matmul %convert_element_type3A_2764, %get3A_4, %dot_general3A_2765 {dimension_numbers = #tpu.dot_dimension_numbers<[1], [0], [0], [1], [0, 0, 1, 1], [], []>, transpose_lhs_hint = false} : vector<48x256xbf16>, vector<256x768xbf16>, vector<48x768xf32> -> vector<48x768xf32>
      %slice3A_2767 = vector.extract_strided_slice %add3A_2755 {offsets = [0, 0], sizes = [52, 256], strides = [1, 1]} : vector<52x768xf32> to vector<52x256xf32>
      %slice3A_2768 = vector.extract_strided_slice %dot_general3A_2758 {offsets = [0, 0], sizes = [52, 256], strides = [1, 1]} : vector<52x768xf32> to vector<52x256xf32>
      %add3A_2769 = arith.addf %slice3A_2767, %slice3A_2768 : vector<52x256xf32>
      %mul3A_2770 = arith.constant 5.000000e-01 : f32
      %mul3A_2771 = vector.broadcast %mul3A_2770 : f32 to vector<52x256xf32>
      %mul3A_2772 = arith.mulf %add3A_2769, %mul3A_2771 : vector<52x256xf32>
      %tanh3A_2773 = math.tanh %mul3A_2772 : vector<52x256xf32>
      %mul3A_2774 = arith.constant 5.000000e-01 : f32
      %mul3A_2775 = vector.broadcast %mul3A_2774 : f32 to vector<52x256xf32>
      %mul3A_2776 = arith.mulf %tanh3A_2773, %mul3A_2775 : vector<52x256xf32>
      %add3A_2777 = arith.constant 5.000000e-01 : f32
      %add3A_2778 = vector.broadcast %add3A_2777 : f32 to vector<52x256xf32>
      %add3A_2779 = arith.addf %mul3A_2776, %add3A_2778 : vector<52x256xf32>
      %slice3A_2780 = vector.extract_strided_slice %add3A_2755 {offsets = [0, 256], sizes = [52, 256], strides = [1, 1]} : vector<52x768xf32> to vector<52x256xf32>
      %slice3A_2781 = vector.extract_strided_slice %dot_general3A_2758 {offsets = [0, 256], sizes = [52, 256], strides = [1, 1]} : vector<52x768xf32> to vector<52x256xf32>
      %add3A_2782 = arith.addf %slice3A_2780, %slice3A_2781 : vector<52x256xf32>
      %mul3A_2783 = arith.constant 5.000000e-01 : f32
      %mul3A_2784 = vector.broadcast %mul3A_2783 : f32 to vector<52x256xf32>
      %mul3A_2785 = arith.mulf %add3A_2782, %mul3A_2784 : vector<52x256xf32>
      %tanh3A_2786 = math.tanh %mul3A_2785 : vector<52x256xf32>
      %mul3A_2787 = arith.constant 5.000000e-01 : f32
      %mul3A_2788 = vector.broadcast %mul3A_2787 : f32 to vector<52x256xf32>
      %mul3A_2789 = arith.mulf %tanh3A_2786, %mul3A_2788 : vector<52x256xf32>
      %add3A_2790 = arith.constant 5.000000e-01 : f32
      %add3A_2791 = vector.broadcast %add3A_2790 : f32 to vector<52x256xf32>
      %add3A_2792 = arith.addf %mul3A_2789, %add3A_2791 : vector<52x256xf32>
      %slice3A_2793 = vector.extract_strided_slice %add3A_2755 {offsets = [0, 512], sizes = [52, 256], strides = [1, 1]} : vector<52x768xf32> to vector<52x256xf32>
      %slice3A_2794 = vector.extract_strided_slice %dot_general3A_2758 {offsets = [0, 512], sizes = [52, 256], strides = [1, 1]} : vector<52x768xf32> to vector<52x256xf32>
      %mul3A_2795 = arith.mulf %add3A_2779, %slice3A_2794 : vector<52x256xf32>
      %add3A_2796 = arith.addf %slice3A_2793, %mul3A_2795 : vector<52x256xf32>
      %tanh3A_2797 = math.tanh %add3A_2796 : vector<52x256xf32>
      %sub3A_2798 = arith.subf %add3A_2709, %tanh3A_2797 : vector<52x256xf32>
      %mul3A_2799 = arith.mulf %add3A_2792, %sub3A_2798 : vector<52x256xf32>
      %add3A_2800 = arith.addf %tanh3A_2797, %mul3A_2799 : vector<52x256xf32>
      %slice3A_2801 = vector.extract_strided_slice %add3A_2763 {offsets = [0, 0], sizes = [48, 256], strides = [1, 1]} : vector<48x768xf32> to vector<48x256xf32>
      %slice3A_2802 = vector.extract_strided_slice %dot_general3A_2766 {offsets = [0, 0], sizes = [48, 256], strides = [1, 1]} : vector<48x768xf32> to vector<48x256xf32>
      %add3A_2803 = arith.addf %slice3A_2801, %slice3A_2802 : vector<48x256xf32>
      %mul3A_2804 = arith.constant 5.000000e-01 : f32
      %mul3A_2805 = vector.broadcast %mul3A_2804 : f32 to vector<48x256xf32>
      %mul3A_2806 = arith.mulf %add3A_2803, %mul3A_2805 : vector<48x256xf32>
      %tanh3A_2807 = math.tanh %mul3A_2806 : vector<48x256xf32>
      %mul3A_2808 = arith.constant 5.000000e-01 : f32
      %mul3A_2809 = vector.broadcast %mul3A_2808 : f32 to vector<48x256xf32>
      %mul3A_2810 = arith.mulf %tanh3A_2807, %mul3A_2809 : vector<48x256xf32>
      %add3A_2811 = arith.constant 5.000000e-01 : f32
      %add3A_2812 = vector.broadcast %add3A_2811 : f32 to vector<48x256xf32>
      %add3A_2813 = arith.addf %mul3A_2810, %add3A_2812 : vector<48x256xf32>
      %slice3A_2814 = vector.extract_strided_slice %add3A_2763 {offsets = [0, 256], sizes = [48, 256], strides = [1, 1]} : vector<48x768xf32> to vector<48x256xf32>
      %slice3A_2815 = vector.extract_strided_slice %dot_general3A_2766 {offsets = [0, 256], sizes = [48, 256], strides = [1, 1]} : vector<48x768xf32> to vector<48x256xf32>
      %add3A_2816 = arith.addf %slice3A_2814, %slice3A_2815 : vector<48x256xf32>
      %mul3A_2817 = arith.constant 5.000000e-01 : f32
      %mul3A_2818 = vector.broadcast %mul3A_2817 : f32 to vector<48x256xf32>
      %mul3A_2819 = arith.mulf %add3A_2816, %mul3A_2818 : vector<48x256xf32>
      %tanh3A_2820 = math.tanh %mul3A_2819 : vector<48x256xf32>
      %mul3A_2821 = arith.constant 5.000000e-01 : f32
      %mul3A_2822 = vector.broadcast %mul3A_2821 : f32 to vector<48x256xf32>
      %mul3A_2823 = arith.mulf %tanh3A_2820, %mul3A_2822 : vector<48x256xf32>
      %add3A_2824 = arith.constant 5.000000e-01 : f32
      %add3A_2825 = vector.broadcast %add3A_2824 : f32 to vector<48x256xf32>
      %add3A_2826 = arith.addf %mul3A_2823, %add3A_2825 : vector<48x256xf32>
      %slice3A_2827 = vector.extract_strided_slice %add3A_2763 {offsets = [0, 512], sizes = [48, 256], strides = [1, 1]} : vector<48x768xf32> to vector<48x256xf32>
      %slice3A_2828 = vector.extract_strided_slice %dot_general3A_2766 {offsets = [0, 512], sizes = [48, 256], strides = [1, 1]} : vector<48x768xf32> to vector<48x256xf32>
      %mul3A_2829 = arith.mulf %add3A_2813, %slice3A_2828 : vector<48x256xf32>
      %add3A_2830 = arith.addf %slice3A_2827, %mul3A_2829 : vector<48x256xf32>
      %tanh3A_2831 = math.tanh %add3A_2830 : vector<48x256xf32>
      %sub3A_2832 = arith.subf %add3A_2743, %tanh3A_2831 : vector<48x256xf32>
      %mul3A_2833 = arith.mulf %add3A_2826, %sub3A_2832 : vector<48x256xf32>
      %add3A_2834 = arith.addf %tanh3A_2831, %mul3A_2833 : vector<48x256xf32>
      %add3A_2835 = arith.constant 30 : i32
      %add3A_2836 = arith.addi %mul3A_107, %add3A_2835 : i32
      %get3A_2837 = arith.index_cast %add3A_2836 : i32 to index
      %get3A_2838 = arith.constant 0 : index
      %get3A_2839 = arith.constant 0 : index
      %get3A_2840 = vector.load %arg0[%get3A_2837, %get3A_2838, %get3A_2839] : memref<200x100x32xbf16, #tpu.memory_space<vmem>>, vector<1x100x32xbf16>
      %get3A_2841 = vector.shape_cast %get3A_2840 : vector<1x100x32xbf16> to vector<100x32xbf16>
      %slice3A_2842 = vector.extract_strided_slice %get3A_2841 {offsets = [0, 0], sizes = [52, 32], strides = [1, 1]} : vector<100x32xbf16> to vector<52x32xbf16>
      %dot_general3A_2843 = arith.constant dense<0.000000e+00> : vector<52x768xf32>
      %dot_general3A_2844 = tpu.matmul %slice3A_2842, %get3A_1, %dot_general3A_2843 {dimension_numbers = #tpu.dot_dimension_numbers<[1], [0], [0], [1], [0, 0, 1, 1], [], []>, transpose_lhs_hint = false} : vector<52x32xbf16>, vector<32x768xbf16>, vector<52x768xf32> -> vector<52x768xf32>
      %add3A_2845 = vector.broadcast %get3A_7 : vector<1x768xf32> to vector<52x768xf32>
      %add3A_2846 = arith.addf %dot_general3A_2844, %add3A_2845 : vector<52x768xf32>
      %convert_element_type3A_2847 = arith.truncf %add3A_2800 : vector<52x256xf32> to vector<52x256xbf16>
      %dot_general3A_2848 = arith.constant dense<0.000000e+00> : vector<52x768xf32>
      %dot_general3A_2849 = tpu.matmul %convert_element_type3A_2847, %get3A_4, %dot_general3A_2848 {dimension_numbers = #tpu.dot_dimension_numbers<[1], [0], [0], [1], [0, 0, 1, 1], [], []>, transpose_lhs_hint = false} : vector<52x256xbf16>, vector<256x768xbf16>, vector<52x768xf32> -> vector<52x768xf32>
      %slice3A_2850 = vector.extract_strided_slice %get3A_2841 {offsets = [52, 0], sizes = [48, 32], strides = [1, 1]} : vector<100x32xbf16> to vector<48x32xbf16>
      %dot_general3A_2851 = arith.constant dense<0.000000e+00> : vector<48x768xf32>
      %dot_general3A_2852 = tpu.matmul %slice3A_2850, %get3A_1, %dot_general3A_2851 {dimension_numbers = #tpu.dot_dimension_numbers<[1], [0], [0], [1], [0, 0, 1, 1], [], []>, transpose_lhs_hint = false} : vector<48x32xbf16>, vector<32x768xbf16>, vector<48x768xf32> -> vector<48x768xf32>
      %add3A_2853 = vector.broadcast %get3A_7 : vector<1x768xf32> to vector<48x768xf32>
      %add3A_2854 = arith.addf %dot_general3A_2852, %add3A_2853 : vector<48x768xf32>
      %convert_element_type3A_2855 = arith.truncf %add3A_2834 : vector<48x256xf32> to vector<48x256xbf16>
      %dot_general3A_2856 = arith.constant dense<0.000000e+00> : vector<48x768xf32>
      %dot_general3A_2857 = tpu.matmul %convert_element_type3A_2855, %get3A_4, %dot_general3A_2856 {dimension_numbers = #tpu.dot_dimension_numbers<[1], [0], [0], [1], [0, 0, 1, 1], [], []>, transpose_lhs_hint = false} : vector<48x256xbf16>, vector<256x768xbf16>, vector<48x768xf32> -> vector<48x768xf32>
      %slice3A_2858 = vector.extract_strided_slice %add3A_2846 {offsets = [0, 0], sizes = [52, 256], strides = [1, 1]} : vector<52x768xf32> to vector<52x256xf32>
      %slice3A_2859 = vector.extract_strided_slice %dot_general3A_2849 {offsets = [0, 0], sizes = [52, 256], strides = [1, 1]} : vector<52x768xf32> to vector<52x256xf32>
      %add3A_2860 = arith.addf %slice3A_2858, %slice3A_2859 : vector<52x256xf32>
      %mul3A_2861 = arith.constant 5.000000e-01 : f32
      %mul3A_2862 = vector.broadcast %mul3A_2861 : f32 to vector<52x256xf32>
      %mul3A_2863 = arith.mulf %add3A_2860, %mul3A_2862 : vector<52x256xf32>
      %tanh3A_2864 = math.tanh %mul3A_2863 : vector<52x256xf32>
      %mul3A_2865 = arith.constant 5.000000e-01 : f32
      %mul3A_2866 = vector.broadcast %mul3A_2865 : f32 to vector<52x256xf32>
      %mul3A_2867 = arith.mulf %tanh3A_2864, %mul3A_2866 : vector<52x256xf32>
      %add3A_2868 = arith.constant 5.000000e-01 : f32
      %add3A_2869 = vector.broadcast %add3A_2868 : f32 to vector<52x256xf32>
      %add3A_2870 = arith.addf %mul3A_2867, %add3A_2869 : vector<52x256xf32>
      %slice3A_2871 = vector.extract_strided_slice %add3A_2846 {offsets = [0, 256], sizes = [52, 256], strides = [1, 1]} : vector<52x768xf32> to vector<52x256xf32>
      %slice3A_2872 = vector.extract_strided_slice %dot_general3A_2849 {offsets = [0, 256], sizes = [52, 256], strides = [1, 1]} : vector<52x768xf32> to vector<52x256xf32>
      %add3A_2873 = arith.addf %slice3A_2871, %slice3A_2872 : vector<52x256xf32>
      %mul3A_2874 = arith.constant 5.000000e-01 : f32
      %mul3A_2875 = vector.broadcast %mul3A_2874 : f32 to vector<52x256xf32>
      %mul3A_2876 = arith.mulf %add3A_2873, %mul3A_2875 : vector<52x256xf32>
      %tanh3A_2877 = math.tanh %mul3A_2876 : vector<52x256xf32>
      %mul3A_2878 = arith.constant 5.000000e-01 : f32
      %mul3A_2879 = vector.broadcast %mul3A_2878 : f32 to vector<52x256xf32>
      %mul3A_2880 = arith.mulf %tanh3A_2877, %mul3A_2879 : vector<52x256xf32>
      %add3A_2881 = arith.constant 5.000000e-01 : f32
      %add3A_2882 = vector.broadcast %add3A_2881 : f32 to vector<52x256xf32>
      %add3A_2883 = arith.addf %mul3A_2880, %add3A_2882 : vector<52x256xf32>
      %slice3A_2884 = vector.extract_strided_slice %add3A_2846 {offsets = [0, 512], sizes = [52, 256], strides = [1, 1]} : vector<52x768xf32> to vector<52x256xf32>
      %slice3A_2885 = vector.extract_strided_slice %dot_general3A_2849 {offsets = [0, 512], sizes = [52, 256], strides = [1, 1]} : vector<52x768xf32> to vector<52x256xf32>
      %mul3A_2886 = arith.mulf %add3A_2870, %slice3A_2885 : vector<52x256xf32>
      %add3A_2887 = arith.addf %slice3A_2884, %mul3A_2886 : vector<52x256xf32>
      %tanh3A_2888 = math.tanh %add3A_2887 : vector<52x256xf32>
      %sub3A_2889 = arith.subf %add3A_2800, %tanh3A_2888 : vector<52x256xf32>
      %mul3A_2890 = arith.mulf %add3A_2883, %sub3A_2889 : vector<52x256xf32>
      %add3A_2891 = arith.addf %tanh3A_2888, %mul3A_2890 : vector<52x256xf32>
      %slice3A_2892 = vector.extract_strided_slice %add3A_2854 {offsets = [0, 0], sizes = [48, 256], strides = [1, 1]} : vector<48x768xf32> to vector<48x256xf32>
      %slice3A_2893 = vector.extract_strided_slice %dot_general3A_2857 {offsets = [0, 0], sizes = [48, 256], strides = [1, 1]} : vector<48x768xf32> to vector<48x256xf32>
      %add3A_2894 = arith.addf %slice3A_2892, %slice3A_2893 : vector<48x256xf32>
      %mul3A_2895 = arith.constant 5.000000e-01 : f32
      %mul3A_2896 = vector.broadcast %mul3A_2895 : f32 to vector<48x256xf32>
      %mul3A_2897 = arith.mulf %add3A_2894, %mul3A_2896 : vector<48x256xf32>
      %tanh3A_2898 = math.tanh %mul3A_2897 : vector<48x256xf32>
      %mul3A_2899 = arith.constant 5.000000e-01 : f32
      %mul3A_2900 = vector.broadcast %mul3A_2899 : f32 to vector<48x256xf32>
      %mul3A_2901 = arith.mulf %tanh3A_2898, %mul3A_2900 : vector<48x256xf32>
      %add3A_2902 = arith.constant 5.000000e-01 : f32
      %add3A_2903 = vector.broadcast %add3A_2902 : f32 to vector<48x256xf32>
      %add3A_2904 = arith.addf %mul3A_2901, %add3A_2903 : vector<48x256xf32>
      %slice3A_2905 = vector.extract_strided_slice %add3A_2854 {offsets = [0, 256], sizes = [48, 256], strides = [1, 1]} : vector<48x768xf32> to vector<48x256xf32>
      %slice3A_2906 = vector.extract_strided_slice %dot_general3A_2857 {offsets = [0, 256], sizes = [48, 256], strides = [1, 1]} : vector<48x768xf32> to vector<48x256xf32>
      %add3A_2907 = arith.addf %slice3A_2905, %slice3A_2906 : vector<48x256xf32>
      %mul3A_2908 = arith.constant 5.000000e-01 : f32
      %mul3A_2909 = vector.broadcast %mul3A_2908 : f32 to vector<48x256xf32>
      %mul3A_2910 = arith.mulf %add3A_2907, %mul3A_2909 : vector<48x256xf32>
      %tanh3A_2911 = math.tanh %mul3A_2910 : vector<48x256xf32>
      %mul3A_2912 = arith.constant 5.000000e-01 : f32
      %mul3A_2913 = vector.broadcast %mul3A_2912 : f32 to vector<48x256xf32>
      %mul3A_2914 = arith.mulf %tanh3A_2911, %mul3A_2913 : vector<48x256xf32>
      %add3A_2915 = arith.constant 5.000000e-01 : f32
      %add3A_2916 = vector.broadcast %add3A_2915 : f32 to vector<48x256xf32>
      %add3A_2917 = arith.addf %mul3A_2914, %add3A_2916 : vector<48x256xf32>
      %slice3A_2918 = vector.extract_strided_slice %add3A_2854 {offsets = [0, 512], sizes = [48, 256], strides = [1, 1]} : vector<48x768xf32> to vector<48x256xf32>
      %slice3A_2919 = vector.extract_strided_slice %dot_general3A_2857 {offsets = [0, 512], sizes = [48, 256], strides = [1, 1]} : vector<48x768xf32> to vector<48x256xf32>
      %mul3A_2920 = arith.mulf %add3A_2904, %slice3A_2919 : vector<48x256xf32>
      %add3A_2921 = arith.addf %slice3A_2918, %mul3A_2920 : vector<48x256xf32>
      %tanh3A_2922 = math.tanh %add3A_2921 : vector<48x256xf32>
      %sub3A_2923 = arith.subf %add3A_2834, %tanh3A_2922 : vector<48x256xf32>
      %mul3A_2924 = arith.mulf %add3A_2917, %sub3A_2923 : vector<48x256xf32>
      %add3A_2925 = arith.addf %tanh3A_2922, %mul3A_2924 : vector<48x256xf32>
      %add3A_2926 = arith.constant 31 : i32
      %add3A_2927 = arith.addi %mul3A_107, %add3A_2926 : i32
      %get3A_2928 = arith.index_cast %add3A_2927 : i32 to index
      %get3A_2929 = arith.constant 0 : index
      %get3A_2930 = arith.constant 0 : index
      %get3A_2931 = vector.load %arg0[%get3A_2928, %get3A_2929, %get3A_2930] : memref<200x100x32xbf16, #tpu.memory_space<vmem>>, vector<1x100x32xbf16>
      %get3A_2932 = vector.shape_cast %get3A_2931 : vector<1x100x32xbf16> to vector<100x32xbf16>
      %slice3A_2933 = vector.extract_strided_slice %get3A_2932 {offsets = [0, 0], sizes = [52, 32], strides = [1, 1]} : vector<100x32xbf16> to vector<52x32xbf16>
      %dot_general3A_2934 = arith.constant dense<0.000000e+00> : vector<52x768xf32>
      %dot_general3A_2935 = tpu.matmul %slice3A_2933, %get3A_1, %dot_general3A_2934 {dimension_numbers = #tpu.dot_dimension_numbers<[1], [0], [0], [1], [0, 0, 1, 1], [], []>, transpose_lhs_hint = false} : vector<52x32xbf16>, vector<32x768xbf16>, vector<52x768xf32> -> vector<52x768xf32>
      %add3A_2936 = vector.broadcast %get3A_7 : vector<1x768xf32> to vector<52x768xf32>
      %add3A_2937 = arith.addf %dot_general3A_2935, %add3A_2936 : vector<52x768xf32>
      %convert_element_type3A_2938 = arith.truncf %add3A_2891 : vector<52x256xf32> to vector<52x256xbf16>
      %dot_general3A_2939 = arith.constant dense<0.000000e+00> : vector<52x768xf32>
      %dot_general3A_2940 = tpu.matmul %convert_element_type3A_2938, %get3A_4, %dot_general3A_2939 {dimension_numbers = #tpu.dot_dimension_numbers<[1], [0], [0], [1], [0, 0, 1, 1], [], []>, transpose_lhs_hint = false} : vector<52x256xbf16>, vector<256x768xbf16>, vector<52x768xf32> -> vector<52x768xf32>
      %slice3A_2941 = vector.extract_strided_slice %get3A_2932 {offsets = [52, 0], sizes = [48, 32], strides = [1, 1]} : vector<100x32xbf16> to vector<48x32xbf16>
      %dot_general3A_2942 = arith.constant dense<0.000000e+00> : vector<48x768xf32>
      %dot_general3A_2943 = tpu.matmul %slice3A_2941, %get3A_1, %dot_general3A_2942 {dimension_numbers = #tpu.dot_dimension_numbers<[1], [0], [0], [1], [0, 0, 1, 1], [], []>, transpose_lhs_hint = false} : vector<48x32xbf16>, vector<32x768xbf16>, vector<48x768xf32> -> vector<48x768xf32>
      %add3A_2944 = vector.broadcast %get3A_7 : vector<1x768xf32> to vector<48x768xf32>
      %add3A_2945 = arith.addf %dot_general3A_2943, %add3A_2944 : vector<48x768xf32>
      %convert_element_type3A_2946 = arith.truncf %add3A_2925 : vector<48x256xf32> to vector<48x256xbf16>
      %dot_general3A_2947 = arith.constant dense<0.000000e+00> : vector<48x768xf32>
      %dot_general3A_2948 = tpu.matmul %convert_element_type3A_2946, %get3A_4, %dot_general3A_2947 {dimension_numbers = #tpu.dot_dimension_numbers<[1], [0], [0], [1], [0, 0, 1, 1], [], []>, transpose_lhs_hint = false} : vector<48x256xbf16>, vector<256x768xbf16>, vector<48x768xf32> -> vector<48x768xf32>
      %slice3A_2949 = vector.extract_strided_slice %add3A_2937 {offsets = [0, 0], sizes = [52, 256], strides = [1, 1]} : vector<52x768xf32> to vector<52x256xf32>
      %slice3A_2950 = vector.extract_strided_slice %dot_general3A_2940 {offsets = [0, 0], sizes = [52, 256], strides = [1, 1]} : vector<52x768xf32> to vector<52x256xf32>
      %add3A_2951 = arith.addf %slice3A_2949, %slice3A_2950 : vector<52x256xf32>
      %mul3A_2952 = arith.constant 5.000000e-01 : f32
      %mul3A_2953 = vector.broadcast %mul3A_2952 : f32 to vector<52x256xf32>
      %mul3A_2954 = arith.mulf %add3A_2951, %mul3A_2953 : vector<52x256xf32>
      %tanh3A_2955 = math.tanh %mul3A_2954 : vector<52x256xf32>
      %mul3A_2956 = arith.constant 5.000000e-01 : f32
      %mul3A_2957 = vector.broadcast %mul3A_2956 : f32 to vector<52x256xf32>
      %mul3A_2958 = arith.mulf %tanh3A_2955, %mul3A_2957 : vector<52x256xf32>
      %add3A_2959 = arith.constant 5.000000e-01 : f32
      %add3A_2960 = vector.broadcast %add3A_2959 : f32 to vector<52x256xf32>
      %add3A_2961 = arith.addf %mul3A_2958, %add3A_2960 : vector<52x256xf32>
      %slice3A_2962 = vector.extract_strided_slice %add3A_2937 {offsets = [0, 256], sizes = [52, 256], strides = [1, 1]} : vector<52x768xf32> to vector<52x256xf32>
      %slice3A_2963 = vector.extract_strided_slice %dot_general3A_2940 {offsets = [0, 256], sizes = [52, 256], strides = [1, 1]} : vector<52x768xf32> to vector<52x256xf32>
      %add3A_2964 = arith.addf %slice3A_2962, %slice3A_2963 : vector<52x256xf32>
      %mul3A_2965 = arith.constant 5.000000e-01 : f32
      %mul3A_2966 = vector.broadcast %mul3A_2965 : f32 to vector<52x256xf32>
      %mul3A_2967 = arith.mulf %add3A_2964, %mul3A_2966 : vector<52x256xf32>
      %tanh3A_2968 = math.tanh %mul3A_2967 : vector<52x256xf32>
      %mul3A_2969 = arith.constant 5.000000e-01 : f32
      %mul3A_2970 = vector.broadcast %mul3A_2969 : f32 to vector<52x256xf32>
      %mul3A_2971 = arith.mulf %tanh3A_2968, %mul3A_2970 : vector<52x256xf32>
      %add3A_2972 = arith.constant 5.000000e-01 : f32
      %add3A_2973 = vector.broadcast %add3A_2972 : f32 to vector<52x256xf32>
      %add3A_2974 = arith.addf %mul3A_2971, %add3A_2973 : vector<52x256xf32>
      %slice3A_2975 = vector.extract_strided_slice %add3A_2937 {offsets = [0, 512], sizes = [52, 256], strides = [1, 1]} : vector<52x768xf32> to vector<52x256xf32>
      %slice3A_2976 = vector.extract_strided_slice %dot_general3A_2940 {offsets = [0, 512], sizes = [52, 256], strides = [1, 1]} : vector<52x768xf32> to vector<52x256xf32>
      %mul3A_2977 = arith.mulf %add3A_2961, %slice3A_2976 : vector<52x256xf32>
      %add3A_2978 = arith.addf %slice3A_2975, %mul3A_2977 : vector<52x256xf32>
      %tanh3A_2979 = math.tanh %add3A_2978 : vector<52x256xf32>
      %sub3A_2980 = arith.subf %add3A_2891, %tanh3A_2979 : vector<52x256xf32>
      %mul3A_2981 = arith.mulf %add3A_2974, %sub3A_2980 : vector<52x256xf32>
      %add3A_2982 = arith.addf %tanh3A_2979, %mul3A_2981 : vector<52x256xf32>
      %slice3A_2983 = vector.extract_strided_slice %add3A_2945 {offsets = [0, 0], sizes = [48, 256], strides = [1, 1]} : vector<48x768xf32> to vector<48x256xf32>
      %slice3A_2984 = vector.extract_strided_slice %dot_general3A_2948 {offsets = [0, 0], sizes = [48, 256], strides = [1, 1]} : vector<48x768xf32> to vector<48x256xf32>
      %add3A_2985 = arith.addf %slice3A_2983, %slice3A_2984 : vector<48x256xf32>
      %mul3A_2986 = arith.constant 5.000000e-01 : f32
      %mul3A_2987 = vector.broadcast %mul3A_2986 : f32 to vector<48x256xf32>
      %mul3A_2988 = arith.mulf %add3A_2985, %mul3A_2987 : vector<48x256xf32>
      %tanh3A_2989 = math.tanh %mul3A_2988 : vector<48x256xf32>
      %mul3A_2990 = arith.constant 5.000000e-01 : f32
      %mul3A_2991 = vector.broadcast %mul3A_2990 : f32 to vector<48x256xf32>
      %mul3A_2992 = arith.mulf %tanh3A_2989, %mul3A_2991 : vector<48x256xf32>
      %add3A_2993 = arith.constant 5.000000e-01 : f32
      %add3A_2994 = vector.broadcast %add3A_2993 : f32 to vector<48x256xf32>
      %add3A_2995 = arith.addf %mul3A_2992, %add3A_2994 : vector<48x256xf32>
      %slice3A_2996 = vector.extract_strided_slice %add3A_2945 {offsets = [0, 256], sizes = [48, 256], strides = [1, 1]} : vector<48x768xf32> to vector<48x256xf32>
      %slice3A_2997 = vector.extract_strided_slice %dot_general3A_2948 {offsets = [0, 256], sizes = [48, 256], strides = [1, 1]} : vector<48x768xf32> to vector<48x256xf32>
      %add3A_2998 = arith.addf %slice3A_2996, %slice3A_2997 : vector<48x256xf32>
      %mul3A_2999 = arith.constant 5.000000e-01 : f32
      %mul3A_3000 = vector.broadcast %mul3A_2999 : f32 to vector<48x256xf32>
      %mul3A_3001 = arith.mulf %add3A_2998, %mul3A_3000 : vector<48x256xf32>
      %tanh3A_3002 = math.tanh %mul3A_3001 : vector<48x256xf32>
      %mul3A_3003 = arith.constant 5.000000e-01 : f32
      %mul3A_3004 = vector.broadcast %mul3A_3003 : f32 to vector<48x256xf32>
      %mul3A_3005 = arith.mulf %tanh3A_3002, %mul3A_3004 : vector<48x256xf32>
      %add3A_3006 = arith.constant 5.000000e-01 : f32
      %add3A_3007 = vector.broadcast %add3A_3006 : f32 to vector<48x256xf32>
      %add3A_3008 = arith.addf %mul3A_3005, %add3A_3007 : vector<48x256xf32>
      %slice3A_3009 = vector.extract_strided_slice %add3A_2945 {offsets = [0, 512], sizes = [48, 256], strides = [1, 1]} : vector<48x768xf32> to vector<48x256xf32>
      %slice3A_3010 = vector.extract_strided_slice %dot_general3A_2948 {offsets = [0, 512], sizes = [48, 256], strides = [1, 1]} : vector<48x768xf32> to vector<48x256xf32>
      %mul3A_3011 = arith.mulf %add3A_2995, %slice3A_3010 : vector<48x256xf32>
      %add3A_3012 = arith.addf %slice3A_3009, %mul3A_3011 : vector<48x256xf32>
      %tanh3A_3013 = math.tanh %add3A_3012 : vector<48x256xf32>
      %sub3A_3014 = arith.subf %add3A_2925, %tanh3A_3013 : vector<48x256xf32>
      %mul3A_3015 = arith.mulf %add3A_3008, %sub3A_3014 : vector<48x256xf32>
      %add3A_3016 = arith.addf %tanh3A_3013, %mul3A_3015 : vector<48x256xf32>
      %add3A_3017 = arith.constant 32 : i32
      %add3A_3018 = arith.addi %mul3A_107, %add3A_3017 : i32
      %get3A_3019 = arith.index_cast %add3A_3018 : i32 to index
      %get3A_3020 = arith.constant 0 : index
      %get3A_3021 = arith.constant 0 : index
      %get3A_3022 = vector.load %arg0[%get3A_3019, %get3A_3020, %get3A_3021] : memref<200x100x32xbf16, #tpu.memory_space<vmem>>, vector<1x100x32xbf16>
      %get3A_3023 = vector.shape_cast %get3A_3022 : vector<1x100x32xbf16> to vector<100x32xbf16>
      %slice3A_3024 = vector.extract_strided_slice %get3A_3023 {offsets = [0, 0], sizes = [52, 32], strides = [1, 1]} : vector<100x32xbf16> to vector<52x32xbf16>
      %dot_general3A_3025 = arith.constant dense<0.000000e+00> : vector<52x768xf32>
      %dot_general3A_3026 = tpu.matmul %slice3A_3024, %get3A_1, %dot_general3A_3025 {dimension_numbers = #tpu.dot_dimension_numbers<[1], [0], [0], [1], [0, 0, 1, 1], [], []>, transpose_lhs_hint = false} : vector<52x32xbf16>, vector<32x768xbf16>, vector<52x768xf32> -> vector<52x768xf32>
      %add3A_3027 = vector.broadcast %get3A_7 : vector<1x768xf32> to vector<52x768xf32>
      %add3A_3028 = arith.addf %dot_general3A_3026, %add3A_3027 : vector<52x768xf32>
      %convert_element_type3A_3029 = arith.truncf %add3A_2982 : vector<52x256xf32> to vector<52x256xbf16>
      %dot_general3A_3030 = arith.constant dense<0.000000e+00> : vector<52x768xf32>
      %dot_general3A_3031 = tpu.matmul %convert_element_type3A_3029, %get3A_4, %dot_general3A_3030 {dimension_numbers = #tpu.dot_dimension_numbers<[1], [0], [0], [1], [0, 0, 1, 1], [], []>, transpose_lhs_hint = false} : vector<52x256xbf16>, vector<256x768xbf16>, vector<52x768xf32> -> vector<52x768xf32>
      %slice3A_3032 = vector.extract_strided_slice %get3A_3023 {offsets = [52, 0], sizes = [48, 32], strides = [1, 1]} : vector<100x32xbf16> to vector<48x32xbf16>
      %dot_general3A_3033 = arith.constant dense<0.000000e+00> : vector<48x768xf32>
      %dot_general3A_3034 = tpu.matmul %slice3A_3032, %get3A_1, %dot_general3A_3033 {dimension_numbers = #tpu.dot_dimension_numbers<[1], [0], [0], [1], [0, 0, 1, 1], [], []>, transpose_lhs_hint = false} : vector<48x32xbf16>, vector<32x768xbf16>, vector<48x768xf32> -> vector<48x768xf32>
      %add3A_3035 = vector.broadcast %get3A_7 : vector<1x768xf32> to vector<48x768xf32>
      %add3A_3036 = arith.addf %dot_general3A_3034, %add3A_3035 : vector<48x768xf32>
      %convert_element_type3A_3037 = arith.truncf %add3A_3016 : vector<48x256xf32> to vector<48x256xbf16>
      %dot_general3A_3038 = arith.constant dense<0.000000e+00> : vector<48x768xf32>
      %dot_general3A_3039 = tpu.matmul %convert_element_type3A_3037, %get3A_4, %dot_general3A_3038 {dimension_numbers = #tpu.dot_dimension_numbers<[1], [0], [0], [1], [0, 0, 1, 1], [], []>, transpose_lhs_hint = false} : vector<48x256xbf16>, vector<256x768xbf16>, vector<48x768xf32> -> vector<48x768xf32>
      %slice3A_3040 = vector.extract_strided_slice %add3A_3028 {offsets = [0, 0], sizes = [52, 256], strides = [1, 1]} : vector<52x768xf32> to vector<52x256xf32>
      %slice3A_3041 = vector.extract_strided_slice %dot_general3A_3031 {offsets = [0, 0], sizes = [52, 256], strides = [1, 1]} : vector<52x768xf32> to vector<52x256xf32>
      %add3A_3042 = arith.addf %slice3A_3040, %slice3A_3041 : vector<52x256xf32>
      %mul3A_3043 = arith.constant 5.000000e-01 : f32
      %mul3A_3044 = vector.broadcast %mul3A_3043 : f32 to vector<52x256xf32>
      %mul3A_3045 = arith.mulf %add3A_3042, %mul3A_3044 : vector<52x256xf32>
      %tanh3A_3046 = math.tanh %mul3A_3045 : vector<52x256xf32>
      %mul3A_3047 = arith.constant 5.000000e-01 : f32
      %mul3A_3048 = vector.broadcast %mul3A_3047 : f32 to vector<52x256xf32>
      %mul3A_3049 = arith.mulf %tanh3A_3046, %mul3A_3048 : vector<52x256xf32>
      %add3A_3050 = arith.constant 5.000000e-01 : f32
      %add3A_3051 = vector.broadcast %add3A_3050 : f32 to vector<52x256xf32>
      %add3A_3052 = arith.addf %mul3A_3049, %add3A_3051 : vector<52x256xf32>
      %slice3A_3053 = vector.extract_strided_slice %add3A_3028 {offsets = [0, 256], sizes = [52, 256], strides = [1, 1]} : vector<52x768xf32> to vector<52x256xf32>
      %slice3A_3054 = vector.extract_strided_slice %dot_general3A_3031 {offsets = [0, 256], sizes = [52, 256], strides = [1, 1]} : vector<52x768xf32> to vector<52x256xf32>
      %add3A_3055 = arith.addf %slice3A_3053, %slice3A_3054 : vector<52x256xf32>
      %mul3A_3056 = arith.constant 5.000000e-01 : f32
      %mul3A_3057 = vector.broadcast %mul3A_3056 : f32 to vector<52x256xf32>
      %mul3A_3058 = arith.mulf %add3A_3055, %mul3A_3057 : vector<52x256xf32>
      %tanh3A_3059 = math.tanh %mul3A_3058 : vector<52x256xf32>
      %mul3A_3060 = arith.constant 5.000000e-01 : f32
      %mul3A_3061 = vector.broadcast %mul3A_3060 : f32 to vector<52x256xf32>
      %mul3A_3062 = arith.mulf %tanh3A_3059, %mul3A_3061 : vector<52x256xf32>
      %add3A_3063 = arith.constant 5.000000e-01 : f32
      %add3A_3064 = vector.broadcast %add3A_3063 : f32 to vector<52x256xf32>
      %add3A_3065 = arith.addf %mul3A_3062, %add3A_3064 : vector<52x256xf32>
      %slice3A_3066 = vector.extract_strided_slice %add3A_3028 {offsets = [0, 512], sizes = [52, 256], strides = [1, 1]} : vector<52x768xf32> to vector<52x256xf32>
      %slice3A_3067 = vector.extract_strided_slice %dot_general3A_3031 {offsets = [0, 512], sizes = [52, 256], strides = [1, 1]} : vector<52x768xf32> to vector<52x256xf32>
      %mul3A_3068 = arith.mulf %add3A_3052, %slice3A_3067 : vector<52x256xf32>
      %add3A_3069 = arith.addf %slice3A_3066, %mul3A_3068 : vector<52x256xf32>
      %tanh3A_3070 = math.tanh %add3A_3069 : vector<52x256xf32>
      %sub3A_3071 = arith.subf %add3A_2982, %tanh3A_3070 : vector<52x256xf32>
      %mul3A_3072 = arith.mulf %add3A_3065, %sub3A_3071 : vector<52x256xf32>
      %add3A_3073 = arith.addf %tanh3A_3070, %mul3A_3072 : vector<52x256xf32>
      %slice3A_3074 = vector.extract_strided_slice %add3A_3036 {offsets = [0, 0], sizes = [48, 256], strides = [1, 1]} : vector<48x768xf32> to vector<48x256xf32>
      %slice3A_3075 = vector.extract_strided_slice %dot_general3A_3039 {offsets = [0, 0], sizes = [48, 256], strides = [1, 1]} : vector<48x768xf32> to vector<48x256xf32>
      %add3A_3076 = arith.addf %slice3A_3074, %slice3A_3075 : vector<48x256xf32>
      %mul3A_3077 = arith.constant 5.000000e-01 : f32
      %mul3A_3078 = vector.broadcast %mul3A_3077 : f32 to vector<48x256xf32>
      %mul3A_3079 = arith.mulf %add3A_3076, %mul3A_3078 : vector<48x256xf32>
      %tanh3A_3080 = math.tanh %mul3A_3079 : vector<48x256xf32>
      %mul3A_3081 = arith.constant 5.000000e-01 : f32
      %mul3A_3082 = vector.broadcast %mul3A_3081 : f32 to vector<48x256xf32>
      %mul3A_3083 = arith.mulf %tanh3A_3080, %mul3A_3082 : vector<48x256xf32>
      %add3A_3084 = arith.constant 5.000000e-01 : f32
      %add3A_3085 = vector.broadcast %add3A_3084 : f32 to vector<48x256xf32>
      %add3A_3086 = arith.addf %mul3A_3083, %add3A_3085 : vector<48x256xf32>
      %slice3A_3087 = vector.extract_strided_slice %add3A_3036 {offsets = [0, 256], sizes = [48, 256], strides = [1, 1]} : vector<48x768xf32> to vector<48x256xf32>
      %slice3A_3088 = vector.extract_strided_slice %dot_general3A_3039 {offsets = [0, 256], sizes = [48, 256], strides = [1, 1]} : vector<48x768xf32> to vector<48x256xf32>
      %add3A_3089 = arith.addf %slice3A_3087, %slice3A_3088 : vector<48x256xf32>
      %mul3A_3090 = arith.constant 5.000000e-01 : f32
      %mul3A_3091 = vector.broadcast %mul3A_3090 : f32 to vector<48x256xf32>
      %mul3A_3092 = arith.mulf %add3A_3089, %mul3A_3091 : vector<48x256xf32>
      %tanh3A_3093 = math.tanh %mul3A_3092 : vector<48x256xf32>
      %mul3A_3094 = arith.constant 5.000000e-01 : f32
      %mul3A_3095 = vector.broadcast %mul3A_3094 : f32 to vector<48x256xf32>
      %mul3A_3096 = arith.mulf %tanh3A_3093, %mul3A_3095 : vector<48x256xf32>
      %add3A_3097 = arith.constant 5.000000e-01 : f32
      %add3A_3098 = vector.broadcast %add3A_3097 : f32 to vector<48x256xf32>
      %add3A_3099 = arith.addf %mul3A_3096, %add3A_3098 : vector<48x256xf32>
      %slice3A_3100 = vector.extract_strided_slice %add3A_3036 {offsets = [0, 512], sizes = [48, 256], strides = [1, 1]} : vector<48x768xf32> to vector<48x256xf32>
      %slice3A_3101 = vector.extract_strided_slice %dot_general3A_3039 {offsets = [0, 512], sizes = [48, 256], strides = [1, 1]} : vector<48x768xf32> to vector<48x256xf32>
      %mul3A_3102 = arith.mulf %add3A_3086, %slice3A_3101 : vector<48x256xf32>
      %add3A_3103 = arith.addf %slice3A_3100, %mul3A_3102 : vector<48x256xf32>
      %tanh3A_3104 = math.tanh %add3A_3103 : vector<48x256xf32>
      %sub3A_3105 = arith.subf %add3A_3016, %tanh3A_3104 : vector<48x256xf32>
      %mul3A_3106 = arith.mulf %add3A_3099, %sub3A_3105 : vector<48x256xf32>
      %add3A_3107 = arith.addf %tanh3A_3104, %mul3A_3106 : vector<48x256xf32>
      %add3A_3108 = arith.constant 33 : i32
      %add3A_3109 = arith.addi %mul3A_107, %add3A_3108 : i32
      %get3A_3110 = arith.index_cast %add3A_3109 : i32 to index
      %get3A_3111 = arith.constant 0 : index
      %get3A_3112 = arith.constant 0 : index
      %get3A_3113 = vector.load %arg0[%get3A_3110, %get3A_3111, %get3A_3112] : memref<200x100x32xbf16, #tpu.memory_space<vmem>>, vector<1x100x32xbf16>
      %get3A_3114 = vector.shape_cast %get3A_3113 : vector<1x100x32xbf16> to vector<100x32xbf16>
      %slice3A_3115 = vector.extract_strided_slice %get3A_3114 {offsets = [0, 0], sizes = [52, 32], strides = [1, 1]} : vector<100x32xbf16> to vector<52x32xbf16>
      %dot_general3A_3116 = arith.constant dense<0.000000e+00> : vector<52x768xf32>
      %dot_general3A_3117 = tpu.matmul %slice3A_3115, %get3A_1, %dot_general3A_3116 {dimension_numbers = #tpu.dot_dimension_numbers<[1], [0], [0], [1], [0, 0, 1, 1], [], []>, transpose_lhs_hint = false} : vector<52x32xbf16>, vector<32x768xbf16>, vector<52x768xf32> -> vector<52x768xf32>
      %add3A_3118 = vector.broadcast %get3A_7 : vector<1x768xf32> to vector<52x768xf32>
      %add3A_3119 = arith.addf %dot_general3A_3117, %add3A_3118 : vector<52x768xf32>
      %convert_element_type3A_3120 = arith.truncf %add3A_3073 : vector<52x256xf32> to vector<52x256xbf16>
      %dot_general3A_3121 = arith.constant dense<0.000000e+00> : vector<52x768xf32>
      %dot_general3A_3122 = tpu.matmul %convert_element_type3A_3120, %get3A_4, %dot_general3A_3121 {dimension_numbers = #tpu.dot_dimension_numbers<[1], [0], [0], [1], [0, 0, 1, 1], [], []>, transpose_lhs_hint = false} : vector<52x256xbf16>, vector<256x768xbf16>, vector<52x768xf32> -> vector<52x768xf32>
      %slice3A_3123 = vector.extract_strided_slice %get3A_3114 {offsets = [52, 0], sizes = [48, 32], strides = [1, 1]} : vector<100x32xbf16> to vector<48x32xbf16>
      %dot_general3A_3124 = arith.constant dense<0.000000e+00> : vector<48x768xf32>
      %dot_general3A_3125 = tpu.matmul %slice3A_3123, %get3A_1, %dot_general3A_3124 {dimension_numbers = #tpu.dot_dimension_numbers<[1], [0], [0], [1], [0, 0, 1, 1], [], []>, transpose_lhs_hint = false} : vector<48x32xbf16>, vector<32x768xbf16>, vector<48x768xf32> -> vector<48x768xf32>
      %add3A_3126 = vector.broadcast %get3A_7 : vector<1x768xf32> to vector<48x768xf32>
      %add3A_3127 = arith.addf %dot_general3A_3125, %add3A_3126 : vector<48x768xf32>
      %convert_element_type3A_3128 = arith.truncf %add3A_3107 : vector<48x256xf32> to vector<48x256xbf16>
      %dot_general3A_3129 = arith.constant dense<0.000000e+00> : vector<48x768xf32>
      %dot_general3A_3130 = tpu.matmul %convert_element_type3A_3128, %get3A_4, %dot_general3A_3129 {dimension_numbers = #tpu.dot_dimension_numbers<[1], [0], [0], [1], [0, 0, 1, 1], [], []>, transpose_lhs_hint = false} : vector<48x256xbf16>, vector<256x768xbf16>, vector<48x768xf32> -> vector<48x768xf32>
      %slice3A_3131 = vector.extract_strided_slice %add3A_3119 {offsets = [0, 0], sizes = [52, 256], strides = [1, 1]} : vector<52x768xf32> to vector<52x256xf32>
      %slice3A_3132 = vector.extract_strided_slice %dot_general3A_3122 {offsets = [0, 0], sizes = [52, 256], strides = [1, 1]} : vector<52x768xf32> to vector<52x256xf32>
      %add3A_3133 = arith.addf %slice3A_3131, %slice3A_3132 : vector<52x256xf32>
      %mul3A_3134 = arith.constant 5.000000e-01 : f32
      %mul3A_3135 = vector.broadcast %mul3A_3134 : f32 to vector<52x256xf32>
      %mul3A_3136 = arith.mulf %add3A_3133, %mul3A_3135 : vector<52x256xf32>
      %tanh3A_3137 = math.tanh %mul3A_3136 : vector<52x256xf32>
      %mul3A_3138 = arith.constant 5.000000e-01 : f32
      %mul3A_3139 = vector.broadcast %mul3A_3138 : f32 to vector<52x256xf32>
      %mul3A_3140 = arith.mulf %tanh3A_3137, %mul3A_3139 : vector<52x256xf32>
      %add3A_3141 = arith.constant 5.000000e-01 : f32
      %add3A_3142 = vector.broadcast %add3A_3141 : f32 to vector<52x256xf32>
      %add3A_3143 = arith.addf %mul3A_3140, %add3A_3142 : vector<52x256xf32>
      %slice3A_3144 = vector.extract_strided_slice %add3A_3119 {offsets = [0, 256], sizes = [52, 256], strides = [1, 1]} : vector<52x768xf32> to vector<52x256xf32>
      %slice3A_3145 = vector.extract_strided_slice %dot_general3A_3122 {offsets = [0, 256], sizes = [52, 256], strides = [1, 1]} : vector<52x768xf32> to vector<52x256xf32>
      %add3A_3146 = arith.addf %slice3A_3144, %slice3A_3145 : vector<52x256xf32>
      %mul3A_3147 = arith.constant 5.000000e-01 : f32
      %mul3A_3148 = vector.broadcast %mul3A_3147 : f32 to vector<52x256xf32>
      %mul3A_3149 = arith.mulf %add3A_3146, %mul3A_3148 : vector<52x256xf32>
      %tanh3A_3150 = math.tanh %mul3A_3149 : vector<52x256xf32>
      %mul3A_3151 = arith.constant 5.000000e-01 : f32
      %mul3A_3152 = vector.broadcast %mul3A_3151 : f32 to vector<52x256xf32>
      %mul3A_3153 = arith.mulf %tanh3A_3150, %mul3A_3152 : vector<52x256xf32>
      %add3A_3154 = arith.constant 5.000000e-01 : f32
      %add3A_3155 = vector.broadcast %add3A_3154 : f32 to vector<52x256xf32>
      %add3A_3156 = arith.addf %mul3A_3153, %add3A_3155 : vector<52x256xf32>
      %slice3A_3157 = vector.extract_strided_slice %add3A_3119 {offsets = [0, 512], sizes = [52, 256], strides = [1, 1]} : vector<52x768xf32> to vector<52x256xf32>
      %slice3A_3158 = vector.extract_strided_slice %dot_general3A_3122 {offsets = [0, 512], sizes = [52, 256], strides = [1, 1]} : vector<52x768xf32> to vector<52x256xf32>
      %mul3A_3159 = arith.mulf %add3A_3143, %slice3A_3158 : vector<52x256xf32>
      %add3A_3160 = arith.addf %slice3A_3157, %mul3A_3159 : vector<52x256xf32>
      %tanh3A_3161 = math.tanh %add3A_3160 : vector<52x256xf32>
      %sub3A_3162 = arith.subf %add3A_3073, %tanh3A_3161 : vector<52x256xf32>
      %mul3A_3163 = arith.mulf %add3A_3156, %sub3A_3162 : vector<52x256xf32>
      %add3A_3164 = arith.addf %tanh3A_3161, %mul3A_3163 : vector<52x256xf32>
      %slice3A_3165 = vector.extract_strided_slice %add3A_3127 {offsets = [0, 0], sizes = [48, 256], strides = [1, 1]} : vector<48x768xf32> to vector<48x256xf32>
      %slice3A_3166 = vector.extract_strided_slice %dot_general3A_3130 {offsets = [0, 0], sizes = [48, 256], strides = [1, 1]} : vector<48x768xf32> to vector<48x256xf32>
      %add3A_3167 = arith.addf %slice3A_3165, %slice3A_3166 : vector<48x256xf32>
      %mul3A_3168 = arith.constant 5.000000e-01 : f32
      %mul3A_3169 = vector.broadcast %mul3A_3168 : f32 to vector<48x256xf32>
      %mul3A_3170 = arith.mulf %add3A_3167, %mul3A_3169 : vector<48x256xf32>
      %tanh3A_3171 = math.tanh %mul3A_3170 : vector<48x256xf32>
      %mul3A_3172 = arith.constant 5.000000e-01 : f32
      %mul3A_3173 = vector.broadcast %mul3A_3172 : f32 to vector<48x256xf32>
      %mul3A_3174 = arith.mulf %tanh3A_3171, %mul3A_3173 : vector<48x256xf32>
      %add3A_3175 = arith.constant 5.000000e-01 : f32
      %add3A_3176 = vector.broadcast %add3A_3175 : f32 to vector<48x256xf32>
      %add3A_3177 = arith.addf %mul3A_3174, %add3A_3176 : vector<48x256xf32>
      %slice3A_3178 = vector.extract_strided_slice %add3A_3127 {offsets = [0, 256], sizes = [48, 256], strides = [1, 1]} : vector<48x768xf32> to vector<48x256xf32>
      %slice3A_3179 = vector.extract_strided_slice %dot_general3A_3130 {offsets = [0, 256], sizes = [48, 256], strides = [1, 1]} : vector<48x768xf32> to vector<48x256xf32>
      %add3A_3180 = arith.addf %slice3A_3178, %slice3A_3179 : vector<48x256xf32>
      %mul3A_3181 = arith.constant 5.000000e-01 : f32
      %mul3A_3182 = vector.broadcast %mul3A_3181 : f32 to vector<48x256xf32>
      %mul3A_3183 = arith.mulf %add3A_3180, %mul3A_3182 : vector<48x256xf32>
      %tanh3A_3184 = math.tanh %mul3A_3183 : vector<48x256xf32>
      %mul3A_3185 = arith.constant 5.000000e-01 : f32
      %mul3A_3186 = vector.broadcast %mul3A_3185 : f32 to vector<48x256xf32>
      %mul3A_3187 = arith.mulf %tanh3A_3184, %mul3A_3186 : vector<48x256xf32>
      %add3A_3188 = arith.constant 5.000000e-01 : f32
      %add3A_3189 = vector.broadcast %add3A_3188 : f32 to vector<48x256xf32>
      %add3A_3190 = arith.addf %mul3A_3187, %add3A_3189 : vector<48x256xf32>
      %slice3A_3191 = vector.extract_strided_slice %add3A_3127 {offsets = [0, 512], sizes = [48, 256], strides = [1, 1]} : vector<48x768xf32> to vector<48x256xf32>
      %slice3A_3192 = vector.extract_strided_slice %dot_general3A_3130 {offsets = [0, 512], sizes = [48, 256], strides = [1, 1]} : vector<48x768xf32> to vector<48x256xf32>
      %mul3A_3193 = arith.mulf %add3A_3177, %slice3A_3192 : vector<48x256xf32>
      %add3A_3194 = arith.addf %slice3A_3191, %mul3A_3193 : vector<48x256xf32>
      %tanh3A_3195 = math.tanh %add3A_3194 : vector<48x256xf32>
      %sub3A_3196 = arith.subf %add3A_3107, %tanh3A_3195 : vector<48x256xf32>
      %mul3A_3197 = arith.mulf %add3A_3190, %sub3A_3196 : vector<48x256xf32>
      %add3A_3198 = arith.addf %tanh3A_3195, %mul3A_3197 : vector<48x256xf32>
      %add3A_3199 = arith.constant 34 : i32
      %add3A_3200 = arith.addi %mul3A_107, %add3A_3199 : i32
      %get3A_3201 = arith.index_cast %add3A_3200 : i32 to index
      %get3A_3202 = arith.constant 0 : index
      %get3A_3203 = arith.constant 0 : index
      %get3A_3204 = vector.load %arg0[%get3A_3201, %get3A_3202, %get3A_3203] : memref<200x100x32xbf16, #tpu.memory_space<vmem>>, vector<1x100x32xbf16>
      %get3A_3205 = vector.shape_cast %get3A_3204 : vector<1x100x32xbf16> to vector<100x32xbf16>
      %slice3A_3206 = vector.extract_strided_slice %get3A_3205 {offsets = [0, 0], sizes = [52, 32], strides = [1, 1]} : vector<100x32xbf16> to vector<52x32xbf16>
      %dot_general3A_3207 = arith.constant dense<0.000000e+00> : vector<52x768xf32>
      %dot_general3A_3208 = tpu.matmul %slice3A_3206, %get3A_1, %dot_general3A_3207 {dimension_numbers = #tpu.dot_dimension_numbers<[1], [0], [0], [1], [0, 0, 1, 1], [], []>, transpose_lhs_hint = false} : vector<52x32xbf16>, vector<32x768xbf16>, vector<52x768xf32> -> vector<52x768xf32>
      %add3A_3209 = vector.broadcast %get3A_7 : vector<1x768xf32> to vector<52x768xf32>
      %add3A_3210 = arith.addf %dot_general3A_3208, %add3A_3209 : vector<52x768xf32>
      %convert_element_type3A_3211 = arith.truncf %add3A_3164 : vector<52x256xf32> to vector<52x256xbf16>
      %dot_general3A_3212 = arith.constant dense<0.000000e+00> : vector<52x768xf32>
      %dot_general3A_3213 = tpu.matmul %convert_element_type3A_3211, %get3A_4, %dot_general3A_3212 {dimension_numbers = #tpu.dot_dimension_numbers<[1], [0], [0], [1], [0, 0, 1, 1], [], []>, transpose_lhs_hint = false} : vector<52x256xbf16>, vector<256x768xbf16>, vector<52x768xf32> -> vector<52x768xf32>
      %slice3A_3214 = vector.extract_strided_slice %get3A_3205 {offsets = [52, 0], sizes = [48, 32], strides = [1, 1]} : vector<100x32xbf16> to vector<48x32xbf16>
      %dot_general3A_3215 = arith.constant dense<0.000000e+00> : vector<48x768xf32>
      %dot_general3A_3216 = tpu.matmul %slice3A_3214, %get3A_1, %dot_general3A_3215 {dimension_numbers = #tpu.dot_dimension_numbers<[1], [0], [0], [1], [0, 0, 1, 1], [], []>, transpose_lhs_hint = false} : vector<48x32xbf16>, vector<32x768xbf16>, vector<48x768xf32> -> vector<48x768xf32>
      %add3A_3217 = vector.broadcast %get3A_7 : vector<1x768xf32> to vector<48x768xf32>
      %add3A_3218 = arith.addf %dot_general3A_3216, %add3A_3217 : vector<48x768xf32>
      %convert_element_type3A_3219 = arith.truncf %add3A_3198 : vector<48x256xf32> to vector<48x256xbf16>
      %dot_general3A_3220 = arith.constant dense<0.000000e+00> : vector<48x768xf32>
      %dot_general3A_3221 = tpu.matmul %convert_element_type3A_3219, %get3A_4, %dot_general3A_3220 {dimension_numbers = #tpu.dot_dimension_numbers<[1], [0], [0], [1], [0, 0, 1, 1], [], []>, transpose_lhs_hint = false} : vector<48x256xbf16>, vector<256x768xbf16>, vector<48x768xf32> -> vector<48x768xf32>
      %slice3A_3222 = vector.extract_strided_slice %add3A_3210 {offsets = [0, 0], sizes = [52, 256], strides = [1, 1]} : vector<52x768xf32> to vector<52x256xf32>
      %slice3A_3223 = vector.extract_strided_slice %dot_general3A_3213 {offsets = [0, 0], sizes = [52, 256], strides = [1, 1]} : vector<52x768xf32> to vector<52x256xf32>
      %add3A_3224 = arith.addf %slice3A_3222, %slice3A_3223 : vector<52x256xf32>
      %mul3A_3225 = arith.constant 5.000000e-01 : f32
      %mul3A_3226 = vector.broadcast %mul3A_3225 : f32 to vector<52x256xf32>
      %mul3A_3227 = arith.mulf %add3A_3224, %mul3A_3226 : vector<52x256xf32>
      %tanh3A_3228 = math.tanh %mul3A_3227 : vector<52x256xf32>
      %mul3A_3229 = arith.constant 5.000000e-01 : f32
      %mul3A_3230 = vector.broadcast %mul3A_3229 : f32 to vector<52x256xf32>
      %mul3A_3231 = arith.mulf %tanh3A_3228, %mul3A_3230 : vector<52x256xf32>
      %add3A_3232 = arith.constant 5.000000e-01 : f32
      %add3A_3233 = vector.broadcast %add3A_3232 : f32 to vector<52x256xf32>
      %add3A_3234 = arith.addf %mul3A_3231, %add3A_3233 : vector<52x256xf32>
      %slice3A_3235 = vector.extract_strided_slice %add3A_3210 {offsets = [0, 256], sizes = [52, 256], strides = [1, 1]} : vector<52x768xf32> to vector<52x256xf32>
      %slice3A_3236 = vector.extract_strided_slice %dot_general3A_3213 {offsets = [0, 256], sizes = [52, 256], strides = [1, 1]} : vector<52x768xf32> to vector<52x256xf32>
      %add3A_3237 = arith.addf %slice3A_3235, %slice3A_3236 : vector<52x256xf32>
      %mul3A_3238 = arith.constant 5.000000e-01 : f32
      %mul3A_3239 = vector.broadcast %mul3A_3238 : f32 to vector<52x256xf32>
      %mul3A_3240 = arith.mulf %add3A_3237, %mul3A_3239 : vector<52x256xf32>
      %tanh3A_3241 = math.tanh %mul3A_3240 : vector<52x256xf32>
      %mul3A_3242 = arith.constant 5.000000e-01 : f32
      %mul3A_3243 = vector.broadcast %mul3A_3242 : f32 to vector<52x256xf32>
      %mul3A_3244 = arith.mulf %tanh3A_3241, %mul3A_3243 : vector<52x256xf32>
      %add3A_3245 = arith.constant 5.000000e-01 : f32
      %add3A_3246 = vector.broadcast %add3A_3245 : f32 to vector<52x256xf32>
      %add3A_3247 = arith.addf %mul3A_3244, %add3A_3246 : vector<52x256xf32>
      %slice3A_3248 = vector.extract_strided_slice %add3A_3210 {offsets = [0, 512], sizes = [52, 256], strides = [1, 1]} : vector<52x768xf32> to vector<52x256xf32>
      %slice3A_3249 = vector.extract_strided_slice %dot_general3A_3213 {offsets = [0, 512], sizes = [52, 256], strides = [1, 1]} : vector<52x768xf32> to vector<52x256xf32>
      %mul3A_3250 = arith.mulf %add3A_3234, %slice3A_3249 : vector<52x256xf32>
      %add3A_3251 = arith.addf %slice3A_3248, %mul3A_3250 : vector<52x256xf32>
      %tanh3A_3252 = math.tanh %add3A_3251 : vector<52x256xf32>
      %sub3A_3253 = arith.subf %add3A_3164, %tanh3A_3252 : vector<52x256xf32>
      %mul3A_3254 = arith.mulf %add3A_3247, %sub3A_3253 : vector<52x256xf32>
      %add3A_3255 = arith.addf %tanh3A_3252, %mul3A_3254 : vector<52x256xf32>
      %slice3A_3256 = vector.extract_strided_slice %add3A_3218 {offsets = [0, 0], sizes = [48, 256], strides = [1, 1]} : vector<48x768xf32> to vector<48x256xf32>
      %slice3A_3257 = vector.extract_strided_slice %dot_general3A_3221 {offsets = [0, 0], sizes = [48, 256], strides = [1, 1]} : vector<48x768xf32> to vector<48x256xf32>
      %add3A_3258 = arith.addf %slice3A_3256, %slice3A_3257 : vector<48x256xf32>
      %mul3A_3259 = arith.constant 5.000000e-01 : f32
      %mul3A_3260 = vector.broadcast %mul3A_3259 : f32 to vector<48x256xf32>
      %mul3A_3261 = arith.mulf %add3A_3258, %mul3A_3260 : vector<48x256xf32>
      %tanh3A_3262 = math.tanh %mul3A_3261 : vector<48x256xf32>
      %mul3A_3263 = arith.constant 5.000000e-01 : f32
      %mul3A_3264 = vector.broadcast %mul3A_3263 : f32 to vector<48x256xf32>
      %mul3A_3265 = arith.mulf %tanh3A_3262, %mul3A_3264 : vector<48x256xf32>
      %add3A_3266 = arith.constant 5.000000e-01 : f32
      %add3A_3267 = vector.broadcast %add3A_3266 : f32 to vector<48x256xf32>
      %add3A_3268 = arith.addf %mul3A_3265, %add3A_3267 : vector<48x256xf32>
      %slice3A_3269 = vector.extract_strided_slice %add3A_3218 {offsets = [0, 256], sizes = [48, 256], strides = [1, 1]} : vector<48x768xf32> to vector<48x256xf32>
      %slice3A_3270 = vector.extract_strided_slice %dot_general3A_3221 {offsets = [0, 256], sizes = [48, 256], strides = [1, 1]} : vector<48x768xf32> to vector<48x256xf32>
      %add3A_3271 = arith.addf %slice3A_3269, %slice3A_3270 : vector<48x256xf32>
      %mul3A_3272 = arith.constant 5.000000e-01 : f32
      %mul3A_3273 = vector.broadcast %mul3A_3272 : f32 to vector<48x256xf32>
      %mul3A_3274 = arith.mulf %add3A_3271, %mul3A_3273 : vector<48x256xf32>
      %tanh3A_3275 = math.tanh %mul3A_3274 : vector<48x256xf32>
      %mul3A_3276 = arith.constant 5.000000e-01 : f32
      %mul3A_3277 = vector.broadcast %mul3A_3276 : f32 to vector<48x256xf32>
      %mul3A_3278 = arith.mulf %tanh3A_3275, %mul3A_3277 : vector<48x256xf32>
      %add3A_3279 = arith.constant 5.000000e-01 : f32
      %add3A_3280 = vector.broadcast %add3A_3279 : f32 to vector<48x256xf32>
      %add3A_3281 = arith.addf %mul3A_3278, %add3A_3280 : vector<48x256xf32>
      %slice3A_3282 = vector.extract_strided_slice %add3A_3218 {offsets = [0, 512], sizes = [48, 256], strides = [1, 1]} : vector<48x768xf32> to vector<48x256xf32>
      %slice3A_3283 = vector.extract_strided_slice %dot_general3A_3221 {offsets = [0, 512], sizes = [48, 256], strides = [1, 1]} : vector<48x768xf32> to vector<48x256xf32>
      %mul3A_3284 = arith.mulf %add3A_3268, %slice3A_3283 : vector<48x256xf32>
      %add3A_3285 = arith.addf %slice3A_3282, %mul3A_3284 : vector<48x256xf32>
      %tanh3A_3286 = math.tanh %add3A_3285 : vector<48x256xf32>
      %sub3A_3287 = arith.subf %add3A_3198, %tanh3A_3286 : vector<48x256xf32>
      %mul3A_3288 = arith.mulf %add3A_3281, %sub3A_3287 : vector<48x256xf32>
      %add3A_3289 = arith.addf %tanh3A_3286, %mul3A_3288 : vector<48x256xf32>
      %add3A_3290 = arith.constant 35 : i32
      %add3A_3291 = arith.addi %mul3A_107, %add3A_3290 : i32
      %get3A_3292 = arith.index_cast %add3A_3291 : i32 to index
      %get3A_3293 = arith.constant 0 : index
      %get3A_3294 = arith.constant 0 : index
      %get3A_3295 = vector.load %arg0[%get3A_3292, %get3A_3293, %get3A_3294] : memref<200x100x32xbf16, #tpu.memory_space<vmem>>, vector<1x100x32xbf16>
      %get3A_3296 = vector.shape_cast %get3A_3295 : vector<1x100x32xbf16> to vector<100x32xbf16>
      %slice3A_3297 = vector.extract_strided_slice %get3A_3296 {offsets = [0, 0], sizes = [52, 32], strides = [1, 1]} : vector<100x32xbf16> to vector<52x32xbf16>
      %dot_general3A_3298 = arith.constant dense<0.000000e+00> : vector<52x768xf32>
      %dot_general3A_3299 = tpu.matmul %slice3A_3297, %get3A_1, %dot_general3A_3298 {dimension_numbers = #tpu.dot_dimension_numbers<[1], [0], [0], [1], [0, 0, 1, 1], [], []>, transpose_lhs_hint = false} : vector<52x32xbf16>, vector<32x768xbf16>, vector<52x768xf32> -> vector<52x768xf32>
      %add3A_3300 = vector.broadcast %get3A_7 : vector<1x768xf32> to vector<52x768xf32>
      %add3A_3301 = arith.addf %dot_general3A_3299, %add3A_3300 : vector<52x768xf32>
      %convert_element_type3A_3302 = arith.truncf %add3A_3255 : vector<52x256xf32> to vector<52x256xbf16>
      %dot_general3A_3303 = arith.constant dense<0.000000e+00> : vector<52x768xf32>
      %dot_general3A_3304 = tpu.matmul %convert_element_type3A_3302, %get3A_4, %dot_general3A_3303 {dimension_numbers = #tpu.dot_dimension_numbers<[1], [0], [0], [1], [0, 0, 1, 1], [], []>, transpose_lhs_hint = false} : vector<52x256xbf16>, vector<256x768xbf16>, vector<52x768xf32> -> vector<52x768xf32>
      %slice3A_3305 = vector.extract_strided_slice %get3A_3296 {offsets = [52, 0], sizes = [48, 32], strides = [1, 1]} : vector<100x32xbf16> to vector<48x32xbf16>
      %dot_general3A_3306 = arith.constant dense<0.000000e+00> : vector<48x768xf32>
      %dot_general3A_3307 = tpu.matmul %slice3A_3305, %get3A_1, %dot_general3A_3306 {dimension_numbers = #tpu.dot_dimension_numbers<[1], [0], [0], [1], [0, 0, 1, 1], [], []>, transpose_lhs_hint = false} : vector<48x32xbf16>, vector<32x768xbf16>, vector<48x768xf32> -> vector<48x768xf32>
      %add3A_3308 = vector.broadcast %get3A_7 : vector<1x768xf32> to vector<48x768xf32>
      %add3A_3309 = arith.addf %dot_general3A_3307, %add3A_3308 : vector<48x768xf32>
      %convert_element_type3A_3310 = arith.truncf %add3A_3289 : vector<48x256xf32> to vector<48x256xbf16>
      %dot_general3A_3311 = arith.constant dense<0.000000e+00> : vector<48x768xf32>
      %dot_general3A_3312 = tpu.matmul %convert_element_type3A_3310, %get3A_4, %dot_general3A_3311 {dimension_numbers = #tpu.dot_dimension_numbers<[1], [0], [0], [1], [0, 0, 1, 1], [], []>, transpose_lhs_hint = false} : vector<48x256xbf16>, vector<256x768xbf16>, vector<48x768xf32> -> vector<48x768xf32>
      %slice3A_3313 = vector.extract_strided_slice %add3A_3301 {offsets = [0, 0], sizes = [52, 256], strides = [1, 1]} : vector<52x768xf32> to vector<52x256xf32>
      %slice3A_3314 = vector.extract_strided_slice %dot_general3A_3304 {offsets = [0, 0], sizes = [52, 256], strides = [1, 1]} : vector<52x768xf32> to vector<52x256xf32>
      %add3A_3315 = arith.addf %slice3A_3313, %slice3A_3314 : vector<52x256xf32>
      %mul3A_3316 = arith.constant 5.000000e-01 : f32
      %mul3A_3317 = vector.broadcast %mul3A_3316 : f32 to vector<52x256xf32>
      %mul3A_3318 = arith.mulf %add3A_3315, %mul3A_3317 : vector<52x256xf32>
      %tanh3A_3319 = math.tanh %mul3A_3318 : vector<52x256xf32>
      %mul3A_3320 = arith.constant 5.000000e-01 : f32
      %mul3A_3321 = vector.broadcast %mul3A_3320 : f32 to vector<52x256xf32>
      %mul3A_3322 = arith.mulf %tanh3A_3319, %mul3A_3321 : vector<52x256xf32>
      %add3A_3323 = arith.constant 5.000000e-01 : f32
      %add3A_3324 = vector.broadcast %add3A_3323 : f32 to vector<52x256xf32>
      %add3A_3325 = arith.addf %mul3A_3322, %add3A_3324 : vector<52x256xf32>
      %slice3A_3326 = vector.extract_strided_slice %add3A_3301 {offsets = [0, 256], sizes = [52, 256], strides = [1, 1]} : vector<52x768xf32> to vector<52x256xf32>
      %slice3A_3327 = vector.extract_strided_slice %dot_general3A_3304 {offsets = [0, 256], sizes = [52, 256], strides = [1, 1]} : vector<52x768xf32> to vector<52x256xf32>
      %add3A_3328 = arith.addf %slice3A_3326, %slice3A_3327 : vector<52x256xf32>
      %mul3A_3329 = arith.constant 5.000000e-01 : f32
      %mul3A_3330 = vector.broadcast %mul3A_3329 : f32 to vector<52x256xf32>
      %mul3A_3331 = arith.mulf %add3A_3328, %mul3A_3330 : vector<52x256xf32>
      %tanh3A_3332 = math.tanh %mul3A_3331 : vector<52x256xf32>
      %mul3A_3333 = arith.constant 5.000000e-01 : f32
      %mul3A_3334 = vector.broadcast %mul3A_3333 : f32 to vector<52x256xf32>
      %mul3A_3335 = arith.mulf %tanh3A_3332, %mul3A_3334 : vector<52x256xf32>
      %add3A_3336 = arith.constant 5.000000e-01 : f32
      %add3A_3337 = vector.broadcast %add3A_3336 : f32 to vector<52x256xf32>
      %add3A_3338 = arith.addf %mul3A_3335, %add3A_3337 : vector<52x256xf32>
      %slice3A_3339 = vector.extract_strided_slice %add3A_3301 {offsets = [0, 512], sizes = [52, 256], strides = [1, 1]} : vector<52x768xf32> to vector<52x256xf32>
      %slice3A_3340 = vector.extract_strided_slice %dot_general3A_3304 {offsets = [0, 512], sizes = [52, 256], strides = [1, 1]} : vector<52x768xf32> to vector<52x256xf32>
      %mul3A_3341 = arith.mulf %add3A_3325, %slice3A_3340 : vector<52x256xf32>
      %add3A_3342 = arith.addf %slice3A_3339, %mul3A_3341 : vector<52x256xf32>
      %tanh3A_3343 = math.tanh %add3A_3342 : vector<52x256xf32>
      %sub3A_3344 = arith.subf %add3A_3255, %tanh3A_3343 : vector<52x256xf32>
      %mul3A_3345 = arith.mulf %add3A_3338, %sub3A_3344 : vector<52x256xf32>
      %add3A_3346 = arith.addf %tanh3A_3343, %mul3A_3345 : vector<52x256xf32>
      %slice3A_3347 = vector.extract_strided_slice %add3A_3309 {offsets = [0, 0], sizes = [48, 256], strides = [1, 1]} : vector<48x768xf32> to vector<48x256xf32>
      %slice3A_3348 = vector.extract_strided_slice %dot_general3A_3312 {offsets = [0, 0], sizes = [48, 256], strides = [1, 1]} : vector<48x768xf32> to vector<48x256xf32>
      %add3A_3349 = arith.addf %slice3A_3347, %slice3A_3348 : vector<48x256xf32>
      %mul3A_3350 = arith.constant 5.000000e-01 : f32
      %mul3A_3351 = vector.broadcast %mul3A_3350 : f32 to vector<48x256xf32>
      %mul3A_3352 = arith.mulf %add3A_3349, %mul3A_3351 : vector<48x256xf32>
      %tanh3A_3353 = math.tanh %mul3A_3352 : vector<48x256xf32>
      %mul3A_3354 = arith.constant 5.000000e-01 : f32
      %mul3A_3355 = vector.broadcast %mul3A_3354 : f32 to vector<48x256xf32>
      %mul3A_3356 = arith.mulf %tanh3A_3353, %mul3A_3355 : vector<48x256xf32>
      %add3A_3357 = arith.constant 5.000000e-01 : f32
      %add3A_3358 = vector.broadcast %add3A_3357 : f32 to vector<48x256xf32>
      %add3A_3359 = arith.addf %mul3A_3356, %add3A_3358 : vector<48x256xf32>
      %slice3A_3360 = vector.extract_strided_slice %add3A_3309 {offsets = [0, 256], sizes = [48, 256], strides = [1, 1]} : vector<48x768xf32> to vector<48x256xf32>
      %slice3A_3361 = vector.extract_strided_slice %dot_general3A_3312 {offsets = [0, 256], sizes = [48, 256], strides = [1, 1]} : vector<48x768xf32> to vector<48x256xf32>
      %add3A_3362 = arith.addf %slice3A_3360, %slice3A_3361 : vector<48x256xf32>
      %mul3A_3363 = arith.constant 5.000000e-01 : f32
      %mul3A_3364 = vector.broadcast %mul3A_3363 : f32 to vector<48x256xf32>
      %mul3A_3365 = arith.mulf %add3A_3362, %mul3A_3364 : vector<48x256xf32>
      %tanh3A_3366 = math.tanh %mul3A_3365 : vector<48x256xf32>
      %mul3A_3367 = arith.constant 5.000000e-01 : f32
      %mul3A_3368 = vector.broadcast %mul3A_3367 : f32 to vector<48x256xf32>
      %mul3A_3369 = arith.mulf %tanh3A_3366, %mul3A_3368 : vector<48x256xf32>
      %add3A_3370 = arith.constant 5.000000e-01 : f32
      %add3A_3371 = vector.broadcast %add3A_3370 : f32 to vector<48x256xf32>
      %add3A_3372 = arith.addf %mul3A_3369, %add3A_3371 : vector<48x256xf32>
      %slice3A_3373 = vector.extract_strided_slice %add3A_3309 {offsets = [0, 512], sizes = [48, 256], strides = [1, 1]} : vector<48x768xf32> to vector<48x256xf32>
      %slice3A_3374 = vector.extract_strided_slice %dot_general3A_3312 {offsets = [0, 512], sizes = [48, 256], strides = [1, 1]} : vector<48x768xf32> to vector<48x256xf32>
      %mul3A_3375 = arith.mulf %add3A_3359, %slice3A_3374 : vector<48x256xf32>
      %add3A_3376 = arith.addf %slice3A_3373, %mul3A_3375 : vector<48x256xf32>
      %tanh3A_3377 = math.tanh %add3A_3376 : vector<48x256xf32>
      %sub3A_3378 = arith.subf %add3A_3289, %tanh3A_3377 : vector<48x256xf32>
      %mul3A_3379 = arith.mulf %add3A_3372, %sub3A_3378 : vector<48x256xf32>
      %add3A_3380 = arith.addf %tanh3A_3377, %mul3A_3379 : vector<48x256xf32>
      %add3A_3381 = arith.constant 36 : i32
      %add3A_3382 = arith.addi %mul3A_107, %add3A_3381 : i32
      %get3A_3383 = arith.index_cast %add3A_3382 : i32 to index
      %get3A_3384 = arith.constant 0 : index
      %get3A_3385 = arith.constant 0 : index
      %get3A_3386 = vector.load %arg0[%get3A_3383, %get3A_3384, %get3A_3385] : memref<200x100x32xbf16, #tpu.memory_space<vmem>>, vector<1x100x32xbf16>
      %get3A_3387 = vector.shape_cast %get3A_3386 : vector<1x100x32xbf16> to vector<100x32xbf16>
      %slice3A_3388 = vector.extract_strided_slice %get3A_3387 {offsets = [0, 0], sizes = [52, 32], strides = [1, 1]} : vector<100x32xbf16> to vector<52x32xbf16>
      %dot_general3A_3389 = arith.constant dense<0.000000e+00> : vector<52x768xf32>
      %dot_general3A_3390 = tpu.matmul %slice3A_3388, %get3A_1, %dot_general3A_3389 {dimension_numbers = #tpu.dot_dimension_numbers<[1], [0], [0], [1], [0, 0, 1, 1], [], []>, transpose_lhs_hint = false} : vector<52x32xbf16>, vector<32x768xbf16>, vector<52x768xf32> -> vector<52x768xf32>
      %add3A_3391 = vector.broadcast %get3A_7 : vector<1x768xf32> to vector<52x768xf32>
      %add3A_3392 = arith.addf %dot_general3A_3390, %add3A_3391 : vector<52x768xf32>
      %convert_element_type3A_3393 = arith.truncf %add3A_3346 : vector<52x256xf32> to vector<52x256xbf16>
      %dot_general3A_3394 = arith.constant dense<0.000000e+00> : vector<52x768xf32>
      %dot_general3A_3395 = tpu.matmul %convert_element_type3A_3393, %get3A_4, %dot_general3A_3394 {dimension_numbers = #tpu.dot_dimension_numbers<[1], [0], [0], [1], [0, 0, 1, 1], [], []>, transpose_lhs_hint = false} : vector<52x256xbf16>, vector<256x768xbf16>, vector<52x768xf32> -> vector<52x768xf32>
      %slice3A_3396 = vector.extract_strided_slice %get3A_3387 {offsets = [52, 0], sizes = [48, 32], strides = [1, 1]} : vector<100x32xbf16> to vector<48x32xbf16>
      %dot_general3A_3397 = arith.constant dense<0.000000e+00> : vector<48x768xf32>
      %dot_general3A_3398 = tpu.matmul %slice3A_3396, %get3A_1, %dot_general3A_3397 {dimension_numbers = #tpu.dot_dimension_numbers<[1], [0], [0], [1], [0, 0, 1, 1], [], []>, transpose_lhs_hint = false} : vector<48x32xbf16>, vector<32x768xbf16>, vector<48x768xf32> -> vector<48x768xf32>
      %add3A_3399 = vector.broadcast %get3A_7 : vector<1x768xf32> to vector<48x768xf32>
      %add3A_3400 = arith.addf %dot_general3A_3398, %add3A_3399 : vector<48x768xf32>
      %convert_element_type3A_3401 = arith.truncf %add3A_3380 : vector<48x256xf32> to vector<48x256xbf16>
      %dot_general3A_3402 = arith.constant dense<0.000000e+00> : vector<48x768xf32>
      %dot_general3A_3403 = tpu.matmul %convert_element_type3A_3401, %get3A_4, %dot_general3A_3402 {dimension_numbers = #tpu.dot_dimension_numbers<[1], [0], [0], [1], [0, 0, 1, 1], [], []>, transpose_lhs_hint = false} : vector<48x256xbf16>, vector<256x768xbf16>, vector<48x768xf32> -> vector<48x768xf32>
      %slice3A_3404 = vector.extract_strided_slice %add3A_3392 {offsets = [0, 0], sizes = [52, 256], strides = [1, 1]} : vector<52x768xf32> to vector<52x256xf32>
      %slice3A_3405 = vector.extract_strided_slice %dot_general3A_3395 {offsets = [0, 0], sizes = [52, 256], strides = [1, 1]} : vector<52x768xf32> to vector<52x256xf32>
      %add3A_3406 = arith.addf %slice3A_3404, %slice3A_3405 : vector<52x256xf32>
      %mul3A_3407 = arith.constant 5.000000e-01 : f32
      %mul3A_3408 = vector.broadcast %mul3A_3407 : f32 to vector<52x256xf32>
      %mul3A_3409 = arith.mulf %add3A_3406, %mul3A_3408 : vector<52x256xf32>
      %tanh3A_3410 = math.tanh %mul3A_3409 : vector<52x256xf32>
      %mul3A_3411 = arith.constant 5.000000e-01 : f32
      %mul3A_3412 = vector.broadcast %mul3A_3411 : f32 to vector<52x256xf32>
      %mul3A_3413 = arith.mulf %tanh3A_3410, %mul3A_3412 : vector<52x256xf32>
      %add3A_3414 = arith.constant 5.000000e-01 : f32
      %add3A_3415 = vector.broadcast %add3A_3414 : f32 to vector<52x256xf32>
      %add3A_3416 = arith.addf %mul3A_3413, %add3A_3415 : vector<52x256xf32>
      %slice3A_3417 = vector.extract_strided_slice %add3A_3392 {offsets = [0, 256], sizes = [52, 256], strides = [1, 1]} : vector<52x768xf32> to vector<52x256xf32>
      %slice3A_3418 = vector.extract_strided_slice %dot_general3A_3395 {offsets = [0, 256], sizes = [52, 256], strides = [1, 1]} : vector<52x768xf32> to vector<52x256xf32>
      %add3A_3419 = arith.addf %slice3A_3417, %slice3A_3418 : vector<52x256xf32>
      %mul3A_3420 = arith.constant 5.000000e-01 : f32
      %mul3A_3421 = vector.broadcast %mul3A_3420 : f32 to vector<52x256xf32>
      %mul3A_3422 = arith.mulf %add3A_3419, %mul3A_3421 : vector<52x256xf32>
      %tanh3A_3423 = math.tanh %mul3A_3422 : vector<52x256xf32>
      %mul3A_3424 = arith.constant 5.000000e-01 : f32
      %mul3A_3425 = vector.broadcast %mul3A_3424 : f32 to vector<52x256xf32>
      %mul3A_3426 = arith.mulf %tanh3A_3423, %mul3A_3425 : vector<52x256xf32>
      %add3A_3427 = arith.constant 5.000000e-01 : f32
      %add3A_3428 = vector.broadcast %add3A_3427 : f32 to vector<52x256xf32>
      %add3A_3429 = arith.addf %mul3A_3426, %add3A_3428 : vector<52x256xf32>
      %slice3A_3430 = vector.extract_strided_slice %add3A_3392 {offsets = [0, 512], sizes = [52, 256], strides = [1, 1]} : vector<52x768xf32> to vector<52x256xf32>
      %slice3A_3431 = vector.extract_strided_slice %dot_general3A_3395 {offsets = [0, 512], sizes = [52, 256], strides = [1, 1]} : vector<52x768xf32> to vector<52x256xf32>
      %mul3A_3432 = arith.mulf %add3A_3416, %slice3A_3431 : vector<52x256xf32>
      %add3A_3433 = arith.addf %slice3A_3430, %mul3A_3432 : vector<52x256xf32>
      %tanh3A_3434 = math.tanh %add3A_3433 : vector<52x256xf32>
      %sub3A_3435 = arith.subf %add3A_3346, %tanh3A_3434 : vector<52x256xf32>
      %mul3A_3436 = arith.mulf %add3A_3429, %sub3A_3435 : vector<52x256xf32>
      %add3A_3437 = arith.addf %tanh3A_3434, %mul3A_3436 : vector<52x256xf32>
      %slice3A_3438 = vector.extract_strided_slice %add3A_3400 {offsets = [0, 0], sizes = [48, 256], strides = [1, 1]} : vector<48x768xf32> to vector<48x256xf32>
      %slice3A_3439 = vector.extract_strided_slice %dot_general3A_3403 {offsets = [0, 0], sizes = [48, 256], strides = [1, 1]} : vector<48x768xf32> to vector<48x256xf32>
      %add3A_3440 = arith.addf %slice3A_3438, %slice3A_3439 : vector<48x256xf32>
      %mul3A_3441 = arith.constant 5.000000e-01 : f32
      %mul3A_3442 = vector.broadcast %mul3A_3441 : f32 to vector<48x256xf32>
      %mul3A_3443 = arith.mulf %add3A_3440, %mul3A_3442 : vector<48x256xf32>
      %tanh3A_3444 = math.tanh %mul3A_3443 : vector<48x256xf32>
      %mul3A_3445 = arith.constant 5.000000e-01 : f32
      %mul3A_3446 = vector.broadcast %mul3A_3445 : f32 to vector<48x256xf32>
      %mul3A_3447 = arith.mulf %tanh3A_3444, %mul3A_3446 : vector<48x256xf32>
      %add3A_3448 = arith.constant 5.000000e-01 : f32
      %add3A_3449 = vector.broadcast %add3A_3448 : f32 to vector<48x256xf32>
      %add3A_3450 = arith.addf %mul3A_3447, %add3A_3449 : vector<48x256xf32>
      %slice3A_3451 = vector.extract_strided_slice %add3A_3400 {offsets = [0, 256], sizes = [48, 256], strides = [1, 1]} : vector<48x768xf32> to vector<48x256xf32>
      %slice3A_3452 = vector.extract_strided_slice %dot_general3A_3403 {offsets = [0, 256], sizes = [48, 256], strides = [1, 1]} : vector<48x768xf32> to vector<48x256xf32>
      %add3A_3453 = arith.addf %slice3A_3451, %slice3A_3452 : vector<48x256xf32>
      %mul3A_3454 = arith.constant 5.000000e-01 : f32
      %mul3A_3455 = vector.broadcast %mul3A_3454 : f32 to vector<48x256xf32>
      %mul3A_3456 = arith.mulf %add3A_3453, %mul3A_3455 : vector<48x256xf32>
      %tanh3A_3457 = math.tanh %mul3A_3456 : vector<48x256xf32>
      %mul3A_3458 = arith.constant 5.000000e-01 : f32
      %mul3A_3459 = vector.broadcast %mul3A_3458 : f32 to vector<48x256xf32>
      %mul3A_3460 = arith.mulf %tanh3A_3457, %mul3A_3459 : vector<48x256xf32>
      %add3A_3461 = arith.constant 5.000000e-01 : f32
      %add3A_3462 = vector.broadcast %add3A_3461 : f32 to vector<48x256xf32>
      %add3A_3463 = arith.addf %mul3A_3460, %add3A_3462 : vector<48x256xf32>
      %slice3A_3464 = vector.extract_strided_slice %add3A_3400 {offsets = [0, 512], sizes = [48, 256], strides = [1, 1]} : vector<48x768xf32> to vector<48x256xf32>
      %slice3A_3465 = vector.extract_strided_slice %dot_general3A_3403 {offsets = [0, 512], sizes = [48, 256], strides = [1, 1]} : vector<48x768xf32> to vector<48x256xf32>
      %mul3A_3466 = arith.mulf %add3A_3450, %slice3A_3465 : vector<48x256xf32>
      %add3A_3467 = arith.addf %slice3A_3464, %mul3A_3466 : vector<48x256xf32>
      %tanh3A_3468 = math.tanh %add3A_3467 : vector<48x256xf32>
      %sub3A_3469 = arith.subf %add3A_3380, %tanh3A_3468 : vector<48x256xf32>
      %mul3A_3470 = arith.mulf %add3A_3463, %sub3A_3469 : vector<48x256xf32>
      %add3A_3471 = arith.addf %tanh3A_3468, %mul3A_3470 : vector<48x256xf32>
      %add3A_3472 = arith.constant 37 : i32
      %add3A_3473 = arith.addi %mul3A_107, %add3A_3472 : i32
      %get3A_3474 = arith.index_cast %add3A_3473 : i32 to index
      %get3A_3475 = arith.constant 0 : index
      %get3A_3476 = arith.constant 0 : index
      %get3A_3477 = vector.load %arg0[%get3A_3474, %get3A_3475, %get3A_3476] : memref<200x100x32xbf16, #tpu.memory_space<vmem>>, vector<1x100x32xbf16>
      %get3A_3478 = vector.shape_cast %get3A_3477 : vector<1x100x32xbf16> to vector<100x32xbf16>
      %slice3A_3479 = vector.extract_strided_slice %get3A_3478 {offsets = [0, 0], sizes = [52, 32], strides = [1, 1]} : vector<100x32xbf16> to vector<52x32xbf16>
      %dot_general3A_3480 = arith.constant dense<0.000000e+00> : vector<52x768xf32>
      %dot_general3A_3481 = tpu.matmul %slice3A_3479, %get3A_1, %dot_general3A_3480 {dimension_numbers = #tpu.dot_dimension_numbers<[1], [0], [0], [1], [0, 0, 1, 1], [], []>, transpose_lhs_hint = false} : vector<52x32xbf16>, vector<32x768xbf16>, vector<52x768xf32> -> vector<52x768xf32>
      %add3A_3482 = vector.broadcast %get3A_7 : vector<1x768xf32> to vector<52x768xf32>
      %add3A_3483 = arith.addf %dot_general3A_3481, %add3A_3482 : vector<52x768xf32>
      %convert_element_type3A_3484 = arith.truncf %add3A_3437 : vector<52x256xf32> to vector<52x256xbf16>
      %dot_general3A_3485 = arith.constant dense<0.000000e+00> : vector<52x768xf32>
      %dot_general3A_3486 = tpu.matmul %convert_element_type3A_3484, %get3A_4, %dot_general3A_3485 {dimension_numbers = #tpu.dot_dimension_numbers<[1], [0], [0], [1], [0, 0, 1, 1], [], []>, transpose_lhs_hint = false} : vector<52x256xbf16>, vector<256x768xbf16>, vector<52x768xf32> -> vector<52x768xf32>
      %slice3A_3487 = vector.extract_strided_slice %get3A_3478 {offsets = [52, 0], sizes = [48, 32], strides = [1, 1]} : vector<100x32xbf16> to vector<48x32xbf16>
      %dot_general3A_3488 = arith.constant dense<0.000000e+00> : vector<48x768xf32>
      %dot_general3A_3489 = tpu.matmul %slice3A_3487, %get3A_1, %dot_general3A_3488 {dimension_numbers = #tpu.dot_dimension_numbers<[1], [0], [0], [1], [0, 0, 1, 1], [], []>, transpose_lhs_hint = false} : vector<48x32xbf16>, vector<32x768xbf16>, vector<48x768xf32> -> vector<48x768xf32>
      %add3A_3490 = vector.broadcast %get3A_7 : vector<1x768xf32> to vector<48x768xf32>
      %add3A_3491 = arith.addf %dot_general3A_3489, %add3A_3490 : vector<48x768xf32>
      %convert_element_type3A_3492 = arith.truncf %add3A_3471 : vector<48x256xf32> to vector<48x256xbf16>
      %dot_general3A_3493 = arith.constant dense<0.000000e+00> : vector<48x768xf32>
      %dot_general3A_3494 = tpu.matmul %convert_element_type3A_3492, %get3A_4, %dot_general3A_3493 {dimension_numbers = #tpu.dot_dimension_numbers<[1], [0], [0], [1], [0, 0, 1, 1], [], []>, transpose_lhs_hint = false} : vector<48x256xbf16>, vector<256x768xbf16>, vector<48x768xf32> -> vector<48x768xf32>
      %slice3A_3495 = vector.extract_strided_slice %add3A_3483 {offsets = [0, 0], sizes = [52, 256], strides = [1, 1]} : vector<52x768xf32> to vector<52x256xf32>
      %slice3A_3496 = vector.extract_strided_slice %dot_general3A_3486 {offsets = [0, 0], sizes = [52, 256], strides = [1, 1]} : vector<52x768xf32> to vector<52x256xf32>
      %add3A_3497 = arith.addf %slice3A_3495, %slice3A_3496 : vector<52x256xf32>
      %mul3A_3498 = arith.constant 5.000000e-01 : f32
      %mul3A_3499 = vector.broadcast %mul3A_3498 : f32 to vector<52x256xf32>
      %mul3A_3500 = arith.mulf %add3A_3497, %mul3A_3499 : vector<52x256xf32>
      %tanh3A_3501 = math.tanh %mul3A_3500 : vector<52x256xf32>
      %mul3A_3502 = arith.constant 5.000000e-01 : f32
      %mul3A_3503 = vector.broadcast %mul3A_3502 : f32 to vector<52x256xf32>
      %mul3A_3504 = arith.mulf %tanh3A_3501, %mul3A_3503 : vector<52x256xf32>
      %add3A_3505 = arith.constant 5.000000e-01 : f32
      %add3A_3506 = vector.broadcast %add3A_3505 : f32 to vector<52x256xf32>
      %add3A_3507 = arith.addf %mul3A_3504, %add3A_3506 : vector<52x256xf32>
      %slice3A_3508 = vector.extract_strided_slice %add3A_3483 {offsets = [0, 256], sizes = [52, 256], strides = [1, 1]} : vector<52x768xf32> to vector<52x256xf32>
      %slice3A_3509 = vector.extract_strided_slice %dot_general3A_3486 {offsets = [0, 256], sizes = [52, 256], strides = [1, 1]} : vector<52x768xf32> to vector<52x256xf32>
      %add3A_3510 = arith.addf %slice3A_3508, %slice3A_3509 : vector<52x256xf32>
      %mul3A_3511 = arith.constant 5.000000e-01 : f32
      %mul3A_3512 = vector.broadcast %mul3A_3511 : f32 to vector<52x256xf32>
      %mul3A_3513 = arith.mulf %add3A_3510, %mul3A_3512 : vector<52x256xf32>
      %tanh3A_3514 = math.tanh %mul3A_3513 : vector<52x256xf32>
      %mul3A_3515 = arith.constant 5.000000e-01 : f32
      %mul3A_3516 = vector.broadcast %mul3A_3515 : f32 to vector<52x256xf32>
      %mul3A_3517 = arith.mulf %tanh3A_3514, %mul3A_3516 : vector<52x256xf32>
      %add3A_3518 = arith.constant 5.000000e-01 : f32
      %add3A_3519 = vector.broadcast %add3A_3518 : f32 to vector<52x256xf32>
      %add3A_3520 = arith.addf %mul3A_3517, %add3A_3519 : vector<52x256xf32>
      %slice3A_3521 = vector.extract_strided_slice %add3A_3483 {offsets = [0, 512], sizes = [52, 256], strides = [1, 1]} : vector<52x768xf32> to vector<52x256xf32>
      %slice3A_3522 = vector.extract_strided_slice %dot_general3A_3486 {offsets = [0, 512], sizes = [52, 256], strides = [1, 1]} : vector<52x768xf32> to vector<52x256xf32>
      %mul3A_3523 = arith.mulf %add3A_3507, %slice3A_3522 : vector<52x256xf32>
      %add3A_3524 = arith.addf %slice3A_3521, %mul3A_3523 : vector<52x256xf32>
      %tanh3A_3525 = math.tanh %add3A_3524 : vector<52x256xf32>
      %sub3A_3526 = arith.subf %add3A_3437, %tanh3A_3525 : vector<52x256xf32>
      %mul3A_3527 = arith.mulf %add3A_3520, %sub3A_3526 : vector<52x256xf32>
      %add3A_3528 = arith.addf %tanh3A_3525, %mul3A_3527 : vector<52x256xf32>
      %slice3A_3529 = vector.extract_strided_slice %add3A_3491 {offsets = [0, 0], sizes = [48, 256], strides = [1, 1]} : vector<48x768xf32> to vector<48x256xf32>
      %slice3A_3530 = vector.extract_strided_slice %dot_general3A_3494 {offsets = [0, 0], sizes = [48, 256], strides = [1, 1]} : vector<48x768xf32> to vector<48x256xf32>
      %add3A_3531 = arith.addf %slice3A_3529, %slice3A_3530 : vector<48x256xf32>
      %mul3A_3532 = arith.constant 5.000000e-01 : f32
      %mul3A_3533 = vector.broadcast %mul3A_3532 : f32 to vector<48x256xf32>
      %mul3A_3534 = arith.mulf %add3A_3531, %mul3A_3533 : vector<48x256xf32>
      %tanh3A_3535 = math.tanh %mul3A_3534 : vector<48x256xf32>
      %mul3A_3536 = arith.constant 5.000000e-01 : f32
      %mul3A_3537 = vector.broadcast %mul3A_3536 : f32 to vector<48x256xf32>
      %mul3A_3538 = arith.mulf %tanh3A_3535, %mul3A_3537 : vector<48x256xf32>
      %add3A_3539 = arith.constant 5.000000e-01 : f32
      %add3A_3540 = vector.broadcast %add3A_3539 : f32 to vector<48x256xf32>
      %add3A_3541 = arith.addf %mul3A_3538, %add3A_3540 : vector<48x256xf32>
      %slice3A_3542 = vector.extract_strided_slice %add3A_3491 {offsets = [0, 256], sizes = [48, 256], strides = [1, 1]} : vector<48x768xf32> to vector<48x256xf32>
      %slice3A_3543 = vector.extract_strided_slice %dot_general3A_3494 {offsets = [0, 256], sizes = [48, 256], strides = [1, 1]} : vector<48x768xf32> to vector<48x256xf32>
      %add3A_3544 = arith.addf %slice3A_3542, %slice3A_3543 : vector<48x256xf32>
      %mul3A_3545 = arith.constant 5.000000e-01 : f32
      %mul3A_3546 = vector.broadcast %mul3A_3545 : f32 to vector<48x256xf32>
      %mul3A_3547 = arith.mulf %add3A_3544, %mul3A_3546 : vector<48x256xf32>
      %tanh3A_3548 = math.tanh %mul3A_3547 : vector<48x256xf32>
      %mul3A_3549 = arith.constant 5.000000e-01 : f32
      %mul3A_3550 = vector.broadcast %mul3A_3549 : f32 to vector<48x256xf32>
      %mul3A_3551 = arith.mulf %tanh3A_3548, %mul3A_3550 : vector<48x256xf32>
      %add3A_3552 = arith.constant 5.000000e-01 : f32
      %add3A_3553 = vector.broadcast %add3A_3552 : f32 to vector<48x256xf32>
      %add3A_3554 = arith.addf %mul3A_3551, %add3A_3553 : vector<48x256xf32>
      %slice3A_3555 = vector.extract_strided_slice %add3A_3491 {offsets = [0, 512], sizes = [48, 256], strides = [1, 1]} : vector<48x768xf32> to vector<48x256xf32>
      %slice3A_3556 = vector.extract_strided_slice %dot_general3A_3494 {offsets = [0, 512], sizes = [48, 256], strides = [1, 1]} : vector<48x768xf32> to vector<48x256xf32>
      %mul3A_3557 = arith.mulf %add3A_3541, %slice3A_3556 : vector<48x256xf32>
      %add3A_3558 = arith.addf %slice3A_3555, %mul3A_3557 : vector<48x256xf32>
      %tanh3A_3559 = math.tanh %add3A_3558 : vector<48x256xf32>
      %sub3A_3560 = arith.subf %add3A_3471, %tanh3A_3559 : vector<48x256xf32>
      %mul3A_3561 = arith.mulf %add3A_3554, %sub3A_3560 : vector<48x256xf32>
      %add3A_3562 = arith.addf %tanh3A_3559, %mul3A_3561 : vector<48x256xf32>
      %add3A_3563 = arith.constant 38 : i32
      %add3A_3564 = arith.addi %mul3A_107, %add3A_3563 : i32
      %get3A_3565 = arith.index_cast %add3A_3564 : i32 to index
      %get3A_3566 = arith.constant 0 : index
      %get3A_3567 = arith.constant 0 : index
      %get3A_3568 = vector.load %arg0[%get3A_3565, %get3A_3566, %get3A_3567] : memref<200x100x32xbf16, #tpu.memory_space<vmem>>, vector<1x100x32xbf16>
      %get3A_3569 = vector.shape_cast %get3A_3568 : vector<1x100x32xbf16> to vector<100x32xbf16>
      %slice3A_3570 = vector.extract_strided_slice %get3A_3569 {offsets = [0, 0], sizes = [52, 32], strides = [1, 1]} : vector<100x32xbf16> to vector<52x32xbf16>
      %dot_general3A_3571 = arith.constant dense<0.000000e+00> : vector<52x768xf32>
      %dot_general3A_3572 = tpu.matmul %slice3A_3570, %get3A_1, %dot_general3A_3571 {dimension_numbers = #tpu.dot_dimension_numbers<[1], [0], [0], [1], [0, 0, 1, 1], [], []>, transpose_lhs_hint = false} : vector<52x32xbf16>, vector<32x768xbf16>, vector<52x768xf32> -> vector<52x768xf32>
      %add3A_3573 = vector.broadcast %get3A_7 : vector<1x768xf32> to vector<52x768xf32>
      %add3A_3574 = arith.addf %dot_general3A_3572, %add3A_3573 : vector<52x768xf32>
      %convert_element_type3A_3575 = arith.truncf %add3A_3528 : vector<52x256xf32> to vector<52x256xbf16>
      %dot_general3A_3576 = arith.constant dense<0.000000e+00> : vector<52x768xf32>
      %dot_general3A_3577 = tpu.matmul %convert_element_type3A_3575, %get3A_4, %dot_general3A_3576 {dimension_numbers = #tpu.dot_dimension_numbers<[1], [0], [0], [1], [0, 0, 1, 1], [], []>, transpose_lhs_hint = false} : vector<52x256xbf16>, vector<256x768xbf16>, vector<52x768xf32> -> vector<52x768xf32>
      %slice3A_3578 = vector.extract_strided_slice %get3A_3569 {offsets = [52, 0], sizes = [48, 32], strides = [1, 1]} : vector<100x32xbf16> to vector<48x32xbf16>
      %dot_general3A_3579 = arith.constant dense<0.000000e+00> : vector<48x768xf32>
      %dot_general3A_3580 = tpu.matmul %slice3A_3578, %get3A_1, %dot_general3A_3579 {dimension_numbers = #tpu.dot_dimension_numbers<[1], [0], [0], [1], [0, 0, 1, 1], [], []>, transpose_lhs_hint = false} : vector<48x32xbf16>, vector<32x768xbf16>, vector<48x768xf32> -> vector<48x768xf32>
      %add3A_3581 = vector.broadcast %get3A_7 : vector<1x768xf32> to vector<48x768xf32>
      %add3A_3582 = arith.addf %dot_general3A_3580, %add3A_3581 : vector<48x768xf32>
      %convert_element_type3A_3583 = arith.truncf %add3A_3562 : vector<48x256xf32> to vector<48x256xbf16>
      %dot_general3A_3584 = arith.constant dense<0.000000e+00> : vector<48x768xf32>
      %dot_general3A_3585 = tpu.matmul %convert_element_type3A_3583, %get3A_4, %dot_general3A_3584 {dimension_numbers = #tpu.dot_dimension_numbers<[1], [0], [0], [1], [0, 0, 1, 1], [], []>, transpose_lhs_hint = false} : vector<48x256xbf16>, vector<256x768xbf16>, vector<48x768xf32> -> vector<48x768xf32>
      %slice3A_3586 = vector.extract_strided_slice %add3A_3574 {offsets = [0, 0], sizes = [52, 256], strides = [1, 1]} : vector<52x768xf32> to vector<52x256xf32>
      %slice3A_3587 = vector.extract_strided_slice %dot_general3A_3577 {offsets = [0, 0], sizes = [52, 256], strides = [1, 1]} : vector<52x768xf32> to vector<52x256xf32>
      %add3A_3588 = arith.addf %slice3A_3586, %slice3A_3587 : vector<52x256xf32>
      %mul3A_3589 = arith.constant 5.000000e-01 : f32
      %mul3A_3590 = vector.broadcast %mul3A_3589 : f32 to vector<52x256xf32>
      %mul3A_3591 = arith.mulf %add3A_3588, %mul3A_3590 : vector<52x256xf32>
      %tanh3A_3592 = math.tanh %mul3A_3591 : vector<52x256xf32>
      %mul3A_3593 = arith.constant 5.000000e-01 : f32
      %mul3A_3594 = vector.broadcast %mul3A_3593 : f32 to vector<52x256xf32>
      %mul3A_3595 = arith.mulf %tanh3A_3592, %mul3A_3594 : vector<52x256xf32>
      %add3A_3596 = arith.constant 5.000000e-01 : f32
      %add3A_3597 = vector.broadcast %add3A_3596 : f32 to vector<52x256xf32>
      %add3A_3598 = arith.addf %mul3A_3595, %add3A_3597 : vector<52x256xf32>
      %slice3A_3599 = vector.extract_strided_slice %add3A_3574 {offsets = [0, 256], sizes = [52, 256], strides = [1, 1]} : vector<52x768xf32> to vector<52x256xf32>
      %slice3A_3600 = vector.extract_strided_slice %dot_general3A_3577 {offsets = [0, 256], sizes = [52, 256], strides = [1, 1]} : vector<52x768xf32> to vector<52x256xf32>
      %add3A_3601 = arith.addf %slice3A_3599, %slice3A_3600 : vector<52x256xf32>
      %mul3A_3602 = arith.constant 5.000000e-01 : f32
      %mul3A_3603 = vector.broadcast %mul3A_3602 : f32 to vector<52x256xf32>
      %mul3A_3604 = arith.mulf %add3A_3601, %mul3A_3603 : vector<52x256xf32>
      %tanh3A_3605 = math.tanh %mul3A_3604 : vector<52x256xf32>
      %mul3A_3606 = arith.constant 5.000000e-01 : f32
      %mul3A_3607 = vector.broadcast %mul3A_3606 : f32 to vector<52x256xf32>
      %mul3A_3608 = arith.mulf %tanh3A_3605, %mul3A_3607 : vector<52x256xf32>
      %add3A_3609 = arith.constant 5.000000e-01 : f32
      %add3A_3610 = vector.broadcast %add3A_3609 : f32 to vector<52x256xf32>
      %add3A_3611 = arith.addf %mul3A_3608, %add3A_3610 : vector<52x256xf32>
      %slice3A_3612 = vector.extract_strided_slice %add3A_3574 {offsets = [0, 512], sizes = [52, 256], strides = [1, 1]} : vector<52x768xf32> to vector<52x256xf32>
      %slice3A_3613 = vector.extract_strided_slice %dot_general3A_3577 {offsets = [0, 512], sizes = [52, 256], strides = [1, 1]} : vector<52x768xf32> to vector<52x256xf32>
      %mul3A_3614 = arith.mulf %add3A_3598, %slice3A_3613 : vector<52x256xf32>
      %add3A_3615 = arith.addf %slice3A_3612, %mul3A_3614 : vector<52x256xf32>
      %tanh3A_3616 = math.tanh %add3A_3615 : vector<52x256xf32>
      %sub3A_3617 = arith.subf %add3A_3528, %tanh3A_3616 : vector<52x256xf32>
      %mul3A_3618 = arith.mulf %add3A_3611, %sub3A_3617 : vector<52x256xf32>
      %add3A_3619 = arith.addf %tanh3A_3616, %mul3A_3618 : vector<52x256xf32>
      %slice3A_3620 = vector.extract_strided_slice %add3A_3582 {offsets = [0, 0], sizes = [48, 256], strides = [1, 1]} : vector<48x768xf32> to vector<48x256xf32>
      %slice3A_3621 = vector.extract_strided_slice %dot_general3A_3585 {offsets = [0, 0], sizes = [48, 256], strides = [1, 1]} : vector<48x768xf32> to vector<48x256xf32>
      %add3A_3622 = arith.addf %slice3A_3620, %slice3A_3621 : vector<48x256xf32>
      %mul3A_3623 = arith.constant 5.000000e-01 : f32
      %mul3A_3624 = vector.broadcast %mul3A_3623 : f32 to vector<48x256xf32>
      %mul3A_3625 = arith.mulf %add3A_3622, %mul3A_3624 : vector<48x256xf32>
      %tanh3A_3626 = math.tanh %mul3A_3625 : vector<48x256xf32>
      %mul3A_3627 = arith.constant 5.000000e-01 : f32
      %mul3A_3628 = vector.broadcast %mul3A_3627 : f32 to vector<48x256xf32>
      %mul3A_3629 = arith.mulf %tanh3A_3626, %mul3A_3628 : vector<48x256xf32>
      %add3A_3630 = arith.constant 5.000000e-01 : f32
      %add3A_3631 = vector.broadcast %add3A_3630 : f32 to vector<48x256xf32>
      %add3A_3632 = arith.addf %mul3A_3629, %add3A_3631 : vector<48x256xf32>
      %slice3A_3633 = vector.extract_strided_slice %add3A_3582 {offsets = [0, 256], sizes = [48, 256], strides = [1, 1]} : vector<48x768xf32> to vector<48x256xf32>
      %slice3A_3634 = vector.extract_strided_slice %dot_general3A_3585 {offsets = [0, 256], sizes = [48, 256], strides = [1, 1]} : vector<48x768xf32> to vector<48x256xf32>
      %add3A_3635 = arith.addf %slice3A_3633, %slice3A_3634 : vector<48x256xf32>
      %mul3A_3636 = arith.constant 5.000000e-01 : f32
      %mul3A_3637 = vector.broadcast %mul3A_3636 : f32 to vector<48x256xf32>
      %mul3A_3638 = arith.mulf %add3A_3635, %mul3A_3637 : vector<48x256xf32>
      %tanh3A_3639 = math.tanh %mul3A_3638 : vector<48x256xf32>
      %mul3A_3640 = arith.constant 5.000000e-01 : f32
      %mul3A_3641 = vector.broadcast %mul3A_3640 : f32 to vector<48x256xf32>
      %mul3A_3642 = arith.mulf %tanh3A_3639, %mul3A_3641 : vector<48x256xf32>
      %add3A_3643 = arith.constant 5.000000e-01 : f32
      %add3A_3644 = vector.broadcast %add3A_3643 : f32 to vector<48x256xf32>
      %add3A_3645 = arith.addf %mul3A_3642, %add3A_3644 : vector<48x256xf32>
      %slice3A_3646 = vector.extract_strided_slice %add3A_3582 {offsets = [0, 512], sizes = [48, 256], strides = [1, 1]} : vector<48x768xf32> to vector<48x256xf32>
      %slice3A_3647 = vector.extract_strided_slice %dot_general3A_3585 {offsets = [0, 512], sizes = [48, 256], strides = [1, 1]} : vector<48x768xf32> to vector<48x256xf32>
      %mul3A_3648 = arith.mulf %add3A_3632, %slice3A_3647 : vector<48x256xf32>
      %add3A_3649 = arith.addf %slice3A_3646, %mul3A_3648 : vector<48x256xf32>
      %tanh3A_3650 = math.tanh %add3A_3649 : vector<48x256xf32>
      %sub3A_3651 = arith.subf %add3A_3562, %tanh3A_3650 : vector<48x256xf32>
      %mul3A_3652 = arith.mulf %add3A_3645, %sub3A_3651 : vector<48x256xf32>
      %add3A_3653 = arith.addf %tanh3A_3650, %mul3A_3652 : vector<48x256xf32>
      %add3A_3654 = arith.constant 39 : i32
      %add3A_3655 = arith.addi %mul3A_107, %add3A_3654 : i32
      %get3A_3656 = arith.index_cast %add3A_3655 : i32 to index
      %get3A_3657 = arith.constant 0 : index
      %get3A_3658 = arith.constant 0 : index
      %get3A_3659 = vector.load %arg0[%get3A_3656, %get3A_3657, %get3A_3658] : memref<200x100x32xbf16, #tpu.memory_space<vmem>>, vector<1x100x32xbf16>
      %get3A_3660 = vector.shape_cast %get3A_3659 : vector<1x100x32xbf16> to vector<100x32xbf16>
      %slice3A_3661 = vector.extract_strided_slice %get3A_3660 {offsets = [0, 0], sizes = [52, 32], strides = [1, 1]} : vector<100x32xbf16> to vector<52x32xbf16>
      %dot_general3A_3662 = arith.constant dense<0.000000e+00> : vector<52x768xf32>
      %dot_general3A_3663 = tpu.matmul %slice3A_3661, %get3A_1, %dot_general3A_3662 {dimension_numbers = #tpu.dot_dimension_numbers<[1], [0], [0], [1], [0, 0, 1, 1], [], []>, transpose_lhs_hint = false} : vector<52x32xbf16>, vector<32x768xbf16>, vector<52x768xf32> -> vector<52x768xf32>
      %add3A_3664 = vector.broadcast %get3A_7 : vector<1x768xf32> to vector<52x768xf32>
      %add3A_3665 = arith.addf %dot_general3A_3663, %add3A_3664 : vector<52x768xf32>
      %convert_element_type3A_3666 = arith.truncf %add3A_3619 : vector<52x256xf32> to vector<52x256xbf16>
      %dot_general3A_3667 = arith.constant dense<0.000000e+00> : vector<52x768xf32>
      %dot_general3A_3668 = tpu.matmul %convert_element_type3A_3666, %get3A_4, %dot_general3A_3667 {dimension_numbers = #tpu.dot_dimension_numbers<[1], [0], [0], [1], [0, 0, 1, 1], [], []>, transpose_lhs_hint = false} : vector<52x256xbf16>, vector<256x768xbf16>, vector<52x768xf32> -> vector<52x768xf32>
      %slice3A_3669 = vector.extract_strided_slice %get3A_3660 {offsets = [52, 0], sizes = [48, 32], strides = [1, 1]} : vector<100x32xbf16> to vector<48x32xbf16>
      %dot_general3A_3670 = arith.constant dense<0.000000e+00> : vector<48x768xf32>
      %dot_general3A_3671 = tpu.matmul %slice3A_3669, %get3A_1, %dot_general3A_3670 {dimension_numbers = #tpu.dot_dimension_numbers<[1], [0], [0], [1], [0, 0, 1, 1], [], []>, transpose_lhs_hint = false} : vector<48x32xbf16>, vector<32x768xbf16>, vector<48x768xf32> -> vector<48x768xf32>
      %add3A_3672 = vector.broadcast %get3A_7 : vector<1x768xf32> to vector<48x768xf32>
      %add3A_3673 = arith.addf %dot_general3A_3671, %add3A_3672 : vector<48x768xf32>
      %convert_element_type3A_3674 = arith.truncf %add3A_3653 : vector<48x256xf32> to vector<48x256xbf16>
      %dot_general3A_3675 = arith.constant dense<0.000000e+00> : vector<48x768xf32>
      %dot_general3A_3676 = tpu.matmul %convert_element_type3A_3674, %get3A_4, %dot_general3A_3675 {dimension_numbers = #tpu.dot_dimension_numbers<[1], [0], [0], [1], [0, 0, 1, 1], [], []>, transpose_lhs_hint = false} : vector<48x256xbf16>, vector<256x768xbf16>, vector<48x768xf32> -> vector<48x768xf32>
      %slice3A_3677 = vector.extract_strided_slice %add3A_3665 {offsets = [0, 0], sizes = [52, 256], strides = [1, 1]} : vector<52x768xf32> to vector<52x256xf32>
      %slice3A_3678 = vector.extract_strided_slice %dot_general3A_3668 {offsets = [0, 0], sizes = [52, 256], strides = [1, 1]} : vector<52x768xf32> to vector<52x256xf32>
      %add3A_3679 = arith.addf %slice3A_3677, %slice3A_3678 : vector<52x256xf32>
      %mul3A_3680 = arith.constant 5.000000e-01 : f32
      %mul3A_3681 = vector.broadcast %mul3A_3680 : f32 to vector<52x256xf32>
      %mul3A_3682 = arith.mulf %add3A_3679, %mul3A_3681 : vector<52x256xf32>
      %tanh3A_3683 = math.tanh %mul3A_3682 : vector<52x256xf32>
      %mul3A_3684 = arith.constant 5.000000e-01 : f32
      %mul3A_3685 = vector.broadcast %mul3A_3684 : f32 to vector<52x256xf32>
      %mul3A_3686 = arith.mulf %tanh3A_3683, %mul3A_3685 : vector<52x256xf32>
      %add3A_3687 = arith.constant 5.000000e-01 : f32
      %add3A_3688 = vector.broadcast %add3A_3687 : f32 to vector<52x256xf32>
      %add3A_3689 = arith.addf %mul3A_3686, %add3A_3688 : vector<52x256xf32>
      %slice3A_3690 = vector.extract_strided_slice %add3A_3665 {offsets = [0, 256], sizes = [52, 256], strides = [1, 1]} : vector<52x768xf32> to vector<52x256xf32>
      %slice3A_3691 = vector.extract_strided_slice %dot_general3A_3668 {offsets = [0, 256], sizes = [52, 256], strides = [1, 1]} : vector<52x768xf32> to vector<52x256xf32>
      %add3A_3692 = arith.addf %slice3A_3690, %slice3A_3691 : vector<52x256xf32>
      %mul3A_3693 = arith.constant 5.000000e-01 : f32
      %mul3A_3694 = vector.broadcast %mul3A_3693 : f32 to vector<52x256xf32>
      %mul3A_3695 = arith.mulf %add3A_3692, %mul3A_3694 : vector<52x256xf32>
      %tanh3A_3696 = math.tanh %mul3A_3695 : vector<52x256xf32>
      %mul3A_3697 = arith.constant 5.000000e-01 : f32
      %mul3A_3698 = vector.broadcast %mul3A_3697 : f32 to vector<52x256xf32>
      %mul3A_3699 = arith.mulf %tanh3A_3696, %mul3A_3698 : vector<52x256xf32>
      %add3A_3700 = arith.constant 5.000000e-01 : f32
      %add3A_3701 = vector.broadcast %add3A_3700 : f32 to vector<52x256xf32>
      %add3A_3702 = arith.addf %mul3A_3699, %add3A_3701 : vector<52x256xf32>
      %slice3A_3703 = vector.extract_strided_slice %add3A_3665 {offsets = [0, 512], sizes = [52, 256], strides = [1, 1]} : vector<52x768xf32> to vector<52x256xf32>
      %slice3A_3704 = vector.extract_strided_slice %dot_general3A_3668 {offsets = [0, 512], sizes = [52, 256], strides = [1, 1]} : vector<52x768xf32> to vector<52x256xf32>
      %mul3A_3705 = arith.mulf %add3A_3689, %slice3A_3704 : vector<52x256xf32>
      %add3A_3706 = arith.addf %slice3A_3703, %mul3A_3705 : vector<52x256xf32>
      %tanh3A_3707 = math.tanh %add3A_3706 : vector<52x256xf32>
      %sub3A_3708 = arith.subf %add3A_3619, %tanh3A_3707 : vector<52x256xf32>
      %mul3A_3709 = arith.mulf %add3A_3702, %sub3A_3708 : vector<52x256xf32>
      %add3A_3710 = arith.addf %tanh3A_3707, %mul3A_3709 : vector<52x256xf32>
      %slice3A_3711 = vector.extract_strided_slice %add3A_3673 {offsets = [0, 0], sizes = [48, 256], strides = [1, 1]} : vector<48x768xf32> to vector<48x256xf32>
      %slice3A_3712 = vector.extract_strided_slice %dot_general3A_3676 {offsets = [0, 0], sizes = [48, 256], strides = [1, 1]} : vector<48x768xf32> to vector<48x256xf32>
      %add3A_3713 = arith.addf %slice3A_3711, %slice3A_3712 : vector<48x256xf32>
      %mul3A_3714 = arith.constant 5.000000e-01 : f32
      %mul3A_3715 = vector.broadcast %mul3A_3714 : f32 to vector<48x256xf32>
      %mul3A_3716 = arith.mulf %add3A_3713, %mul3A_3715 : vector<48x256xf32>
      %tanh3A_3717 = math.tanh %mul3A_3716 : vector<48x256xf32>
      %mul3A_3718 = arith.constant 5.000000e-01 : f32
      %mul3A_3719 = vector.broadcast %mul3A_3718 : f32 to vector<48x256xf32>
      %mul3A_3720 = arith.mulf %tanh3A_3717, %mul3A_3719 : vector<48x256xf32>
      %add3A_3721 = arith.constant 5.000000e-01 : f32
      %add3A_3722 = vector.broadcast %add3A_3721 : f32 to vector<48x256xf32>
      %add3A_3723 = arith.addf %mul3A_3720, %add3A_3722 : vector<48x256xf32>
      %slice3A_3724 = vector.extract_strided_slice %add3A_3673 {offsets = [0, 256], sizes = [48, 256], strides = [1, 1]} : vector<48x768xf32> to vector<48x256xf32>
      %slice3A_3725 = vector.extract_strided_slice %dot_general3A_3676 {offsets = [0, 256], sizes = [48, 256], strides = [1, 1]} : vector<48x768xf32> to vector<48x256xf32>
      %add3A_3726 = arith.addf %slice3A_3724, %slice3A_3725 : vector<48x256xf32>
      %mul3A_3727 = arith.constant 5.000000e-01 : f32
      %mul3A_3728 = vector.broadcast %mul3A_3727 : f32 to vector<48x256xf32>
      %mul3A_3729 = arith.mulf %add3A_3726, %mul3A_3728 : vector<48x256xf32>
      %tanh3A_3730 = math.tanh %mul3A_3729 : vector<48x256xf32>
      %mul3A_3731 = arith.constant 5.000000e-01 : f32
      %mul3A_3732 = vector.broadcast %mul3A_3731 : f32 to vector<48x256xf32>
      %mul3A_3733 = arith.mulf %tanh3A_3730, %mul3A_3732 : vector<48x256xf32>
      %add3A_3734 = arith.constant 5.000000e-01 : f32
      %add3A_3735 = vector.broadcast %add3A_3734 : f32 to vector<48x256xf32>
      %add3A_3736 = arith.addf %mul3A_3733, %add3A_3735 : vector<48x256xf32>
      %slice3A_3737 = vector.extract_strided_slice %add3A_3673 {offsets = [0, 512], sizes = [48, 256], strides = [1, 1]} : vector<48x768xf32> to vector<48x256xf32>
      %slice3A_3738 = vector.extract_strided_slice %dot_general3A_3676 {offsets = [0, 512], sizes = [48, 256], strides = [1, 1]} : vector<48x768xf32> to vector<48x256xf32>
      %mul3A_3739 = arith.mulf %add3A_3723, %slice3A_3738 : vector<48x256xf32>
      %add3A_3740 = arith.addf %slice3A_3737, %mul3A_3739 : vector<48x256xf32>
      %tanh3A_3741 = math.tanh %add3A_3740 : vector<48x256xf32>
      %sub3A_3742 = arith.subf %add3A_3653, %tanh3A_3741 : vector<48x256xf32>
      %mul3A_3743 = arith.mulf %add3A_3736, %sub3A_3742 : vector<48x256xf32>
      %add3A_3744 = arith.addf %tanh3A_3741, %mul3A_3743 : vector<48x256xf32>
      scf.yield %add3A_3710, %add3A_3744 : vector<52x256xf32>, vector<48x256xf32>
    }
    %scan3A_15 = arith.constant 5 : i32
    %concatenate3A = tpu.concatenate %scan3A_14#0, %scan3A_14#1 in 0 : vector<52x256xf32>, vector<48x256xf32> -> vector<100x256xf32>
    %get3A_16 = arith.constant 0 : index
    %get3A_17 = arith.constant 0 : index
    %get3A_18 = arith.constant 0 : index
    %get3A_19 = vector.load %arg2[%get3A_16, %get3A_17, %get3A_18] : memref<2x100x104xf32, #tpu.memory_space<vmem>>, vector<1x100x104xf32>
    %get3A_20 = vector.shape_cast %get3A_19 : vector<1x100x104xf32> to vector<100x104xf32>
    %get3A_21 = arith.constant 1 : index
    %get3A_22 = arith.constant 0 : index
    %get3A_23 = arith.constant 0 : index
    %get3A_24 = vector.load %arg2[%get3A_21, %get3A_22, %get3A_23] : memref<2x100x104xf32, #tpu.memory_space<vmem>>, vector<1x100x104xf32>
    %get3A_25 = vector.shape_cast %get3A_24 : vector<1x100x104xf32> to vector<100x104xf32>
    %add3A = arith.addf %get3A_20, %get3A_25 : vector<100x104xf32>
    %slice3A = vector.extract_strided_slice %add3A {offsets = [0, 0], sizes = [100, 100], strides = [1, 1]} : vector<100x104xf32> to vector<100x100xf32>
    %reduce_sum3A = arith.constant dense<0.000000e+00> : vector<100xf32>
    %reduce_sum3A_26 = vector.multi_reduction <add>, %slice3A, %reduce_sum3A [1] : vector<100x100xf32> to vector<100xf32>
    %broadcast_in_dim3A_27 = vector.shape_cast %reduce_sum3A_26 : vector<100xf32> to vector<100x1xf32>
    %max3A = arith.constant 1.000000e+00 : f32
    %max3A_28 = vector.broadcast %max3A : f32 to vector<100x1xf32>
    %max3A_29 = arith.maximumf %broadcast_in_dim3A_27, %max3A_28 : vector<100x1xf32>
    %div3A = arith.constant 1.000000e+00 : f32
    %div3A_30 = vector.broadcast %div3A : f32 to vector<100x1xf32>
    %div3A_31 = arith.divf %div3A_30, %max3A_29 : vector<100x1xf32>
    %get3A_32 = arith.constant 0 : index
    %get3A_33 = arith.constant 0 : index
    %get3A_34 = vector.load %arg6[%get3A_32, %get3A_33] : memref<100x64xf32, #tpu.memory_space<vmem>>, vector<100x64xf32>
    %concatenate3A_35 = tpu.concatenate %concatenate3A, %get3A_34 in 1 : vector<100x256xf32>, vector<100x64xf32> -> vector<100x320xf32>
    %dot_general3A = arith.constant dense<0.000000e+00> : vector<100x320xf32>
    %dot_general3A_36 = tpu.matmul %slice3A, %concatenate3A_35, %dot_general3A {dimension_numbers = #tpu.dot_dimension_numbers<[1], [0], [0], [1], [0, 0, 1, 1], [], []>, transpose_lhs_hint = false} : vector<100x100xf32>, vector<100x320xf32>, vector<100x320xf32> -> vector<100x320xf32>
    %mul3A = vector.broadcast %div3A_31 : vector<100x1xf32> to vector<100x320xf32>
    %mul3A_37 = arith.mulf %dot_general3A_36, %mul3A : vector<100x320xf32>
    %get3A_38 = arith.constant 0 : index
    %get3A_39 = arith.constant 0 : index
    %get3A_40 = vector.load %arg7[%get3A_38, %get3A_39] : memref<320x256xf32, #tpu.memory_space<vmem>>, vector<320x256xf32>
    %dot_general3A_41 = arith.constant dense<0.000000e+00> : vector<100x256xf32>
    %dot_general3A_42 = tpu.matmul %concatenate3A_35, %get3A_40, %dot_general3A_41 {dimension_numbers = #tpu.dot_dimension_numbers<[1], [0], [0], [1], [0, 0, 1, 1], [], []>, transpose_lhs_hint = false} : vector<100x320xf32>, vector<320x256xf32>, vector<100x256xf32> -> vector<100x256xf32>
    %get3A_43 = arith.constant 0 : index
    %get3A_44 = arith.constant 0 : index
    %get3A_45 = vector.load %arg8[%get3A_43, %get3A_44] : memref<320x256xf32, #tpu.memory_space<vmem>>, vector<320x256xf32>
    %dot_general3A_46 = arith.constant dense<0.000000e+00> : vector<100x256xf32>
    %dot_general3A_47 = tpu.matmul %mul3A_37, %get3A_45, %dot_general3A_46 {dimension_numbers = #tpu.dot_dimension_numbers<[1], [0], [0], [1], [0, 0, 1, 1], [], []>, transpose_lhs_hint = false} : vector<100x320xf32>, vector<320x256xf32>, vector<100x256xf32> -> vector<100x256xf32>
    %add3A_48 = arith.addf %dot_general3A_42, %dot_general3A_47 : vector<100x256xf32>
    %get3A_49 = arith.constant 0 : index
    %get3A_50 = arith.constant 0 : index
    %get3A_51 = vector.load %arg9[%get3A_49, %get3A_50] : memref<1x256xf32, #tpu.memory_space<vmem>>, vector<1x256xf32>
    %add3A_52 = vector.broadcast %get3A_51 : vector<1x256xf32> to vector<100x256xf32>
    %add3A_53 = arith.addf %add3A_48, %add3A_52 : vector<100x256xf32>
    %max3A_54 = arith.constant 0.000000e+00 : f32
    %max3A_55 = vector.broadcast %max3A_54 : f32 to vector<100x256xf32>
    %max3A_56 = arith.maximumf %add3A_53, %max3A_55 : vector<100x256xf32>
    %dot_general3A_57 = arith.constant dense<0.000000e+00> : vector<100x256xf32>
    %dot_general3A_58 = tpu.matmul %slice3A, %max3A_56, %dot_general3A_57 {dimension_numbers = #tpu.dot_dimension_numbers<[1], [0], [0], [1], [0, 0, 1, 1], [], []>, transpose_lhs_hint = false} : vector<100x100xf32>, vector<100x256xf32>, vector<100x256xf32> -> vector<100x256xf32>
    %mul3A_59 = vector.broadcast %div3A_31 : vector<100x1xf32> to vector<100x256xf32>
    %mul3A_60 = arith.mulf %dot_general3A_58, %mul3A_59 : vector<100x256xf32>
    %get3A_61 = arith.constant 0 : index
    %get3A_62 = arith.constant 0 : index
    %get3A_63 = vector.load %arg10[%get3A_61, %get3A_62] : memref<256x128xf32, #tpu.memory_space<vmem>>, vector<256x128xf32>
    %dot_general3A_64 = arith.constant dense<0.000000e+00> : vector<100x128xf32>
    %dot_general3A_65 = tpu.matmul %max3A_56, %get3A_63, %dot_general3A_64 {dimension_numbers = #tpu.dot_dimension_numbers<[1], [0], [0], [1], [0, 0, 1, 1], [], []>, transpose_lhs_hint = false} : vector<100x256xf32>, vector<256x128xf32>, vector<100x128xf32> -> vector<100x128xf32>
    %get3A_66 = arith.constant 0 : index
    %get3A_67 = arith.constant 0 : index
    %get3A_68 = vector.load %arg11[%get3A_66, %get3A_67] : memref<256x128xf32, #tpu.memory_space<vmem>>, vector<256x128xf32>
    %dot_general3A_69 = arith.constant dense<0.000000e+00> : vector<100x128xf32>
    %dot_general3A_70 = tpu.matmul %mul3A_60, %get3A_68, %dot_general3A_69 {dimension_numbers = #tpu.dot_dimension_numbers<[1], [0], [0], [1], [0, 0, 1, 1], [], []>, transpose_lhs_hint = false} : vector<100x256xf32>, vector<256x128xf32>, vector<100x128xf32> -> vector<100x128xf32>
    %add3A_71 = arith.addf %dot_general3A_65, %dot_general3A_70 : vector<100x128xf32>
    %get3A_72 = arith.constant 0 : index
    %get3A_73 = arith.constant 0 : index
    %get3A_74 = vector.load %arg12[%get3A_72, %get3A_73] : memref<1x128xf32, #tpu.memory_space<vmem>>, vector<1x128xf32>
    %add3A_75 = vector.broadcast %get3A_74 : vector<1x128xf32> to vector<100x128xf32>
    %add3A_76 = arith.addf %add3A_71, %add3A_75 : vector<100x128xf32>
    %get3A_77 = arith.constant 0 : index
    %get3A_78 = arith.constant 0 : index
    %get3A_79 = vector.load %arg1[%get3A_77, %get3A_78] : memref<100x128xf32, #tpu.memory_space<vmem>>, vector<100x128xf32>
    %get3A_80 = arith.constant 0 : index
    %get3A_81 = arith.constant 0 : index
    %get3A_82 = vector.load %arg13[%get3A_80, %get3A_81] : memref<128x64xf32, #tpu.memory_space<vmem>>, vector<128x64xf32>
    %dot_general3A_83 = arith.constant dense<0.000000e+00> : vector<100x64xf32>
    %dot_general3A_84 = tpu.matmul %get3A_79, %get3A_82, %dot_general3A_83 {dimension_numbers = #tpu.dot_dimension_numbers<[1], [0], [0], [1], [0, 0, 1, 1], [], []>, transpose_lhs_hint = false} : vector<100x128xf32>, vector<128x64xf32>, vector<100x64xf32> -> vector<100x64xf32>
    %get3A_85 = arith.constant 0 : index
    %get3A_86 = arith.constant 0 : index
    %get3A_87 = vector.load %arg14[%get3A_85, %get3A_86] : memref<1x64xf32, #tpu.memory_space<vmem>>, vector<1x64xf32>
    %add3A_88 = vector.broadcast %get3A_87 : vector<1x64xf32> to vector<100x64xf32>
    %add3A_89 = arith.addf %dot_general3A_84, %add3A_88 : vector<100x64xf32>
    %concatenate3A_90 = tpu.concatenate %add3A_76, %add3A_89, %concatenate3A in 1 : vector<100x128xf32>, vector<100x64xf32>, vector<100x256xf32> -> vector<100x448xf32>
    %get3A_91 = arith.constant 0 : index
    %get3A_92 = arith.constant 0 : index
    %get3A_93 = vector.load %arg15[%get3A_91, %get3A_92] : memref<448x1xf32, #tpu.memory_space<vmem>>, vector<448x1xf32>
    %dot_general3A_94 = arith.constant dense<0.000000e+00> : vector<100x1xf32>
    %dot_general3A_95 = tpu.matmul %concatenate3A_90, %get3A_93, %dot_general3A_94 {dimension_numbers = #tpu.dot_dimension_numbers<[1], [0], [0], [1], [0, 0, 1, 1], [], []>, transpose_lhs_hint = false} : vector<100x448xf32>, vector<448x1xf32>, vector<100x1xf32> -> vector<100x1xf32>
    %get3A_96 = arith.constant 0 : index
    %get3A_97 = arith.constant 0 : index
    %get3A_98 = vector.load %arg16[%get3A_96, %get3A_97] : memref<1x1xf32, #tpu.memory_space<vmem>>, vector<1x1xf32>
    %add3A_99 = vector.broadcast %get3A_98 : vector<1x1xf32> to vector<100x1xf32>
    %add3A_100 = arith.addf %dot_general3A_95, %add3A_99 : vector<100x1xf32>
    %swap3A = arith.constant 0 : index
    %swap3A_101 = arith.constant 0 : index
    %swap3A_102 = vector.load %arg17[%swap3A, %swap3A_101] : memref<100x1xf32, #tpu.memory_space<vmem>>, vector<100x1xf32>
    tpu.vector_store %arg17[%swap3A, %swap3A_101], %add3A_100 {strides = array<i32>} : memref<100x1xf32, #tpu.memory_space<vmem>>, vector<100x1xf32>,
    return
  }
}

</mosaic_0001>

<sc_bundles>
// kernel: kernel.4.cloned.1.call-start
scs
__scs_entry_jumppad:
0x0: {  	(pc) =	sbr.rel $0x88, $3  }
0x1: {  	(tag) =	ssettag $0x0;
	lr =	simm.s32 $0x1  }
0x2: {  	[smem:$0x3F8F] =	sst lr;
	_ =	strace $0xD0000000  }
0x3: {  	_ = 	snop  }
0x4: {  	_ = 	snop  }
0x5: {  	_ = 	snop  }
0x6: {  	_ = 	snop  }
0x7: {  	_ = 	snop  }
__scs_overlays_trampoline_lowered:
0x8: {  	[smem:$0x3F9E] =	sst s0  }
0x9: {  	[smem:$0x3F9F] =	sst s1  }
0xa: {  	[smem:$0x3FA0] =	sst s2  }
0xb: {  	[smem:$0x3FA1] =	sst s3  }
0xc: {  	[smem:$0x3FA2] =	sst s4  }
0xd: {  	[smem:$0x3FA3] =	sst s5  }
0xe: {  	[smem:$0x3FA4] =	sst s6  }
0xf: {  	[smem:$0x3FA5] =	sst s7  }
0x10: {  	[smem:$0x3FA6] =	sst s8  }
0x11: {  	[smem:$0x3FA7] =	sst s9;
	s0 =	simm.s32 @!p0 $0x0  }
0x12: {  	s1 =	sld [smem:$0x3F8D];
	s0 =	simm.s32 @p0 $0x1  }
0x13: {  	[smem:$0x3FA8] =	sst s0;
	s0 =	simm.s32 @!p1 $0x0  }
0x14: {  	s2 =	sld [smem:$0x3F8C];
	s0 =	simm.s32 @p1 $0x1  }
0x15: {  	[smem:$0x3FA9] =	sst s0;
	s0 =	simm.s32 @!p2 $0x0  }
0x16: {  	s3 =	sld [smem:$0x3FDB];
	s0 =	simm.s32 @p2 $0x1  }
0x17: {  	s4 =	simm.s32 $0x1BF5;
	[smem:$0x3FAB] =	sst s0  }
0x18: {  	s0 =	sld [smem:$0x3F8E];
	_ =	swait.ge [sflag:s4], $0x0  }
0x19: {  	s7 =	sld [smem:$0x3F8F]  }
0x1a: {  	s8 =	sadd.s32 $0xFFFFE003, lr  }
0x1b: {  	s9 =	sadd.s32 $0xFFFFFEF7, lr;
	s5 =	simm.s32 $0xFFFFFFFF;
	p2 =	slt.u32 s8, $0xFFFFF086  }
0x1c: {  	p1 =	slt.u32 s9, $0xF7A;
	s5 =	simm.s32 @!p2 $0x0  }
0x1d: {  	s5 =	simm.s32 @p1 $0x1;
	p0 =	seq.s32 s7, s2  }
0x1e: {  	s7 =	smul.u32 @!p0 $0xF7A, s2;
	p2 =	seq.s32 @!p0 s5, $0x0  }
0x1f: {  	s9 =	smul.u32 $0xF7A, s1;
	s8 =	simm.s32 @!p0 $0x1BF5;
	p2 =	por !p2, p0  }
0x20: {  	[sflag:s8] =	ssyncset.s32 @!p0 $0xFFFFF086;
	s6 =	sadd.s32 @!p0 s3, s7;
	s7 =	simm.s32 @!p0 $0x108  }
0x21: {  	s3 =	sadd.s32 s3, s9;
	s6 =	sadd.s32 @!p0 $0x88, s6;
	s7 =	simm.s32 @p2 $0x1082  }
0x22: {  	[simem:s7], [sflag:s8] =	dma.local @!p0 [hbm:s6], $0xF7A  }
0x23: {  	s9 =	sor.u32 $0xD0000000, s2;
	s6 =	simm.s32 $0x108;
	_ =	swait.ge @!p0 [sflag:s8], $0x0  }
0x24: {  	s3 =	sadd.s32 $0x88, s3;
	s6 =	simm.s32 @!p1 $0x1082;
	[sflag:s4] =	ssyncset.s32 $0xFFFFF086  }
0x25: {  	[simem:s6], [sflag:s4] =	dma.local [hbm:s3], $0xF7A  }
0x26: {  	[smem:$0x3F8F] =	sst s1;
	(tag) =	ssettag s2;
	_ =	strace s9  }
0x27: {  	s1 =	sld [smem:$0x3F9F]  }
0x28: {  	s2 =	sld [smem:$0x3FA0]  }
0x29: {  	s4 =	sld [smem:$0x3FA2]  }
0x2a: {  	p0 =	seq.s32 s5, $0x0;
	s5 =	sld [smem:$0x3FA3]  }
0x2b: {  	s6 =	sld [smem:$0x3FA4]  }
0x2c: {  	s7 =	sld [smem:$0x3FA5]  }
0x2d: {  	s3 =	simm.s32 $0x108;
	s8 =	sld [smem:$0x3FA6]  }
0x2e: {  	s3 =	simm.s32 @!p0 $0x1082;
	s9 =	sld [smem:$0x3FA7]  }
0x2f: {  	lr =	sadd.s32 s0, s3;
	s0 =	sld [smem:$0x3F9E]  }
0x30: {  	s3 =	sld [smem:$0x3FA1]  }
0x31: {  	[smem:$0x3FAA] =	sst s10  }
0x32: {  	s10 =	sld [smem:$0x3FA8];
	_ =	sdelay $0x3  }
0x33: {  	p0 =	seq.s32 s10, $0x1;
	s10 =	sld [smem:$0x3FAA];
	_ =	sdelay $0x3  }
0x34: {  	[smem:$0x3FAA] =	sst s10  }
0x35: {  	s10 =	sld [smem:$0x3FA9];
	_ =	sdelay $0x3  }
0x36: {  	p1 =	seq.s32 s10, $0x1;
	s10 =	sld [smem:$0x3FAA];
	_ =	sdelay $0x3  }
0x37: {  	[smem:$0x3FAA] =	sst s10  }
0x38: {  	s10 =	sld [smem:$0x3FAB]  }
0x39: {  	_ = 	snop;
	(pc) =	sbr.ind lr, $3  }
0x3a: {  	_ = 	snop  }
0x3b: {  	_ = 	snop  }
0x3c: {  	p2 =	seq.s32 s10, $0x1;
	s10 =	sld [smem:$0x3FAA]  }
0x3d: {  	_ =	shalt  }
0x3e: {  	_ =	shalt  }
0x3f: {  	_ =	shalt  }
0x40: {  	_ =	shalt  }
0x41: {  	_ =	shalt  }
0x42: {  	_ =	shalt  }
0x43: {  	_ =	shalt  }
0x44: {  	_ =	shalt  }
0x45: {  	_ =	shalt  }
0x46: {  	_ =	shalt  }
0x47: {  	_ =	shalt  }
0x48: {  	_ =	shalt  }
0x49: {  	_ =	shalt  }
0x4a: {  	_ =	shalt  }
0x4b: {  	_ =	shalt  }
0x4c: {  	_ =	shalt  }
0x4d: {  	_ =	shalt  }
0x4e: {  	_ =	shalt  }
0x4f: {  	_ =	shalt  }
0x50: {  	_ =	shalt  }
0x51: {  	_ =	shalt  }
0x52: {  	_ =	shalt  }
0x53: {  	_ =	shalt  }
0x54: {  	_ =	shalt  }
0x55: {  	_ =	shalt  }
0x56: {  	_ =	shalt  }
0x57: {  	_ =	shalt  }
0x58: {  	_ =	shalt  }
0x59: {  	_ =	shalt  }
0x5a: {  	_ =	shalt  }
0x5b: {  	_ =	shalt  }
0x5c: {  	_ =	shalt  }
0x5d: {  	_ =	shalt  }
0x5e: {  	_ =	shalt  }
0x5f: {  	_ =	shalt  }
0x60: {  	_ =	shalt  }
0x61: {  	_ =	shalt  }
0x62: {  	_ =	shalt  }
0x63: {  	_ =	shalt  }
0x64: {  	_ =	shalt  }
0x65: {  	_ =	shalt  }
0x66: {  	_ =	shalt  }
0x67: {  	_ =	shalt  }
0x68: {  	_ =	shalt  }
0x69: {  	_ =	shalt  }
0x6a: {  	_ =	shalt  }
0x6b: {  	_ =	shalt  }
0x6c: {  	_ =	shalt  }
0x6d: {  	_ =	shalt  }
0x6e: {  	_ =	shalt  }
0x6f: {  	_ =	shalt  }
0x70: {  	_ =	shalt  }
0x71: {  	_ =	shalt  }
0x72: {  	_ =	shalt  }
0x73: {  	_ =	shalt  }
0x74: {  	_ =	shalt  }
0x75: {  	_ =	shalt  }
0x76: {  	_ =	shalt  }
0x77: {  	_ =	shalt  }
0x78: {  	_ =	shalt  }
0x79: {  	_ =	shalt  }
0x7a: {  	_ =	shalt  }
0x7b: {  	_ =	shalt  }
0x7c: {  	_ =	shalt  }
0x7d: {  	_ =	shalt  }
0x7e: {  	_ =	shalt  }
0x7f: {  	_ =	shalt  }
0x80: {  	_ =	shalt  }
0x81: {  	_ =	shalt  }
0x82: {  	_ =	shalt  }
0x83: {  	_ =	shalt  }
0x84: {  	_ =	shalt  }
0x85: {  	_ =	shalt  }
0x86: {  	_ =	shalt  }
0x87: {  	_ =	shalt  }
.Lfunc_end0:
.L_simem_size_0:
called_computation_lowered:
.L_overlay_start_0:
0x88: {  	s2 =	sld [smem:$0x3FD9]  }
0x89: {  	s3 =	sld [smem:$0x3FFE];
	_ =	sdelay $0x1  }
0x8a: {  	s1 =	srdreg.scid  }
0x8b: {  	s0 =	sand.u32 $0x1, s1  }
0x8c: {  	s16 =	sshll.u32 s0, $0xA;
	s2 =	sadd.s32 s3, s2  }
0x8d: {  	s2 =	sadd.s32 s2, s16  }
0x8e: {  	[smem:$0x3FB6] =	sst s2  }
0x8f: {  	_ = 	snop  }
0x90: {  	(tm) =	ssettm $0x1  }
0x91: {  	s17 =	sld [smem:$0x3FFB];
	_ =	sdelay $0x3  }
0x92: {  	_ =	strace s17  }
0x93: {  	s2 =	sld [smem:$0x3FFC];
	_ =	sdelay $0x3  }
0x94: {  	_ =	strace s2  }
0x95: {  	s2 =	sld [smem:$0x3FFD];
	_ =	sdelay $0x3  }
0x96: {  	_ =	strace s2  }
0x97: {  	_ =	strace $0x8FFFFFFF  }
0x98: {  	s18 =	sld [smem:$0x3FDB];
	_ =	sdelay $0x1  }
0x99: {  	s19 =	simm.s32 $_scs_section_size  }
0x9a: {  	s4 =	simm.s32 $_size__tile_overlayer_lowered;
	s5 =	simm.s32 $_tile_overlayer_lowered  }
0x9b: {  	s22 =	simm.s32 $0x1BFF;
	s21 =	sshll.u32 s5, $0x1;
	s2 =	sadd.s32 s19, s18  }
0x9c: {  	s6 =	simm.s32 $0x0;
	s20 =	sshll.u32 s4, $0x1;
	s4 =	sadd.s32 s21, s2  }
0x9d: {  	[timem:s6], [sflag:s22] =	dma.local [hbm:s4], s20  }
0x9e: {  	_ =	swait.ge [sflag:s22], s20  }
0x9f: {  	s3 =	ssub.s32 $0x0, s20;
	[sflag:s22] =	ssyncset.done $0x0  }
0xa0: {  	[sflag:s22] =	ssyncadd.s32 s3;
	_ =	sdelay $0x1  }
0xa1: {  	s23 =	simm.s32 $0x1B8B  }
0xa2: {  	_ =	swait.ge [sflag:s23], $0x1  }
0xa3: {  	[sflag:s23] =	ssyncset.done $0x0  }
0xa4: {  	s25 =	simm.s32 $0x1B8E;
	s24 =	sld [smem:$0x3FFE];
	[sflag:s23] =	ssyncadd.s32 $0xFFFFFFFF  }
0xa5: {  	s26 =	simm.s32 $execute0_lowered;
	[smem:$0x3FD2] =	sst s25  }
0xa6: {  	s4 =	sshll.u32 s26, $0x1;
	_ =	strace $0x80000046;
	[dreg:$0x1] =	wrdreg $0xFFFFFFFF  }
0xa7: {  	s28 =	simm.s32 $_size_execute0_lowered;
	s2 =	sadd.s32 s2, s4;
	[dreg:$0x0] =	wrdreg $0x0  }
0xa8: {  	s4 =	sshll.u32 s28, $0x1;
	[dreg:$0x2] =	wrdreg s2  }
0xa9: {  	[dreg:$0x3] =	wrdreg s4  }
0xaa: {  	[dreg:$0x4] =	wrdreg $0xC0  }
0xab: {  	_ =	task [dreg:s6], $0x5FFFF  }
0xac: {  	[dreg:$0x1] =	wrdreg $0xFFFFFFFF  }
0xad: {  	[dreg:$0x0] =	wrdreg $0x60  }
0xae: {  	[dreg:$0x2] =	wrdreg s24  }
0xaf: {  	[dreg:$0x3] =	wrdreg $0x2000  }
0xb0: {  	[dreg:$0x4] =	wrdreg $0x4900  }
0xb1: {  	[dreg:$0x5] =	wrdreg $0x9  }
0xb2: {  	_ =	task.clear_ibuf [dreg:s6], $0x6FFFF;
	_ =	strace $0x90000046  }
0xb3: {  	s29 =	simm.s32 $0x9;
	_ =	strace $0x80000048  }
0xb4: {  	_ =	swait.ge [sflag:s29], $0x1  }
0xb5: {  	[sflag:s29] =	ssyncadd.s32 $0xFFFFFFFF  }
0xb6: {  	_ =	strace $0x90000048  }
0xb7: {  	_ =	sfence  }
0xb8: {  	s30 =	sld [smem:$0x0];
	_ =	sdelay $0x2  }
0xb9: {  	s31 =	sshll.u32 s1, $0xD;
	s1 =	sshrl.u32 s1, $0x2  }
0xba: {  	s3 =	sand.u32 $0x4000, s31;
	s1 =	sadd.s32 s1, s30  }
0xbb: {  	s0 =	sor.u32 s3, s0;
	s1 =	sshll.u32 s1, $0x11  }
0xbc: {  	s0 =	sor.u32 s1, s0  }
0xbd: {  	s0 =	sadd.s32 $0x8F2B, s0  }
0xbe: {  	[sflag:s0] =	ssyncadd.remote.s32 $0x1  }
0xbf: {  	_ =	sfence.sel $0xFFFF  }
0xc0: {  	[dreg:$0x0] =	wrdreg $0xFFFFFFFF;
	(pc) =	sbr.abs _section_cstart, $3  }
0xc1: {  	[dreg:$0x1] =	wrdreg $0xFFFFFFFF  }
0xc2: {  	_ =	task.clear_ibuf [dreg:s6], $0x2FFFF;
	_ =	strace $0x9FFFFFFF  }
0xc3: {  	(tm) =	ssettm $0x7FFFFFFF  }
tec
execute0_lowered:
.L_overlay_start_1:
0x0: {  	(tag) =	ssettag $0x1  }
0x1: {  	s1 =	srdreg.scid;
	s0 =	stileid.u32  }
0x2: {  	s16 =	sand.u32 $0x1, s1;
	s31 =	sshll.u32 s0, $0x1  }
0x3: {  	s17 =	rddreg [dreg:$0x0];
	s1 =	sor.u32 s16, s31  }
0x4: {  	s2 =	rddreg [dreg:$0x1];
	s5 =	smul.u32 $0xE, s1  }
0x5: {  	s3 =	rddreg [dreg:$0x2];
	s4 =	simm.s32 $0x0  }
0x6: {  	s6 =	simm.s32 $0x1;
	[smem:$0x7FF] =	sst s4;
	s8 =	sadd.s32 s5, s17  }
0x7: {  	s1 =	rddreg [dreg:$0x3];
	_ =	strace $0x80000047;
	s5 =	sadd.s32 $0x1400, s8  }
0x8: {  	[tilespmem:s4], [sflag:$0x1] =	stream.linear.gather [hbm4b:s5+s4], $0x70, $0x38;
	[tilespmem:$0x720] =	vst v63  }
0x9: {  	s14 =	simm.s32 $0x80;
	s7 =	sadd.s32 $0x1800, s17;
	_ =	swait.ge [sflag:s6], $0x70  }
0xa: {  	p1 =	seq.s32 s0, $0x0;
	s9 =	sor.u32 s0, s16;
	[sflag:s6] =	ssyncset.done $0x0  }
0xb: {  	p2 =	seq.s32 s16, $0x1;
	s8 =	sadd.s32 $0x1600, s8;
	[sflag:s6] =	ssyncadd.s32 $0xFFFFFF90  }
0xc: {  	[tilespmem:s14], [sflag:$0x1] =	stream.linear.gather [hbm4b:s8+s4], $0x70, $0x38;
	[tilespmem:$0x720] =	vst v63  }
0xd: {  	p0 =	sne.s32 s9, $0x0;
	p1 =	por !p1, !p2;
	_ =	swait.ge [sflag:s6], $0x70  }
0xe: {  	s9 =	sshll.u32 @!p0 s0, $0x6;
	s11 =	sshrl.u32 @!p0 s2, $0x3;
	[sflag:s6] =	ssyncset.done $0x0  }
0xf: {  	s10 =	simm.s32 @!p0 $0x1;
	s9 =	sor.u32 @!p0 $0x1C01, s9;
	[sflag:s6] =	ssyncadd.s32 $0xFFFFFF90  }
0x10: {  	[spmem:s11], [sflag:s9] =	dma.local @!p0 [hbm:s7], $0x520  }
0x11: {  	p1 =	por !p1, !p1;
	_ =	swait.ge @!p0 [sflag:s10], $0x520  }
0x12: {  	s12 =	sshrl.u32 @p1 s3, $0x3;
	[sflag:s10] =	ssyncset.done @!p0 $0x0  }
0x13: {  	s15 =	simm.s32 @p1 $0x1C01;
	s13 =	simm.s32 @p1 $0x1;
	[sflag:s10] =	ssyncadd.s32 @!p0 $0xFFFFFAE0  }
0x14: {  	[spmem:s12], [sflag:s15] =	dma.local @p1 [hbm:s7], $0x520  }
0x15: {  	_ =	swait.ge @p1 [sflag:s13], $0x520  }
0x16: {  	[sflag:s13] =	ssyncset.done @p1 $0x0  }
0x17: {  	[sflag:s13] =	ssyncadd.s32 @p1 $0xFFFFFAE0  }
0x18: {  	v1 =	vld [tilespmem:$0x50]  }
0x19: {  	v2 =	vld [tilespmem:$0x30]  }
0x1a: {  	v3 =	vld [tilespmem:$0x20]  }
0x1b: {  	v4 =	vld [tilespmem:$0xD0]  }
0x1c: {  	v5 =	vld [tilespmem:$0x10]  }
0x1d: {  	v0 =	vimm.f32 $1.000000000e+00;
	v6 =	vld [tilespmem:$0x60]  }
0x1e: {  	[tilespmem:$0x100] =	vst v0;
	v7 =	vld [tilespmem:$0xA0]  }
0x1f: {  	[tilespmem:$0x110] =	vst v0;
	v8 =	vld [tilespmem:$0xE0]  }
0x20: {  	[tilespmem:$0x120] =	vst v0;
	v9 =	vld [tilespmem:$0x90]  }
0x21: {  	[tilespmem:$0x130] =	vst v0;
	v10 =	vld [tilespmem:$0xB0]  }
0x22: {  	[tilespmem:$0x140] =	vst v0;
	v11 =	vld [tilespmem:$0xC0];
	v4 =	vmul.u32 $0x68, v4  }
0x23: {  	[tilespmem:$0x150] =	vst v0;
	v12 =	vld [tilespmem:$0x80];
	v7 =	vmul.u32 $0x68, v7  }
0x24: {  	[tilespmem:$0x160] =	vst v0;
	v61 =	vld [tilespmem:$0x40];
	v8 =	vmul.u32 $0x68, v8;
	v1 =	vadd.s32 v1, v4  }
0x25: {  	v9 =	vmul.u32 $0x68, v9;
	v3 =	vadd.s32 v3, v7;
	[tilespmem:$0x1D0] =	vst v1;
	v1 =	vld [tilespmem:$0x0]  }
0x26: {  	v6 =	vadd.s32 v6, v8;
	[tilespmem:$0x1A0] =	vst v3;
	v3 =	vmul.u32 $0x68, v10  }
0x27: {  	s18 =	ssub.s32 $0x2, s16;
	v62 =	vmul.u32 $0x68, v11;
	v5 =	vadd.s32 v5, v9;
	[tilespmem:$0x1E0] =	vst v6  }
0x28: {  	s19 =	sshrl.u32 s18, $0x1;
	v63 =	vmul.u32 $0x68, v12;
	[tilespmem:$0x190] =	vst v5;
	v2 =	vadd.s32 v2, v3  }
0x29: {  	s21 =	ssub.s32 s18, s19;
	[tilespmem:$0x1B0] =	vst v2;
	v2 =	vadd.s32 v61, v62  }
0x2a: {  	p3 =	sne.s32 s16, $0x0;
	s21 =	smax.u32 s21, $0x1;
	[tilespmem:$0x1C0] =	vst v2;
	v1 =	vadd.s32 v1, v63  }
0x2b: {  	s16 =	simm.s32 @!p3 $0x100;
	s20 =	simm.s32 @!p3 $0x180;
	s22 =	sadd.s32 $0xFFFFFFFF, s21;
	[tilespmem:$0x180] =	vst v1  }
0x2c: {  	s19 =	simm.s32 @!p3 $0x70;
	p4 =	sne.s32 s22, $0x0;
	[bflag:$0x0] =	sbarrier.arrive $0xFFFF  }
0x2d: {  	[spmem:s2] =	stream.indirect.scatter.add.f32 @!p3 [tilespmem:s16], [sflag:$0x1], $0x1, s20, s19, $0xb8;
	[tilespmem:$0x720] =	vst v63  }
.Ltmp0:
0x2e: {  	s18 =	simm.s32 @!p3 $0x1;
	(pc) =	sbr.rel @!p4 .LBB2_2-.Ltmp0, $4  }
0x2f: {  	s23 =	simm.s32 @p2 $0x100;
	s25 =	simm.s32 @p2 $0x70;
	_ =	swait.ge @!p3 [sflag:s18], $0x70  }
0x30: {  	s26 =	simm.s32 @p2 $0x180;
	s24 =	simm.s32 @p2 $0x1;
	[sflag:s18] =	ssyncset.done @!p3 $0x0  }
0x31: {  	s21 =	sadd.s32 $0x1E00, s17;
	s17 =	sadd.s32 $0x1E10, s17;
	[sflag:s18] =	ssyncadd.s32 @!p3 $0xFFFFFF90  }
0x32: {  	[spmem:s3] =	stream.indirect.scatter.add.f32 @p2 [tilespmem:s23], [sflag:$0x1], $0x1, s26, s25, $0xb8;
	[tilespmem:$0x720] =	vst v63  }
.LBB2_1:
0x33: {  	s22 =	sadd.s32 $0xFFFFFFFF, s22;
	_ =	swait.ge @p2 [sflag:s24], $0x70  }
0x34: {  	p4 =	sne.s32 s22, $0x0;
	[sflag:s24] =	ssyncset.done @p2 $0x0  }
0x35: {  	[sflag:s24] =	ssyncadd.s32 @p2 $0xFFFFFF90  }
0x36: {  	s28 =	simm.s32 @!p0 $0x20;
	s29 =	simm.s32 @!p0 $0x10;
	[bflag:$0x0] =	sbarrier.arrive $0xFFFF  }
0x37: {  	[hbm:s21@s28], [sflag:s9] =	dma.strided @!p0 [spmem:s11@s29], $0x520, s10, $0x10   }
0x38: {  	_ =	swait.ge @!p0 [sflag:s10], $0x520  }
0x39: {  	[sflag:s10] =	ssyncset.done @!p0 $0x0  }
0x3a: {  	s28 =	simm.s32 @p1 $0x20;
	s29 =	simm.s32 @p1 $0x10;
	[sflag:s10] =	ssyncadd.s32 @!p0 $0xFFFFFAE0  }
0x3b: {  	[hbm:s17@s28], [sflag:s15] =	dma.strided @p1 [spmem:s12@s29], $0x520, s13, $0x10   }
0x3c: {  	_ =	swait.ge @p1 [sflag:s13], $0x520  }
0x3d: {  	[sflag:s13] =	ssyncset.done @p1 $0x0  }
0x3e: {  	[sflag:s13] =	ssyncadd.s32 @p1 $0xFFFFFAE0  }
0x3f: {  	[tilespmem:s4], [sflag:$0x1] =	stream.linear.gather [hbm4b:s5+s4], $0x70, $0x38;
	[tilespmem:$0x720] =	vst v63  }
0x40: {  	_ =	swait.ge [sflag:s6], $0x70  }
0x41: {  	[sflag:s6] =	ssyncset.done $0x0  }
0x42: {  	[sflag:s6] =	ssyncadd.s32 $0xFFFFFF90  }
0x43: {  	[tilespmem:s14], [sflag:$0x1] =	stream.linear.gather [hbm4b:s8+s4], $0x70, $0x38;
	[tilespmem:$0x720] =	vst v63  }
0x44: {  	_ =	swait.ge [sflag:s6], $0x70  }
0x45: {  	[sflag:s6] =	ssyncset.done $0x0  }
0x46: {  	[sflag:s6] =	ssyncadd.s32 $0xFFFFFF90  }
0x47: {  	[spmem:s11], [sflag:s9] =	dma.local @!p0 [hbm:s7], $0x520  }
0x48: {  	_ =	swait.ge @!p0 [sflag:s10], $0x520  }
0x49: {  	[sflag:s10] =	ssyncset.done @!p0 $0x0  }
0x4a: {  	[sflag:s10] =	ssyncadd.s32 @!p0 $0xFFFFFAE0  }
0x4b: {  	[spmem:s12], [sflag:s15] =	dma.local @p1 [hbm:s7], $0x520  }
0x4c: {  	_ =	swait.ge @p1 [sflag:s13], $0x520  }
0x4d: {  	[sflag:s13] =	ssyncset.done @p1 $0x0  }
0x4e: {  	[sflag:s13] =	ssyncadd.s32 @p1 $0xFFFFFAE0  }
0x4f: {  	[tilespmem:$0x100] =	vst v0;
	v1 =	vld [tilespmem:$0x50]  }
0x50: {  	[tilespmem:$0x110] =	vst v0;
	v2 =	vld [tilespmem:$0x30]  }
0x51: {  	v3 =	vld [tilespmem:$0x20];
	[tilespmem:$0x120] =	vst v0  }
0x52: {  	[tilespmem:$0x130] =	vst v0;
	v4 =	vld [tilespmem:$0xD0]  }
0x53: {  	v5 =	vld [tilespmem:$0x10];
	[tilespmem:$0x140] =	vst v0  }
0x54: {  	[tilespmem:$0x150] =	vst v0;
	v6 =	vld [tilespmem:$0x60]  }
0x55: {  	v7 =	vld [tilespmem:$0xA0];
	[tilespmem:$0x160] =	vst v0  }
0x56: {  	v8 =	vld [tilespmem:$0xE0]  }
0x57: {  	v9 =	vld [tilespmem:$0x90];
	v4 =	vmul.u32 $0x68, v4  }
0x58: {  	v10 =	vld [tilespmem:$0xB0]  }
0x59: {  	v11 =	vld [tilespmem:$0xC0];
	v1 =	vadd.s32 v1, v4  }
0x5a: {  	v4 =	vld [tilespmem:$0x80];
	v7 =	vmul.u32 $0x68, v7;
	[tilespmem:$0x1D0] =	vst v1  }
0x5b: {  	v1 =	vld [tilespmem:$0x40];
	v8 =	vmul.u32 $0x68, v8  }
0x5c: {  	v12 =	vld [tilespmem:$0x0];
	v9 =	vmul.u32 $0x68, v9;
	v3 =	vadd.s32 v3, v7  }
0x5d: {  	[tilespmem:$0x1A0] =	vst v3;
	v3 =	vmul.u32 $0x68, v10;
	v6 =	vadd.s32 v6, v8  }
0x5e: {  	v5 =	vadd.s32 v5, v9;
	v7 =	vmul.u32 $0x68, v11;
	[tilespmem:$0x1E0] =	vst v6  }
0x5f: {  	v4 =	vmul.u32 $0x68, v4;
	[tilespmem:$0x190] =	vst v5;
	v2 =	vadd.s32 v2, v3  }
0x60: {  	[tilespmem:$0x1B0] =	vst v2;
	v1 =	vadd.s32 v1, v7  }
0x61: {  	v2 =	vadd.s32 v12, v4;
	[tilespmem:$0x1C0] =	vst v1  }
0x62: {  	[tilespmem:$0x180] =	vst v2  }
0x63: {  	[bflag:$0x0] =	sbarrier.arrive $0xFFFF  }
0x64: {  	[spmem:s2] =	stream.indirect.scatter.add.f32 @!p3 [tilespmem:s16], [sflag:$0x1], $0x1, s20, s19, $0xb8;
	[tilespmem:$0x720] =	vst v63  }
.Ltmp1:
0x65: {  	_ = 	snop;
	(pc) =	sbr.rel @p4 .LBB2_1-.Ltmp1, $4  }
0x66: {  	_ =	swait.ge @!p3 [sflag:s18], $0x70  }
0x67: {  	[sflag:s18] =	ssyncset.done @!p3 $0x0  }
0x68: {  	[sflag:s18] =	ssyncadd.s32 @!p3 $0xFFFFFF90  }
0x69: {  	[spmem:s3] =	stream.indirect.scatter.add.f32 @p2 [tilespmem:s23], [sflag:$0x1], $0x1, s26, s25, $0xb8;
	[tilespmem:$0x720] =	vst v63  }
.LBB2_2:
0x6a: {  	_ =	swait.ge @p2 [sflag:s24], $0x70  }
0x6b: {  	[sflag:s24] =	ssyncset.done @p2 $0x0  }
0x6c: {  	[sflag:s24] =	ssyncadd.s32 @p2 $0xFFFFFF90  }
0x6d: {  	s2 =	simm.s32 @!p0 $0x20;
	s3 =	simm.s32 @!p0 $0x10;
	[bflag:$0x0] =	sbarrier.arrive $0xFFFF  }
0x6e: {  	[hbm:s21@s2], [sflag:s9] =	dma.strided @!p0 [spmem:s11@s3], $0x520, s10, $0x10   }
0x6f: {  	_ =	swait.ge @!p0 [sflag:s10], $0x520  }
0x70: {  	[sflag:s10] =	ssyncset.done @!p0 $0x0  }
0x71: {  	s2 =	simm.s32 @p1 $0x20;
	s3 =	simm.s32 @p1 $0x10;
	[sflag:s10] =	ssyncadd.s32 @!p0 $0xFFFFFAE0  }
0x72: {  	[hbm:s17@s2], [sflag:s15] =	dma.strided @p1 [spmem:s12@s3], $0x520, s13, $0x10   }
0x73: {  	_ =	swait.ge @p1 [sflag:s13], $0x520  }
0x74: {  	[sflag:s13] =	ssyncset.done @p1 $0x0  }
0x75: {  	[sflag:s13] =	ssyncadd.s32 @p1 $0xFFFFFAE0  }
0x76: {  	_ =	sfence.sel $0x180000  }
0x77: {  	[bflag:$0x0] =	sbarrier.arrive $0xFFFF  }
0x78: {  	p0 =	sne.s32 s0, $0x0;
	_ =	strace $0x90000047  }
0x79: {  	s0 =	sadd.s32 @!p0 $0x100000, s1;
	[bflag:$0x2] =	sbarrier.arrive $0xFFFF  }
0x7a: {  	[sflag:s0] =	ssyncadd.tile.s32 @!p0 $0x1;
	_ =	shalt  }
.Lfunc_end2:
_tile_overlayer_lowered:
.L_overlay_start_2:
0x7b: {  	(tag) =	ssettag $0x2  }
0x7c: {  	s0 =	rddreg [dreg:$0x0];
	s2 =	stileid.u32  }
0x7d: {  	s1 =	rddreg [dreg:$0x1];
	p0 =	sne.s32 s2, $0x0  }
0x7e: {  	s3 =	rddreg [dreg:$0x2];
	[bflag:$0x3] =	sbarrier.arrive $0xFFFF;
	s2 =	simm.s32 @!p0 $0x1C01  }
0x7f: {  	[timem:s3], [sflag:s2] =	dma.local @!p0 [hbm:s0], s1  }
0x80: {  	s0 =	simm.s32 @!p0 $0x1  }
0x81: {  	_ =	swait.ge @!p0 [sflag:s0], s1  }
0x82: {  	s1 =	ssub.s32 @!p0 $0x0, s1;
	[sflag:s0] =	ssyncset.done @!p0 $0x0  }
0x83: {  	[sflag:s0] =	ssyncadd.s32 @!p0 s1  }
0x84: {  	[bflag:$0x3] =	sbarrier.arrive $0xFFFF  }
0x85: {  	_ =	shalt  }

</sc_bundles>
